<compile_context>
chip_gen: v7x
topology: tpu7x:2x2x1
jax: 0.10.2.dev20260603
libtpu: 0.0.44.dev20260713+nightly
codegen_flags: <defaults>
</compile_context>

<pallas_src>
import functools

import jax
import jax.numpy as jnp
from jax import lax
from jax.experimental import pallas as pl
from jax.experimental.pallas import tpu as pltpu
from jax.experimental.pallas import tpu_sc as plsc

_N = 10000
_E = 160000
_D = 256
_H = 256
_EMB = 64
_HID = 32

_NC = 2
_NS = 16
_EPT = _E // _NS
_CHUNK = 250
_NCH = _EPT // _CHUNK
_NBUF = 4
_RPT = 624
_ZR = 104
_REM = _N - _NS * _RPT
_FQ = 64
_BM = 400


def _make_seg_sum(val, with_deg=False):
    F = val
    nbuf = 2 if with_deg else _NBUF
    mesh = plsc.VectorSubcoreMesh(
        core_axis_name="c", subcore_axis_name="s",
        num_cores=_NC, num_subcores=_NS,
    )
    sds = jax.ShapeDtypeStruct
    out_type = [sds((_N, 128), jnp.float32)]
    deg_scratch = []
    if with_deg:
        out_type += [sds((_N, 16), jnp.bfloat16), sds((_N, 16), jnp.bfloat16)]
        deg_scratch = [
            pltpu.VMEM((_CHUNK, 16), jnp.bfloat16),
            pltpu.VMEM_SHARED((_N, 16), jnp.bfloat16),
        ]

    @functools.partial(
        pl.kernel,
        out_type=out_type,
        mesh=mesh,
        scratch_types=[
            pltpu.VMEM((_NCH, _CHUNK), jnp.int32),
            pltpu.VMEM((_NCH, _CHUNK), jnp.int32),
        ] + [pltpu.VMEM((_CHUNK, F), jnp.float32)] * nbuf + [
            pltpu.VMEM_SHARED((_N, F), jnp.float32),
        ] + deg_scratch + [pltpu.SemaphoreType.DMA] * (2 * nbuf),
        compiler_params=pltpu.CompilerParams(use_tc_tiling_on_sc=False),
    )
    def seg(tbl0_hbm, tbl1_hbm, edge_hbm, out_hbm, *rest):
        if with_deg:
            d0_hbm, d1_hbm = rest[0], rest[1]
            rest = rest[2:]
        srcv, dstv = rest[0], rest[1]
        bufs = rest[2:2 + nbuf]
        acc = rest[2 + nbuf]
        rest = rest[3 + nbuf:]
        if with_deg:
            ones, dacc = rest[0], rest[1]
            rest = rest[2:]
        gsems = rest[:nbuf]
        ssems = rest[nbuf:]

        c = lax.axis_index("c")
        s = lax.axis_index("s")

        pltpu.sync_copy(edge_hbm.at[0, s], srcv)
        pltpu.sync_copy(edge_hbm.at[1, s], dstv)

        zero16 = jnp.zeros((16,), jnp.float32)
        buf0 = bufs[0]

        def zrow(r, carry):
            for j in range(F // 16):
                buf0[r, pl.ds(j * 16, 16)] = zero16
            return carry

        lax.fori_loop(0, _ZR, zrow, 0)
        if with_deg:
            zero216 = jnp.zeros((2, 16), jnp.bfloat16)

            def zdrow(r, carry):
                ones[pl.ds(2 * r, 2), :] = zero216
                return carry

            lax.fori_loop(0, _ZR // 2, zdrow, 0)
        for k in range(_RPT // _ZR):
            pltpu.sync_copy(
                buf0.at[pl.ds(0, _ZR)],
                acc.at[pl.ds(s * _RPT + k * _ZR, _ZR)],
            )
            if with_deg:
                pltpu.sync_copy(
                    ones.at[pl.ds(0, _ZR)],
                    dacc.at[pl.ds(s * _RPT + k * _ZR, _ZR)],
                )

        @pl.when(s == _NS - 1)
        def _():
            pltpu.sync_copy(
                buf0.at[pl.ds(0, _REM)],
                acc.at[pl.ds(_NS * _RPT, _REM)],
            )
            if with_deg:
                pltpu.sync_copy(
                    ones.at[pl.ds(0, _REM)],
                    dacc.at[pl.ds(_NS * _RPT, _REM)],
                )

        if with_deg:
            one216 = jnp.ones((2, 16), jnp.bfloat16)

            def orow(r, carry):
                ones[pl.ds(2 * r, 2), :] = one216
                return carry

            lax.fori_loop(0, _CHUNK // 2, orow, 0)

        plsc.subcore_barrier()

        def main_loop(tbl_hbm):
            def gather(k, j):
                return pltpu.make_async_copy(
                    tbl_hbm.at[srcv.at[k]], bufs[j], gsems[j])

            def scatter(k, j):
                return pltpu.make_async_copy(
                    bufs[j], acc.at[dstv.at[k]], ssems[j])

            gather(0, 0).start()
            gather(1, 1).start()

            def step(i, carry):
                for j in range(nbuf):
                    k = nbuf * i + j
                    gather(k, j).wait()
                    pltpu.async_copy(
                        bufs[j], acc.at[dstv.at[k]], ssems[j], add=True)

                    if nbuf == 2:
                        @pl.when(k + 2 < _NCH)
                        def _():
                            scatter(k, j).wait()
                            gather(k + 2, j).start()
                    else:
                        jn = (j + 2) % nbuf

                        @pl.when(k + 2 < _NCH)
                        def _():
                            @pl.when(k >= 2)
                            def _():
                                scatter(k - 2, jn).wait()

                            gather(k + 2, jn).start()

                return carry

            lax.fori_loop(0, _NCH // nbuf, step, 0)
            for j in range(nbuf):
                scatter(_NCH - nbuf + j, (_NCH - nbuf + j) % nbuf).wait()

        @pl.when(c == 0)
        def _():
            main_loop(tbl0_hbm)

        @pl.when(c == 1)
        def _():
            main_loop(tbl1_hbm)

        if with_deg:
            half = _NCH // _NC

            def dstep(k, carry):
                pltpu.sync_copy(ones, dacc.at[dstv.at[k]], add=True)
                return carry

            lax.fori_loop(c * half, (c + 1) * half, dstep, 0)

        plsc.subcore_barrier()

        def copy_rows(base, nrows):
            pltpu.sync_copy(
                acc.at[pl.ds(base, nrows), pl.ds(0, val)],
                out_hbm.at[pl.ds(base, nrows), pl.ds(c * val, val)],
            )
            if with_deg:
                @pl.when(c == 0)
                def _():
                    pltpu.sync_copy(dacc.at[pl.ds(base, nrows)],
                                    d0_hbm.at[pl.ds(base, nrows)])

                @pl.when(c == 1)
                def _():
                    pltpu.sync_copy(dacc.at[pl.ds(base, nrows)],
                                    d1_hbm.at[pl.ds(base, nrows)])

        for k in range(_RPT // _ZR):
            copy_rows(s * _RPT + k * _ZR, _ZR)

        @pl.when(s == _NS - 1)
        def _():
            copy_rows(_NS * _RPT, _REM)

    return seg


_seg_cache = {}


def _seg_sum(val, tbl0, tbl1, edges, with_deg=False):
    key = (val, with_deg)
    if key not in _seg_cache:
        _seg_cache[key] = _make_seg_sum(val, with_deg)
    res = _seg_cache[key](tbl0, tbl1, edges)
    return res if with_deg else res[0]


def _tc1_body(x_ref, w_ref, b0_ref, b1_ref):
    mm = jnp.dot(x_ref[...], w_ref[...], preferred_element_type=jnp.float32)
    b0_ref[...] = mm[:, 0:_FQ]
    b1_ref[...] = mm[:, _FQ:2 * _FQ]


def _tc1(x, w_half):
    spec_b = pl.BlockSpec((_BM, _FQ), lambda i: (i, 0))
    sds = jax.ShapeDtypeStruct
    return pl.pallas_call(
        _tc1_body,
        grid=(_N // _BM,),
        in_specs=[
            pl.BlockSpec((_BM, _D), lambda i: (i, 0)),
            pl.BlockSpec((_D, 2 * _FQ), lambda i: (0, 0)),
        ],
        out_specs=[spec_b, spec_b],
        out_shape=[sds((_N, _FQ), jnp.float32)] * 2,
    )(x, w_half)


def _tc_self1_body(x_ref, w_ref, b_ref, out_ref):
    out_ref[...] = (
        jnp.dot(x_ref[...], w_ref[...], preferred_element_type=jnp.float32)
        + b_ref[...]
    )


def _tc_self1(x, w_self1, b1):
    return pl.pallas_call(
        _tc_self1_body,
        grid=(_N // _BM,),
        in_specs=[
            pl.BlockSpec((_BM, _D), lambda i: (i, 0)),
            pl.BlockSpec((_D, _H), lambda i: (0, 0)),
            pl.BlockSpec((1, _H), lambda i: (0, 0)),
        ],
        out_specs=pl.BlockSpec((_BM, _H), lambda i: (i, 0)),
        out_shape=jax.ShapeDtypeStruct((_N, _H), jnp.float32),
    )(x, w_self1, b1)


def _tc2_body(sself_ref, s1a_ref, s1b_ref, d0_ref, d1_ref, wn2_ref,
              h1_ref, p2a_ref, p2b_ref, rdeg_ref):
    deg = jnp.maximum(d0_ref[:, 0:1].astype(jnp.float32)
                  + d1_ref[:, 0:1].astype(jnp.float32), 1.0)
    rdeg = 1.0 / deg
    agg = jnp.concatenate([s1a_ref[...], s1b_ref[...]], axis=1) * rdeg
    h1 = jax.nn.relu(sself_ref[...] + agg)
    h1_ref[...] = h1
    p2 = jnp.dot(h1, wn2_ref[...], preferred_element_type=jnp.float32)
    p2a_ref[...] = p2[:, 0:32]
    p2b_ref[...] = p2[:, 32:64]
    rdeg_ref[...] = jnp.broadcast_to(rdeg, (_BM, 8))


def _tc2(sself, s1a, s1b, d0, d1, w_nbr2):
    sds = jax.ShapeDtypeStruct
    return pl.pallas_call(
        _tc2_body,
        grid=(_N // _BM,),
        in_specs=[
            pl.BlockSpec((_BM, _H), lambda i: (i, 0)),
            pl.BlockSpec((_BM, 128), lambda i: (i, 0)),
            pl.BlockSpec((_BM, 128), lambda i: (i, 0)),
            pl.BlockSpec((_BM, 16), lambda i: (i, 0)),
            pl.BlockSpec((_BM, 16), lambda i: (i, 0)),
            pl.BlockSpec((_H, _EMB), lambda i: (0, 0)),
        ],
        out_specs=[
            pl.BlockSpec((_BM, _H), lambda i: (i, 0)),
            pl.BlockSpec((_BM, 32), lambda i: (i, 0)),
            pl.BlockSpec((_BM, 32), lambda i: (i, 0)),
            pl.BlockSpec((_BM, 8), lambda i: (i, 0)),
        ],
        out_shape=[
            sds((_N, _H), jnp.float32),
            sds((_N, 32), jnp.float32),
            sds((_N, 32), jnp.float32),
            sds((_N, 8), jnp.float32),
        ],
    )(sself, s1a, s1b, d0, d1, w_nbr2)


def _tc_self2_body(h1_ref, w_ref, b_ref, out_ref):
    out_ref[...] = (
        jnp.dot(h1_ref[...], w_ref[...], preferred_element_type=jnp.float32)
        + b_ref[...]
    )


def _tc_self2(h1, w_self2, b2):
    return pl.pallas_call(
        _tc_self2_body,
        grid=(_N // _BM,),
        in_specs=[
            pl.BlockSpec((_BM, _H), lambda i: (i, 0)),
            pl.BlockSpec((_H, _EMB), lambda i: (0, 0)),
            pl.BlockSpec((1, _EMB), lambda i: (0, 0)),
        ],
        out_specs=pl.BlockSpec((_BM, _EMB), lambda i: (i, 0)),
        out_shape=jax.ShapeDtypeStruct((_N, _EMB), jnp.float32),
    )(h1, w_self2, b2)


def _tc3_body(s2self_ref, s2_ref, rdeg_ref, hw1_ref, hb1_ref, hw2_ref,
              hb2_ref, out_ref):
    rd = rdeg_ref[:, 0:1]
    agg2 = s2_ref[:, 0:_EMB] * rd
    emb = jax.nn.relu(s2self_ref[...] + agg2)
    hid = jax.nn.relu(
        jnp.dot(emb, hw1_ref[...], preferred_element_type=jnp.float32)
        + hb1_ref[...]
    )
    out_ref[...] = jnp.sum(hid * hw2_ref[...], axis=1, keepdims=True) + hb2_ref[...]


def _tc3(s2self, s2, rdeg, hw1, hb1, hw2r, hb2):
    return pl.pallas_call(
        _tc3_body,
        grid=(_N // _BM,),
        in_specs=[
            pl.BlockSpec((_BM, _EMB), lambda i: (i, 0)),
            pl.BlockSpec((_BM, 128), lambda i: (i, 0)),
            pl.BlockSpec((_BM, 8), lambda i: (i, 0)),
            pl.BlockSpec((_EMB, _HID), lambda i: (0, 0)),
            pl.BlockSpec((1, _HID), lambda i: (0, 0)),
            pl.BlockSpec((1, _HID), lambda i: (0, 0)),
            pl.BlockSpec((1, 1), lambda i: (0, 0)),
        ],
        out_specs=pl.BlockSpec((_BM, 1), lambda i: (i, 0)),
        out_shape=jax.ShapeDtypeStruct((_N, 1), jnp.float32),
    )(s2self, s2, rdeg, hw1, hb1, hw2r, hb2)


def kernel(x_company, edge_index_company, W_self1, W_nbr1, b1, W_self2,
           W_nbr2, b2, head_W1, head_b1, head_W2, head_b2):
    edges = edge_index_company.reshape(2, _NS, _NCH, _CHUNK)

    t1a0, t1a1 = _tc1(x_company, W_nbr1[:, 0:2 * _FQ])
    s1a, d0, d1 = _seg_sum(_FQ, t1a0, t1a1, edges, with_deg=True)
    t1b0, t1b1 = _tc1(x_company, W_nbr1[:, 2 * _FQ:4 * _FQ])
    s1b = _seg_sum(_FQ, t1b0, t1b1, edges)
    s1self = _tc_self1(x_company, W_self1, b1.reshape(1, _H))
    h1, p2a, p2b, rdeg = _tc2(s1self, s1a, s1b, d0, d1, W_nbr2)
    s2 = _seg_sum(32, p2a, p2b, edges)
    s2self = _tc_self2(h1, W_self2, b2.reshape(1, _EMB))
    out = _tc3(s2self, s2, rdeg, head_W1, head_b1.reshape(1, _HID),
               head_W2.reshape(1, _HID), head_b2.reshape(1, 1))
    return out[:, 0]

# --- scband reference (transcript-rebuilt; emitter-appended) ---
"""Pipeline reference for scband-compliance-gnn-26620207300735 (READ-ONLY COPY).

The authoritative reference and input builder live on the scoring server;
editing this copy changes nothing except your own understanding.
"""

import jax, jax.numpy as jnp
import numpy as np

N = 10000
E = 160000
D = 256
H = 256
EMB = 64
HID = 32

def setup_inputs(seed: int = 0):
    key = jax.random.key(seed)
    ks = jax.random.split(key, 12)
    x_company = jax.random.normal(ks[0], (N, D), dtype=jnp.float32)
    edge_index_company = jax.random.randint(ks[1], (2, E), 0, N, dtype=jnp.int32)
    W_self1 = jax.random.normal(ks[2], (D, H), dtype=jnp.float32) / np.sqrt(D)
    W_nbr1 = jax.random.normal(ks[3], (D, H), dtype=jnp.float32) / np.sqrt(D)
    b1 = jnp.zeros((H,), dtype=jnp.float32)
    W_self2 = jax.random.normal(ks[4], (H, EMB), dtype=jnp.float32) / np.sqrt(H)
    W_nbr2 = jax.random.normal(ks[5], (H, EMB), dtype=jnp.float32) / np.sqrt(H)
    b2 = jnp.zeros((EMB,), dtype=jnp.float32)
    head_W1 = jax.random.normal(ks[6], (EMB, HID), dtype=jnp.float32) / np.sqrt(EMB)
    head_b1 = jnp.zeros((HID,), dtype=jnp.float32)
    head_W2 = jax.random.normal(ks[7], (HID, 1), dtype=jnp.float32) / np.sqrt(HID)
    head_b2 = jnp.zeros((1,), dtype=jnp.float32)
    return {"x_company": x_company, "edge_index_company": edge_index_company, "W_self1": W_self1, "W_nbr1": W_nbr1, "b1": b1, "W_self2": W_self2, "W_nbr2": W_nbr2, "b2": b2, "head_W1": head_W1, "head_b1": head_b1, "head_W2": head_W2, "head_b2": head_b2}

def reference(x_company, edge_index_company, W_self1, W_nbr1, b1, W_self2, W_nbr2, b2, head_W1, head_b1, head_W2, head_b2):
    # FinancialGNN: 2-layer hetero SAGE-style message passing over the single
    # ('company','transacts','company') relation with mean aggregation.
    src = edge_index_company[0]
    dst = edge_index_company[1]
    deg = jax.ops.segment_sum(jnp.ones((E,), dtype=jnp.float32), dst, num_segments=N)
    deg = jnp.maximum(deg, 1.0)[:, None]
    # layer 1: gather source features, scatter-add to dst, mean-normalize
    agg1 = jax.ops.segment_sum(x_company[src], dst, num_segments=N) / deg
    h1 = jax.nn.relu(x_company @ W_self1 + agg1 @ W_nbr1 + b1)
    # layer 2
    agg2 = jax.ops.segment_sum(h1[src], dst, num_segments=N) / deg
    emb = jax.nn.relu(h1 @ W_self2 + agg2 @ W_nbr2 + b2)
    # ComplianceRiskHead: Linear -> ReLU -> (Dropout eval=identity) -> Linear -> squeeze(-1)
    hid = jax.nn.relu(emb @ head_W1 + head_b1)
    out = (hid @ head_W2 + head_b2).squeeze(-1)
    return out

if __name__ == "__main__":
    import jax
    _d = setup_inputs()
    print(jax.jit(kernel)(*tuple(_d.values())))

</pallas_src>

<mosaic_0001>
#map = affine_map<(d0, d1) -> (0, 0)>
#map1 = affine_map<(d0, d1) -> (0, 0, 0, 0)>
module attributes {stable_mosaic.version = 14 : i64} {
  func.func @seg(%arg0: i32, %arg1: i32, %arg2: memref<10000x64xf32, #tpu.memory_space<hbm>>, %arg3: memref<10000x64xf32, #tpu.memory_space<hbm>>, %arg4: memref<2x16x40x250xi32, #tpu.memory_space<hbm>>, %arg5: memref<10000x128xf32, #tpu.memory_space<hbm>>, %arg6: memref<40x250xi32, #tpu.memory_space<vmem>>, %arg7: memref<40x250xi32, #tpu.memory_space<vmem>>, %arg8: memref<250x64xf32, #tpu.memory_space<vmem>>, %arg9: memref<250x64xf32, #tpu.memory_space<vmem>>, %arg10: memref<250x64xf32, #tpu.memory_space<vmem>>, %arg11: memref<250x64xf32, #tpu.memory_space<vmem>>, %arg12: memref<10000x64xf32, #tpu.memory_space<vmem_shared>>, %arg13: memref<!tpu.dma_semaphore, #tpu.memory_space<semaphore_mem>>, %arg14: memref<!tpu.dma_semaphore, #tpu.memory_space<semaphore_mem>>, %arg15: memref<!tpu.dma_semaphore, #tpu.memory_space<semaphore_mem>>, %arg16: memref<!tpu.dma_semaphore, #tpu.memory_space<semaphore_mem>>, %arg17: memref<!tpu.dma_semaphore, #tpu.memory_space<semaphore_mem>>, %arg18: memref<!tpu.dma_semaphore, #tpu.memory_space<semaphore_mem>>, %arg19: memref<!tpu.dma_semaphore, #tpu.memory_space<semaphore_mem>>, %arg20: memref<!tpu.dma_semaphore, #tpu.memory_space<semaphore_mem>>) attributes {dimension_semantics = [#tpu.dimension_semantics<core_parallel>, #tpu.dimension_semantics<subcore_parallel>], iteration_bounds = array<i64: 2, 16>, scalar_prefetch = 0 : i64, scratch_operands = 15 : i64, tpu.core_type = #tpu.core_type<sc_vector_subcore>, window_params = [{transform_indices = #map}, {transform_indices = #map}, {transform_indices = #map1}, {transform_indices = #map}]} {
    %run_scoped3A = arith.constant 0 : i32
    "tpu.region"() ({
      %run_scoped3A_83 = tpu.sem_alloc : memref<!tpu.dma_semaphore, #tpu.memory_space<semaphore_mem>>
      %dma_start3A = arith.constant 0 : i32
      %dma_start3A_84 = arith.constant 0 : i32
      %dma_start3A_85 = tpu.memref_slice %arg4[%run_scoped3A, %arg1, %dma_start3A, %dma_start3A_84] : memref<2x16x40x250xi32, #tpu.memory_space<hbm>> -> memref<1x1x40x250xi32, #tpu.memory_space<hbm>>
      %dma_start3A_86 = tpu.memref_squeeze %dma_start3A_85 : memref<1x1x40x250xi32, #tpu.memory_space<hbm>> -> memref<40x250xi32, #tpu.memory_space<hbm>>
      %dma_start3A_87 = arith.constant 0 : i32
      %dma_start3A_88 = arith.constant 0 : i32
      %dma_start3A_89 = tpu.memref_slice %arg4[%run_scoped3A, %arg1, %dma_start3A_87, %dma_start3A_88] : memref<2x16x40x250xi32, #tpu.memory_space<hbm>> -> memref<1x1x40x250xi32, #tpu.memory_space<hbm>>
      %dma_start3A_90 = tpu.memref_squeeze %dma_start3A_89 : memref<1x1x40x250xi32, #tpu.memory_space<hbm>> -> memref<40x250xi32, #tpu.memory_space<hbm>>
      tpu.enqueue_dma source(%dma_start3A_90 : memref<40x250xi32, #tpu.memory_space<hbm>>) target(%arg6 : memref<40x250xi32, #tpu.memory_space<vmem>>) target_semaphore(%run_scoped3A_83 : memref<!tpu.dma_semaphore, #tpu.memory_space<semaphore_mem>>)
      %dma_wait3A = arith.constant 0 : i32
      %dma_wait3A_91 = arith.constant 0 : i32
      %dma_wait3A_92 = tpu.memref_slice %arg4[%run_scoped3A, %arg1, %dma_wait3A, %dma_wait3A_91] : memref<2x16x40x250xi32, #tpu.memory_space<hbm>> -> memref<1x1x40x250xi32, #tpu.memory_space<hbm>>
      %dma_wait3A_93 = tpu.memref_squeeze %dma_wait3A_92 : memref<1x1x40x250xi32, #tpu.memory_space<hbm>> -> memref<40x250xi32, #tpu.memory_space<hbm>>
      %dma_wait3A_94 = arith.constant 0 : i32
      %dma_wait3A_95 = arith.constant 0 : i32
      %dma_wait3A_96 = tpu.memref_slice %arg4[%run_scoped3A, %arg1, %dma_wait3A_94, %dma_wait3A_95] : memref<2x16x40x250xi32, #tpu.memory_space<hbm>> -> memref<1x1x40x250xi32, #tpu.memory_space<hbm>>
      %dma_wait3A_97 = tpu.memref_squeeze %dma_wait3A_96 : memref<1x1x40x250xi32, #tpu.memory_space<hbm>> -> memref<40x250xi32, #tpu.memory_space<hbm>>
      tpu.wait_dma2 semaphore(%run_scoped3A_83 : memref<!tpu.dma_semaphore, #tpu.memory_space<semaphore_mem>>) src(%dma_wait3A_97 : memref<40x250xi32, #tpu.memory_space<hbm>>) dst(%arg6 : memref<40x250xi32, #tpu.memory_space<vmem>>)
      tpu.yield
    }) : () -> ()
    %run_scoped3A_0 = arith.constant 1 : i32
    "tpu.region"() ({
      %run_scoped3A_83 = tpu.sem_alloc : memref<!tpu.dma_semaphore, #tpu.memory_space<semaphore_mem>>
      %dma_start3A = arith.constant 0 : i32
      %dma_start3A_84 = arith.constant 0 : i32
      %dma_start3A_85 = tpu.memref_slice %arg4[%run_scoped3A_0, %arg1, %dma_start3A, %dma_start3A_84] : memref<2x16x40x250xi32, #tpu.memory_space<hbm>> -> memref<1x1x40x250xi32, #tpu.memory_space<hbm>>
      %dma_start3A_86 = tpu.memref_squeeze %dma_start3A_85 : memref<1x1x40x250xi32, #tpu.memory_space<hbm>> -> memref<40x250xi32, #tpu.memory_space<hbm>>
      %dma_start3A_87 = arith.constant 0 : i32
      %dma_start3A_88 = arith.constant 0 : i32
      %dma_start3A_89 = tpu.memref_slice %arg4[%run_scoped3A_0, %arg1, %dma_start3A_87, %dma_start3A_88] : memref<2x16x40x250xi32, #tpu.memory_space<hbm>> -> memref<1x1x40x250xi32, #tpu.memory_space<hbm>>
      %dma_start3A_90 = tpu.memref_squeeze %dma_start3A_89 : memref<1x1x40x250xi32, #tpu.memory_space<hbm>> -> memref<40x250xi32, #tpu.memory_space<hbm>>
      tpu.enqueue_dma source(%dma_start3A_90 : memref<40x250xi32, #tpu.memory_space<hbm>>) target(%arg7 : memref<40x250xi32, #tpu.memory_space<vmem>>) target_semaphore(%run_scoped3A_83 : memref<!tpu.dma_semaphore, #tpu.memory_space<semaphore_mem>>)
      %dma_wait3A = arith.constant 0 : i32
      %dma_wait3A_91 = arith.constant 0 : i32
      %dma_wait3A_92 = tpu.memref_slice %arg4[%run_scoped3A_0, %arg1, %dma_wait3A, %dma_wait3A_91] : memref<2x16x40x250xi32, #tpu.memory_space<hbm>> -> memref<1x1x40x250xi32, #tpu.memory_space<hbm>>
      %dma_wait3A_93 = tpu.memref_squeeze %dma_wait3A_92 : memref<1x1x40x250xi32, #tpu.memory_space<hbm>> -> memref<40x250xi32, #tpu.memory_space<hbm>>
      %dma_wait3A_94 = arith.constant 0 : i32
      %dma_wait3A_95 = arith.constant 0 : i32
      %dma_wait3A_96 = tpu.memref_slice %arg4[%run_scoped3A_0, %arg1, %dma_wait3A_94, %dma_wait3A_95] : memref<2x16x40x250xi32, #tpu.memory_space<hbm>> -> memref<1x1x40x250xi32, #tpu.memory_space<hbm>>
      %dma_wait3A_97 = tpu.memref_squeeze %dma_wait3A_96 : memref<1x1x40x250xi32, #tpu.memory_space<hbm>> -> memref<40x250xi32, #tpu.memory_space<hbm>>
      tpu.wait_dma2 semaphore(%run_scoped3A_83 : memref<!tpu.dma_semaphore, #tpu.memory_space<semaphore_mem>>) src(%dma_wait3A_97 : memref<40x250xi32, #tpu.memory_space<hbm>>) dst(%arg7 : memref<40x250xi32, #tpu.memory_space<vmem>>)
      tpu.yield
    }) : () -> ()
    %broadcast_in_dim3A = arith.constant 0.000000e+00 : f32
    %broadcast_in_dim3A_1 = vector.broadcast %broadcast_in_dim3A : f32 to vector<16xf32>
    %scan3A = arith.constant 0 : i32
    %scan3A_2 = arith.constant 0 : i32
    %scan3A_3 = arith.constant 104 : i32
    %scan3A_4 = arith.addi %scan3A_2, %scan3A_3 : i32
    %scan3A_5 = arith.constant 1 : i32
    scf.for %scan3A_83 = %scan3A_2 to %scan3A_4 step %scan3A_5  : i32 {
      %swap3A = arith.index_cast %scan3A_83 : i32 to index
      %swap3A_84 = arith.constant 0 : index
      %swap3A_85 = tpu.vector_load %arg8[%swap3A, %swap3A_84] {strides = array<i32>} : memref<250x64xf32, #tpu.memory_space<vmem>>, vector<1x16xf32>,
      %swap3A_86 = vector.shape_cast %swap3A_85 : vector<1x16xf32> to vector<16xf32>
      %swap3A_87 = vector.shape_cast %broadcast_in_dim3A_1 : vector<16xf32> to vector<1x16xf32>
      tpu.vector_store %arg8[%swap3A, %swap3A_84], %swap3A_87 {strides = array<i32>} : memref<250x64xf32, #tpu.memory_space<vmem>>, vector<1x16xf32>,
      %swap3A_88 = arith.index_cast %scan3A_83 : i32 to index
      %swap3A_89 = arith.constant 16 : index
      %swap3A_90 = tpu.vector_load %arg8[%swap3A_88, %swap3A_89] {strides = array<i32>} : memref<250x64xf32, #tpu.memory_space<vmem>>, vector<1x16xf32>,
      %swap3A_91 = vector.shape_cast %swap3A_90 : vector<1x16xf32> to vector<16xf32>
      %swap3A_92 = vector.shape_cast %broadcast_in_dim3A_1 : vector<16xf32> to vector<1x16xf32>
      tpu.vector_store %arg8[%swap3A_88, %swap3A_89], %swap3A_92 {strides = array<i32>} : memref<250x64xf32, #tpu.memory_space<vmem>>, vector<1x16xf32>,
      %swap3A_93 = arith.index_cast %scan3A_83 : i32 to index
      %swap3A_94 = arith.constant 32 : index
      %swap3A_95 = tpu.vector_load %arg8[%swap3A_93, %swap3A_94] {strides = array<i32>} : memref<250x64xf32, #tpu.memory_space<vmem>>, vector<1x16xf32>,
      %swap3A_96 = vector.shape_cast %swap3A_95 : vector<1x16xf32> to vector<16xf32>
      %swap3A_97 = vector.shape_cast %broadcast_in_dim3A_1 : vector<16xf32> to vector<1x16xf32>
      tpu.vector_store %arg8[%swap3A_93, %swap3A_94], %swap3A_97 {strides = array<i32>} : memref<250x64xf32, #tpu.memory_space<vmem>>, vector<1x16xf32>,
      %swap3A_98 = arith.index_cast %scan3A_83 : i32 to index
      %swap3A_99 = arith.constant 48 : index
      %swap3A_100 = tpu.vector_load %arg8[%swap3A_98, %swap3A_99] {strides = array<i32>} : memref<250x64xf32, #tpu.memory_space<vmem>>, vector<1x16xf32>,
      %swap3A_101 = vector.shape_cast %swap3A_100 : vector<1x16xf32> to vector<16xf32>
      %swap3A_102 = vector.shape_cast %broadcast_in_dim3A_1 : vector<16xf32> to vector<1x16xf32>
      tpu.vector_store %arg8[%swap3A_98, %swap3A_99], %swap3A_102 {strides = array<i32>} : memref<250x64xf32, #tpu.memory_space<vmem>>, vector<1x16xf32>,
    }
    %scan3A_6 = arith.constant 104 : i32
    %mul3A = arith.constant 624 : i32
    %mul3A_7 = arith.muli %arg1, %mul3A : i32
    %add3A = arith.constant 0 : i32
    %add3A_8 = arith.addi %mul3A_7, %add3A : i32
    "tpu.region"() ({
      %run_scoped3A_83 = tpu.sem_alloc : memref<!tpu.dma_semaphore, #tpu.memory_space<semaphore_mem>>
      %dma_start3A = arith.constant 0 : i32
      %dma_start3A_84 = arith.constant 0 : i32
      %dma_start3A_85 = tpu.memref_slice %arg8[%dma_start3A, %dma_start3A_84] : memref<250x64xf32, #tpu.memory_space<vmem>> -> memref<104x64xf32, #tpu.memory_space<vmem>>
      %dma_start3A_86 = arith.constant 0 : i32
      %dma_start3A_87 = tpu.memref_slice %arg12[%add3A_8, %dma_start3A_86] : memref<10000x64xf32, #tpu.memory_space<vmem_shared>> -> memref<104x64xf32, #tpu.memory_space<vmem_shared>>
      %dma_start3A_88 = arith.constant 0 : i32
      %dma_start3A_89 = tpu.memref_slice %arg12[%add3A_8, %dma_start3A_88] : memref<10000x64xf32, #tpu.memory_space<vmem_shared>> -> memref<104x64xf32, #tpu.memory_space<vmem_shared>>
      %dma_start3A_90 = arith.constant 0 : i32
      %dma_start3A_91 = arith.constant 0 : i32
      %dma_start3A_92 = tpu.memref_slice %arg8[%dma_start3A_90, %dma_start3A_91] : memref<250x64xf32, #tpu.memory_space<vmem>> -> memref<104x64xf32, #tpu.memory_space<vmem>>
      tpu.enqueue_dma source(%dma_start3A_92 : memref<104x64xf32, #tpu.memory_space<vmem>>) target(%dma_start3A_89 : memref<104x64xf32, #tpu.memory_space<vmem_shared>>) target_semaphore(%run_scoped3A_83 : memref<!tpu.dma_semaphore, #tpu.memory_space<semaphore_mem>>)
      %dma_wait3A = arith.constant 0 : i32
      %dma_wait3A_93 = arith.constant 0 : i32
      %dma_wait3A_94 = tpu.memref_slice %arg8[%dma_wait3A, %dma_wait3A_93] : memref<250x64xf32, #tpu.memory_space<vmem>> -> memref<104x64xf32, #tpu.memory_space<vmem>>
      %dma_wait3A_95 = arith.constant 0 : i32
      %dma_wait3A_96 = tpu.memref_slice %arg12[%add3A_8, %dma_wait3A_95] : memref<10000x64xf32, #tpu.memory_space<vmem_shared>> -> memref<104x64xf32, #tpu.memory_space<vmem_shared>>
      %dma_wait3A_97 = arith.constant 0 : i32
      %dma_wait3A_98 = tpu.memref_slice %arg12[%add3A_8, %dma_wait3A_97] : memref<10000x64xf32, #tpu.memory_space<vmem_shared>> -> memref<104x64xf32, #tpu.memory_space<vmem_shared>>
      %dma_wait3A_99 = arith.constant 0 : i32
      %dma_wait3A_100 = arith.constant 0 : i32
      %dma_wait3A_101 = tpu.memref_slice %arg8[%dma_wait3A_99, %dma_wait3A_100] : memref<250x64xf32, #tpu.memory_space<vmem>> -> memref<104x64xf32, #tpu.memory_space<vmem>>
      tpu.wait_dma2 semaphore(%run_scoped3A_83 : memref<!tpu.dma_semaphore, #tpu.memory_space<semaphore_mem>>) src(%dma_wait3A_101 : memref<104x64xf32, #tpu.memory_space<vmem>>) dst(%dma_wait3A_98 : memref<104x64xf32, #tpu.memory_space<vmem_shared>>)
      tpu.yield
    }) : () -> ()
    %mul3A_9 = arith.constant 624 : i32
    %mul3A_10 = arith.muli %arg1, %mul3A_9 : i32
    %add3A_11 = arith.constant 104 : i32
    %add3A_12 = arith.addi %mul3A_10, %add3A_11 : i32
    "tpu.region"() ({
      %run_scoped3A_83 = tpu.sem_alloc : memref<!tpu.dma_semaphore, #tpu.memory_space<semaphore_mem>>
      %dma_start3A = arith.constant 0 : i32
      %dma_start3A_84 = arith.constant 0 : i32
      %dma_start3A_85 = tpu.memref_slice %arg8[%dma_start3A, %dma_start3A_84] : memref<250x64xf32, #tpu.memory_space<vmem>> -> memref<104x64xf32, #tpu.memory_space<vmem>>
      %dma_start3A_86 = arith.constant 0 : i32
      %dma_start3A_87 = tpu.memref_slice %arg12[%add3A_12, %dma_start3A_86] : memref<10000x64xf32, #tpu.memory_space<vmem_shared>> -> memref<104x64xf32, #tpu.memory_space<vmem_shared>>
      %dma_start3A_88 = arith.constant 0 : i32
      %dma_start3A_89 = tpu.memref_slice %arg12[%add3A_12, %dma_start3A_88] : memref<10000x64xf32, #tpu.memory_space<vmem_shared>> -> memref<104x64xf32, #tpu.memory_space<vmem_shared>>
      %dma_start3A_90 = arith.constant 0 : i32
      %dma_start3A_91 = arith.constant 0 : i32
      %dma_start3A_92 = tpu.memref_slice %arg8[%dma_start3A_90, %dma_start3A_91] : memref<250x64xf32, #tpu.memory_space<vmem>> -> memref<104x64xf32, #tpu.memory_space<vmem>>
      tpu.enqueue_dma source(%dma_start3A_92 : memref<104x64xf32, #tpu.memory_space<vmem>>) target(%dma_start3A_89 : memref<104x64xf32, #tpu.memory_space<vmem_shared>>) target_semaphore(%run_scoped3A_83 : memref<!tpu.dma_semaphore, #tpu.memory_space<semaphore_mem>>)
      %dma_wait3A = arith.constant 0 : i32
      %dma_wait3A_93 = arith.constant 0 : i32
      %dma_wait3A_94 = tpu.memref_slice %arg8[%dma_wait3A, %dma_wait3A_93] : memref<250x64xf32, #tpu.memory_space<vmem>> -> memref<104x64xf32, #tpu.memory_space<vmem>>
      %dma_wait3A_95 = arith.constant 0 : i32
      %dma_wait3A_96 = tpu.memref_slice %arg12[%add3A_12, %dma_wait3A_95] : memref<10000x64xf32, #tpu.memory_space<vmem_shared>> -> memref<104x64xf32, #tpu.memory_space<vmem_shared>>
      %dma_wait3A_97 = arith.constant 0 : i32
      %dma_wait3A_98 = tpu.memref_slice %arg12[%add3A_12, %dma_wait3A_97] : memref<10000x64xf32, #tpu.memory_space<vmem_shared>> -> memref<104x64xf32, #tpu.memory_space<vmem_shared>>
      %dma_wait3A_99 = arith.constant 0 : i32
      %dma_wait3A_100 = arith.constant 0 : i32
      %dma_wait3A_101 = tpu.memref_slice %arg8[%dma_wait3A_99, %dma_wait3A_100] : memref<250x64xf32, #tpu.memory_space<vmem>> -> memref<104x64xf32, #tpu.memory_space<vmem>>
      tpu.wait_dma2 semaphore(%run_scoped3A_83 : memref<!tpu.dma_semaphore, #tpu.memory_space<semaphore_mem>>) src(%dma_wait3A_101 : memref<104x64xf32, #tpu.memory_space<vmem>>) dst(%dma_wait3A_98 : memref<104x64xf32, #tpu.memory_space<vmem_shared>>)
      tpu.yield
    }) : () -> ()
    %mul3A_13 = arith.constant 624 : i32
    %mul3A_14 = arith.muli %arg1, %mul3A_13 : i32
    %add3A_15 = arith.constant 208 : i32
    %add3A_16 = arith.addi %mul3A_14, %add3A_15 : i32
    "tpu.region"() ({
      %run_scoped3A_83 = tpu.sem_alloc : memref<!tpu.dma_semaphore, #tpu.memory_space<semaphore_mem>>
      %dma_start3A = arith.constant 0 : i32
      %dma_start3A_84 = arith.constant 0 : i32
      %dma_start3A_85 = tpu.memref_slice %arg8[%dma_start3A, %dma_start3A_84] : memref<250x64xf32, #tpu.memory_space<vmem>> -> memref<104x64xf32, #tpu.memory_space<vmem>>
      %dma_start3A_86 = arith.constant 0 : i32
      %dma_start3A_87 = tpu.memref_slice %arg12[%add3A_16, %dma_start3A_86] : memref<10000x64xf32, #tpu.memory_space<vmem_shared>> -> memref<104x64xf32, #tpu.memory_space<vmem_shared>>
      %dma_start3A_88 = arith.constant 0 : i32
      %dma_start3A_89 = tpu.memref_slice %arg12[%add3A_16, %dma_start3A_88] : memref<10000x64xf32, #tpu.memory_space<vmem_shared>> -> memref<104x64xf32, #tpu.memory_space<vmem_shared>>
      %dma_start3A_90 = arith.constant 0 : i32
      %dma_start3A_91 = arith.constant 0 : i32
      %dma_start3A_92 = tpu.memref_slice %arg8[%dma_start3A_90, %dma_start3A_91] : memref<250x64xf32, #tpu.memory_space<vmem>> -> memref<104x64xf32, #tpu.memory_space<vmem>>
      tpu.enqueue_dma source(%dma_start3A_92 : memref<104x64xf32, #tpu.memory_space<vmem>>) target(%dma_start3A_89 : memref<104x64xf32, #tpu.memory_space<vmem_shared>>) target_semaphore(%run_scoped3A_83 : memref<!tpu.dma_semaphore, #tpu.memory_space<semaphore_mem>>)
      %dma_wait3A = arith.constant 0 : i32
      %dma_wait3A_93 = arith.constant 0 : i32
      %dma_wait3A_94 = tpu.memref_slice %arg8[%dma_wait3A, %dma_wait3A_93] : memref<250x64xf32, #tpu.memory_space<vmem>> -> memref<104x64xf32, #tpu.memory_space<vmem>>
      %dma_wait3A_95 = arith.constant 0 : i32
      %dma_wait3A_96 = tpu.memref_slice %arg12[%add3A_16, %dma_wait3A_95] : memref<10000x64xf32, #tpu.memory_space<vmem_shared>> -> memref<104x64xf32, #tpu.memory_space<vmem_shared>>
      %dma_wait3A_97 = arith.constant 0 : i32
      %dma_wait3A_98 = tpu.memref_slice %arg12[%add3A_16, %dma_wait3A_97] : memref<10000x64xf32, #tpu.memory_space<vmem_shared>> -> memref<104x64xf32, #tpu.memory_space<vmem_shared>>
      %dma_wait3A_99 = arith.constant 0 : i32
      %dma_wait3A_100 = arith.constant 0 : i32
      %dma_wait3A_101 = tpu.memref_slice %arg8[%dma_wait3A_99, %dma_wait3A_100] : memref<250x64xf32, #tpu.memory_space<vmem>> -> memref<104x64xf32, #tpu.memory_space<vmem>>
      tpu.wait_dma2 semaphore(%run_scoped3A_83 : memref<!tpu.dma_semaphore, #tpu.memory_space<semaphore_mem>>) src(%dma_wait3A_101 : memref<104x64xf32, #tpu.memory_space<vmem>>) dst(%dma_wait3A_98 : memref<104x64xf32, #tpu.memory_space<vmem_shared>>)
      tpu.yield
    }) : () -> ()
    %mul3A_17 = arith.constant 624 : i32
    %mul3A_18 = arith.muli %arg1, %mul3A_17 : i32
    %add3A_19 = arith.constant 312 : i32
    %add3A_20 = arith.addi %mul3A_18, %add3A_19 : i32
    "tpu.region"() ({
      %run_scoped3A_83 = tpu.sem_alloc : memref<!tpu.dma_semaphore, #tpu.memory_space<semaphore_mem>>
      %dma_start3A = arith.constant 0 : i32
      %dma_start3A_84 = arith.constant 0 : i32
      %dma_start3A_85 = tpu.memref_slice %arg8[%dma_start3A, %dma_start3A_84] : memref<250x64xf32, #tpu.memory_space<vmem>> -> memref<104x64xf32, #tpu.memory_space<vmem>>
      %dma_start3A_86 = arith.constant 0 : i32
      %dma_start3A_87 = tpu.memref_slice %arg12[%add3A_20, %dma_start3A_86] : memref<10000x64xf32, #tpu.memory_space<vmem_shared>> -> memref<104x64xf32, #tpu.memory_space<vmem_shared>>
      %dma_start3A_88 = arith.constant 0 : i32
      %dma_start3A_89 = tpu.memref_slice %arg12[%add3A_20, %dma_start3A_88] : memref<10000x64xf32, #tpu.memory_space<vmem_shared>> -> memref<104x64xf32, #tpu.memory_space<vmem_shared>>
      %dma_start3A_90 = arith.constant 0 : i32
      %dma_start3A_91 = arith.constant 0 : i32
      %dma_start3A_92 = tpu.memref_slice %arg8[%dma_start3A_90, %dma_start3A_91] : memref<250x64xf32, #tpu.memory_space<vmem>> -> memref<104x64xf32, #tpu.memory_space<vmem>>
      tpu.enqueue_dma source(%dma_start3A_92 : memref<104x64xf32, #tpu.memory_space<vmem>>) target(%dma_start3A_89 : memref<104x64xf32, #tpu.memory_space<vmem_shared>>) target_semaphore(%run_scoped3A_83 : memref<!tpu.dma_semaphore, #tpu.memory_space<semaphore_mem>>)
      %dma_wait3A = arith.constant 0 : i32
      %dma_wait3A_93 = arith.constant 0 : i32
      %dma_wait3A_94 = tpu.memref_slice %arg8[%dma_wait3A, %dma_wait3A_93] : memref<250x64xf32, #tpu.memory_space<vmem>> -> memref<104x64xf32, #tpu.memory_space<vmem>>
      %dma_wait3A_95 = arith.constant 0 : i32
      %dma_wait3A_96 = tpu.memref_slice %arg12[%add3A_20, %dma_wait3A_95] : memref<10000x64xf32, #tpu.memory_space<vmem_shared>> -> memref<104x64xf32, #tpu.memory_space<vmem_shared>>
      %dma_wait3A_97 = arith.constant 0 : i32
      %dma_wait3A_98 = tpu.memref_slice %arg12[%add3A_20, %dma_wait3A_97] : memref<10000x64xf32, #tpu.memory_space<vmem_shared>> -> memref<104x64xf32, #tpu.memory_space<vmem_shared>>
      %dma_wait3A_99 = arith.constant 0 : i32
      %dma_wait3A_100 = arith.constant 0 : i32
      %dma_wait3A_101 = tpu.memref_slice %arg8[%dma_wait3A_99, %dma_wait3A_100] : memref<250x64xf32, #tpu.memory_space<vmem>> -> memref<104x64xf32, #tpu.memory_space<vmem>>
      tpu.wait_dma2 semaphore(%run_scoped3A_83 : memref<!tpu.dma_semaphore, #tpu.memory_space<semaphore_mem>>) src(%dma_wait3A_101 : memref<104x64xf32, #tpu.memory_space<vmem>>) dst(%dma_wait3A_98 : memref<104x64xf32, #tpu.memory_space<vmem_shared>>)
      tpu.yield
    }) : () -> ()
    %mul3A_21 = arith.constant 624 : i32
    %mul3A_22 = arith.muli %arg1, %mul3A_21 : i32
    %add3A_23 = arith.constant 416 : i32
    %add3A_24 = arith.addi %mul3A_22, %add3A_23 : i32
    "tpu.region"() ({
      %run_scoped3A_83 = tpu.sem_alloc : memref<!tpu.dma_semaphore, #tpu.memory_space<semaphore_mem>>
      %dma_start3A = arith.constant 0 : i32
      %dma_start3A_84 = arith.constant 0 : i32
      %dma_start3A_85 = tpu.memref_slice %arg8[%dma_start3A, %dma_start3A_84] : memref<250x64xf32, #tpu.memory_space<vmem>> -> memref<104x64xf32, #tpu.memory_space<vmem>>
      %dma_start3A_86 = arith.constant 0 : i32
      %dma_start3A_87 = tpu.memref_slice %arg12[%add3A_24, %dma_start3A_86] : memref<10000x64xf32, #tpu.memory_space<vmem_shared>> -> memref<104x64xf32, #tpu.memory_space<vmem_shared>>
      %dma_start3A_88 = arith.constant 0 : i32
      %dma_start3A_89 = tpu.memref_slice %arg12[%add3A_24, %dma_start3A_88] : memref<10000x64xf32, #tpu.memory_space<vmem_shared>> -> memref<104x64xf32, #tpu.memory_space<vmem_shared>>
      %dma_start3A_90 = arith.constant 0 : i32
      %dma_start3A_91 = arith.constant 0 : i32
      %dma_start3A_92 = tpu.memref_slice %arg8[%dma_start3A_90, %dma_start3A_91] : memref<250x64xf32, #tpu.memory_space<vmem>> -> memref<104x64xf32, #tpu.memory_space<vmem>>
      tpu.enqueue_dma source(%dma_start3A_92 : memref<104x64xf32, #tpu.memory_space<vmem>>) target(%dma_start3A_89 : memref<104x64xf32, #tpu.memory_space<vmem_shared>>) target_semaphore(%run_scoped3A_83 : memref<!tpu.dma_semaphore, #tpu.memory_space<semaphore_mem>>)
      %dma_wait3A = arith.constant 0 : i32
      %dma_wait3A_93 = arith.constant 0 : i32
      %dma_wait3A_94 = tpu.memref_slice %arg8[%dma_wait3A, %dma_wait3A_93] : memref<250x64xf32, #tpu.memory_space<vmem>> -> memref<104x64xf32, #tpu.memory_space<vmem>>
      %dma_wait3A_95 = arith.constant 0 : i32
      %dma_wait3A_96 = tpu.memref_slice %arg12[%add3A_24, %dma_wait3A_95] : memref<10000x64xf32, #tpu.memory_space<vmem_shared>> -> memref<104x64xf32, #tpu.memory_space<vmem_shared>>
      %dma_wait3A_97 = arith.constant 0 : i32
      %dma_wait3A_98 = tpu.memref_slice %arg12[%add3A_24, %dma_wait3A_97] : memref<10000x64xf32, #tpu.memory_space<vmem_shared>> -> memref<104x64xf32, #tpu.memory_space<vmem_shared>>
      %dma_wait3A_99 = arith.constant 0 : i32
      %dma_wait3A_100 = arith.constant 0 : i32
      %dma_wait3A_101 = tpu.memref_slice %arg8[%dma_wait3A_99, %dma_wait3A_100] : memref<250x64xf32, #tpu.memory_space<vmem>> -> memref<104x64xf32, #tpu.memory_space<vmem>>
      tpu.wait_dma2 semaphore(%run_scoped3A_83 : memref<!tpu.dma_semaphore, #tpu.memory_space<semaphore_mem>>) src(%dma_wait3A_101 : memref<104x64xf32, #tpu.memory_space<vmem>>) dst(%dma_wait3A_98 : memref<104x64xf32, #tpu.memory_space<vmem_shared>>)
      tpu.yield
    }) : () -> ()
    %mul3A_25 = arith.constant 624 : i32
    %mul3A_26 = arith.muli %arg1, %mul3A_25 : i32
    %add3A_27 = arith.constant 520 : i32
    %add3A_28 = arith.addi %mul3A_26, %add3A_27 : i32
    "tpu.region"() ({
      %run_scoped3A_83 = tpu.sem_alloc : memref<!tpu.dma_semaphore, #tpu.memory_space<semaphore_mem>>
      %dma_start3A = arith.constant 0 : i32
      %dma_start3A_84 = arith.constant 0 : i32
      %dma_start3A_85 = tpu.memref_slice %arg8[%dma_start3A, %dma_start3A_84] : memref<250x64xf32, #tpu.memory_space<vmem>> -> memref<104x64xf32, #tpu.memory_space<vmem>>
      %dma_start3A_86 = arith.constant 0 : i32
      %dma_start3A_87 = tpu.memref_slice %arg12[%add3A_28, %dma_start3A_86] : memref<10000x64xf32, #tpu.memory_space<vmem_shared>> -> memref<104x64xf32, #tpu.memory_space<vmem_shared>>
      %dma_start3A_88 = arith.constant 0 : i32
      %dma_start3A_89 = tpu.memref_slice %arg12[%add3A_28, %dma_start3A_88] : memref<10000x64xf32, #tpu.memory_space<vmem_shared>> -> memref<104x64xf32, #tpu.memory_space<vmem_shared>>
      %dma_start3A_90 = arith.constant 0 : i32
      %dma_start3A_91 = arith.constant 0 : i32
      %dma_start3A_92 = tpu.memref_slice %arg8[%dma_start3A_90, %dma_start3A_91] : memref<250x64xf32, #tpu.memory_space<vmem>> -> memref<104x64xf32, #tpu.memory_space<vmem>>
      tpu.enqueue_dma source(%dma_start3A_92 : memref<104x64xf32, #tpu.memory_space<vmem>>) target(%dma_start3A_89 : memref<104x64xf32, #tpu.memory_space<vmem_shared>>) target_semaphore(%run_scoped3A_83 : memref<!tpu.dma_semaphore, #tpu.memory_space<semaphore_mem>>)
      %dma_wait3A = arith.constant 0 : i32
      %dma_wait3A_93 = arith.constant 0 : i32
      %dma_wait3A_94 = tpu.memref_slice %arg8[%dma_wait3A, %dma_wait3A_93] : memref<250x64xf32, #tpu.memory_space<vmem>> -> memref<104x64xf32, #tpu.memory_space<vmem>>
      %dma_wait3A_95 = arith.constant 0 : i32
      %dma_wait3A_96 = tpu.memref_slice %arg12[%add3A_28, %dma_wait3A_95] : memref<10000x64xf32, #tpu.memory_space<vmem_shared>> -> memref<104x64xf32, #tpu.memory_space<vmem_shared>>
      %dma_wait3A_97 = arith.constant 0 : i32
      %dma_wait3A_98 = tpu.memref_slice %arg12[%add3A_28, %dma_wait3A_97] : memref<10000x64xf32, #tpu.memory_space<vmem_shared>> -> memref<104x64xf32, #tpu.memory_space<vmem_shared>>
      %dma_wait3A_99 = arith.constant 0 : i32
      %dma_wait3A_100 = arith.constant 0 : i32
      %dma_wait3A_101 = tpu.memref_slice %arg8[%dma_wait3A_99, %dma_wait3A_100] : memref<250x64xf32, #tpu.memory_space<vmem>> -> memref<104x64xf32, #tpu.memory_space<vmem>>
      tpu.wait_dma2 semaphore(%run_scoped3A_83 : memref<!tpu.dma_semaphore, #tpu.memory_space<semaphore_mem>>) src(%dma_wait3A_101 : memref<104x64xf32, #tpu.memory_space<vmem>>) dst(%dma_wait3A_98 : memref<104x64xf32, #tpu.memory_space<vmem_shared>>)
      tpu.yield
    }) : () -> ()
    %eq3A = arith.constant 15 : i32
    %eq3A_29 = arith.cmpi eq, %arg1, %eq3A : i32
    %convert_element_type3A = arith.extui %eq3A_29 : i1 to i32
    %cond3A = arith.constant 0 : i32
    %cond3A_30 = arith.cmpi ne, %convert_element_type3A, %cond3A : i32
    scf.if %cond3A_30 {
      "tpu.region"() ({
        %run_scoped3A_83 = tpu.sem_alloc : memref<!tpu.dma_semaphore, #tpu.memory_space<semaphore_mem>>
        %dma_start3A = arith.constant 0 : i32
        %dma_start3A_84 = arith.constant 0 : i32
        %dma_start3A_85 = tpu.memref_slice %arg8[%dma_start3A, %dma_start3A_84] : memref<250x64xf32, #tpu.memory_space<vmem>> -> memref<16x64xf32, #tpu.memory_space<vmem>>
        %dma_start3A_86 = arith.constant 9984 : i32
        %dma_start3A_87 = arith.constant 0 : i32
        %dma_start3A_88 = tpu.memref_slice %arg12[%dma_start3A_86, %dma_start3A_87] : memref<10000x64xf32, #tpu.memory_space<vmem_shared>> -> memref<16x64xf32, #tpu.memory_space<vmem_shared>>
        %dma_start3A_89 = arith.constant 9984 : i32
        %dma_start3A_90 = arith.constant 0 : i32
        %dma_start3A_91 = tpu.memref_slice %arg12[%dma_start3A_89, %dma_start3A_90] : memref<10000x64xf32, #tpu.memory_space<vmem_shared>> -> memref<16x64xf32, #tpu.memory_space<vmem_shared>>
        %dma_start3A_92 = arith.constant 0 : i32
        %dma_start3A_93 = arith.constant 0 : i32
        %dma_start3A_94 = tpu.memref_slice %arg8[%dma_start3A_92, %dma_start3A_93] : memref<250x64xf32, #tpu.memory_space<vmem>> -> memref<16x64xf32, #tpu.memory_space<vmem>>
        tpu.enqueue_dma source(%dma_start3A_94 : memref<16x64xf32, #tpu.memory_space<vmem>>) target(%dma_start3A_91 : memref<16x64xf32, #tpu.memory_space<vmem_shared>>) target_semaphore(%run_scoped3A_83 : memref<!tpu.dma_semaphore, #tpu.memory_space<semaphore_mem>>)
        %dma_wait3A = arith.constant 0 : i32
        %dma_wait3A_95 = arith.constant 0 : i32
        %dma_wait3A_96 = tpu.memref_slice %arg8[%dma_wait3A, %dma_wait3A_95] : memref<250x64xf32, #tpu.memory_space<vmem>> -> memref<16x64xf32, #tpu.memory_space<vmem>>
        %dma_wait3A_97 = arith.constant 9984 : i32
        %dma_wait3A_98 = arith.constant 0 : i32
        %dma_wait3A_99 = tpu.memref_slice %arg12[%dma_wait3A_97, %dma_wait3A_98] : memref<10000x64xf32, #tpu.memory_space<vmem_shared>> -> memref<16x64xf32, #tpu.memory_space<vmem_shared>>
        %dma_wait3A_100 = arith.constant 9984 : i32
        %dma_wait3A_101 = arith.constant 0 : i32
        %dma_wait3A_102 = tpu.memref_slice %arg12[%dma_wait3A_100, %dma_wait3A_101] : memref<10000x64xf32, #tpu.memory_space<vmem_shared>> -> memref<16x64xf32, #tpu.memory_space<vmem_shared>>
        %dma_wait3A_103 = arith.constant 0 : i32
        %dma_wait3A_104 = arith.constant 0 : i32
        %dma_wait3A_105 = tpu.memref_slice %arg8[%dma_wait3A_103, %dma_wait3A_104] : memref<250x64xf32, #tpu.memory_space<vmem>> -> memref<16x64xf32, #tpu.memory_space<vmem>>
        tpu.wait_dma2 semaphore(%run_scoped3A_83 : memref<!tpu.dma_semaphore, #tpu.memory_space<semaphore_mem>>) src(%dma_wait3A_105 : memref<16x64xf32, #tpu.memory_space<vmem>>) dst(%dma_wait3A_102 : memref<16x64xf32, #tpu.memory_space<vmem_shared>>)
        tpu.yield
      }) : () -> ()
    } else {
    }
    %barrier3A = arith.constant 0 : index
    tpu.barrier barrier_id(%barrier3A)
    %eq3A_31 = arith.constant 0 : i32
    %eq3A_32 = arith.cmpi eq, %arg0, %eq3A_31 : i32
    %convert_element_type3A_33 = arith.extui %eq3A_32 : i1 to i32
    %cond3A_34 = arith.constant 0 : i32
    %cond3A_35 = arith.cmpi ne, %convert_element_type3A_33, %cond3A_34 : i32
    scf.if %cond3A_35 {
      %dma_start3A = arith.constant 0 : i32
      %dma_start3A_83 = arith.constant 0 : i32
      %dma_start3A_84 = tpu.memref_slice %arg6[%dma_start3A, %dma_start3A_83] : memref<40x250xi32, #tpu.memory_space<vmem>> -> memref<1x250xi32, #tpu.memory_space<vmem>>
      %dma_start3A_85 = tpu.memref_squeeze %dma_start3A_84 : memref<1x250xi32, #tpu.memory_space<vmem>> -> memref<250xi32, #tpu.memory_space<vmem>>
      %dma_start3A_86 = arith.constant 0 : i32
      %dma_start3A_87 = arith.constant 0 : i32
      %dma_start3A_88 = tpu.memref_slice %arg2[%dma_start3A_86, %dma_start3A_87] : memref<10000x64xf32, #tpu.memory_space<hbm>> -> memref<10000x64xf32, #tpu.memory_space<hbm>>
      tpu.enqueue_indirect_dma source(%dma_start3A_88 : memref<10000x64xf32, #tpu.memory_space<hbm>>) target(%arg8 : memref<250x64xf32, #tpu.memory_space<vmem>>) offsets(%dma_start3A_85 : memref<250xi32, #tpu.memory_space<vmem>>) semaphore(%arg13 : memref<!tpu.dma_semaphore, #tpu.memory_space<semaphore_mem>>)
      %dma_start3A_89 = arith.constant 1 : i32
      %dma_start3A_90 = arith.constant 0 : i32
      %dma_start3A_91 = tpu.memref_slice %arg6[%dma_start3A_89, %dma_start3A_90] : memref<40x250xi32, #tpu.memory_space<vmem>> -> memref<1x250xi32, #tpu.memory_space<vmem>>
      %dma_start3A_92 = tpu.memref_squeeze %dma_start3A_91 : memref<1x250xi32, #tpu.memory_space<vmem>> -> memref<250xi32, #tpu.memory_space<vmem>>
      %dma_start3A_93 = arith.constant 0 : i32
      %dma_start3A_94 = arith.constant 0 : i32
      %dma_start3A_95 = tpu.memref_slice %arg2[%dma_start3A_93, %dma_start3A_94] : memref<10000x64xf32, #tpu.memory_space<hbm>> -> memref<10000x64xf32, #tpu.memory_space<hbm>>
      tpu.enqueue_indirect_dma source(%dma_start3A_95 : memref<10000x64xf32, #tpu.memory_space<hbm>>) target(%arg9 : memref<250x64xf32, #tpu.memory_space<vmem>>) offsets(%dma_start3A_92 : memref<250xi32, #tpu.memory_space<vmem>>) semaphore(%arg14 : memref<!tpu.dma_semaphore, #tpu.memory_space<semaphore_mem>>)
      %scan3A_96 = arith.constant 0 : i32
      %scan3A_97 = arith.constant 0 : i32
      %scan3A_98 = arith.constant 10 : i32
      %scan3A_99 = arith.addi %scan3A_97, %scan3A_98 : i32
      %scan3A_100 = arith.constant 1 : i32
      scf.for %scan3A_129 = %scan3A_97 to %scan3A_99 step %scan3A_100  : i32 {
        %mul3A_130 = arith.constant 4 : i32
        %mul3A_131 = arith.muli %mul3A_130, %scan3A_129 : i32
        %add3A_132 = arith.constant 0 : i32
        %add3A_133 = arith.addi %mul3A_131, %add3A_132 : i32
        %dma_wait3A_134 = arith.constant 0 : i32
        %dma_wait3A_135 = tpu.memref_slice %arg6[%add3A_133, %dma_wait3A_134] : memref<40x250xi32, #tpu.memory_space<vmem>> -> memref<1x250xi32, #tpu.memory_space<vmem>>
        %dma_wait3A_136 = tpu.memref_squeeze %dma_wait3A_135 : memref<1x250xi32, #tpu.memory_space<vmem>> -> memref<250xi32, #tpu.memory_space<vmem>>
        %dma_wait3A_137 = arith.constant 0 : i32
        %dma_wait3A_138 = arith.constant 0 : i32
        %dma_wait3A_139 = tpu.memref_slice %arg2[%dma_wait3A_137, %dma_wait3A_138] : memref<10000x64xf32, #tpu.memory_space<hbm>> -> memref<10000x64xf32, #tpu.memory_space<hbm>>
        tpu.wait_indirect_dma semaphore(%arg13 : memref<!tpu.dma_semaphore, #tpu.memory_space<semaphore_mem>>) src(%dma_wait3A_139 : memref<10000x64xf32, #tpu.memory_space<hbm>>) dst(%arg8 : memref<250x64xf32, #tpu.memory_space<vmem>>)
        %dma_start3A_140 = arith.constant 0 : i32
        %dma_start3A_141 = tpu.memref_slice %arg7[%add3A_133, %dma_start3A_140] : memref<40x250xi32, #tpu.memory_space<vmem>> -> memref<1x250xi32, #tpu.memory_space<vmem>>
        %dma_start3A_142 = tpu.memref_squeeze %dma_start3A_141 : memref<1x250xi32, #tpu.memory_space<vmem>> -> memref<250xi32, #tpu.memory_space<vmem>>
        %dma_start3A_143 = arith.constant 0 : i32
        %dma_start3A_144 = arith.constant 0 : i32
        %dma_start3A_145 = tpu.memref_slice %arg12[%dma_start3A_143, %dma_start3A_144] : memref<10000x64xf32, #tpu.memory_space<vmem_shared>> -> memref<10000x64xf32, #tpu.memory_space<vmem_shared>>
        tpu.enqueue_indirect_dma source(%arg8 : memref<250x64xf32, #tpu.memory_space<vmem>>) target(%dma_start3A_145 : memref<10000x64xf32, #tpu.memory_space<vmem_shared>>) offsets(%dma_start3A_142 : memref<250xi32, #tpu.memory_space<vmem>>) semaphore(%arg17 : memref<!tpu.dma_semaphore, #tpu.memory_space<semaphore_mem>>) {add = true}
        %add3A_146 = arith.constant 2 : i32
        %add3A_147 = arith.addi %add3A_133, %add3A_146 : i32
        %lt3A = arith.constant 40 : i32
        %lt3A_148 = arith.cmpi slt, %add3A_147, %lt3A : i32
        %convert_element_type3A_149 = arith.extui %lt3A_148 : i1 to i32
        %cond3A_150 = arith.constant 0 : i32
        %cond3A_151 = arith.cmpi ne, %convert_element_type3A_149, %cond3A_150 : i32
        scf.if %cond3A_151 {
          %ge3A = arith.constant 2 : i32
          %ge3A_221 = arith.cmpi sge, %add3A_133, %ge3A : i32
          %convert_element_type3A_222 = arith.extui %ge3A_221 : i1 to i32
          %cond3A_223 = arith.constant 0 : i32
          %cond3A_224 = arith.cmpi ne, %convert_element_type3A_222, %cond3A_223 : i32
          scf.if %cond3A_224 {
            %sub3A = arith.constant 2 : i32
            %sub3A_233 = arith.subi %add3A_133, %sub3A : i32
            %dma_wait3A_234 = arith.constant 0 : i32
            %dma_wait3A_235 = tpu.memref_slice %arg7[%sub3A_233, %dma_wait3A_234] : memref<40x250xi32, #tpu.memory_space<vmem>> -> memref<1x250xi32, #tpu.memory_space<vmem>>
            %dma_wait3A_236 = tpu.memref_squeeze %dma_wait3A_235 : memref<1x250xi32, #tpu.memory_space<vmem>> -> memref<250xi32, #tpu.memory_space<vmem>>
            %dma_wait3A_237 = arith.constant 0 : i32
            %dma_wait3A_238 = arith.constant 0 : i32
            %dma_wait3A_239 = tpu.memref_slice %arg12[%dma_wait3A_237, %dma_wait3A_238] : memref<10000x64xf32, #tpu.memory_space<vmem_shared>> -> memref<10000x64xf32, #tpu.memory_space<vmem_shared>>
            tpu.wait_indirect_dma semaphore(%arg19 : memref<!tpu.dma_semaphore, #tpu.memory_space<semaphore_mem>>) src(%arg10 : memref<250x64xf32, #tpu.memory_space<vmem>>) dst(%dma_wait3A_239 : memref<10000x64xf32, #tpu.memory_space<vmem_shared>>)
          } else {
          }
          %add3A_225 = arith.constant 2 : i32
          %add3A_226 = arith.addi %add3A_133, %add3A_225 : i32
          %dma_start3A_227 = arith.constant 0 : i32
          %dma_start3A_228 = tpu.memref_slice %arg6[%add3A_226, %dma_start3A_227] : memref<40x250xi32, #tpu.memory_space<vmem>> -> memref<1x250xi32, #tpu.memory_space<vmem>>
          %dma_start3A_229 = tpu.memref_squeeze %dma_start3A_228 : memref<1x250xi32, #tpu.memory_space<vmem>> -> memref<250xi32, #tpu.memory_space<vmem>>
          %dma_start3A_230 = arith.constant 0 : i32
          %dma_start3A_231 = arith.constant 0 : i32
          %dma_start3A_232 = tpu.memref_slice %arg2[%dma_start3A_230, %dma_start3A_231] : memref<10000x64xf32, #tpu.memory_space<hbm>> -> memref<10000x64xf32, #tpu.memory_space<hbm>>
          tpu.enqueue_indirect_dma source(%dma_start3A_232 : memref<10000x64xf32, #tpu.memory_space<hbm>>) target(%arg10 : memref<250x64xf32, #tpu.memory_space<vmem>>) offsets(%dma_start3A_229 : memref<250xi32, #tpu.memory_space<vmem>>) semaphore(%arg15 : memref<!tpu.dma_semaphore, #tpu.memory_space<semaphore_mem>>)
        } else {
        }
        %mul3A_152 = arith.constant 4 : i32
        %mul3A_153 = arith.muli %mul3A_152, %scan3A_129 : i32
        %add3A_154 = arith.constant 1 : i32
        %add3A_155 = arith.addi %mul3A_153, %add3A_154 : i32
        %dma_wait3A_156 = arith.constant 0 : i32
        %dma_wait3A_157 = tpu.memref_slice %arg6[%add3A_155, %dma_wait3A_156] : memref<40x250xi32, #tpu.memory_space<vmem>> -> memref<1x250xi32, #tpu.memory_space<vmem>>
        %dma_wait3A_158 = tpu.memref_squeeze %dma_wait3A_157 : memref<1x250xi32, #tpu.memory_space<vmem>> -> memref<250xi32, #tpu.memory_space<vmem>>
        %dma_wait3A_159 = arith.constant 0 : i32
        %dma_wait3A_160 = arith.constant 0 : i32
        %dma_wait3A_161 = tpu.memref_slice %arg2[%dma_wait3A_159, %dma_wait3A_160] : memref<10000x64xf32, #tpu.memory_space<hbm>> -> memref<10000x64xf32, #tpu.memory_space<hbm>>
        tpu.wait_indirect_dma semaphore(%arg14 : memref<!tpu.dma_semaphore, #tpu.memory_space<semaphore_mem>>) src(%dma_wait3A_161 : memref<10000x64xf32, #tpu.memory_space<hbm>>) dst(%arg9 : memref<250x64xf32, #tpu.memory_space<vmem>>)
        %dma_start3A_162 = arith.constant 0 : i32
        %dma_start3A_163 = tpu.memref_slice %arg7[%add3A_155, %dma_start3A_162] : memref<40x250xi32, #tpu.memory_space<vmem>> -> memref<1x250xi32, #tpu.memory_space<vmem>>
        %dma_start3A_164 = tpu.memref_squeeze %dma_start3A_163 : memref<1x250xi32, #tpu.memory_space<vmem>> -> memref<250xi32, #tpu.memory_space<vmem>>
        %dma_start3A_165 = arith.constant 0 : i32
        %dma_start3A_166 = arith.constant 0 : i32
        %dma_start3A_167 = tpu.memref_slice %arg12[%dma_start3A_165, %dma_start3A_166] : memref<10000x64xf32, #tpu.memory_space<vmem_shared>> -> memref<10000x64xf32, #tpu.memory_space<vmem_shared>>
        tpu.enqueue_indirect_dma source(%arg9 : memref<250x64xf32, #tpu.memory_space<vmem>>) target(%dma_start3A_167 : memref<10000x64xf32, #tpu.memory_space<vmem_shared>>) offsets(%dma_start3A_164 : memref<250xi32, #tpu.memory_space<vmem>>) semaphore(%arg18 : memref<!tpu.dma_semaphore, #tpu.memory_space<semaphore_mem>>) {add = true}
        %add3A_168 = arith.constant 2 : i32
        %add3A_169 = arith.addi %add3A_155, %add3A_168 : i32
        %lt3A_170 = arith.constant 40 : i32
        %lt3A_171 = arith.cmpi slt, %add3A_169, %lt3A_170 : i32
        %convert_element_type3A_172 = arith.extui %lt3A_171 : i1 to i32
        %cond3A_173 = arith.constant 0 : i32
        %cond3A_174 = arith.cmpi ne, %convert_element_type3A_172, %cond3A_173 : i32
        scf.if %cond3A_174 {
          %ge3A = arith.constant 2 : i32
          %ge3A_221 = arith.cmpi sge, %add3A_155, %ge3A : i32
          %convert_element_type3A_222 = arith.extui %ge3A_221 : i1 to i32
          %cond3A_223 = arith.constant 0 : i32
          %cond3A_224 = arith.cmpi ne, %convert_element_type3A_222, %cond3A_223 : i32
          scf.if %cond3A_224 {
            %sub3A = arith.constant 2 : i32
            %sub3A_233 = arith.subi %add3A_155, %sub3A : i32
            %dma_wait3A_234 = arith.constant 0 : i32
            %dma_wait3A_235 = tpu.memref_slice %arg7[%sub3A_233, %dma_wait3A_234] : memref<40x250xi32, #tpu.memory_space<vmem>> -> memref<1x250xi32, #tpu.memory_space<vmem>>
            %dma_wait3A_236 = tpu.memref_squeeze %dma_wait3A_235 : memref<1x250xi32, #tpu.memory_space<vmem>> -> memref<250xi32, #tpu.memory_space<vmem>>
            %dma_wait3A_237 = arith.constant 0 : i32
            %dma_wait3A_238 = arith.constant 0 : i32
            %dma_wait3A_239 = tpu.memref_slice %arg12[%dma_wait3A_237, %dma_wait3A_238] : memref<10000x64xf32, #tpu.memory_space<vmem_shared>> -> memref<10000x64xf32, #tpu.memory_space<vmem_shared>>
            tpu.wait_indirect_dma semaphore(%arg20 : memref<!tpu.dma_semaphore, #tpu.memory_space<semaphore_mem>>) src(%arg11 : memref<250x64xf32, #tpu.memory_space<vmem>>) dst(%dma_wait3A_239 : memref<10000x64xf32, #tpu.memory_space<vmem_shared>>)
          } else {
          }
          %add3A_225 = arith.constant 2 : i32
          %add3A_226 = arith.addi %add3A_155, %add3A_225 : i32
          %dma_start3A_227 = arith.constant 0 : i32
          %dma_start3A_228 = tpu.memref_slice %arg6[%add3A_226, %dma_start3A_227] : memref<40x250xi32, #tpu.memory_space<vmem>> -> memref<1x250xi32, #tpu.memory_space<vmem>>
          %dma_start3A_229 = tpu.memref_squeeze %dma_start3A_228 : memref<1x250xi32, #tpu.memory_space<vmem>> -> memref<250xi32, #tpu.memory_space<vmem>>
          %dma_start3A_230 = arith.constant 0 : i32
          %dma_start3A_231 = arith.constant 0 : i32
          %dma_start3A_232 = tpu.memref_slice %arg2[%dma_start3A_230, %dma_start3A_231] : memref<10000x64xf32, #tpu.memory_space<hbm>> -> memref<10000x64xf32, #tpu.memory_space<hbm>>
          tpu.enqueue_indirect_dma source(%dma_start3A_232 : memref<10000x64xf32, #tpu.memory_space<hbm>>) target(%arg11 : memref<250x64xf32, #tpu.memory_space<vmem>>) offsets(%dma_start3A_229 : memref<250xi32, #tpu.memory_space<vmem>>) semaphore(%arg16 : memref<!tpu.dma_semaphore, #tpu.memory_space<semaphore_mem>>)
        } else {
        }
        %mul3A_175 = arith.constant 4 : i32
        %mul3A_176 = arith.muli %mul3A_175, %scan3A_129 : i32
        %add3A_177 = arith.constant 2 : i32
        %add3A_178 = arith.addi %mul3A_176, %add3A_177 : i32
        %dma_wait3A_179 = arith.constant 0 : i32
        %dma_wait3A_180 = tpu.memref_slice %arg6[%add3A_178, %dma_wait3A_179] : memref<40x250xi32, #tpu.memory_space<vmem>> -> memref<1x250xi32, #tpu.memory_space<vmem>>
        %dma_wait3A_181 = tpu.memref_squeeze %dma_wait3A_180 : memref<1x250xi32, #tpu.memory_space<vmem>> -> memref<250xi32, #tpu.memory_space<vmem>>
        %dma_wait3A_182 = arith.constant 0 : i32
        %dma_wait3A_183 = arith.constant 0 : i32
        %dma_wait3A_184 = tpu.memref_slice %arg2[%dma_wait3A_182, %dma_wait3A_183] : memref<10000x64xf32, #tpu.memory_space<hbm>> -> memref<10000x64xf32, #tpu.memory_space<hbm>>
        tpu.wait_indirect_dma semaphore(%arg15 : memref<!tpu.dma_semaphore, #tpu.memory_space<semaphore_mem>>) src(%dma_wait3A_184 : memref<10000x64xf32, #tpu.memory_space<hbm>>) dst(%arg10 : memref<250x64xf32, #tpu.memory_space<vmem>>)
        %dma_start3A_185 = arith.constant 0 : i32
        %dma_start3A_186 = tpu.memref_slice %arg7[%add3A_178, %dma_start3A_185] : memref<40x250xi32, #tpu.memory_space<vmem>> -> memref<1x250xi32, #tpu.memory_space<vmem>>
        %dma_start3A_187 = tpu.memref_squeeze %dma_start3A_186 : memref<1x250xi32, #tpu.memory_space<vmem>> -> memref<250xi32, #tpu.memory_space<vmem>>
        %dma_start3A_188 = arith.constant 0 : i32
        %dma_start3A_189 = arith.constant 0 : i32
        %dma_start3A_190 = tpu.memref_slice %arg12[%dma_start3A_188, %dma_start3A_189] : memref<10000x64xf32, #tpu.memory_space<vmem_shared>> -> memref<10000x64xf32, #tpu.memory_space<vmem_shared>>
        tpu.enqueue_indirect_dma source(%arg10 : memref<250x64xf32, #tpu.memory_space<vmem>>) target(%dma_start3A_190 : memref<10000x64xf32, #tpu.memory_space<vmem_shared>>) offsets(%dma_start3A_187 : memref<250xi32, #tpu.memory_space<vmem>>) semaphore(%arg19 : memref<!tpu.dma_semaphore, #tpu.memory_space<semaphore_mem>>) {add = true}
        %add3A_191 = arith.constant 2 : i32
        %add3A_192 = arith.addi %add3A_178, %add3A_191 : i32
        %lt3A_193 = arith.constant 40 : i32
        %lt3A_194 = arith.cmpi slt, %add3A_192, %lt3A_193 : i32
        %convert_element_type3A_195 = arith.extui %lt3A_194 : i1 to i32
        %cond3A_196 = arith.constant 0 : i32
        %cond3A_197 = arith.cmpi ne, %convert_element_type3A_195, %cond3A_196 : i32
        scf.if %cond3A_197 {
          %ge3A = arith.constant 2 : i32
          %ge3A_221 = arith.cmpi sge, %add3A_178, %ge3A : i32
          %convert_element_type3A_222 = arith.extui %ge3A_221 : i1 to i32
          %cond3A_223 = arith.constant 0 : i32
          %cond3A_224 = arith.cmpi ne, %convert_element_type3A_222, %cond3A_223 : i32
          scf.if %cond3A_224 {
            %sub3A = arith.constant 2 : i32
            %sub3A_233 = arith.subi %add3A_178, %sub3A : i32
            %dma_wait3A_234 = arith.constant 0 : i32
            %dma_wait3A_235 = tpu.memref_slice %arg7[%sub3A_233, %dma_wait3A_234] : memref<40x250xi32, #tpu.memory_space<vmem>> -> memref<1x250xi32, #tpu.memory_space<vmem>>
            %dma_wait3A_236 = tpu.memref_squeeze %dma_wait3A_235 : memref<1x250xi32, #tpu.memory_space<vmem>> -> memref<250xi32, #tpu.memory_space<vmem>>
            %dma_wait3A_237 = arith.constant 0 : i32
            %dma_wait3A_238 = arith.constant 0 : i32
            %dma_wait3A_239 = tpu.memref_slice %arg12[%dma_wait3A_237, %dma_wait3A_238] : memref<10000x64xf32, #tpu.memory_space<vmem_shared>> -> memref<10000x64xf32, #tpu.memory_space<vmem_shared>>
            tpu.wait_indirect_dma semaphore(%arg17 : memref<!tpu.dma_semaphore, #tpu.memory_space<semaphore_mem>>) src(%arg8 : memref<250x64xf32, #tpu.memory_space<vmem>>) dst(%dma_wait3A_239 : memref<10000x64xf32, #tpu.memory_space<vmem_shared>>)
          } else {
          }
          %add3A_225 = arith.constant 2 : i32
          %add3A_226 = arith.addi %add3A_178, %add3A_225 : i32
          %dma_start3A_227 = arith.constant 0 : i32
          %dma_start3A_228 = tpu.memref_slice %arg6[%add3A_226, %dma_start3A_227] : memref<40x250xi32, #tpu.memory_space<vmem>> -> memref<1x250xi32, #tpu.memory_space<vmem>>
          %dma_start3A_229 = tpu.memref_squeeze %dma_start3A_228 : memref<1x250xi32, #tpu.memory_space<vmem>> -> memref<250xi32, #tpu.memory_space<vmem>>
          %dma_start3A_230 = arith.constant 0 : i32
          %dma_start3A_231 = arith.constant 0 : i32
          %dma_start3A_232 = tpu.memref_slice %arg2[%dma_start3A_230, %dma_start3A_231] : memref<10000x64xf32, #tpu.memory_space<hbm>> -> memref<10000x64xf32, #tpu.memory_space<hbm>>
          tpu.enqueue_indirect_dma source(%dma_start3A_232 : memref<10000x64xf32, #tpu.memory_space<hbm>>) target(%arg8 : memref<250x64xf32, #tpu.memory_space<vmem>>) offsets(%dma_start3A_229 : memref<250xi32, #tpu.memory_space<vmem>>) semaphore(%arg13 : memref<!tpu.dma_semaphore, #tpu.memory_space<semaphore_mem>>)
        } else {
        }
        %mul3A_198 = arith.constant 4 : i32
        %mul3A_199 = arith.muli %mul3A_198, %scan3A_129 : i32
        %add3A_200 = arith.constant 3 : i32
        %add3A_201 = arith.addi %mul3A_199, %add3A_200 : i32
        %dma_wait3A_202 = arith.constant 0 : i32
        %dma_wait3A_203 = tpu.memref_slice %arg6[%add3A_201, %dma_wait3A_202] : memref<40x250xi32, #tpu.memory_space<vmem>> -> memref<1x250xi32, #tpu.memory_space<vmem>>
        %dma_wait3A_204 = tpu.memref_squeeze %dma_wait3A_203 : memref<1x250xi32, #tpu.memory_space<vmem>> -> memref<250xi32, #tpu.memory_space<vmem>>
        %dma_wait3A_205 = arith.constant 0 : i32
        %dma_wait3A_206 = arith.constant 0 : i32
        %dma_wait3A_207 = tpu.memref_slice %arg2[%dma_wait3A_205, %dma_wait3A_206] : memref<10000x64xf32, #tpu.memory_space<hbm>> -> memref<10000x64xf32, #tpu.memory_space<hbm>>
        tpu.wait_indirect_dma semaphore(%arg16 : memref<!tpu.dma_semaphore, #tpu.memory_space<semaphore_mem>>) src(%dma_wait3A_207 : memref<10000x64xf32, #tpu.memory_space<hbm>>) dst(%arg11 : memref<250x64xf32, #tpu.memory_space<vmem>>)
        %dma_start3A_208 = arith.constant 0 : i32
        %dma_start3A_209 = tpu.memref_slice %arg7[%add3A_201, %dma_start3A_208] : memref<40x250xi32, #tpu.memory_space<vmem>> -> memref<1x250xi32, #tpu.memory_space<vmem>>
        %dma_start3A_210 = tpu.memref_squeeze %dma_start3A_209 : memref<1x250xi32, #tpu.memory_space<vmem>> -> memref<250xi32, #tpu.memory_space<vmem>>
        %dma_start3A_211 = arith.constant 0 : i32
        %dma_start3A_212 = arith.constant 0 : i32
        %dma_start3A_213 = tpu.memref_slice %arg12[%dma_start3A_211, %dma_start3A_212] : memref<10000x64xf32, #tpu.memory_space<vmem_shared>> -> memref<10000x64xf32, #tpu.memory_space<vmem_shared>>
        tpu.enqueue_indirect_dma source(%arg11 : memref<250x64xf32, #tpu.memory_space<vmem>>) target(%dma_start3A_213 : memref<10000x64xf32, #tpu.memory_space<vmem_shared>>) offsets(%dma_start3A_210 : memref<250xi32, #tpu.memory_space<vmem>>) semaphore(%arg20 : memref<!tpu.dma_semaphore, #tpu.memory_space<semaphore_mem>>) {add = true}
        %add3A_214 = arith.constant 2 : i32
        %add3A_215 = arith.addi %add3A_201, %add3A_214 : i32
        %lt3A_216 = arith.constant 40 : i32
        %lt3A_217 = arith.cmpi slt, %add3A_215, %lt3A_216 : i32
        %convert_element_type3A_218 = arith.extui %lt3A_217 : i1 to i32
        %cond3A_219 = arith.constant 0 : i32
        %cond3A_220 = arith.cmpi ne, %convert_element_type3A_218, %cond3A_219 : i32
        scf.if %cond3A_220 {
          %ge3A = arith.constant 2 : i32
          %ge3A_221 = arith.cmpi sge, %add3A_201, %ge3A : i32
          %convert_element_type3A_222 = arith.extui %ge3A_221 : i1 to i32
          %cond3A_223 = arith.constant 0 : i32
          %cond3A_224 = arith.cmpi ne, %convert_element_type3A_222, %cond3A_223 : i32
          scf.if %cond3A_224 {
            %sub3A = arith.constant 2 : i32
            %sub3A_233 = arith.subi %add3A_201, %sub3A : i32
            %dma_wait3A_234 = arith.constant 0 : i32
            %dma_wait3A_235 = tpu.memref_slice %arg7[%sub3A_233, %dma_wait3A_234] : memref<40x250xi32, #tpu.memory_space<vmem>> -> memref<1x250xi32, #tpu.memory_space<vmem>>
            %dma_wait3A_236 = tpu.memref_squeeze %dma_wait3A_235 : memref<1x250xi32, #tpu.memory_space<vmem>> -> memref<250xi32, #tpu.memory_space<vmem>>
            %dma_wait3A_237 = arith.constant 0 : i32
            %dma_wait3A_238 = arith.constant 0 : i32
            %dma_wait3A_239 = tpu.memref_slice %arg12[%dma_wait3A_237, %dma_wait3A_238] : memref<10000x64xf32, #tpu.memory_space<vmem_shared>> -> memref<10000x64xf32, #tpu.memory_space<vmem_shared>>
            tpu.wait_indirect_dma semaphore(%arg18 : memref<!tpu.dma_semaphore, #tpu.memory_space<semaphore_mem>>) src(%arg9 : memref<250x64xf32, #tpu.memory_space<vmem>>) dst(%dma_wait3A_239 : memref<10000x64xf32, #tpu.memory_space<vmem_shared>>)
          } else {
          }
          %add3A_225 = arith.constant 2 : i32
          %add3A_226 = arith.addi %add3A_201, %add3A_225 : i32
          %dma_start3A_227 = arith.constant 0 : i32
          %dma_start3A_228 = tpu.memref_slice %arg6[%add3A_226, %dma_start3A_227] : memref<40x250xi32, #tpu.memory_space<vmem>> -> memref<1x250xi32, #tpu.memory_space<vmem>>
          %dma_start3A_229 = tpu.memref_squeeze %dma_start3A_228 : memref<1x250xi32, #tpu.memory_space<vmem>> -> memref<250xi32, #tpu.memory_space<vmem>>
          %dma_start3A_230 = arith.constant 0 : i32
          %dma_start3A_231 = arith.constant 0 : i32
          %dma_start3A_232 = tpu.memref_slice %arg2[%dma_start3A_230, %dma_start3A_231] : memref<10000x64xf32, #tpu.memory_space<hbm>> -> memref<10000x64xf32, #tpu.memory_space<hbm>>
          tpu.enqueue_indirect_dma source(%dma_start3A_232 : memref<10000x64xf32, #tpu.memory_space<hbm>>) target(%arg9 : memref<250x64xf32, #tpu.memory_space<vmem>>) offsets(%dma_start3A_229 : memref<250xi32, #tpu.memory_space<vmem>>) semaphore(%arg14 : memref<!tpu.dma_semaphore, #tpu.memory_space<semaphore_mem>>)
        } else {
        }
      }
      %scan3A_101 = arith.constant 10 : i32
      %dma_wait3A = arith.constant 36 : i32
      %dma_wait3A_102 = arith.constant 0 : i32
      %dma_wait3A_103 = tpu.memref_slice %arg7[%dma_wait3A, %dma_wait3A_102] : memref<40x250xi32, #tpu.memory_space<vmem>> -> memref<1x250xi32, #tpu.memory_space<vmem>>
      %dma_wait3A_104 = tpu.memref_squeeze %dma_wait3A_103 : memref<1x250xi32, #tpu.memory_space<vmem>> -> memref<250xi32, #tpu.memory_space<vmem>>
      %dma_wait3A_105 = arith.constant 0 : i32
      %dma_wait3A_106 = arith.constant 0 : i32
      %dma_wait3A_107 = tpu.memref_slice %arg12[%dma_wait3A_105, %dma_wait3A_106] : memref<10000x64xf32, #tpu.memory_space<vmem_shared>> -> memref<10000x64xf32, #tpu.memory_space<vmem_shared>>
      tpu.wait_indirect_dma semaphore(%arg17 : memref<!tpu.dma_semaphore, #tpu.memory_space<semaphore_mem>>) src(%arg8 : memref<250x64xf32, #tpu.memory_space<vmem>>) dst(%dma_wait3A_107 : memref<10000x64xf32, #tpu.memory_space<vmem_shared>>)
      %dma_wait3A_108 = arith.constant 37 : i32
      %dma_wait3A_109 = arith.constant 0 : i32
      %dma_wait3A_110 = tpu.memref_slice %arg7[%dma_wait3A_108, %dma_wait3A_109] : memref<40x250xi32, #tpu.memory_space<vmem>> -> memref<1x250xi32, #tpu.memory_space<vmem>>
      %dma_wait3A_111 = tpu.memref_squeeze %dma_wait3A_110 : memref<1x250xi32, #tpu.memory_space<vmem>> -> memref<250xi32, #tpu.memory_space<vmem>>
      %dma_wait3A_112 = arith.constant 0 : i32
      %dma_wait3A_113 = arith.constant 0 : i32
      %dma_wait3A_114 = tpu.memref_slice %arg12[%dma_wait3A_112, %dma_wait3A_113] : memref<10000x64xf32, #tpu.memory_space<vmem_shared>> -> memref<10000x64xf32, #tpu.memory_space<vmem_shared>>
      tpu.wait_indirect_dma semaphore(%arg18 : memref<!tpu.dma_semaphore, #tpu.memory_space<semaphore_mem>>) src(%arg9 : memref<250x64xf32, #tpu.memory_space<vmem>>) dst(%dma_wait3A_114 : memref<10000x64xf32, #tpu.memory_space<vmem_shared>>)
      %dma_wait3A_115 = arith.constant 38 : i32
      %dma_wait3A_116 = arith.constant 0 : i32
      %dma_wait3A_117 = tpu.memref_slice %arg7[%dma_wait3A_115, %dma_wait3A_116] : memref<40x250xi32, #tpu.memory_space<vmem>> -> memref<1x250xi32, #tpu.memory_space<vmem>>
      %dma_wait3A_118 = tpu.memref_squeeze %dma_wait3A_117 : memref<1x250xi32, #tpu.memory_space<vmem>> -> memref<250xi32, #tpu.memory_space<vmem>>
      %dma_wait3A_119 = arith.constant 0 : i32
      %dma_wait3A_120 = arith.constant 0 : i32
      %dma_wait3A_121 = tpu.memref_slice %arg12[%dma_wait3A_119, %dma_wait3A_120] : memref<10000x64xf32, #tpu.memory_space<vmem_shared>> -> memref<10000x64xf32, #tpu.memory_space<vmem_shared>>
      tpu.wait_indirect_dma semaphore(%arg19 : memref<!tpu.dma_semaphore, #tpu.memory_space<semaphore_mem>>) src(%arg10 : memref<250x64xf32, #tpu.memory_space<vmem>>) dst(%dma_wait3A_121 : memref<10000x64xf32, #tpu.memory_space<vmem_shared>>)
      %dma_wait3A_122 = arith.constant 39 : i32
      %dma_wait3A_123 = arith.constant 0 : i32
      %dma_wait3A_124 = tpu.memref_slice %arg7[%dma_wait3A_122, %dma_wait3A_123] : memref<40x250xi32, #tpu.memory_space<vmem>> -> memref<1x250xi32, #tpu.memory_space<vmem>>
      %dma_wait3A_125 = tpu.memref_squeeze %dma_wait3A_124 : memref<1x250xi32, #tpu.memory_space<vmem>> -> memref<250xi32, #tpu.memory_space<vmem>>
      %dma_wait3A_126 = arith.constant 0 : i32
      %dma_wait3A_127 = arith.constant 0 : i32
      %dma_wait3A_128 = tpu.memref_slice %arg12[%dma_wait3A_126, %dma_wait3A_127] : memref<10000x64xf32, #tpu.memory_space<vmem_shared>> -> memref<10000x64xf32, #tpu.memory_space<vmem_shared>>
      tpu.wait_indirect_dma semaphore(%arg20 : memref<!tpu.dma_semaphore, #tpu.memory_space<semaphore_mem>>) src(%arg11 : memref<250x64xf32, #tpu.memory_space<vmem>>) dst(%dma_wait3A_128 : memref<10000x64xf32, #tpu.memory_space<vmem_shared>>)
    } else {
    }
    %eq3A_36 = arith.constant 1 : i32
    %eq3A_37 = arith.cmpi eq, %arg0, %eq3A_36 : i32
    %convert_element_type3A_38 = arith.extui %eq3A_37 : i1 to i32
    %cond3A_39 = arith.constant 0 : i32
    %cond3A_40 = arith.cmpi ne, %convert_element_type3A_38, %cond3A_39 : i32
    scf.if %cond3A_40 {
      %dma_start3A = arith.constant 0 : i32
      %dma_start3A_83 = arith.constant 0 : i32
      %dma_start3A_84 = tpu.memref_slice %arg6[%dma_start3A, %dma_start3A_83] : memref<40x250xi32, #tpu.memory_space<vmem>> -> memref<1x250xi32, #tpu.memory_space<vmem>>
      %dma_start3A_85 = tpu.memref_squeeze %dma_start3A_84 : memref<1x250xi32, #tpu.memory_space<vmem>> -> memref<250xi32, #tpu.memory_space<vmem>>
      %dma_start3A_86 = arith.constant 0 : i32
      %dma_start3A_87 = arith.constant 0 : i32
      %dma_start3A_88 = tpu.memref_slice %arg3[%dma_start3A_86, %dma_start3A_87] : memref<10000x64xf32, #tpu.memory_space<hbm>> -> memref<10000x64xf32, #tpu.memory_space<hbm>>
      tpu.enqueue_indirect_dma source(%dma_start3A_88 : memref<10000x64xf32, #tpu.memory_space<hbm>>) target(%arg8 : memref<250x64xf32, #tpu.memory_space<vmem>>) offsets(%dma_start3A_85 : memref<250xi32, #tpu.memory_space<vmem>>) semaphore(%arg13 : memref<!tpu.dma_semaphore, #tpu.memory_space<semaphore_mem>>)
      %dma_start3A_89 = arith.constant 1 : i32
      %dma_start3A_90 = arith.constant 0 : i32
      %dma_start3A_91 = tpu.memref_slice %arg6[%dma_start3A_89, %dma_start3A_90] : memref<40x250xi32, #tpu.memory_space<vmem>> -> memref<1x250xi32, #tpu.memory_space<vmem>>
      %dma_start3A_92 = tpu.memref_squeeze %dma_start3A_91 : memref<1x250xi32, #tpu.memory_space<vmem>> -> memref<250xi32, #tpu.memory_space<vmem>>
      %dma_start3A_93 = arith.constant 0 : i32
      %dma_start3A_94 = arith.constant 0 : i32
      %dma_start3A_95 = tpu.memref_slice %arg3[%dma_start3A_93, %dma_start3A_94] : memref<10000x64xf32, #tpu.memory_space<hbm>> -> memref<10000x64xf32, #tpu.memory_space<hbm>>
      tpu.enqueue_indirect_dma source(%dma_start3A_95 : memref<10000x64xf32, #tpu.memory_space<hbm>>) target(%arg9 : memref<250x64xf32, #tpu.memory_space<vmem>>) offsets(%dma_start3A_92 : memref<250xi32, #tpu.memory_space<vmem>>) semaphore(%arg14 : memref<!tpu.dma_semaphore, #tpu.memory_space<semaphore_mem>>)
      %scan3A_96 = arith.constant 0 : i32
      %scan3A_97 = arith.constant 0 : i32
      %scan3A_98 = arith.constant 10 : i32
      %scan3A_99 = arith.addi %scan3A_97, %scan3A_98 : i32
      %scan3A_100 = arith.constant 1 : i32
      scf.for %scan3A_129 = %scan3A_97 to %scan3A_99 step %scan3A_100  : i32 {
        %mul3A_130 = arith.constant 4 : i32
        %mul3A_131 = arith.muli %mul3A_130, %scan3A_129 : i32
        %add3A_132 = arith.constant 0 : i32
        %add3A_133 = arith.addi %mul3A_131, %add3A_132 : i32
        %dma_wait3A_134 = arith.constant 0 : i32
        %dma_wait3A_135 = tpu.memref_slice %arg6[%add3A_133, %dma_wait3A_134] : memref<40x250xi32, #tpu.memory_space<vmem>> -> memref<1x250xi32, #tpu.memory_space<vmem>>
        %dma_wait3A_136 = tpu.memref_squeeze %dma_wait3A_135 : memref<1x250xi32, #tpu.memory_space<vmem>> -> memref<250xi32, #tpu.memory_space<vmem>>
        %dma_wait3A_137 = arith.constant 0 : i32
        %dma_wait3A_138 = arith.constant 0 : i32
        %dma_wait3A_139 = tpu.memref_slice %arg3[%dma_wait3A_137, %dma_wait3A_138] : memref<10000x64xf32, #tpu.memory_space<hbm>> -> memref<10000x64xf32, #tpu.memory_space<hbm>>
        tpu.wait_indirect_dma semaphore(%arg13 : memref<!tpu.dma_semaphore, #tpu.memory_space<semaphore_mem>>) src(%dma_wait3A_139 : memref<10000x64xf32, #tpu.memory_space<hbm>>) dst(%arg8 : memref<250x64xf32, #tpu.memory_space<vmem>>)
        %dma_start3A_140 = arith.constant 0 : i32
        %dma_start3A_141 = tpu.memref_slice %arg7[%add3A_133, %dma_start3A_140] : memref<40x250xi32, #tpu.memory_space<vmem>> -> memref<1x250xi32, #tpu.memory_space<vmem>>
        %dma_start3A_142 = tpu.memref_squeeze %dma_start3A_141 : memref<1x250xi32, #tpu.memory_space<vmem>> -> memref<250xi32, #tpu.memory_space<vmem>>
        %dma_start3A_143 = arith.constant 0 : i32
        %dma_start3A_144 = arith.constant 0 : i32
        %dma_start3A_145 = tpu.memref_slice %arg12[%dma_start3A_143, %dma_start3A_144] : memref<10000x64xf32, #tpu.memory_space<vmem_shared>> -> memref<10000x64xf32, #tpu.memory_space<vmem_shared>>
        tpu.enqueue_indirect_dma source(%arg8 : memref<250x64xf32, #tpu.memory_space<vmem>>) target(%dma_start3A_145 : memref<10000x64xf32, #tpu.memory_space<vmem_shared>>) offsets(%dma_start3A_142 : memref<250xi32, #tpu.memory_space<vmem>>) semaphore(%arg17 : memref<!tpu.dma_semaphore, #tpu.memory_space<semaphore_mem>>) {add = true}
        %add3A_146 = arith.constant 2 : i32
        %add3A_147 = arith.addi %add3A_133, %add3A_146 : i32
        %lt3A = arith.constant 40 : i32
        %lt3A_148 = arith.cmpi slt, %add3A_147, %lt3A : i32
        %convert_element_type3A_149 = arith.extui %lt3A_148 : i1 to i32
        %cond3A_150 = arith.constant 0 : i32
        %cond3A_151 = arith.cmpi ne, %convert_element_type3A_149, %cond3A_150 : i32
        scf.if %cond3A_151 {
          %ge3A = arith.constant 2 : i32
          %ge3A_221 = arith.cmpi sge, %add3A_133, %ge3A : i32
          %convert_element_type3A_222 = arith.extui %ge3A_221 : i1 to i32
          %cond3A_223 = arith.constant 0 : i32
          %cond3A_224 = arith.cmpi ne, %convert_element_type3A_222, %cond3A_223 : i32
          scf.if %cond3A_224 {
            %sub3A = arith.constant 2 : i32
            %sub3A_233 = arith.subi %add3A_133, %sub3A : i32
            %dma_wait3A_234 = arith.constant 0 : i32
            %dma_wait3A_235 = tpu.memref_slice %arg7[%sub3A_233, %dma_wait3A_234] : memref<40x250xi32, #tpu.memory_space<vmem>> -> memref<1x250xi32, #tpu.memory_space<vmem>>
            %dma_wait3A_236 = tpu.memref_squeeze %dma_wait3A_235 : memref<1x250xi32, #tpu.memory_space<vmem>> -> memref<250xi32, #tpu.memory_space<vmem>>
            %dma_wait3A_237 = arith.constant 0 : i32
            %dma_wait3A_238 = arith.constant 0 : i32
            %dma_wait3A_239 = tpu.memref_slice %arg12[%dma_wait3A_237, %dma_wait3A_238] : memref<10000x64xf32, #tpu.memory_space<vmem_shared>> -> memref<10000x64xf32, #tpu.memory_space<vmem_shared>>
            tpu.wait_indirect_dma semaphore(%arg19 : memref<!tpu.dma_semaphore, #tpu.memory_space<semaphore_mem>>) src(%arg10 : memref<250x64xf32, #tpu.memory_space<vmem>>) dst(%dma_wait3A_239 : memref<10000x64xf32, #tpu.memory_space<vmem_shared>>)
          } else {
          }
          %add3A_225 = arith.constant 2 : i32
          %add3A_226 = arith.addi %add3A_133, %add3A_225 : i32
          %dma_start3A_227 = arith.constant 0 : i32
          %dma_start3A_228 = tpu.memref_slice %arg6[%add3A_226, %dma_start3A_227] : memref<40x250xi32, #tpu.memory_space<vmem>> -> memref<1x250xi32, #tpu.memory_space<vmem>>
          %dma_start3A_229 = tpu.memref_squeeze %dma_start3A_228 : memref<1x250xi32, #tpu.memory_space<vmem>> -> memref<250xi32, #tpu.memory_space<vmem>>
          %dma_start3A_230 = arith.constant 0 : i32
          %dma_start3A_231 = arith.constant 0 : i32
          %dma_start3A_232 = tpu.memref_slice %arg3[%dma_start3A_230, %dma_start3A_231] : memref<10000x64xf32, #tpu.memory_space<hbm>> -> memref<10000x64xf32, #tpu.memory_space<hbm>>
          tpu.enqueue_indirect_dma source(%dma_start3A_232 : memref<10000x64xf32, #tpu.memory_space<hbm>>) target(%arg10 : memref<250x64xf32, #tpu.memory_space<vmem>>) offsets(%dma_start3A_229 : memref<250xi32, #tpu.memory_space<vmem>>) semaphore(%arg15 : memref<!tpu.dma_semaphore, #tpu.memory_space<semaphore_mem>>)
        } else {
        }
        %mul3A_152 = arith.constant 4 : i32
        %mul3A_153 = arith.muli %mul3A_152, %scan3A_129 : i32
        %add3A_154 = arith.constant 1 : i32
        %add3A_155 = arith.addi %mul3A_153, %add3A_154 : i32
        %dma_wait3A_156 = arith.constant 0 : i32
        %dma_wait3A_157 = tpu.memref_slice %arg6[%add3A_155, %dma_wait3A_156] : memref<40x250xi32, #tpu.memory_space<vmem>> -> memref<1x250xi32, #tpu.memory_space<vmem>>
        %dma_wait3A_158 = tpu.memref_squeeze %dma_wait3A_157 : memref<1x250xi32, #tpu.memory_space<vmem>> -> memref<250xi32, #tpu.memory_space<vmem>>
        %dma_wait3A_159 = arith.constant 0 : i32
        %dma_wait3A_160 = arith.constant 0 : i32
        %dma_wait3A_161 = tpu.memref_slice %arg3[%dma_wait3A_159, %dma_wait3A_160] : memref<10000x64xf32, #tpu.memory_space<hbm>> -> memref<10000x64xf32, #tpu.memory_space<hbm>>
        tpu.wait_indirect_dma semaphore(%arg14 : memref<!tpu.dma_semaphore, #tpu.memory_space<semaphore_mem>>) src(%dma_wait3A_161 : memref<10000x64xf32, #tpu.memory_space<hbm>>) dst(%arg9 : memref<250x64xf32, #tpu.memory_space<vmem>>)
        %dma_start3A_162 = arith.constant 0 : i32
        %dma_start3A_163 = tpu.memref_slice %arg7[%add3A_155, %dma_start3A_162] : memref<40x250xi32, #tpu.memory_space<vmem>> -> memref<1x250xi32, #tpu.memory_space<vmem>>
        %dma_start3A_164 = tpu.memref_squeeze %dma_start3A_163 : memref<1x250xi32, #tpu.memory_space<vmem>> -> memref<250xi32, #tpu.memory_space<vmem>>
        %dma_start3A_165 = arith.constant 0 : i32
        %dma_start3A_166 = arith.constant 0 : i32
        %dma_start3A_167 = tpu.memref_slice %arg12[%dma_start3A_165, %dma_start3A_166] : memref<10000x64xf32, #tpu.memory_space<vmem_shared>> -> memref<10000x64xf32, #tpu.memory_space<vmem_shared>>
        tpu.enqueue_indirect_dma source(%arg9 : memref<250x64xf32, #tpu.memory_space<vmem>>) target(%dma_start3A_167 : memref<10000x64xf32, #tpu.memory_space<vmem_shared>>) offsets(%dma_start3A_164 : memref<250xi32, #tpu.memory_space<vmem>>) semaphore(%arg18 : memref<!tpu.dma_semaphore, #tpu.memory_space<semaphore_mem>>) {add = true}
        %add3A_168 = arith.constant 2 : i32
        %add3A_169 = arith.addi %add3A_155, %add3A_168 : i32
        %lt3A_170 = arith.constant 40 : i32
        %lt3A_171 = arith.cmpi slt, %add3A_169, %lt3A_170 : i32
        %convert_element_type3A_172 = arith.extui %lt3A_171 : i1 to i32
        %cond3A_173 = arith.constant 0 : i32
        %cond3A_174 = arith.cmpi ne, %convert_element_type3A_172, %cond3A_173 : i32
        scf.if %cond3A_174 {
          %ge3A = arith.constant 2 : i32
          %ge3A_221 = arith.cmpi sge, %add3A_155, %ge3A : i32
          %convert_element_type3A_222 = arith.extui %ge3A_221 : i1 to i32
          %cond3A_223 = arith.constant 0 : i32
          %cond3A_224 = arith.cmpi ne, %convert_element_type3A_222, %cond3A_223 : i32
          scf.if %cond3A_224 {
            %sub3A = arith.constant 2 : i32
            %sub3A_233 = arith.subi %add3A_155, %sub3A : i32
            %dma_wait3A_234 = arith.constant 0 : i32
            %dma_wait3A_235 = tpu.memref_slice %arg7[%sub3A_233, %dma_wait3A_234] : memref<40x250xi32, #tpu.memory_space<vmem>> -> memref<1x250xi32, #tpu.memory_space<vmem>>
            %dma_wait3A_236 = tpu.memref_squeeze %dma_wait3A_235 : memref<1x250xi32, #tpu.memory_space<vmem>> -> memref<250xi32, #tpu.memory_space<vmem>>
            %dma_wait3A_237 = arith.constant 0 : i32
            %dma_wait3A_238 = arith.constant 0 : i32
            %dma_wait3A_239 = tpu.memref_slice %arg12[%dma_wait3A_237, %dma_wait3A_238] : memref<10000x64xf32, #tpu.memory_space<vmem_shared>> -> memref<10000x64xf32, #tpu.memory_space<vmem_shared>>
            tpu.wait_indirect_dma semaphore(%arg20 : memref<!tpu.dma_semaphore, #tpu.memory_space<semaphore_mem>>) src(%arg11 : memref<250x64xf32, #tpu.memory_space<vmem>>) dst(%dma_wait3A_239 : memref<10000x64xf32, #tpu.memory_space<vmem_shared>>)
          } else {
          }
          %add3A_225 = arith.constant 2 : i32
          %add3A_226 = arith.addi %add3A_155, %add3A_225 : i32
          %dma_start3A_227 = arith.constant 0 : i32
          %dma_start3A_228 = tpu.memref_slice %arg6[%add3A_226, %dma_start3A_227] : memref<40x250xi32, #tpu.memory_space<vmem>> -> memref<1x250xi32, #tpu.memory_space<vmem>>
          %dma_start3A_229 = tpu.memref_squeeze %dma_start3A_228 : memref<1x250xi32, #tpu.memory_space<vmem>> -> memref<250xi32, #tpu.memory_space<vmem>>
          %dma_start3A_230 = arith.constant 0 : i32
          %dma_start3A_231 = arith.constant 0 : i32
          %dma_start3A_232 = tpu.memref_slice %arg3[%dma_start3A_230, %dma_start3A_231] : memref<10000x64xf32, #tpu.memory_space<hbm>> -> memref<10000x64xf32, #tpu.memory_space<hbm>>
          tpu.enqueue_indirect_dma source(%dma_start3A_232 : memref<10000x64xf32, #tpu.memory_space<hbm>>) target(%arg11 : memref<250x64xf32, #tpu.memory_space<vmem>>) offsets(%dma_start3A_229 : memref<250xi32, #tpu.memory_space<vmem>>) semaphore(%arg16 : memref<!tpu.dma_semaphore, #tpu.memory_space<semaphore_mem>>)
        } else {
        }
        %mul3A_175 = arith.constant 4 : i32
        %mul3A_176 = arith.muli %mul3A_175, %scan3A_129 : i32
        %add3A_177 = arith.constant 2 : i32
        %add3A_178 = arith.addi %mul3A_176, %add3A_177 : i32
        %dma_wait3A_179 = arith.constant 0 : i32
        %dma_wait3A_180 = tpu.memref_slice %arg6[%add3A_178, %dma_wait3A_179] : memref<40x250xi32, #tpu.memory_space<vmem>> -> memref<1x250xi32, #tpu.memory_space<vmem>>
        %dma_wait3A_181 = tpu.memref_squeeze %dma_wait3A_180 : memref<1x250xi32, #tpu.memory_space<vmem>> -> memref<250xi32, #tpu.memory_space<vmem>>
        %dma_wait3A_182 = arith.constant 0 : i32
        %dma_wait3A_183 = arith.constant 0 : i32
        %dma_wait3A_184 = tpu.memref_slice %arg3[%dma_wait3A_182, %dma_wait3A_183] : memref<10000x64xf32, #tpu.memory_space<hbm>> -> memref<10000x64xf32, #tpu.memory_space<hbm>>
        tpu.wait_indirect_dma semaphore(%arg15 : memref<!tpu.dma_semaphore, #tpu.memory_space<semaphore_mem>>) src(%dma_wait3A_184 : memref<10000x64xf32, #tpu.memory_space<hbm>>) dst(%arg10 : memref<250x64xf32, #tpu.memory_space<vmem>>)
        %dma_start3A_185 = arith.constant 0 : i32
        %dma_start3A_186 = tpu.memref_slice %arg7[%add3A_178, %dma_start3A_185] : memref<40x250xi32, #tpu.memory_space<vmem>> -> memref<1x250xi32, #tpu.memory_space<vmem>>
        %dma_start3A_187 = tpu.memref_squeeze %dma_start3A_186 : memref<1x250xi32, #tpu.memory_space<vmem>> -> memref<250xi32, #tpu.memory_space<vmem>>
        %dma_start3A_188 = arith.constant 0 : i32
        %dma_start3A_189 = arith.constant 0 : i32
        %dma_start3A_190 = tpu.memref_slice %arg12[%dma_start3A_188, %dma_start3A_189] : memref<10000x64xf32, #tpu.memory_space<vmem_shared>> -> memref<10000x64xf32, #tpu.memory_space<vmem_shared>>
        tpu.enqueue_indirect_dma source(%arg10 : memref<250x64xf32, #tpu.memory_space<vmem>>) target(%dma_start3A_190 : memref<10000x64xf32, #tpu.memory_space<vmem_shared>>) offsets(%dma_start3A_187 : memref<250xi32, #tpu.memory_space<vmem>>) semaphore(%arg19 : memref<!tpu.dma_semaphore, #tpu.memory_space<semaphore_mem>>) {add = true}
        %add3A_191 = arith.constant 2 : i32
        %add3A_192 = arith.addi %add3A_178, %add3A_191 : i32
        %lt3A_193 = arith.constant 40 : i32
        %lt3A_194 = arith.cmpi slt, %add3A_192, %lt3A_193 : i32
        %convert_element_type3A_195 = arith.extui %lt3A_194 : i1 to i32
        %cond3A_196 = arith.constant 0 : i32
        %cond3A_197 = arith.cmpi ne, %convert_element_type3A_195, %cond3A_196 : i32
        scf.if %cond3A_197 {
          %ge3A = arith.constant 2 : i32
          %ge3A_221 = arith.cmpi sge, %add3A_178, %ge3A : i32
          %convert_element_type3A_222 = arith.extui %ge3A_221 : i1 to i32
          %cond3A_223 = arith.constant 0 : i32
          %cond3A_224 = arith.cmpi ne, %convert_element_type3A_222, %cond3A_223 : i32
          scf.if %cond3A_224 {
            %sub3A = arith.constant 2 : i32
            %sub3A_233 = arith.subi %add3A_178, %sub3A : i32
            %dma_wait3A_234 = arith.constant 0 : i32
            %dma_wait3A_235 = tpu.memref_slice %arg7[%sub3A_233, %dma_wait3A_234] : memref<40x250xi32, #tpu.memory_space<vmem>> -> memref<1x250xi32, #tpu.memory_space<vmem>>
            %dma_wait3A_236 = tpu.memref_squeeze %dma_wait3A_235 : memref<1x250xi32, #tpu.memory_space<vmem>> -> memref<250xi32, #tpu.memory_space<vmem>>
            %dma_wait3A_237 = arith.constant 0 : i32
            %dma_wait3A_238 = arith.constant 0 : i32
            %dma_wait3A_239 = tpu.memref_slice %arg12[%dma_wait3A_237, %dma_wait3A_238] : memref<10000x64xf32, #tpu.memory_space<vmem_shared>> -> memref<10000x64xf32, #tpu.memory_space<vmem_shared>>
            tpu.wait_indirect_dma semaphore(%arg17 : memref<!tpu.dma_semaphore, #tpu.memory_space<semaphore_mem>>) src(%arg8 : memref<250x64xf32, #tpu.memory_space<vmem>>) dst(%dma_wait3A_239 : memref<10000x64xf32, #tpu.memory_space<vmem_shared>>)
          } else {
          }
          %add3A_225 = arith.constant 2 : i32
          %add3A_226 = arith.addi %add3A_178, %add3A_225 : i32
          %dma_start3A_227 = arith.constant 0 : i32
          %dma_start3A_228 = tpu.memref_slice %arg6[%add3A_226, %dma_start3A_227] : memref<40x250xi32, #tpu.memory_space<vmem>> -> memref<1x250xi32, #tpu.memory_space<vmem>>
          %dma_start3A_229 = tpu.memref_squeeze %dma_start3A_228 : memref<1x250xi32, #tpu.memory_space<vmem>> -> memref<250xi32, #tpu.memory_space<vmem>>
          %dma_start3A_230 = arith.constant 0 : i32
          %dma_start3A_231 = arith.constant 0 : i32
          %dma_start3A_232 = tpu.memref_slice %arg3[%dma_start3A_230, %dma_start3A_231] : memref<10000x64xf32, #tpu.memory_space<hbm>> -> memref<10000x64xf32, #tpu.memory_space<hbm>>
          tpu.enqueue_indirect_dma source(%dma_start3A_232 : memref<10000x64xf32, #tpu.memory_space<hbm>>) target(%arg8 : memref<250x64xf32, #tpu.memory_space<vmem>>) offsets(%dma_start3A_229 : memref<250xi32, #tpu.memory_space<vmem>>) semaphore(%arg13 : memref<!tpu.dma_semaphore, #tpu.memory_space<semaphore_mem>>)
        } else {
        }
        %mul3A_198 = arith.constant 4 : i32
        %mul3A_199 = arith.muli %mul3A_198, %scan3A_129 : i32
        %add3A_200 = arith.constant 3 : i32
        %add3A_201 = arith.addi %mul3A_199, %add3A_200 : i32
        %dma_wait3A_202 = arith.constant 0 : i32
        %dma_wait3A_203 = tpu.memref_slice %arg6[%add3A_201, %dma_wait3A_202] : memref<40x250xi32, #tpu.memory_space<vmem>> -> memref<1x250xi32, #tpu.memory_space<vmem>>
        %dma_wait3A_204 = tpu.memref_squeeze %dma_wait3A_203 : memref<1x250xi32, #tpu.memory_space<vmem>> -> memref<250xi32, #tpu.memory_space<vmem>>
        %dma_wait3A_205 = arith.constant 0 : i32
        %dma_wait3A_206 = arith.constant 0 : i32
        %dma_wait3A_207 = tpu.memref_slice %arg3[%dma_wait3A_205, %dma_wait3A_206] : memref<10000x64xf32, #tpu.memory_space<hbm>> -> memref<10000x64xf32, #tpu.memory_space<hbm>>
        tpu.wait_indirect_dma semaphore(%arg16 : memref<!tpu.dma_semaphore, #tpu.memory_space<semaphore_mem>>) src(%dma_wait3A_207 : memref<10000x64xf32, #tpu.memory_space<hbm>>) dst(%arg11 : memref<250x64xf32, #tpu.memory_space<vmem>>)
        %dma_start3A_208 = arith.constant 0 : i32
        %dma_start3A_209 = tpu.memref_slice %arg7[%add3A_201, %dma_start3A_208] : memref<40x250xi32, #tpu.memory_space<vmem>> -> memref<1x250xi32, #tpu.memory_space<vmem>>
        %dma_start3A_210 = tpu.memref_squeeze %dma_start3A_209 : memref<1x250xi32, #tpu.memory_space<vmem>> -> memref<250xi32, #tpu.memory_space<vmem>>
        %dma_start3A_211 = arith.constant 0 : i32
        %dma_start3A_212 = arith.constant 0 : i32
        %dma_start3A_213 = tpu.memref_slice %arg12[%dma_start3A_211, %dma_start3A_212] : memref<10000x64xf32, #tpu.memory_space<vmem_shared>> -> memref<10000x64xf32, #tpu.memory_space<vmem_shared>>
        tpu.enqueue_indirect_dma source(%arg11 : memref<250x64xf32, #tpu.memory_space<vmem>>) target(%dma_start3A_213 : memref<10000x64xf32, #tpu.memory_space<vmem_shared>>) offsets(%dma_start3A_210 : memref<250xi32, #tpu.memory_space<vmem>>) semaphore(%arg20 : memref<!tpu.dma_semaphore, #tpu.memory_space<semaphore_mem>>) {add = true}
        %add3A_214 = arith.constant 2 : i32
        %add3A_215 = arith.addi %add3A_201, %add3A_214 : i32
        %lt3A_216 = arith.constant 40 : i32
        %lt3A_217 = arith.cmpi slt, %add3A_215, %lt3A_216 : i32
        %convert_element_type3A_218 = arith.extui %lt3A_217 : i1 to i32
        %cond3A_219 = arith.constant 0 : i32
        %cond3A_220 = arith.cmpi ne, %convert_element_type3A_218, %cond3A_219 : i32
        scf.if %cond3A_220 {
          %ge3A = arith.constant 2 : i32
          %ge3A_221 = arith.cmpi sge, %add3A_201, %ge3A : i32
          %convert_element_type3A_222 = arith.extui %ge3A_221 : i1 to i32
          %cond3A_223 = arith.constant 0 : i32
          %cond3A_224 = arith.cmpi ne, %convert_element_type3A_222, %cond3A_223 : i32
          scf.if %cond3A_224 {
            %sub3A = arith.constant 2 : i32
            %sub3A_233 = arith.subi %add3A_201, %sub3A : i32
            %dma_wait3A_234 = arith.constant 0 : i32
            %dma_wait3A_235 = tpu.memref_slice %arg7[%sub3A_233, %dma_wait3A_234] : memref<40x250xi32, #tpu.memory_space<vmem>> -> memref<1x250xi32, #tpu.memory_space<vmem>>
            %dma_wait3A_236 = tpu.memref_squeeze %dma_wait3A_235 : memref<1x250xi32, #tpu.memory_space<vmem>> -> memref<250xi32, #tpu.memory_space<vmem>>
            %dma_wait3A_237 = arith.constant 0 : i32
            %dma_wait3A_238 = arith.constant 0 : i32
            %dma_wait3A_239 = tpu.memref_slice %arg12[%dma_wait3A_237, %dma_wait3A_238] : memref<10000x64xf32, #tpu.memory_space<vmem_shared>> -> memref<10000x64xf32, #tpu.memory_space<vmem_shared>>
            tpu.wait_indirect_dma semaphore(%arg18 : memref<!tpu.dma_semaphore, #tpu.memory_space<semaphore_mem>>) src(%arg9 : memref<250x64xf32, #tpu.memory_space<vmem>>) dst(%dma_wait3A_239 : memref<10000x64xf32, #tpu.memory_space<vmem_shared>>)
          } else {
          }
          %add3A_225 = arith.constant 2 : i32
          %add3A_226 = arith.addi %add3A_201, %add3A_225 : i32
          %dma_start3A_227 = arith.constant 0 : i32
          %dma_start3A_228 = tpu.memref_slice %arg6[%add3A_226, %dma_start3A_227] : memref<40x250xi32, #tpu.memory_space<vmem>> -> memref<1x250xi32, #tpu.memory_space<vmem>>
          %dma_start3A_229 = tpu.memref_squeeze %dma_start3A_228 : memref<1x250xi32, #tpu.memory_space<vmem>> -> memref<250xi32, #tpu.memory_space<vmem>>
          %dma_start3A_230 = arith.constant 0 : i32
          %dma_start3A_231 = arith.constant 0 : i32
          %dma_start3A_232 = tpu.memref_slice %arg3[%dma_start3A_230, %dma_start3A_231] : memref<10000x64xf32, #tpu.memory_space<hbm>> -> memref<10000x64xf32, #tpu.memory_space<hbm>>
          tpu.enqueue_indirect_dma source(%dma_start3A_232 : memref<10000x64xf32, #tpu.memory_space<hbm>>) target(%arg9 : memref<250x64xf32, #tpu.memory_space<vmem>>) offsets(%dma_start3A_229 : memref<250xi32, #tpu.memory_space<vmem>>) semaphore(%arg14 : memref<!tpu.dma_semaphore, #tpu.memory_space<semaphore_mem>>)
        } else {
        }
      }
      %scan3A_101 = arith.constant 10 : i32
      %dma_wait3A = arith.constant 36 : i32
      %dma_wait3A_102 = arith.constant 0 : i32
      %dma_wait3A_103 = tpu.memref_slice %arg7[%dma_wait3A, %dma_wait3A_102] : memref<40x250xi32, #tpu.memory_space<vmem>> -> memref<1x250xi32, #tpu.memory_space<vmem>>
      %dma_wait3A_104 = tpu.memref_squeeze %dma_wait3A_103 : memref<1x250xi32, #tpu.memory_space<vmem>> -> memref<250xi32, #tpu.memory_space<vmem>>
      %dma_wait3A_105 = arith.constant 0 : i32
      %dma_wait3A_106 = arith.constant 0 : i32
      %dma_wait3A_107 = tpu.memref_slice %arg12[%dma_wait3A_105, %dma_wait3A_106] : memref<10000x64xf32, #tpu.memory_space<vmem_shared>> -> memref<10000x64xf32, #tpu.memory_space<vmem_shared>>
      tpu.wait_indirect_dma semaphore(%arg17 : memref<!tpu.dma_semaphore, #tpu.memory_space<semaphore_mem>>) src(%arg8 : memref<250x64xf32, #tpu.memory_space<vmem>>) dst(%dma_wait3A_107 : memref<10000x64xf32, #tpu.memory_space<vmem_shared>>)
      %dma_wait3A_108 = arith.constant 37 : i32
      %dma_wait3A_109 = arith.constant 0 : i32
      %dma_wait3A_110 = tpu.memref_slice %arg7[%dma_wait3A_108, %dma_wait3A_109] : memref<40x250xi32, #tpu.memory_space<vmem>> -> memref<1x250xi32, #tpu.memory_space<vmem>>
      %dma_wait3A_111 = tpu.memref_squeeze %dma_wait3A_110 : memref<1x250xi32, #tpu.memory_space<vmem>> -> memref<250xi32, #tpu.memory_space<vmem>>
      %dma_wait3A_112 = arith.constant 0 : i32
      %dma_wait3A_113 = arith.constant 0 : i32
      %dma_wait3A_114 = tpu.memref_slice %arg12[%dma_wait3A_112, %dma_wait3A_113] : memref<10000x64xf32, #tpu.memory_space<vmem_shared>> -> memref<10000x64xf32, #tpu.memory_space<vmem_shared>>
      tpu.wait_indirect_dma semaphore(%arg18 : memref<!tpu.dma_semaphore, #tpu.memory_space<semaphore_mem>>) src(%arg9 : memref<250x64xf32, #tpu.memory_space<vmem>>) dst(%dma_wait3A_114 : memref<10000x64xf32, #tpu.memory_space<vmem_shared>>)
      %dma_wait3A_115 = arith.constant 38 : i32
      %dma_wait3A_116 = arith.constant 0 : i32
      %dma_wait3A_117 = tpu.memref_slice %arg7[%dma_wait3A_115, %dma_wait3A_116] : memref<40x250xi32, #tpu.memory_space<vmem>> -> memref<1x250xi32, #tpu.memory_space<vmem>>
      %dma_wait3A_118 = tpu.memref_squeeze %dma_wait3A_117 : memref<1x250xi32, #tpu.memory_space<vmem>> -> memref<250xi32, #tpu.memory_space<vmem>>
      %dma_wait3A_119 = arith.constant 0 : i32
      %dma_wait3A_120 = arith.constant 0 : i32
      %dma_wait3A_121 = tpu.memref_slice %arg12[%dma_wait3A_119, %dma_wait3A_120] : memref<10000x64xf32, #tpu.memory_space<vmem_shared>> -> memref<10000x64xf32, #tpu.memory_space<vmem_shared>>
      tpu.wait_indirect_dma semaphore(%arg19 : memref<!tpu.dma_semaphore, #tpu.memory_space<semaphore_mem>>) src(%arg10 : memref<250x64xf32, #tpu.memory_space<vmem>>) dst(%dma_wait3A_121 : memref<10000x64xf32, #tpu.memory_space<vmem_shared>>)
      %dma_wait3A_122 = arith.constant 39 : i32
      %dma_wait3A_123 = arith.constant 0 : i32
      %dma_wait3A_124 = tpu.memref_slice %arg7[%dma_wait3A_122, %dma_wait3A_123] : memref<40x250xi32, #tpu.memory_space<vmem>> -> memref<1x250xi32, #tpu.memory_space<vmem>>
      %dma_wait3A_125 = tpu.memref_squeeze %dma_wait3A_124 : memref<1x250xi32, #tpu.memory_space<vmem>> -> memref<250xi32, #tpu.memory_space<vmem>>
      %dma_wait3A_126 = arith.constant 0 : i32
      %dma_wait3A_127 = arith.constant 0 : i32
      %dma_wait3A_128 = tpu.memref_slice %arg12[%dma_wait3A_126, %dma_wait3A_127] : memref<10000x64xf32, #tpu.memory_space<vmem_shared>> -> memref<10000x64xf32, #tpu.memory_space<vmem_shared>>
      tpu.wait_indirect_dma semaphore(%arg20 : memref<!tpu.dma_semaphore, #tpu.memory_space<semaphore_mem>>) src(%arg11 : memref<250x64xf32, #tpu.memory_space<vmem>>) dst(%dma_wait3A_128 : memref<10000x64xf32, #tpu.memory_space<vmem_shared>>)
    } else {
    }
    %barrier3A_41 = arith.constant 0 : index
    tpu.barrier barrier_id(%barrier3A_41)
    %mul3A_42 = arith.constant 624 : i32
    %mul3A_43 = arith.muli %arg1, %mul3A_42 : i32
    %add3A_44 = arith.constant 0 : i32
    %add3A_45 = arith.addi %mul3A_43, %add3A_44 : i32
    %mul3A_46 = arith.constant 64 : i32
    %mul3A_47 = arith.muli %arg0, %mul3A_46 : i32
    "tpu.region"() ({
      %run_scoped3A_83 = tpu.sem_alloc : memref<!tpu.dma_semaphore, #tpu.memory_space<semaphore_mem>>
      %dma_start3A = tpu.memref_slice %arg5[%add3A_45, %mul3A_47] : memref<10000x128xf32, #tpu.memory_space<hbm>> -> memref<104x64xf32, #tpu.memory_space<hbm>>
      %dma_start3A_84 = arith.constant 0 : i32
      %dma_start3A_85 = tpu.memref_slice %arg12[%add3A_45, %dma_start3A_84] : memref<10000x64xf32, #tpu.memory_space<vmem_shared>> -> memref<104x64xf32, #tpu.memory_space<vmem_shared>>
      tpu.enqueue_dma source(%dma_start3A_85 : memref<104x64xf32, #tpu.memory_space<vmem_shared>>) target(%dma_start3A : memref<104x64xf32, #tpu.memory_space<hbm>>) target_semaphore(%run_scoped3A_83 : memref<!tpu.dma_semaphore, #tpu.memory_space<semaphore_mem>>)
      %dma_wait3A = tpu.memref_slice %arg5[%add3A_45, %mul3A_47] : memref<10000x128xf32, #tpu.memory_space<hbm>> -> memref<104x64xf32, #tpu.memory_space<hbm>>
      %dma_wait3A_86 = arith.constant 0 : i32
      %dma_wait3A_87 = tpu.memref_slice %arg12[%add3A_45, %dma_wait3A_86] : memref<10000x64xf32, #tpu.memory_space<vmem_shared>> -> memref<104x64xf32, #tpu.memory_space<vmem_shared>>
      tpu.wait_dma2 semaphore(%run_scoped3A_83 : memref<!tpu.dma_semaphore, #tpu.memory_space<semaphore_mem>>) src(%dma_wait3A_87 : memref<104x64xf32, #tpu.memory_space<vmem_shared>>) dst(%dma_wait3A : memref<104x64xf32, #tpu.memory_space<hbm>>)
      tpu.yield
    }) : () -> ()
    %mul3A_48 = arith.constant 624 : i32
    %mul3A_49 = arith.muli %arg1, %mul3A_48 : i32
    %add3A_50 = arith.constant 104 : i32
    %add3A_51 = arith.addi %mul3A_49, %add3A_50 : i32
    %mul3A_52 = arith.constant 64 : i32
    %mul3A_53 = arith.muli %arg0, %mul3A_52 : i32
    "tpu.region"() ({
      %run_scoped3A_83 = tpu.sem_alloc : memref<!tpu.dma_semaphore, #tpu.memory_space<semaphore_mem>>
      %dma_start3A = tpu.memref_slice %arg5[%add3A_51, %mul3A_53] : memref<10000x128xf32, #tpu.memory_space<hbm>> -> memref<104x64xf32, #tpu.memory_space<hbm>>
      %dma_start3A_84 = arith.constant 0 : i32
      %dma_start3A_85 = tpu.memref_slice %arg12[%add3A_51, %dma_start3A_84] : memref<10000x64xf32, #tpu.memory_space<vmem_shared>> -> memref<104x64xf32, #tpu.memory_space<vmem_shared>>
      tpu.enqueue_dma source(%dma_start3A_85 : memref<104x64xf32, #tpu.memory_space<vmem_shared>>) target(%dma_start3A : memref<104x64xf32, #tpu.memory_space<hbm>>) target_semaphore(%run_scoped3A_83 : memref<!tpu.dma_semaphore, #tpu.memory_space<semaphore_mem>>)
      %dma_wait3A = tpu.memref_slice %arg5[%add3A_51, %mul3A_53] : memref<10000x128xf32, #tpu.memory_space<hbm>> -> memref<104x64xf32, #tpu.memory_space<hbm>>
      %dma_wait3A_86 = arith.constant 0 : i32
      %dma_wait3A_87 = tpu.memref_slice %arg12[%add3A_51, %dma_wait3A_86] : memref<10000x64xf32, #tpu.memory_space<vmem_shared>> -> memref<104x64xf32, #tpu.memory_space<vmem_shared>>
      tpu.wait_dma2 semaphore(%run_scoped3A_83 : memref<!tpu.dma_semaphore, #tpu.memory_space<semaphore_mem>>) src(%dma_wait3A_87 : memref<104x64xf32, #tpu.memory_space<vmem_shared>>) dst(%dma_wait3A : memref<104x64xf32, #tpu.memory_space<hbm>>)
      tpu.yield
    }) : () -> ()
    %mul3A_54 = arith.constant 624 : i32
    %mul3A_55 = arith.muli %arg1, %mul3A_54 : i32
    %add3A_56 = arith.constant 208 : i32
    %add3A_57 = arith.addi %mul3A_55, %add3A_56 : i32
    %mul3A_58 = arith.constant 64 : i32
    %mul3A_59 = arith.muli %arg0, %mul3A_58 : i32
    "tpu.region"() ({
      %run_scoped3A_83 = tpu.sem_alloc : memref<!tpu.dma_semaphore, #tpu.memory_space<semaphore_mem>>
      %dma_start3A = tpu.memref_slice %arg5[%add3A_57, %mul3A_59] : memref<10000x128xf32, #tpu.memory_space<hbm>> -> memref<104x64xf32, #tpu.memory_space<hbm>>
      %dma_start3A_84 = arith.constant 0 : i32
      %dma_start3A_85 = tpu.memref_slice %arg12[%add3A_57, %dma_start3A_84] : memref<10000x64xf32, #tpu.memory_space<vmem_shared>> -> memref<104x64xf32, #tpu.memory_space<vmem_shared>>
      tpu.enqueue_dma source(%dma_start3A_85 : memref<104x64xf32, #tpu.memory_space<vmem_shared>>) target(%dma_start3A : memref<104x64xf32, #tpu.memory_space<hbm>>) target_semaphore(%run_scoped3A_83 : memref<!tpu.dma_semaphore, #tpu.memory_space<semaphore_mem>>)
      %dma_wait3A = tpu.memref_slice %arg5[%add3A_57, %mul3A_59] : memref<10000x128xf32, #tpu.memory_space<hbm>> -> memref<104x64xf32, #tpu.memory_space<hbm>>
      %dma_wait3A_86 = arith.constant 0 : i32
      %dma_wait3A_87 = tpu.memref_slice %arg12[%add3A_57, %dma_wait3A_86] : memref<10000x64xf32, #tpu.memory_space<vmem_shared>> -> memref<104x64xf32, #tpu.memory_space<vmem_shared>>
      tpu.wait_dma2 semaphore(%run_scoped3A_83 : memref<!tpu.dma_semaphore, #tpu.memory_space<semaphore_mem>>) src(%dma_wait3A_87 : memref<104x64xf32, #tpu.memory_space<vmem_shared>>) dst(%dma_wait3A : memref<104x64xf32, #tpu.memory_space<hbm>>)
      tpu.yield
    }) : () -> ()
    %mul3A_60 = arith.constant 624 : i32
    %mul3A_61 = arith.muli %arg1, %mul3A_60 : i32
    %add3A_62 = arith.constant 312 : i32
    %add3A_63 = arith.addi %mul3A_61, %add3A_62 : i32
    %mul3A_64 = arith.constant 64 : i32
    %mul3A_65 = arith.muli %arg0, %mul3A_64 : i32
    "tpu.region"() ({
      %run_scoped3A_83 = tpu.sem_alloc : memref<!tpu.dma_semaphore, #tpu.memory_space<semaphore_mem>>
      %dma_start3A = tpu.memref_slice %arg5[%add3A_63, %mul3A_65] : memref<10000x128xf32, #tpu.memory_space<hbm>> -> memref<104x64xf32, #tpu.memory_space<hbm>>
      %dma_start3A_84 = arith.constant 0 : i32
      %dma_start3A_85 = tpu.memref_slice %arg12[%add3A_63, %dma_start3A_84] : memref<10000x64xf32, #tpu.memory_space<vmem_shared>> -> memref<104x64xf32, #tpu.memory_space<vmem_shared>>
      tpu.enqueue_dma source(%dma_start3A_85 : memref<104x64xf32, #tpu.memory_space<vmem_shared>>) target(%dma_start3A : memref<104x64xf32, #tpu.memory_space<hbm>>) target_semaphore(%run_scoped3A_83 : memref<!tpu.dma_semaphore, #tpu.memory_space<semaphore_mem>>)
      %dma_wait3A = tpu.memref_slice %arg5[%add3A_63, %mul3A_65] : memref<10000x128xf32, #tpu.memory_space<hbm>> -> memref<104x64xf32, #tpu.memory_space<hbm>>
      %dma_wait3A_86 = arith.constant 0 : i32
      %dma_wait3A_87 = tpu.memref_slice %arg12[%add3A_63, %dma_wait3A_86] : memref<10000x64xf32, #tpu.memory_space<vmem_shared>> -> memref<104x64xf32, #tpu.memory_space<vmem_shared>>
      tpu.wait_dma2 semaphore(%run_scoped3A_83 : memref<!tpu.dma_semaphore, #tpu.memory_space<semaphore_mem>>) src(%dma_wait3A_87 : memref<104x64xf32, #tpu.memory_space<vmem_shared>>) dst(%dma_wait3A : memref<104x64xf32, #tpu.memory_space<hbm>>)
      tpu.yield
    }) : () -> ()
    %mul3A_66 = arith.constant 624 : i32
    %mul3A_67 = arith.muli %arg1, %mul3A_66 : i32
    %add3A_68 = arith.constant 416 : i32
    %add3A_69 = arith.addi %mul3A_67, %add3A_68 : i32
    %mul3A_70 = arith.constant 64 : i32
    %mul3A_71 = arith.muli %arg0, %mul3A_70 : i32
    "tpu.region"() ({
      %run_scoped3A_83 = tpu.sem_alloc : memref<!tpu.dma_semaphore, #tpu.memory_space<semaphore_mem>>
      %dma_start3A = tpu.memref_slice %arg5[%add3A_69, %mul3A_71] : memref<10000x128xf32, #tpu.memory_space<hbm>> -> memref<104x64xf32, #tpu.memory_space<hbm>>
      %dma_start3A_84 = arith.constant 0 : i32
      %dma_start3A_85 = tpu.memref_slice %arg12[%add3A_69, %dma_start3A_84] : memref<10000x64xf32, #tpu.memory_space<vmem_shared>> -> memref<104x64xf32, #tpu.memory_space<vmem_shared>>
      tpu.enqueue_dma source(%dma_start3A_85 : memref<104x64xf32, #tpu.memory_space<vmem_shared>>) target(%dma_start3A : memref<104x64xf32, #tpu.memory_space<hbm>>) target_semaphore(%run_scoped3A_83 : memref<!tpu.dma_semaphore, #tpu.memory_space<semaphore_mem>>)
      %dma_wait3A = tpu.memref_slice %arg5[%add3A_69, %mul3A_71] : memref<10000x128xf32, #tpu.memory_space<hbm>> -> memref<104x64xf32, #tpu.memory_space<hbm>>
      %dma_wait3A_86 = arith.constant 0 : i32
      %dma_wait3A_87 = tpu.memref_slice %arg12[%add3A_69, %dma_wait3A_86] : memref<10000x64xf32, #tpu.memory_space<vmem_shared>> -> memref<104x64xf32, #tpu.memory_space<vmem_shared>>
      tpu.wait_dma2 semaphore(%run_scoped3A_83 : memref<!tpu.dma_semaphore, #tpu.memory_space<semaphore_mem>>) src(%dma_wait3A_87 : memref<104x64xf32, #tpu.memory_space<vmem_shared>>) dst(%dma_wait3A : memref<104x64xf32, #tpu.memory_space<hbm>>)
      tpu.yield
    }) : () -> ()
    %mul3A_72 = arith.constant 624 : i32
    %mul3A_73 = arith.muli %arg1, %mul3A_72 : i32
    %add3A_74 = arith.constant 520 : i32
    %add3A_75 = arith.addi %mul3A_73, %add3A_74 : i32
    %mul3A_76 = arith.constant 64 : i32
    %mul3A_77 = arith.muli %arg0, %mul3A_76 : i32
    "tpu.region"() ({
      %run_scoped3A_83 = tpu.sem_alloc : memref<!tpu.dma_semaphore, #tpu.memory_space<semaphore_mem>>
      %dma_start3A = tpu.memref_slice %arg5[%add3A_75, %mul3A_77] : memref<10000x128xf32, #tpu.memory_space<hbm>> -> memref<104x64xf32, #tpu.memory_space<hbm>>
      %dma_start3A_84 = arith.constant 0 : i32
      %dma_start3A_85 = tpu.memref_slice %arg12[%add3A_75, %dma_start3A_84] : memref<10000x64xf32, #tpu.memory_space<vmem_shared>> -> memref<104x64xf32, #tpu.memory_space<vmem_shared>>
      tpu.enqueue_dma source(%dma_start3A_85 : memref<104x64xf32, #tpu.memory_space<vmem_shared>>) target(%dma_start3A : memref<104x64xf32, #tpu.memory_space<hbm>>) target_semaphore(%run_scoped3A_83 : memref<!tpu.dma_semaphore, #tpu.memory_space<semaphore_mem>>)
      %dma_wait3A = tpu.memref_slice %arg5[%add3A_75, %mul3A_77] : memref<10000x128xf32, #tpu.memory_space<hbm>> -> memref<104x64xf32, #tpu.memory_space<hbm>>
      %dma_wait3A_86 = arith.constant 0 : i32
      %dma_wait3A_87 = tpu.memref_slice %arg12[%add3A_75, %dma_wait3A_86] : memref<10000x64xf32, #tpu.memory_space<vmem_shared>> -> memref<104x64xf32, #tpu.memory_space<vmem_shared>>
      tpu.wait_dma2 semaphore(%run_scoped3A_83 : memref<!tpu.dma_semaphore, #tpu.memory_space<semaphore_mem>>) src(%dma_wait3A_87 : memref<104x64xf32, #tpu.memory_space<vmem_shared>>) dst(%dma_wait3A : memref<104x64xf32, #tpu.memory_space<hbm>>)
      tpu.yield
    }) : () -> ()
    %eq3A_78 = arith.constant 15 : i32
    %eq3A_79 = arith.cmpi eq, %arg1, %eq3A_78 : i32
    %convert_element_type3A_80 = arith.extui %eq3A_79 : i1 to i32
    %cond3A_81 = arith.constant 0 : i32
    %cond3A_82 = arith.cmpi ne, %convert_element_type3A_80, %cond3A_81 : i32
    scf.if %cond3A_82 {
      %mul3A_83 = arith.constant 64 : i32
      %mul3A_84 = arith.muli %arg0, %mul3A_83 : i32
      "tpu.region"() ({
        %run_scoped3A_85 = tpu.sem_alloc : memref<!tpu.dma_semaphore, #tpu.memory_space<semaphore_mem>>
        %dma_start3A = arith.constant 9984 : i32
        %dma_start3A_86 = tpu.memref_slice %arg5[%dma_start3A, %mul3A_84] : memref<10000x128xf32, #tpu.memory_space<hbm>> -> memref<16x64xf32, #tpu.memory_space<hbm>>
        %dma_start3A_87 = arith.constant 9984 : i32
        %dma_start3A_88 = arith.constant 0 : i32
        %dma_start3A_89 = tpu.memref_slice %arg12[%dma_start3A_87, %dma_start3A_88] : memref<10000x64xf32, #tpu.memory_space<vmem_shared>> -> memref<16x64xf32, #tpu.memory_space<vmem_shared>>
        tpu.enqueue_dma source(%dma_start3A_89 : memref<16x64xf32, #tpu.memory_space<vmem_shared>>) target(%dma_start3A_86 : memref<16x64xf32, #tpu.memory_space<hbm>>) target_semaphore(%run_scoped3A_85 : memref<!tpu.dma_semaphore, #tpu.memory_space<semaphore_mem>>)
        %dma_wait3A = arith.constant 9984 : i32
        %dma_wait3A_90 = tpu.memref_slice %arg5[%dma_wait3A, %mul3A_84] : memref<10000x128xf32, #tpu.memory_space<hbm>> -> memref<16x64xf32, #tpu.memory_space<hbm>>
        %dma_wait3A_91 = arith.constant 9984 : i32
        %dma_wait3A_92 = arith.constant 0 : i32
        %dma_wait3A_93 = tpu.memref_slice %arg12[%dma_wait3A_91, %dma_wait3A_92] : memref<10000x64xf32, #tpu.memory_space<vmem_shared>> -> memref<16x64xf32, #tpu.memory_space<vmem_shared>>
        tpu.wait_dma2 semaphore(%run_scoped3A_85 : memref<!tpu.dma_semaphore, #tpu.memory_space<semaphore_mem>>) src(%dma_wait3A_93 : memref<16x64xf32, #tpu.memory_space<vmem_shared>>) dst(%dma_wait3A_90 : memref<16x64xf32, #tpu.memory_space<hbm>>)
        tpu.yield
      }) : () -> ()
    } else {
    }
    return
  }
}

#map = affine_map<(d0, d1) -> (0, 0)>
#map1 = affine_map<(d0, d1) -> (0, 0, 0, 0)>
module attributes {stable_mosaic.version = 14 : i64} {
  func.func @seg(%arg0: i32, %arg1: i32, %arg2: memref<10000x32xf32, #tpu.memory_space<hbm>>, %arg3: memref<10000x32xf32, #tpu.memory_space<hbm>>, %arg4: memref<2x16x40x250xi32, #tpu.memory_space<hbm>>, %arg5: memref<10000x128xf32, #tpu.memory_space<hbm>>, %arg6: memref<40x250xi32, #tpu.memory_space<vmem>>, %arg7: memref<40x250xi32, #tpu.memory_space<vmem>>, %arg8: memref<250x32xf32, #tpu.memory_space<vmem>>, %arg9: memref<250x32xf32, #tpu.memory_space<vmem>>, %arg10: memref<250x32xf32, #tpu.memory_space<vmem>>, %arg11: memref<250x32xf32, #tpu.memory_space<vmem>>, %arg12: memref<10000x32xf32, #tpu.memory_space<vmem_shared>>, %arg13: memref<!tpu.dma_semaphore, #tpu.memory_space<semaphore_mem>>, %arg14: memref<!tpu.dma_semaphore, #tpu.memory_space<semaphore_mem>>, %arg15: memref<!tpu.dma_semaphore, #tpu.memory_space<semaphore_mem>>, %arg16: memref<!tpu.dma_semaphore, #tpu.memory_space<semaphore_mem>>, %arg17: memref<!tpu.dma_semaphore, #tpu.memory_space<semaphore_mem>>, %arg18: memref<!tpu.dma_semaphore, #tpu.memory_space<semaphore_mem>>, %arg19: memref<!tpu.dma_semaphore, #tpu.memory_space<semaphore_mem>>, %arg20: memref<!tpu.dma_semaphore, #tpu.memory_space<semaphore_mem>>) attributes {dimension_semantics = [#tpu.dimension_semantics<core_parallel>, #tpu.dimension_semantics<subcore_parallel>], iteration_bounds = array<i64: 2, 16>, scalar_prefetch = 0 : i64, scratch_operands = 15 : i64, tpu.core_type = #tpu.core_type<sc_vector_subcore>, window_params = [{transform_indices = #map}, {transform_indices = #map}, {transform_indices = #map1}, {transform_indices = #map}]} {
    %run_scoped3A = arith.constant 0 : i32
    "tpu.region"() ({
      %run_scoped3A_83 = tpu.sem_alloc : memref<!tpu.dma_semaphore, #tpu.memory_space<semaphore_mem>>
      %dma_start3A = arith.constant 0 : i32
      %dma_start3A_84 = arith.constant 0 : i32
      %dma_start3A_85 = tpu.memref_slice %arg4[%run_scoped3A, %arg1, %dma_start3A, %dma_start3A_84] : memref<2x16x40x250xi32, #tpu.memory_space<hbm>> -> memref<1x1x40x250xi32, #tpu.memory_space<hbm>>
      %dma_start3A_86 = tpu.memref_squeeze %dma_start3A_85 : memref<1x1x40x250xi32, #tpu.memory_space<hbm>> -> memref<40x250xi32, #tpu.memory_space<hbm>>
      %dma_start3A_87 = arith.constant 0 : i32
      %dma_start3A_88 = arith.constant 0 : i32
      %dma_start3A_89 = tpu.memref_slice %arg4[%run_scoped3A, %arg1, %dma_start3A_87, %dma_start3A_88] : memref<2x16x40x250xi32, #tpu.memory_space<hbm>> -> memref<1x1x40x250xi32, #tpu.memory_space<hbm>>
      %dma_start3A_90 = tpu.memref_squeeze %dma_start3A_89 : memref<1x1x40x250xi32, #tpu.memory_space<hbm>> -> memref<40x250xi32, #tpu.memory_space<hbm>>
      tpu.enqueue_dma source(%dma_start3A_90 : memref<40x250xi32, #tpu.memory_space<hbm>>) target(%arg6 : memref<40x250xi32, #tpu.memory_space<vmem>>) target_semaphore(%run_scoped3A_83 : memref<!tpu.dma_semaphore, #tpu.memory_space<semaphore_mem>>)
      %dma_wait3A = arith.constant 0 : i32
      %dma_wait3A_91 = arith.constant 0 : i32
      %dma_wait3A_92 = tpu.memref_slice %arg4[%run_scoped3A, %arg1, %dma_wait3A, %dma_wait3A_91] : memref<2x16x40x250xi32, #tpu.memory_space<hbm>> -> memref<1x1x40x250xi32, #tpu.memory_space<hbm>>
      %dma_wait3A_93 = tpu.memref_squeeze %dma_wait3A_92 : memref<1x1x40x250xi32, #tpu.memory_space<hbm>> -> memref<40x250xi32, #tpu.memory_space<hbm>>
      %dma_wait3A_94 = arith.constant 0 : i32
      %dma_wait3A_95 = arith.constant 0 : i32
      %dma_wait3A_96 = tpu.memref_slice %arg4[%run_scoped3A, %arg1, %dma_wait3A_94, %dma_wait3A_95] : memref<2x16x40x250xi32, #tpu.memory_space<hbm>> -> memref<1x1x40x250xi32, #tpu.memory_space<hbm>>
      %dma_wait3A_97 = tpu.memref_squeeze %dma_wait3A_96 : memref<1x1x40x250xi32, #tpu.memory_space<hbm>> -> memref<40x250xi32, #tpu.memory_space<hbm>>
      tpu.wait_dma2 semaphore(%run_scoped3A_83 : memref<!tpu.dma_semaphore, #tpu.memory_space<semaphore_mem>>) src(%dma_wait3A_97 : memref<40x250xi32, #tpu.memory_space<hbm>>) dst(%arg6 : memref<40x250xi32, #tpu.memory_space<vmem>>)
      tpu.yield
    }) : () -> ()
    %run_scoped3A_0 = arith.constant 1 : i32
    "tpu.region"() ({
      %run_scoped3A_83 = tpu.sem_alloc : memref<!tpu.dma_semaphore, #tpu.memory_space<semaphore_mem>>
      %dma_start3A = arith.constant 0 : i32
      %dma_start3A_84 = arith.constant 0 : i32
      %dma_start3A_85 = tpu.memref_slice %arg4[%run_scoped3A_0, %arg1, %dma_start3A, %dma_start3A_84] : memref<2x16x40x250xi32, #tpu.memory_space<hbm>> -> memref<1x1x40x250xi32, #tpu.memory_space<hbm>>
      %dma_start3A_86 = tpu.memref_squeeze %dma_start3A_85 : memref<1x1x40x250xi32, #tpu.memory_space<hbm>> -> memref<40x250xi32, #tpu.memory_space<hbm>>
      %dma_start3A_87 = arith.constant 0 : i32
      %dma_start3A_88 = arith.constant 0 : i32
      %dma_start3A_89 = tpu.memref_slice %arg4[%run_scoped3A_0, %arg1, %dma_start3A_87, %dma_start3A_88] : memref<2x16x40x250xi32, #tpu.memory_space<hbm>> -> memref<1x1x40x250xi32, #tpu.memory_space<hbm>>
      %dma_start3A_90 = tpu.memref_squeeze %dma_start3A_89 : memref<1x1x40x250xi32, #tpu.memory_space<hbm>> -> memref<40x250xi32, #tpu.memory_space<hbm>>
      tpu.enqueue_dma source(%dma_start3A_90 : memref<40x250xi32, #tpu.memory_space<hbm>>) target(%arg7 : memref<40x250xi32, #tpu.memory_space<vmem>>) target_semaphore(%run_scoped3A_83 : memref<!tpu.dma_semaphore, #tpu.memory_space<semaphore_mem>>)
      %dma_wait3A = arith.constant 0 : i32
      %dma_wait3A_91 = arith.constant 0 : i32
      %dma_wait3A_92 = tpu.memref_slice %arg4[%run_scoped3A_0, %arg1, %dma_wait3A, %dma_wait3A_91] : memref<2x16x40x250xi32, #tpu.memory_space<hbm>> -> memref<1x1x40x250xi32, #tpu.memory_space<hbm>>
      %dma_wait3A_93 = tpu.memref_squeeze %dma_wait3A_92 : memref<1x1x40x250xi32, #tpu.memory_space<hbm>> -> memref<40x250xi32, #tpu.memory_space<hbm>>
      %dma_wait3A_94 = arith.constant 0 : i32
      %dma_wait3A_95 = arith.constant 0 : i32
      %dma_wait3A_96 = tpu.memref_slice %arg4[%run_scoped3A_0, %arg1, %dma_wait3A_94, %dma_wait3A_95] : memref<2x16x40x250xi32, #tpu.memory_space<hbm>> -> memref<1x1x40x250xi32, #tpu.memory_space<hbm>>
      %dma_wait3A_97 = tpu.memref_squeeze %dma_wait3A_96 : memref<1x1x40x250xi32, #tpu.memory_space<hbm>> -> memref<40x250xi32, #tpu.memory_space<hbm>>
      tpu.wait_dma2 semaphore(%run_scoped3A_83 : memref<!tpu.dma_semaphore, #tpu.memory_space<semaphore_mem>>) src(%dma_wait3A_97 : memref<40x250xi32, #tpu.memory_space<hbm>>) dst(%arg7 : memref<40x250xi32, #tpu.memory_space<vmem>>)
      tpu.yield
    }) : () -> ()
    %broadcast_in_dim3A = arith.constant 0.000000e+00 : f32
    %broadcast_in_dim3A_1 = vector.broadcast %broadcast_in_dim3A : f32 to vector<16xf32>
    %scan3A = arith.constant 0 : i32
    %scan3A_2 = arith.constant 0 : i32
    %scan3A_3 = arith.constant 104 : i32
    %scan3A_4 = arith.addi %scan3A_2, %scan3A_3 : i32
    %scan3A_5 = arith.constant 1 : i32
    scf.for %scan3A_83 = %scan3A_2 to %scan3A_4 step %scan3A_5  : i32 {
      %swap3A = arith.index_cast %scan3A_83 : i32 to index
      %swap3A_84 = arith.constant 0 : index
      %swap3A_85 = tpu.vector_load %arg8[%swap3A, %swap3A_84] {strides = array<i32>} : memref<250x32xf32, #tpu.memory_space<vmem>>, vector<1x16xf32>,
      %swap3A_86 = vector.shape_cast %swap3A_85 : vector<1x16xf32> to vector<16xf32>
      %swap3A_87 = vector.shape_cast %broadcast_in_dim3A_1 : vector<16xf32> to vector<1x16xf32>
      tpu.vector_store %arg8[%swap3A, %swap3A_84], %swap3A_87 {strides = array<i32>} : memref<250x32xf32, #tpu.memory_space<vmem>>, vector<1x16xf32>,
      %swap3A_88 = arith.index_cast %scan3A_83 : i32 to index
      %swap3A_89 = arith.constant 16 : index
      %swap3A_90 = tpu.vector_load %arg8[%swap3A_88, %swap3A_89] {strides = array<i32>} : memref<250x32xf32, #tpu.memory_space<vmem>>, vector<1x16xf32>,
      %swap3A_91 = vector.shape_cast %swap3A_90 : vector<1x16xf32> to vector<16xf32>
      %swap3A_92 = vector.shape_cast %broadcast_in_dim3A_1 : vector<16xf32> to vector<1x16xf32>
      tpu.vector_store %arg8[%swap3A_88, %swap3A_89], %swap3A_92 {strides = array<i32>} : memref<250x32xf32, #tpu.memory_space<vmem>>, vector<1x16xf32>,
    }
    %scan3A_6 = arith.constant 104 : i32
    %mul3A = arith.constant 624 : i32
    %mul3A_7 = arith.muli %arg1, %mul3A : i32
    %add3A = arith.constant 0 : i32
    %add3A_8 = arith.addi %mul3A_7, %add3A : i32
    "tpu.region"() ({
      %run_scoped3A_83 = tpu.sem_alloc : memref<!tpu.dma_semaphore, #tpu.memory_space<semaphore_mem>>
      %dma_start3A = arith.constant 0 : i32
      %dma_start3A_84 = arith.constant 0 : i32
      %dma_start3A_85 = tpu.memref_slice %arg8[%dma_start3A, %dma_start3A_84] : memref<250x32xf32, #tpu.memory_space<vmem>> -> memref<104x32xf32, #tpu.memory_space<vmem>>
      %dma_start3A_86 = arith.constant 0 : i32
      %dma_start3A_87 = tpu.memref_slice %arg12[%add3A_8, %dma_start3A_86] : memref<10000x32xf32, #tpu.memory_space<vmem_shared>> -> memref<104x32xf32, #tpu.memory_space<vmem_shared>>
      %dma_start3A_88 = arith.constant 0 : i32
      %dma_start3A_89 = tpu.memref_slice %arg12[%add3A_8, %dma_start3A_88] : memref<10000x32xf32, #tpu.memory_space<vmem_shared>> -> memref<104x32xf32, #tpu.memory_space<vmem_shared>>
      %dma_start3A_90 = arith.constant 0 : i32
      %dma_start3A_91 = arith.constant 0 : i32
      %dma_start3A_92 = tpu.memref_slice %arg8[%dma_start3A_90, %dma_start3A_91] : memref<250x32xf32, #tpu.memory_space<vmem>> -> memref<104x32xf32, #tpu.memory_space<vmem>>
      tpu.enqueue_dma source(%dma_start3A_92 : memref<104x32xf32, #tpu.memory_space<vmem>>) target(%dma_start3A_89 : memref<104x32xf32, #tpu.memory_space<vmem_shared>>) target_semaphore(%run_scoped3A_83 : memref<!tpu.dma_semaphore, #tpu.memory_space<semaphore_mem>>)
      %dma_wait3A = arith.constant 0 : i32
      %dma_wait3A_93 = arith.constant 0 : i32
      %dma_wait3A_94 = tpu.memref_slice %arg8[%dma_wait3A, %dma_wait3A_93] : memref<250x32xf32, #tpu.memory_space<vmem>> -> memref<104x32xf32, #tpu.memory_space<vmem>>
      %dma_wait3A_95 = arith.constant 0 : i32
      %dma_wait3A_96 = tpu.memref_slice %arg12[%add3A_8, %dma_wait3A_95] : memref<10000x32xf32, #tpu.memory_space<vmem_shared>> -> memref<104x32xf32, #tpu.memory_space<vmem_shared>>
      %dma_wait3A_97 = arith.constant 0 : i32
      %dma_wait3A_98 = tpu.memref_slice %arg12[%add3A_8, %dma_wait3A_97] : memref<10000x32xf32, #tpu.memory_space<vmem_shared>> -> memref<104x32xf32, #tpu.memory_space<vmem_shared>>
      %dma_wait3A_99 = arith.constant 0 : i32
      %dma_wait3A_100 = arith.constant 0 : i32
      %dma_wait3A_101 = tpu.memref_slice %arg8[%dma_wait3A_99, %dma_wait3A_100] : memref<250x32xf32, #tpu.memory_space<vmem>> -> memref<104x32xf32, #tpu.memory_space<vmem>>
      tpu.wait_dma2 semaphore(%run_scoped3A_83 : memref<!tpu.dma_semaphore, #tpu.memory_space<semaphore_mem>>) src(%dma_wait3A_101 : memref<104x32xf32, #tpu.memory_space<vmem>>) dst(%dma_wait3A_98 : memref<104x32xf32, #tpu.memory_space<vmem_shared>>)
      tpu.yield
    }) : () -> ()
    %mul3A_9 = arith.constant 624 : i32
    %mul3A_10 = arith.muli %arg1, %mul3A_9 : i32
    %add3A_11 = arith.constant 104 : i32
    %add3A_12 = arith.addi %mul3A_10, %add3A_11 : i32
    "tpu.region"() ({
      %run_scoped3A_83 = tpu.sem_alloc : memref<!tpu.dma_semaphore, #tpu.memory_space<semaphore_mem>>
      %dma_start3A = arith.constant 0 : i32
      %dma_start3A_84 = arith.constant 0 : i32
      %dma_start3A_85 = tpu.memref_slice %arg8[%dma_start3A, %dma_start3A_84] : memref<250x32xf32, #tpu.memory_space<vmem>> -> memref<104x32xf32, #tpu.memory_space<vmem>>
      %dma_start3A_86 = arith.constant 0 : i32
      %dma_start3A_87 = tpu.memref_slice %arg12[%add3A_12, %dma_start3A_86] : memref<10000x32xf32, #tpu.memory_space<vmem_shared>> -> memref<104x32xf32, #tpu.memory_space<vmem_shared>>
      %dma_start3A_88 = arith.constant 0 : i32
      %dma_start3A_89 = tpu.memref_slice %arg12[%add3A_12, %dma_start3A_88] : memref<10000x32xf32, #tpu.memory_space<vmem_shared>> -> memref<104x32xf32, #tpu.memory_space<vmem_shared>>
      %dma_start3A_90 = arith.constant 0 : i32
      %dma_start3A_91 = arith.constant 0 : i32
      %dma_start3A_92 = tpu.memref_slice %arg8[%dma_start3A_90, %dma_start3A_91] : memref<250x32xf32, #tpu.memory_space<vmem>> -> memref<104x32xf32, #tpu.memory_space<vmem>>
      tpu.enqueue_dma source(%dma_start3A_92 : memref<104x32xf32, #tpu.memory_space<vmem>>) target(%dma_start3A_89 : memref<104x32xf32, #tpu.memory_space<vmem_shared>>) target_semaphore(%run_scoped3A_83 : memref<!tpu.dma_semaphore, #tpu.memory_space<semaphore_mem>>)
      %dma_wait3A = arith.constant 0 : i32
      %dma_wait3A_93 = arith.constant 0 : i32
      %dma_wait3A_94 = tpu.memref_slice %arg8[%dma_wait3A, %dma_wait3A_93] : memref<250x32xf32, #tpu.memory_space<vmem>> -> memref<104x32xf32, #tpu.memory_space<vmem>>
      %dma_wait3A_95 = arith.constant 0 : i32
      %dma_wait3A_96 = tpu.memref_slice %arg12[%add3A_12, %dma_wait3A_95] : memref<10000x32xf32, #tpu.memory_space<vmem_shared>> -> memref<104x32xf32, #tpu.memory_space<vmem_shared>>
      %dma_wait3A_97 = arith.constant 0 : i32
      %dma_wait3A_98 = tpu.memref_slice %arg12[%add3A_12, %dma_wait3A_97] : memref<10000x32xf32, #tpu.memory_space<vmem_shared>> -> memref<104x32xf32, #tpu.memory_space<vmem_shared>>
      %dma_wait3A_99 = arith.constant 0 : i32
      %dma_wait3A_100 = arith.constant 0 : i32
      %dma_wait3A_101 = tpu.memref_slice %arg8[%dma_wait3A_99, %dma_wait3A_100] : memref<250x32xf32, #tpu.memory_space<vmem>> -> memref<104x32xf32, #tpu.memory_space<vmem>>
      tpu.wait_dma2 semaphore(%run_scoped3A_83 : memref<!tpu.dma_semaphore, #tpu.memory_space<semaphore_mem>>) src(%dma_wait3A_101 : memref<104x32xf32, #tpu.memory_space<vmem>>) dst(%dma_wait3A_98 : memref<104x32xf32, #tpu.memory_space<vmem_shared>>)
      tpu.yield
    }) : () -> ()
    %mul3A_13 = arith.constant 624 : i32
    %mul3A_14 = arith.muli %arg1, %mul3A_13 : i32
    %add3A_15 = arith.constant 208 : i32
    %add3A_16 = arith.addi %mul3A_14, %add3A_15 : i32
    "tpu.region"() ({
      %run_scoped3A_83 = tpu.sem_alloc : memref<!tpu.dma_semaphore, #tpu.memory_space<semaphore_mem>>
      %dma_start3A = arith.constant 0 : i32
      %dma_start3A_84 = arith.constant 0 : i32
      %dma_start3A_85 = tpu.memref_slice %arg8[%dma_start3A, %dma_start3A_84] : memref<250x32xf32, #tpu.memory_space<vmem>> -> memref<104x32xf32, #tpu.memory_space<vmem>>
      %dma_start3A_86 = arith.constant 0 : i32
      %dma_start3A_87 = tpu.memref_slice %arg12[%add3A_16, %dma_start3A_86] : memref<10000x32xf32, #tpu.memory_space<vmem_shared>> -> memref<104x32xf32, #tpu.memory_space<vmem_shared>>
      %dma_start3A_88 = arith.constant 0 : i32
      %dma_start3A_89 = tpu.memref_slice %arg12[%add3A_16, %dma_start3A_88] : memref<10000x32xf32, #tpu.memory_space<vmem_shared>> -> memref<104x32xf32, #tpu.memory_space<vmem_shared>>
      %dma_start3A_90 = arith.constant 0 : i32
      %dma_start3A_91 = arith.constant 0 : i32
      %dma_start3A_92 = tpu.memref_slice %arg8[%dma_start3A_90, %dma_start3A_91] : memref<250x32xf32, #tpu.memory_space<vmem>> -> memref<104x32xf32, #tpu.memory_space<vmem>>
      tpu.enqueue_dma source(%dma_start3A_92 : memref<104x32xf32, #tpu.memory_space<vmem>>) target(%dma_start3A_89 : memref<104x32xf32, #tpu.memory_space<vmem_shared>>) target_semaphore(%run_scoped3A_83 : memref<!tpu.dma_semaphore, #tpu.memory_space<semaphore_mem>>)
      %dma_wait3A = arith.constant 0 : i32
      %dma_wait3A_93 = arith.constant 0 : i32
      %dma_wait3A_94 = tpu.memref_slice %arg8[%dma_wait3A, %dma_wait3A_93] : memref<250x32xf32, #tpu.memory_space<vmem>> -> memref<104x32xf32, #tpu.memory_space<vmem>>
      %dma_wait3A_95 = arith.constant 0 : i32
      %dma_wait3A_96 = tpu.memref_slice %arg12[%add3A_16, %dma_wait3A_95] : memref<10000x32xf32, #tpu.memory_space<vmem_shared>> -> memref<104x32xf32, #tpu.memory_space<vmem_shared>>
      %dma_wait3A_97 = arith.constant 0 : i32
      %dma_wait3A_98 = tpu.memref_slice %arg12[%add3A_16, %dma_wait3A_97] : memref<10000x32xf32, #tpu.memory_space<vmem_shared>> -> memref<104x32xf32, #tpu.memory_space<vmem_shared>>
      %dma_wait3A_99 = arith.constant 0 : i32
      %dma_wait3A_100 = arith.constant 0 : i32
      %dma_wait3A_101 = tpu.memref_slice %arg8[%dma_wait3A_99, %dma_wait3A_100] : memref<250x32xf32, #tpu.memory_space<vmem>> -> memref<104x32xf32, #tpu.memory_space<vmem>>
      tpu.wait_dma2 semaphore(%run_scoped3A_83 : memref<!tpu.dma_semaphore, #tpu.memory_space<semaphore_mem>>) src(%dma_wait3A_101 : memref<104x32xf32, #tpu.memory_space<vmem>>) dst(%dma_wait3A_98 : memref<104x32xf32, #tpu.memory_space<vmem_shared>>)
      tpu.yield
    }) : () -> ()
    %mul3A_17 = arith.constant 624 : i32
    %mul3A_18 = arith.muli %arg1, %mul3A_17 : i32
    %add3A_19 = arith.constant 312 : i32
    %add3A_20 = arith.addi %mul3A_18, %add3A_19 : i32
    "tpu.region"() ({
      %run_scoped3A_83 = tpu.sem_alloc : memref<!tpu.dma_semaphore, #tpu.memory_space<semaphore_mem>>
      %dma_start3A = arith.constant 0 : i32
      %dma_start3A_84 = arith.constant 0 : i32
      %dma_start3A_85 = tpu.memref_slice %arg8[%dma_start3A, %dma_start3A_84] : memref<250x32xf32, #tpu.memory_space<vmem>> -> memref<104x32xf32, #tpu.memory_space<vmem>>
      %dma_start3A_86 = arith.constant 0 : i32
      %dma_start3A_87 = tpu.memref_slice %arg12[%add3A_20, %dma_start3A_86] : memref<10000x32xf32, #tpu.memory_space<vmem_shared>> -> memref<104x32xf32, #tpu.memory_space<vmem_shared>>
      %dma_start3A_88 = arith.constant 0 : i32
      %dma_start3A_89 = tpu.memref_slice %arg12[%add3A_20, %dma_start3A_88] : memref<10000x32xf32, #tpu.memory_space<vmem_shared>> -> memref<104x32xf32, #tpu.memory_space<vmem_shared>>
      %dma_start3A_90 = arith.constant 0 : i32
      %dma_start3A_91 = arith.constant 0 : i32
      %dma_start3A_92 = tpu.memref_slice %arg8[%dma_start3A_90, %dma_start3A_91] : memref<250x32xf32, #tpu.memory_space<vmem>> -> memref<104x32xf32, #tpu.memory_space<vmem>>
      tpu.enqueue_dma source(%dma_start3A_92 : memref<104x32xf32, #tpu.memory_space<vmem>>) target(%dma_start3A_89 : memref<104x32xf32, #tpu.memory_space<vmem_shared>>) target_semaphore(%run_scoped3A_83 : memref<!tpu.dma_semaphore, #tpu.memory_space<semaphore_mem>>)
      %dma_wait3A = arith.constant 0 : i32
      %dma_wait3A_93 = arith.constant 0 : i32
      %dma_wait3A_94 = tpu.memref_slice %arg8[%dma_wait3A, %dma_wait3A_93] : memref<250x32xf32, #tpu.memory_space<vmem>> -> memref<104x32xf32, #tpu.memory_space<vmem>>
      %dma_wait3A_95 = arith.constant 0 : i32
      %dma_wait3A_96 = tpu.memref_slice %arg12[%add3A_20, %dma_wait3A_95] : memref<10000x32xf32, #tpu.memory_space<vmem_shared>> -> memref<104x32xf32, #tpu.memory_space<vmem_shared>>
      %dma_wait3A_97 = arith.constant 0 : i32
      %dma_wait3A_98 = tpu.memref_slice %arg12[%add3A_20, %dma_wait3A_97] : memref<10000x32xf32, #tpu.memory_space<vmem_shared>> -> memref<104x32xf32, #tpu.memory_space<vmem_shared>>
      %dma_wait3A_99 = arith.constant 0 : i32
      %dma_wait3A_100 = arith.constant 0 : i32
      %dma_wait3A_101 = tpu.memref_slice %arg8[%dma_wait3A_99, %dma_wait3A_100] : memref<250x32xf32, #tpu.memory_space<vmem>> -> memref<104x32xf32, #tpu.memory_space<vmem>>
      tpu.wait_dma2 semaphore(%run_scoped3A_83 : memref<!tpu.dma_semaphore, #tpu.memory_space<semaphore_mem>>) src(%dma_wait3A_101 : memref<104x32xf32, #tpu.memory_space<vmem>>) dst(%dma_wait3A_98 : memref<104x32xf32, #tpu.memory_space<vmem_shared>>)
      tpu.yield
    }) : () -> ()
    %mul3A_21 = arith.constant 624 : i32
    %mul3A_22 = arith.muli %arg1, %mul3A_21 : i32
    %add3A_23 = arith.constant 416 : i32
    %add3A_24 = arith.addi %mul3A_22, %add3A_23 : i32
    "tpu.region"() ({
      %run_scoped3A_83 = tpu.sem_alloc : memref<!tpu.dma_semaphore, #tpu.memory_space<semaphore_mem>>
      %dma_start3A = arith.constant 0 : i32
      %dma_start3A_84 = arith.constant 0 : i32
      %dma_start3A_85 = tpu.memref_slice %arg8[%dma_start3A, %dma_start3A_84] : memref<250x32xf32, #tpu.memory_space<vmem>> -> memref<104x32xf32, #tpu.memory_space<vmem>>
      %dma_start3A_86 = arith.constant 0 : i32
      %dma_start3A_87 = tpu.memref_slice %arg12[%add3A_24, %dma_start3A_86] : memref<10000x32xf32, #tpu.memory_space<vmem_shared>> -> memref<104x32xf32, #tpu.memory_space<vmem_shared>>
      %dma_start3A_88 = arith.constant 0 : i32
      %dma_start3A_89 = tpu.memref_slice %arg12[%add3A_24, %dma_start3A_88] : memref<10000x32xf32, #tpu.memory_space<vmem_shared>> -> memref<104x32xf32, #tpu.memory_space<vmem_shared>>
      %dma_start3A_90 = arith.constant 0 : i32
      %dma_start3A_91 = arith.constant 0 : i32
      %dma_start3A_92 = tpu.memref_slice %arg8[%dma_start3A_90, %dma_start3A_91] : memref<250x32xf32, #tpu.memory_space<vmem>> -> memref<104x32xf32, #tpu.memory_space<vmem>>
      tpu.enqueue_dma source(%dma_start3A_92 : memref<104x32xf32, #tpu.memory_space<vmem>>) target(%dma_start3A_89 : memref<104x32xf32, #tpu.memory_space<vmem_shared>>) target_semaphore(%run_scoped3A_83 : memref<!tpu.dma_semaphore, #tpu.memory_space<semaphore_mem>>)
      %dma_wait3A = arith.constant 0 : i32
      %dma_wait3A_93 = arith.constant 0 : i32
      %dma_wait3A_94 = tpu.memref_slice %arg8[%dma_wait3A, %dma_wait3A_93] : memref<250x32xf32, #tpu.memory_space<vmem>> -> memref<104x32xf32, #tpu.memory_space<vmem>>
      %dma_wait3A_95 = arith.constant 0 : i32
      %dma_wait3A_96 = tpu.memref_slice %arg12[%add3A_24, %dma_wait3A_95] : memref<10000x32xf32, #tpu.memory_space<vmem_shared>> -> memref<104x32xf32, #tpu.memory_space<vmem_shared>>
      %dma_wait3A_97 = arith.constant 0 : i32
      %dma_wait3A_98 = tpu.memref_slice %arg12[%add3A_24, %dma_wait3A_97] : memref<10000x32xf32, #tpu.memory_space<vmem_shared>> -> memref<104x32xf32, #tpu.memory_space<vmem_shared>>
      %dma_wait3A_99 = arith.constant 0 : i32
      %dma_wait3A_100 = arith.constant 0 : i32
      %dma_wait3A_101 = tpu.memref_slice %arg8[%dma_wait3A_99, %dma_wait3A_100] : memref<250x32xf32, #tpu.memory_space<vmem>> -> memref<104x32xf32, #tpu.memory_space<vmem>>
      tpu.wait_dma2 semaphore(%run_scoped3A_83 : memref<!tpu.dma_semaphore, #tpu.memory_space<semaphore_mem>>) src(%dma_wait3A_101 : memref<104x32xf32, #tpu.memory_space<vmem>>) dst(%dma_wait3A_98 : memref<104x32xf32, #tpu.memory_space<vmem_shared>>)
      tpu.yield
    }) : () -> ()
    %mul3A_25 = arith.constant 624 : i32
    %mul3A_26 = arith.muli %arg1, %mul3A_25 : i32
    %add3A_27 = arith.constant 520 : i32
    %add3A_28 = arith.addi %mul3A_26, %add3A_27 : i32
    "tpu.region"() ({
      %run_scoped3A_83 = tpu.sem_alloc : memref<!tpu.dma_semaphore, #tpu.memory_space<semaphore_mem>>
      %dma_start3A = arith.constant 0 : i32
      %dma_start3A_84 = arith.constant 0 : i32
      %dma_start3A_85 = tpu.memref_slice %arg8[%dma_start3A, %dma_start3A_84] : memref<250x32xf32, #tpu.memory_space<vmem>> -> memref<104x32xf32, #tpu.memory_space<vmem>>
      %dma_start3A_86 = arith.constant 0 : i32
      %dma_start3A_87 = tpu.memref_slice %arg12[%add3A_28, %dma_start3A_86] : memref<10000x32xf32, #tpu.memory_space<vmem_shared>> -> memref<104x32xf32, #tpu.memory_space<vmem_shared>>
      %dma_start3A_88 = arith.constant 0 : i32
      %dma_start3A_89 = tpu.memref_slice %arg12[%add3A_28, %dma_start3A_88] : memref<10000x32xf32, #tpu.memory_space<vmem_shared>> -> memref<104x32xf32, #tpu.memory_space<vmem_shared>>
      %dma_start3A_90 = arith.constant 0 : i32
      %dma_start3A_91 = arith.constant 0 : i32
      %dma_start3A_92 = tpu.memref_slice %arg8[%dma_start3A_90, %dma_start3A_91] : memref<250x32xf32, #tpu.memory_space<vmem>> -> memref<104x32xf32, #tpu.memory_space<vmem>>
      tpu.enqueue_dma source(%dma_start3A_92 : memref<104x32xf32, #tpu.memory_space<vmem>>) target(%dma_start3A_89 : memref<104x32xf32, #tpu.memory_space<vmem_shared>>) target_semaphore(%run_scoped3A_83 : memref<!tpu.dma_semaphore, #tpu.memory_space<semaphore_mem>>)
      %dma_wait3A = arith.constant 0 : i32
      %dma_wait3A_93 = arith.constant 0 : i32
      %dma_wait3A_94 = tpu.memref_slice %arg8[%dma_wait3A, %dma_wait3A_93] : memref<250x32xf32, #tpu.memory_space<vmem>> -> memref<104x32xf32, #tpu.memory_space<vmem>>
      %dma_wait3A_95 = arith.constant 0 : i32
      %dma_wait3A_96 = tpu.memref_slice %arg12[%add3A_28, %dma_wait3A_95] : memref<10000x32xf32, #tpu.memory_space<vmem_shared>> -> memref<104x32xf32, #tpu.memory_space<vmem_shared>>
      %dma_wait3A_97 = arith.constant 0 : i32
      %dma_wait3A_98 = tpu.memref_slice %arg12[%add3A_28, %dma_wait3A_97] : memref<10000x32xf32, #tpu.memory_space<vmem_shared>> -> memref<104x32xf32, #tpu.memory_space<vmem_shared>>
      %dma_wait3A_99 = arith.constant 0 : i32
      %dma_wait3A_100 = arith.constant 0 : i32
      %dma_wait3A_101 = tpu.memref_slice %arg8[%dma_wait3A_99, %dma_wait3A_100] : memref<250x32xf32, #tpu.memory_space<vmem>> -> memref<104x32xf32, #tpu.memory_space<vmem>>
      tpu.wait_dma2 semaphore(%run_scoped3A_83 : memref<!tpu.dma_semaphore, #tpu.memory_space<semaphore_mem>>) src(%dma_wait3A_101 : memref<104x32xf32, #tpu.memory_space<vmem>>) dst(%dma_wait3A_98 : memref<104x32xf32, #tpu.memory_space<vmem_shared>>)
      tpu.yield
    }) : () -> ()
    %eq3A = arith.constant 15 : i32
    %eq3A_29 = arith.cmpi eq, %arg1, %eq3A : i32
    %convert_element_type3A = arith.extui %eq3A_29 : i1 to i32
    %cond3A = arith.constant 0 : i32
    %cond3A_30 = arith.cmpi ne, %convert_element_type3A, %cond3A : i32
    scf.if %cond3A_30 {
      "tpu.region"() ({
        %run_scoped3A_83 = tpu.sem_alloc : memref<!tpu.dma_semaphore, #tpu.memory_space<semaphore_mem>>
        %dma_start3A = arith.constant 0 : i32
        %dma_start3A_84 = arith.constant 0 : i32
        %dma_start3A_85 = tpu.memref_slice %arg8[%dma_start3A, %dma_start3A_84] : memref<250x32xf32, #tpu.memory_space<vmem>> -> memref<16x32xf32, #tpu.memory_space<vmem>>
        %dma_start3A_86 = arith.constant 9984 : i32
        %dma_start3A_87 = arith.constant 0 : i32
        %dma_start3A_88 = tpu.memref_slice %arg12[%dma_start3A_86, %dma_start3A_87] : memref<10000x32xf32, #tpu.memory_space<vmem_shared>> -> memref<16x32xf32, #tpu.memory_space<vmem_shared>>
        %dma_start3A_89 = arith.constant 9984 : i32
        %dma_start3A_90 = arith.constant 0 : i32
        %dma_start3A_91 = tpu.memref_slice %arg12[%dma_start3A_89, %dma_start3A_90] : memref<10000x32xf32, #tpu.memory_space<vmem_shared>> -> memref<16x32xf32, #tpu.memory_space<vmem_shared>>
        %dma_start3A_92 = arith.constant 0 : i32
        %dma_start3A_93 = arith.constant 0 : i32
        %dma_start3A_94 = tpu.memref_slice %arg8[%dma_start3A_92, %dma_start3A_93] : memref<250x32xf32, #tpu.memory_space<vmem>> -> memref<16x32xf32, #tpu.memory_space<vmem>>
        tpu.enqueue_dma source(%dma_start3A_94 : memref<16x32xf32, #tpu.memory_space<vmem>>) target(%dma_start3A_91 : memref<16x32xf32, #tpu.memory_space<vmem_shared>>) target_semaphore(%run_scoped3A_83 : memref<!tpu.dma_semaphore, #tpu.memory_space<semaphore_mem>>)
        %dma_wait3A = arith.constant 0 : i32
        %dma_wait3A_95 = arith.constant 0 : i32
        %dma_wait3A_96 = tpu.memref_slice %arg8[%dma_wait3A, %dma_wait3A_95] : memref<250x32xf32, #tpu.memory_space<vmem>> -> memref<16x32xf32, #tpu.memory_space<vmem>>
        %dma_wait3A_97 = arith.constant 9984 : i32
        %dma_wait3A_98 = arith.constant 0 : i32
        %dma_wait3A_99 = tpu.memref_slice %arg12[%dma_wait3A_97, %dma_wait3A_98] : memref<10000x32xf32, #tpu.memory_space<vmem_shared>> -> memref<16x32xf32, #tpu.memory_space<vmem_shared>>
        %dma_wait3A_100 = arith.constant 9984 : i32
        %dma_wait3A_101 = arith.constant 0 : i32
        %dma_wait3A_102 = tpu.memref_slice %arg12[%dma_wait3A_100, %dma_wait3A_101] : memref<10000x32xf32, #tpu.memory_space<vmem_shared>> -> memref<16x32xf32, #tpu.memory_space<vmem_shared>>
        %dma_wait3A_103 = arith.constant 0 : i32
        %dma_wait3A_104 = arith.constant 0 : i32
        %dma_wait3A_105 = tpu.memref_slice %arg8[%dma_wait3A_103, %dma_wait3A_104] : memref<250x32xf32, #tpu.memory_space<vmem>> -> memref<16x32xf32, #tpu.memory_space<vmem>>
        tpu.wait_dma2 semaphore(%run_scoped3A_83 : memref<!tpu.dma_semaphore, #tpu.memory_space<semaphore_mem>>) src(%dma_wait3A_105 : memref<16x32xf32, #tpu.memory_space<vmem>>) dst(%dma_wait3A_102 : memref<16x32xf32, #tpu.memory_space<vmem_shared>>)
        tpu.yield
      }) : () -> ()
    } else {
    }
    %barrier3A = arith.constant 0 : index
    tpu.barrier barrier_id(%barrier3A)
    %eq3A_31 = arith.constant 0 : i32
    %eq3A_32 = arith.cmpi eq, %arg0, %eq3A_31 : i32
    %convert_element_type3A_33 = arith.extui %eq3A_32 : i1 to i32
    %cond3A_34 = arith.constant 0 : i32
    %cond3A_35 = arith.cmpi ne, %convert_element_type3A_33, %cond3A_34 : i32
    scf.if %cond3A_35 {
      %dma_start3A = arith.constant 0 : i32
      %dma_start3A_83 = arith.constant 0 : i32
      %dma_start3A_84 = tpu.memref_slice %arg6[%dma_start3A, %dma_start3A_83] : memref<40x250xi32, #tpu.memory_space<vmem>> -> memref<1x250xi32, #tpu.memory_space<vmem>>
      %dma_start3A_85 = tpu.memref_squeeze %dma_start3A_84 : memref<1x250xi32, #tpu.memory_space<vmem>> -> memref<250xi32, #tpu.memory_space<vmem>>
      %dma_start3A_86 = arith.constant 0 : i32
      %dma_start3A_87 = arith.constant 0 : i32
      %dma_start3A_88 = tpu.memref_slice %arg2[%dma_start3A_86, %dma_start3A_87] : memref<10000x32xf32, #tpu.memory_space<hbm>> -> memref<10000x32xf32, #tpu.memory_space<hbm>>
      tpu.enqueue_indirect_dma source(%dma_start3A_88 : memref<10000x32xf32, #tpu.memory_space<hbm>>) target(%arg8 : memref<250x32xf32, #tpu.memory_space<vmem>>) offsets(%dma_start3A_85 : memref<250xi32, #tpu.memory_space<vmem>>) semaphore(%arg13 : memref<!tpu.dma_semaphore, #tpu.memory_space<semaphore_mem>>)
      %dma_start3A_89 = arith.constant 1 : i32
      %dma_start3A_90 = arith.constant 0 : i32
      %dma_start3A_91 = tpu.memref_slice %arg6[%dma_start3A_89, %dma_start3A_90] : memref<40x250xi32, #tpu.memory_space<vmem>> -> memref<1x250xi32, #tpu.memory_space<vmem>>
      %dma_start3A_92 = tpu.memref_squeeze %dma_start3A_91 : memref<1x250xi32, #tpu.memory_space<vmem>> -> memref<250xi32, #tpu.memory_space<vmem>>
      %dma_start3A_93 = arith.constant 0 : i32
      %dma_start3A_94 = arith.constant 0 : i32
      %dma_start3A_95 = tpu.memref_slice %arg2[%dma_start3A_93, %dma_start3A_94] : memref<10000x32xf32, #tpu.memory_space<hbm>> -> memref<10000x32xf32, #tpu.memory_space<hbm>>
      tpu.enqueue_indirect_dma source(%dma_start3A_95 : memref<10000x32xf32, #tpu.memory_space<hbm>>) target(%arg9 : memref<250x32xf32, #tpu.memory_space<vmem>>) offsets(%dma_start3A_92 : memref<250xi32, #tpu.memory_space<vmem>>) semaphore(%arg14 : memref<!tpu.dma_semaphore, #tpu.memory_space<semaphore_mem>>)
      %scan3A_96 = arith.constant 0 : i32
      %scan3A_97 = arith.constant 0 : i32
      %scan3A_98 = arith.constant 10 : i32
      %scan3A_99 = arith.addi %scan3A_97, %scan3A_98 : i32
      %scan3A_100 = arith.constant 1 : i32
      scf.for %scan3A_129 = %scan3A_97 to %scan3A_99 step %scan3A_100  : i32 {
        %mul3A_130 = arith.constant 4 : i32
        %mul3A_131 = arith.muli %mul3A_130, %scan3A_129 : i32
        %add3A_132 = arith.constant 0 : i32
        %add3A_133 = arith.addi %mul3A_131, %add3A_132 : i32
        %dma_wait3A_134 = arith.constant 0 : i32
        %dma_wait3A_135 = tpu.memref_slice %arg6[%add3A_133, %dma_wait3A_134] : memref<40x250xi32, #tpu.memory_space<vmem>> -> memref<1x250xi32, #tpu.memory_space<vmem>>
        %dma_wait3A_136 = tpu.memref_squeeze %dma_wait3A_135 : memref<1x250xi32, #tpu.memory_space<vmem>> -> memref<250xi32, #tpu.memory_space<vmem>>
        %dma_wait3A_137 = arith.constant 0 : i32
        %dma_wait3A_138 = arith.constant 0 : i32
        %dma_wait3A_139 = tpu.memref_slice %arg2[%dma_wait3A_137, %dma_wait3A_138] : memref<10000x32xf32, #tpu.memory_space<hbm>> -> memref<10000x32xf32, #tpu.memory_space<hbm>>
        tpu.wait_indirect_dma semaphore(%arg13 : memref<!tpu.dma_semaphore, #tpu.memory_space<semaphore_mem>>) src(%dma_wait3A_139 : memref<10000x32xf32, #tpu.memory_space<hbm>>) dst(%arg8 : memref<250x32xf32, #tpu.memory_space<vmem>>)
        %dma_start3A_140 = arith.constant 0 : i32
        %dma_start3A_141 = tpu.memref_slice %arg7[%add3A_133, %dma_start3A_140] : memref<40x250xi32, #tpu.memory_space<vmem>> -> memref<1x250xi32, #tpu.memory_space<vmem>>
        %dma_start3A_142 = tpu.memref_squeeze %dma_start3A_141 : memref<1x250xi32, #tpu.memory_space<vmem>> -> memref<250xi32, #tpu.memory_space<vmem>>
        %dma_start3A_143 = arith.constant 0 : i32
        %dma_start3A_144 = arith.constant 0 : i32
        %dma_start3A_145 = tpu.memref_slice %arg12[%dma_start3A_143, %dma_start3A_144] : memref<10000x32xf32, #tpu.memory_space<vmem_shared>> -> memref<10000x32xf32, #tpu.memory_space<vmem_shared>>
        tpu.enqueue_indirect_dma source(%arg8 : memref<250x32xf32, #tpu.memory_space<vmem>>) target(%dma_start3A_145 : memref<10000x32xf32, #tpu.memory_space<vmem_shared>>) offsets(%dma_start3A_142 : memref<250xi32, #tpu.memory_space<vmem>>) semaphore(%arg17 : memref<!tpu.dma_semaphore, #tpu.memory_space<semaphore_mem>>) {add = true}
        %add3A_146 = arith.constant 2 : i32
        %add3A_147 = arith.addi %add3A_133, %add3A_146 : i32
        %lt3A = arith.constant 40 : i32
        %lt3A_148 = arith.cmpi slt, %add3A_147, %lt3A : i32
        %convert_element_type3A_149 = arith.extui %lt3A_148 : i1 to i32
        %cond3A_150 = arith.constant 0 : i32
        %cond3A_151 = arith.cmpi ne, %convert_element_type3A_149, %cond3A_150 : i32
        scf.if %cond3A_151 {
          %ge3A = arith.constant 2 : i32
          %ge3A_221 = arith.cmpi sge, %add3A_133, %ge3A : i32
          %convert_element_type3A_222 = arith.extui %ge3A_221 : i1 to i32
          %cond3A_223 = arith.constant 0 : i32
          %cond3A_224 = arith.cmpi ne, %convert_element_type3A_222, %cond3A_223 : i32
          scf.if %cond3A_224 {
            %sub3A = arith.constant 2 : i32
            %sub3A_233 = arith.subi %add3A_133, %sub3A : i32
            %dma_wait3A_234 = arith.constant 0 : i32
            %dma_wait3A_235 = tpu.memref_slice %arg7[%sub3A_233, %dma_wait3A_234] : memref<40x250xi32, #tpu.memory_space<vmem>> -> memref<1x250xi32, #tpu.memory_space<vmem>>
            %dma_wait3A_236 = tpu.memref_squeeze %dma_wait3A_235 : memref<1x250xi32, #tpu.memory_space<vmem>> -> memref<250xi32, #tpu.memory_space<vmem>>
            %dma_wait3A_237 = arith.constant 0 : i32
            %dma_wait3A_238 = arith.constant 0 : i32
            %dma_wait3A_239 = tpu.memref_slice %arg12[%dma_wait3A_237, %dma_wait3A_238] : memref<10000x32xf32, #tpu.memory_space<vmem_shared>> -> memref<10000x32xf32, #tpu.memory_space<vmem_shared>>
            tpu.wait_indirect_dma semaphore(%arg19 : memref<!tpu.dma_semaphore, #tpu.memory_space<semaphore_mem>>) src(%arg10 : memref<250x32xf32, #tpu.memory_space<vmem>>) dst(%dma_wait3A_239 : memref<10000x32xf32, #tpu.memory_space<vmem_shared>>)
          } else {
          }
          %add3A_225 = arith.constant 2 : i32
          %add3A_226 = arith.addi %add3A_133, %add3A_225 : i32
          %dma_start3A_227 = arith.constant 0 : i32
          %dma_start3A_228 = tpu.memref_slice %arg6[%add3A_226, %dma_start3A_227] : memref<40x250xi32, #tpu.memory_space<vmem>> -> memref<1x250xi32, #tpu.memory_space<vmem>>
          %dma_start3A_229 = tpu.memref_squeeze %dma_start3A_228 : memref<1x250xi32, #tpu.memory_space<vmem>> -> memref<250xi32, #tpu.memory_space<vmem>>
          %dma_start3A_230 = arith.constant 0 : i32
          %dma_start3A_231 = arith.constant 0 : i32
          %dma_start3A_232 = tpu.memref_slice %arg2[%dma_start3A_230, %dma_start3A_231] : memref<10000x32xf32, #tpu.memory_space<hbm>> -> memref<10000x32xf32, #tpu.memory_space<hbm>>
          tpu.enqueue_indirect_dma source(%dma_start3A_232 : memref<10000x32xf32, #tpu.memory_space<hbm>>) target(%arg10 : memref<250x32xf32, #tpu.memory_space<vmem>>) offsets(%dma_start3A_229 : memref<250xi32, #tpu.memory_space<vmem>>) semaphore(%arg15 : memref<!tpu.dma_semaphore, #tpu.memory_space<semaphore_mem>>)
        } else {
        }
        %mul3A_152 = arith.constant 4 : i32
        %mul3A_153 = arith.muli %mul3A_152, %scan3A_129 : i32
        %add3A_154 = arith.constant 1 : i32
        %add3A_155 = arith.addi %mul3A_153, %add3A_154 : i32
        %dma_wait3A_156 = arith.constant 0 : i32
        %dma_wait3A_157 = tpu.memref_slice %arg6[%add3A_155, %dma_wait3A_156] : memref<40x250xi32, #tpu.memory_space<vmem>> -> memref<1x250xi32, #tpu.memory_space<vmem>>
        %dma_wait3A_158 = tpu.memref_squeeze %dma_wait3A_157 : memref<1x250xi32, #tpu.memory_space<vmem>> -> memref<250xi32, #tpu.memory_space<vmem>>
        %dma_wait3A_159 = arith.constant 0 : i32
        %dma_wait3A_160 = arith.constant 0 : i32
        %dma_wait3A_161 = tpu.memref_slice %arg2[%dma_wait3A_159, %dma_wait3A_160] : memref<10000x32xf32, #tpu.memory_space<hbm>> -> memref<10000x32xf32, #tpu.memory_space<hbm>>
        tpu.wait_indirect_dma semaphore(%arg14 : memref<!tpu.dma_semaphore, #tpu.memory_space<semaphore_mem>>) src(%dma_wait3A_161 : memref<10000x32xf32, #tpu.memory_space<hbm>>) dst(%arg9 : memref<250x32xf32, #tpu.memory_space<vmem>>)
        %dma_start3A_162 = arith.constant 0 : i32
        %dma_start3A_163 = tpu.memref_slice %arg7[%add3A_155, %dma_start3A_162] : memref<40x250xi32, #tpu.memory_space<vmem>> -> memref<1x250xi32, #tpu.memory_space<vmem>>
        %dma_start3A_164 = tpu.memref_squeeze %dma_start3A_163 : memref<1x250xi32, #tpu.memory_space<vmem>> -> memref<250xi32, #tpu.memory_space<vmem>>
        %dma_start3A_165 = arith.constant 0 : i32
        %dma_start3A_166 = arith.constant 0 : i32
        %dma_start3A_167 = tpu.memref_slice %arg12[%dma_start3A_165, %dma_start3A_166] : memref<10000x32xf32, #tpu.memory_space<vmem_shared>> -> memref<10000x32xf32, #tpu.memory_space<vmem_shared>>
        tpu.enqueue_indirect_dma source(%arg9 : memref<250x32xf32, #tpu.memory_space<vmem>>) target(%dma_start3A_167 : memref<10000x32xf32, #tpu.memory_space<vmem_shared>>) offsets(%dma_start3A_164 : memref<250xi32, #tpu.memory_space<vmem>>) semaphore(%arg18 : memref<!tpu.dma_semaphore, #tpu.memory_space<semaphore_mem>>) {add = true}
        %add3A_168 = arith.constant 2 : i32
        %add3A_169 = arith.addi %add3A_155, %add3A_168 : i32
        %lt3A_170 = arith.constant 40 : i32
        %lt3A_171 = arith.cmpi slt, %add3A_169, %lt3A_170 : i32
        %convert_element_type3A_172 = arith.extui %lt3A_171 : i1 to i32
        %cond3A_173 = arith.constant 0 : i32
        %cond3A_174 = arith.cmpi ne, %convert_element_type3A_172, %cond3A_173 : i32
        scf.if %cond3A_174 {
          %ge3A = arith.constant 2 : i32
          %ge3A_221 = arith.cmpi sge, %add3A_155, %ge3A : i32
          %convert_element_type3A_222 = arith.extui %ge3A_221 : i1 to i32
          %cond3A_223 = arith.constant 0 : i32
          %cond3A_224 = arith.cmpi ne, %convert_element_type3A_222, %cond3A_223 : i32
          scf.if %cond3A_224 {
            %sub3A = arith.constant 2 : i32
            %sub3A_233 = arith.subi %add3A_155, %sub3A : i32
            %dma_wait3A_234 = arith.constant 0 : i32
            %dma_wait3A_235 = tpu.memref_slice %arg7[%sub3A_233, %dma_wait3A_234] : memref<40x250xi32, #tpu.memory_space<vmem>> -> memref<1x250xi32, #tpu.memory_space<vmem>>
            %dma_wait3A_236 = tpu.memref_squeeze %dma_wait3A_235 : memref<1x250xi32, #tpu.memory_space<vmem>> -> memref<250xi32, #tpu.memory_space<vmem>>
            %dma_wait3A_237 = arith.constant 0 : i32
            %dma_wait3A_238 = arith.constant 0 : i32
            %dma_wait3A_239 = tpu.memref_slice %arg12[%dma_wait3A_237, %dma_wait3A_238] : memref<10000x32xf32, #tpu.memory_space<vmem_shared>> -> memref<10000x32xf32, #tpu.memory_space<vmem_shared>>
            tpu.wait_indirect_dma semaphore(%arg20 : memref<!tpu.dma_semaphore, #tpu.memory_space<semaphore_mem>>) src(%arg11 : memref<250x32xf32, #tpu.memory_space<vmem>>) dst(%dma_wait3A_239 : memref<10000x32xf32, #tpu.memory_space<vmem_shared>>)
          } else {
          }
          %add3A_225 = arith.constant 2 : i32
          %add3A_226 = arith.addi %add3A_155, %add3A_225 : i32
          %dma_start3A_227 = arith.constant 0 : i32
          %dma_start3A_228 = tpu.memref_slice %arg6[%add3A_226, %dma_start3A_227] : memref<40x250xi32, #tpu.memory_space<vmem>> -> memref<1x250xi32, #tpu.memory_space<vmem>>
          %dma_start3A_229 = tpu.memref_squeeze %dma_start3A_228 : memref<1x250xi32, #tpu.memory_space<vmem>> -> memref<250xi32, #tpu.memory_space<vmem>>
          %dma_start3A_230 = arith.constant 0 : i32
          %dma_start3A_231 = arith.constant 0 : i32
          %dma_start3A_232 = tpu.memref_slice %arg2[%dma_start3A_230, %dma_start3A_231] : memref<10000x32xf32, #tpu.memory_space<hbm>> -> memref<10000x32xf32, #tpu.memory_space<hbm>>
          tpu.enqueue_indirect_dma source(%dma_start3A_232 : memref<10000x32xf32, #tpu.memory_space<hbm>>) target(%arg11 : memref<250x32xf32, #tpu.memory_space<vmem>>) offsets(%dma_start3A_229 : memref<250xi32, #tpu.memory_space<vmem>>) semaphore(%arg16 : memref<!tpu.dma_semaphore, #tpu.memory_space<semaphore_mem>>)
        } else {
        }
        %mul3A_175 = arith.constant 4 : i32
        %mul3A_176 = arith.muli %mul3A_175, %scan3A_129 : i32
        %add3A_177 = arith.constant 2 : i32
        %add3A_178 = arith.addi %mul3A_176, %add3A_177 : i32
        %dma_wait3A_179 = arith.constant 0 : i32
        %dma_wait3A_180 = tpu.memref_slice %arg6[%add3A_178, %dma_wait3A_179] : memref<40x250xi32, #tpu.memory_space<vmem>> -> memref<1x250xi32, #tpu.memory_space<vmem>>
        %dma_wait3A_181 = tpu.memref_squeeze %dma_wait3A_180 : memref<1x250xi32, #tpu.memory_space<vmem>> -> memref<250xi32, #tpu.memory_space<vmem>>
        %dma_wait3A_182 = arith.constant 0 : i32
        %dma_wait3A_183 = arith.constant 0 : i32
        %dma_wait3A_184 = tpu.memref_slice %arg2[%dma_wait3A_182, %dma_wait3A_183] : memref<10000x32xf32, #tpu.memory_space<hbm>> -> memref<10000x32xf32, #tpu.memory_space<hbm>>
        tpu.wait_indirect_dma semaphore(%arg15 : memref<!tpu.dma_semaphore, #tpu.memory_space<semaphore_mem>>) src(%dma_wait3A_184 : memref<10000x32xf32, #tpu.memory_space<hbm>>) dst(%arg10 : memref<250x32xf32, #tpu.memory_space<vmem>>)
        %dma_start3A_185 = arith.constant 0 : i32
        %dma_start3A_186 = tpu.memref_slice %arg7[%add3A_178, %dma_start3A_185] : memref<40x250xi32, #tpu.memory_space<vmem>> -> memref<1x250xi32, #tpu.memory_space<vmem>>
        %dma_start3A_187 = tpu.memref_squeeze %dma_start3A_186 : memref<1x250xi32, #tpu.memory_space<vmem>> -> memref<250xi32, #tpu.memory_space<vmem>>
        %dma_start3A_188 = arith.constant 0 : i32
        %dma_start3A_189 = arith.constant 0 : i32
        %dma_start3A_190 = tpu.memref_slice %arg12[%dma_start3A_188, %dma_start3A_189] : memref<10000x32xf32, #tpu.memory_space<vmem_shared>> -> memref<10000x32xf32, #tpu.memory_space<vmem_shared>>
        tpu.enqueue_indirect_dma source(%arg10 : memref<250x32xf32, #tpu.memory_space<vmem>>) target(%dma_start3A_190 : memref<10000x32xf32, #tpu.memory_space<vmem_shared>>) offsets(%dma_start3A_187 : memref<250xi32, #tpu.memory_space<vmem>>) semaphore(%arg19 : memref<!tpu.dma_semaphore, #tpu.memory_space<semaphore_mem>>) {add = true}
        %add3A_191 = arith.constant 2 : i32
        %add3A_192 = arith.addi %add3A_178, %add3A_191 : i32
        %lt3A_193 = arith.constant 40 : i32
        %lt3A_194 = arith.cmpi slt, %add3A_192, %lt3A_193 : i32
        %convert_element_type3A_195 = arith.extui %lt3A_194 : i1 to i32
        %cond3A_196 = arith.constant 0 : i32
        %cond3A_197 = arith.cmpi ne, %convert_element_type3A_195, %cond3A_196 : i32
        scf.if %cond3A_197 {
          %ge3A = arith.constant 2 : i32
          %ge3A_221 = arith.cmpi sge, %add3A_178, %ge3A : i32
          %convert_element_type3A_222 = arith.extui %ge3A_221 : i1 to i32
          %cond3A_223 = arith.constant 0 : i32
          %cond3A_224 = arith.cmpi ne, %convert_element_type3A_222, %cond3A_223 : i32
          scf.if %cond3A_224 {
            %sub3A = arith.constant 2 : i32
            %sub3A_233 = arith.subi %add3A_178, %sub3A : i32
            %dma_wait3A_234 = arith.constant 0 : i32
            %dma_wait3A_235 = tpu.memref_slice %arg7[%sub3A_233, %dma_wait3A_234] : memref<40x250xi32, #tpu.memory_space<vmem>> -> memref<1x250xi32, #tpu.memory_space<vmem>>
            %dma_wait3A_236 = tpu.memref_squeeze %dma_wait3A_235 : memref<1x250xi32, #tpu.memory_space<vmem>> -> memref<250xi32, #tpu.memory_space<vmem>>
            %dma_wait3A_237 = arith.constant 0 : i32
            %dma_wait3A_238 = arith.constant 0 : i32
            %dma_wait3A_239 = tpu.memref_slice %arg12[%dma_wait3A_237, %dma_wait3A_238] : memref<10000x32xf32, #tpu.memory_space<vmem_shared>> -> memref<10000x32xf32, #tpu.memory_space<vmem_shared>>
            tpu.wait_indirect_dma semaphore(%arg17 : memref<!tpu.dma_semaphore, #tpu.memory_space<semaphore_mem>>) src(%arg8 : memref<250x32xf32, #tpu.memory_space<vmem>>) dst(%dma_wait3A_239 : memref<10000x32xf32, #tpu.memory_space<vmem_shared>>)
          } else {
          }
          %add3A_225 = arith.constant 2 : i32
          %add3A_226 = arith.addi %add3A_178, %add3A_225 : i32
          %dma_start3A_227 = arith.constant 0 : i32
          %dma_start3A_228 = tpu.memref_slice %arg6[%add3A_226, %dma_start3A_227] : memref<40x250xi32, #tpu.memory_space<vmem>> -> memref<1x250xi32, #tpu.memory_space<vmem>>
          %dma_start3A_229 = tpu.memref_squeeze %dma_start3A_228 : memref<1x250xi32, #tpu.memory_space<vmem>> -> memref<250xi32, #tpu.memory_space<vmem>>
          %dma_start3A_230 = arith.constant 0 : i32
          %dma_start3A_231 = arith.constant 0 : i32
          %dma_start3A_232 = tpu.memref_slice %arg2[%dma_start3A_230, %dma_start3A_231] : memref<10000x32xf32, #tpu.memory_space<hbm>> -> memref<10000x32xf32, #tpu.memory_space<hbm>>
          tpu.enqueue_indirect_dma source(%dma_start3A_232 : memref<10000x32xf32, #tpu.memory_space<hbm>>) target(%arg8 : memref<250x32xf32, #tpu.memory_space<vmem>>) offsets(%dma_start3A_229 : memref<250xi32, #tpu.memory_space<vmem>>) semaphore(%arg13 : memref<!tpu.dma_semaphore, #tpu.memory_space<semaphore_mem>>)
        } else {
        }
        %mul3A_198 = arith.constant 4 : i32
        %mul3A_199 = arith.muli %mul3A_198, %scan3A_129 : i32
        %add3A_200 = arith.constant 3 : i32
        %add3A_201 = arith.addi %mul3A_199, %add3A_200 : i32
        %dma_wait3A_202 = arith.constant 0 : i32
        %dma_wait3A_203 = tpu.memref_slice %arg6[%add3A_201, %dma_wait3A_202] : memref<40x250xi32, #tpu.memory_space<vmem>> -> memref<1x250xi32, #tpu.memory_space<vmem>>
        %dma_wait3A_204 = tpu.memref_squeeze %dma_wait3A_203 : memref<1x250xi32, #tpu.memory_space<vmem>> -> memref<250xi32, #tpu.memory_space<vmem>>
        %dma_wait3A_205 = arith.constant 0 : i32
        %dma_wait3A_206 = arith.constant 0 : i32
        %dma_wait3A_207 = tpu.memref_slice %arg2[%dma_wait3A_205, %dma_wait3A_206] : memref<10000x32xf32, #tpu.memory_space<hbm>> -> memref<10000x32xf32, #tpu.memory_space<hbm>>
        tpu.wait_indirect_dma semaphore(%arg16 : memref<!tpu.dma_semaphore, #tpu.memory_space<semaphore_mem>>) src(%dma_wait3A_207 : memref<10000x32xf32, #tpu.memory_space<hbm>>) dst(%arg11 : memref<250x32xf32, #tpu.memory_space<vmem>>)
        %dma_start3A_208 = arith.constant 0 : i32
        %dma_start3A_209 = tpu.memref_slice %arg7[%add3A_201, %dma_start3A_208] : memref<40x250xi32, #tpu.memory_space<vmem>> -> memref<1x250xi32, #tpu.memory_space<vmem>>
        %dma_start3A_210 = tpu.memref_squeeze %dma_start3A_209 : memref<1x250xi32, #tpu.memory_space<vmem>> -> memref<250xi32, #tpu.memory_space<vmem>>
        %dma_start3A_211 = arith.constant 0 : i32
        %dma_start3A_212 = arith.constant 0 : i32
        %dma_start3A_213 = tpu.memref_slice %arg12[%dma_start3A_211, %dma_start3A_212] : memref<10000x32xf32, #tpu.memory_space<vmem_shared>> -> memref<10000x32xf32, #tpu.memory_space<vmem_shared>>
        tpu.enqueue_indirect_dma source(%arg11 : memref<250x32xf32, #tpu.memory_space<vmem>>) target(%dma_start3A_213 : memref<10000x32xf32, #tpu.memory_space<vmem_shared>>) offsets(%dma_start3A_210 : memref<250xi32, #tpu.memory_space<vmem>>) semaphore(%arg20 : memref<!tpu.dma_semaphore, #tpu.memory_space<semaphore_mem>>) {add = true}
        %add3A_214 = arith.constant 2 : i32
        %add3A_215 = arith.addi %add3A_201, %add3A_214 : i32
        %lt3A_216 = arith.constant 40 : i32
        %lt3A_217 = arith.cmpi slt, %add3A_215, %lt3A_216 : i32
        %convert_element_type3A_218 = arith.extui %lt3A_217 : i1 to i32
        %cond3A_219 = arith.constant 0 : i32
        %cond3A_220 = arith.cmpi ne, %convert_element_type3A_218, %cond3A_219 : i32
        scf.if %cond3A_220 {
          %ge3A = arith.constant 2 : i32
          %ge3A_221 = arith.cmpi sge, %add3A_201, %ge3A : i32
          %convert_element_type3A_222 = arith.extui %ge3A_221 : i1 to i32
          %cond3A_223 = arith.constant 0 : i32
          %cond3A_224 = arith.cmpi ne, %convert_element_type3A_222, %cond3A_223 : i32
          scf.if %cond3A_224 {
            %sub3A = arith.constant 2 : i32
            %sub3A_233 = arith.subi %add3A_201, %sub3A : i32
            %dma_wait3A_234 = arith.constant 0 : i32
            %dma_wait3A_235 = tpu.memref_slice %arg7[%sub3A_233, %dma_wait3A_234] : memref<40x250xi32, #tpu.memory_space<vmem>> -> memref<1x250xi32, #tpu.memory_space<vmem>>
            %dma_wait3A_236 = tpu.memref_squeeze %dma_wait3A_235 : memref<1x250xi32, #tpu.memory_space<vmem>> -> memref<250xi32, #tpu.memory_space<vmem>>
            %dma_wait3A_237 = arith.constant 0 : i32
            %dma_wait3A_238 = arith.constant 0 : i32
            %dma_wait3A_239 = tpu.memref_slice %arg12[%dma_wait3A_237, %dma_wait3A_238] : memref<10000x32xf32, #tpu.memory_space<vmem_shared>> -> memref<10000x32xf32, #tpu.memory_space<vmem_shared>>
            tpu.wait_indirect_dma semaphore(%arg18 : memref<!tpu.dma_semaphore, #tpu.memory_space<semaphore_mem>>) src(%arg9 : memref<250x32xf32, #tpu.memory_space<vmem>>) dst(%dma_wait3A_239 : memref<10000x32xf32, #tpu.memory_space<vmem_shared>>)
          } else {
          }
          %add3A_225 = arith.constant 2 : i32
          %add3A_226 = arith.addi %add3A_201, %add3A_225 : i32
          %dma_start3A_227 = arith.constant 0 : i32
          %dma_start3A_228 = tpu.memref_slice %arg6[%add3A_226, %dma_start3A_227] : memref<40x250xi32, #tpu.memory_space<vmem>> -> memref<1x250xi32, #tpu.memory_space<vmem>>
          %dma_start3A_229 = tpu.memref_squeeze %dma_start3A_228 : memref<1x250xi32, #tpu.memory_space<vmem>> -> memref<250xi32, #tpu.memory_space<vmem>>
          %dma_start3A_230 = arith.constant 0 : i32
          %dma_start3A_231 = arith.constant 0 : i32
          %dma_start3A_232 = tpu.memref_slice %arg2[%dma_start3A_230, %dma_start3A_231] : memref<10000x32xf32, #tpu.memory_space<hbm>> -> memref<10000x32xf32, #tpu.memory_space<hbm>>
          tpu.enqueue_indirect_dma source(%dma_start3A_232 : memref<10000x32xf32, #tpu.memory_space<hbm>>) target(%arg9 : memref<250x32xf32, #tpu.memory_space<vmem>>) offsets(%dma_start3A_229 : memref<250xi32, #tpu.memory_space<vmem>>) semaphore(%arg14 : memref<!tpu.dma_semaphore, #tpu.memory_space<semaphore_mem>>)
        } else {
        }
      }
      %scan3A_101 = arith.constant 10 : i32
      %dma_wait3A = arith.constant 36 : i32
      %dma_wait3A_102 = arith.constant 0 : i32
      %dma_wait3A_103 = tpu.memref_slice %arg7[%dma_wait3A, %dma_wait3A_102] : memref<40x250xi32, #tpu.memory_space<vmem>> -> memref<1x250xi32, #tpu.memory_space<vmem>>
      %dma_wait3A_104 = tpu.memref_squeeze %dma_wait3A_103 : memref<1x250xi32, #tpu.memory_space<vmem>> -> memref<250xi32, #tpu.memory_space<vmem>>
      %dma_wait3A_105 = arith.constant 0 : i32
      %dma_wait3A_106 = arith.constant 0 : i32
      %dma_wait3A_107 = tpu.memref_slice %arg12[%dma_wait3A_105, %dma_wait3A_106] : memref<10000x32xf32, #tpu.memory_space<vmem_shared>> -> memref<10000x32xf32, #tpu.memory_space<vmem_shared>>
      tpu.wait_indirect_dma semaphore(%arg17 : memref<!tpu.dma_semaphore, #tpu.memory_space<semaphore_mem>>) src(%arg8 : memref<250x32xf32, #tpu.memory_space<vmem>>) dst(%dma_wait3A_107 : memref<10000x32xf32, #tpu.memory_space<vmem_shared>>)
      %dma_wait3A_108 = arith.constant 37 : i32
      %dma_wait3A_109 = arith.constant 0 : i32
      %dma_wait3A_110 = tpu.memref_slice %arg7[%dma_wait3A_108, %dma_wait3A_109] : memref<40x250xi32, #tpu.memory_space<vmem>> -> memref<1x250xi32, #tpu.memory_space<vmem>>
      %dma_wait3A_111 = tpu.memref_squeeze %dma_wait3A_110 : memref<1x250xi32, #tpu.memory_space<vmem>> -> memref<250xi32, #tpu.memory_space<vmem>>
      %dma_wait3A_112 = arith.constant 0 : i32
      %dma_wait3A_113 = arith.constant 0 : i32
      %dma_wait3A_114 = tpu.memref_slice %arg12[%dma_wait3A_112, %dma_wait3A_113] : memref<10000x32xf32, #tpu.memory_space<vmem_shared>> -> memref<10000x32xf32, #tpu.memory_space<vmem_shared>>
      tpu.wait_indirect_dma semaphore(%arg18 : memref<!tpu.dma_semaphore, #tpu.memory_space<semaphore_mem>>) src(%arg9 : memref<250x32xf32, #tpu.memory_space<vmem>>) dst(%dma_wait3A_114 : memref<10000x32xf32, #tpu.memory_space<vmem_shared>>)
      %dma_wait3A_115 = arith.constant 38 : i32
      %dma_wait3A_116 = arith.constant 0 : i32
      %dma_wait3A_117 = tpu.memref_slice %arg7[%dma_wait3A_115, %dma_wait3A_116] : memref<40x250xi32, #tpu.memory_space<vmem>> -> memref<1x250xi32, #tpu.memory_space<vmem>>
      %dma_wait3A_118 = tpu.memref_squeeze %dma_wait3A_117 : memref<1x250xi32, #tpu.memory_space<vmem>> -> memref<250xi32, #tpu.memory_space<vmem>>
      %dma_wait3A_119 = arith.constant 0 : i32
      %dma_wait3A_120 = arith.constant 0 : i32
      %dma_wait3A_121 = tpu.memref_slice %arg12[%dma_wait3A_119, %dma_wait3A_120] : memref<10000x32xf32, #tpu.memory_space<vmem_shared>> -> memref<10000x32xf32, #tpu.memory_space<vmem_shared>>
      tpu.wait_indirect_dma semaphore(%arg19 : memref<!tpu.dma_semaphore, #tpu.memory_space<semaphore_mem>>) src(%arg10 : memref<250x32xf32, #tpu.memory_space<vmem>>) dst(%dma_wait3A_121 : memref<10000x32xf32, #tpu.memory_space<vmem_shared>>)
      %dma_wait3A_122 = arith.constant 39 : i32
      %dma_wait3A_123 = arith.constant 0 : i32
      %dma_wait3A_124 = tpu.memref_slice %arg7[%dma_wait3A_122, %dma_wait3A_123] : memref<40x250xi32, #tpu.memory_space<vmem>> -> memref<1x250xi32, #tpu.memory_space<vmem>>
      %dma_wait3A_125 = tpu.memref_squeeze %dma_wait3A_124 : memref<1x250xi32, #tpu.memory_space<vmem>> -> memref<250xi32, #tpu.memory_space<vmem>>
      %dma_wait3A_126 = arith.constant 0 : i32
      %dma_wait3A_127 = arith.constant 0 : i32
      %dma_wait3A_128 = tpu.memref_slice %arg12[%dma_wait3A_126, %dma_wait3A_127] : memref<10000x32xf32, #tpu.memory_space<vmem_shared>> -> memref<10000x32xf32, #tpu.memory_space<vmem_shared>>
      tpu.wait_indirect_dma semaphore(%arg20 : memref<!tpu.dma_semaphore, #tpu.memory_space<semaphore_mem>>) src(%arg11 : memref<250x32xf32, #tpu.memory_space<vmem>>) dst(%dma_wait3A_128 : memref<10000x32xf32, #tpu.memory_space<vmem_shared>>)
    } else {
    }
    %eq3A_36 = arith.constant 1 : i32
    %eq3A_37 = arith.cmpi eq, %arg0, %eq3A_36 : i32
    %convert_element_type3A_38 = arith.extui %eq3A_37 : i1 to i32
    %cond3A_39 = arith.constant 0 : i32
    %cond3A_40 = arith.cmpi ne, %convert_element_type3A_38, %cond3A_39 : i32
    scf.if %cond3A_40 {
      %dma_start3A = arith.constant 0 : i32
      %dma_start3A_83 = arith.constant 0 : i32
      %dma_start3A_84 = tpu.memref_slice %arg6[%dma_start3A, %dma_start3A_83] : memref<40x250xi32, #tpu.memory_space<vmem>> -> memref<1x250xi32, #tpu.memory_space<vmem>>
      %dma_start3A_85 = tpu.memref_squeeze %dma_start3A_84 : memref<1x250xi32, #tpu.memory_space<vmem>> -> memref<250xi32, #tpu.memory_space<vmem>>
      %dma_start3A_86 = arith.constant 0 : i32
      %dma_start3A_87 = arith.constant 0 : i32
      %dma_start3A_88 = tpu.memref_slice %arg3[%dma_start3A_86, %dma_start3A_87] : memref<10000x32xf32, #tpu.memory_space<hbm>> -> memref<10000x32xf32, #tpu.memory_space<hbm>>
      tpu.enqueue_indirect_dma source(%dma_start3A_88 : memref<10000x32xf32, #tpu.memory_space<hbm>>) target(%arg8 : memref<250x32xf32, #tpu.memory_space<vmem>>) offsets(%dma_start3A_85 : memref<250xi32, #tpu.memory_space<vmem>>) semaphore(%arg13 : memref<!tpu.dma_semaphore, #tpu.memory_space<semaphore_mem>>)
      %dma_start3A_89 = arith.constant 1 : i32
      %dma_start3A_90 = arith.constant 0 : i32
      %dma_start3A_91 = tpu.memref_slice %arg6[%dma_start3A_89, %dma_start3A_90] : memref<40x250xi32, #tpu.memory_space<vmem>> -> memref<1x250xi32, #tpu.memory_space<vmem>>
      %dma_start3A_92 = tpu.memref_squeeze %dma_start3A_91 : memref<1x250xi32, #tpu.memory_space<vmem>> -> memref<250xi32, #tpu.memory_space<vmem>>
      %dma_start3A_93 = arith.constant 0 : i32
      %dma_start3A_94 = arith.constant 0 : i32
      %dma_start3A_95 = tpu.memref_slice %arg3[%dma_start3A_93, %dma_start3A_94] : memref<10000x32xf32, #tpu.memory_space<hbm>> -> memref<10000x32xf32, #tpu.memory_space<hbm>>
      tpu.enqueue_indirect_dma source(%dma_start3A_95 : memref<10000x32xf32, #tpu.memory_space<hbm>>) target(%arg9 : memref<250x32xf32, #tpu.memory_space<vmem>>) offsets(%dma_start3A_92 : memref<250xi32, #tpu.memory_space<vmem>>) semaphore(%arg14 : memref<!tpu.dma_semaphore, #tpu.memory_space<semaphore_mem>>)
      %scan3A_96 = arith.constant 0 : i32
      %scan3A_97 = arith.constant 0 : i32
      %scan3A_98 = arith.constant 10 : i32
      %scan3A_99 = arith.addi %scan3A_97, %scan3A_98 : i32
      %scan3A_100 = arith.constant 1 : i32
      scf.for %scan3A_129 = %scan3A_97 to %scan3A_99 step %scan3A_100  : i32 {
        %mul3A_130 = arith.constant 4 : i32
        %mul3A_131 = arith.muli %mul3A_130, %scan3A_129 : i32
        %add3A_132 = arith.constant 0 : i32
        %add3A_133 = arith.addi %mul3A_131, %add3A_132 : i32
        %dma_wait3A_134 = arith.constant 0 : i32
        %dma_wait3A_135 = tpu.memref_slice %arg6[%add3A_133, %dma_wait3A_134] : memref<40x250xi32, #tpu.memory_space<vmem>> -> memref<1x250xi32, #tpu.memory_space<vmem>>
        %dma_wait3A_136 = tpu.memref_squeeze %dma_wait3A_135 : memref<1x250xi32, #tpu.memory_space<vmem>> -> memref<250xi32, #tpu.memory_space<vmem>>
        %dma_wait3A_137 = arith.constant 0 : i32
        %dma_wait3A_138 = arith.constant 0 : i32
        %dma_wait3A_139 = tpu.memref_slice %arg3[%dma_wait3A_137, %dma_wait3A_138] : memref<10000x32xf32, #tpu.memory_space<hbm>> -> memref<10000x32xf32, #tpu.memory_space<hbm>>
        tpu.wait_indirect_dma semaphore(%arg13 : memref<!tpu.dma_semaphore, #tpu.memory_space<semaphore_mem>>) src(%dma_wait3A_139 : memref<10000x32xf32, #tpu.memory_space<hbm>>) dst(%arg8 : memref<250x32xf32, #tpu.memory_space<vmem>>)
        %dma_start3A_140 = arith.constant 0 : i32
        %dma_start3A_141 = tpu.memref_slice %arg7[%add3A_133, %dma_start3A_140] : memref<40x250xi32, #tpu.memory_space<vmem>> -> memref<1x250xi32, #tpu.memory_space<vmem>>
        %dma_start3A_142 = tpu.memref_squeeze %dma_start3A_141 : memref<1x250xi32, #tpu.memory_space<vmem>> -> memref<250xi32, #tpu.memory_space<vmem>>
        %dma_start3A_143 = arith.constant 0 : i32
        %dma_start3A_144 = arith.constant 0 : i32
        %dma_start3A_145 = tpu.memref_slice %arg12[%dma_start3A_143, %dma_start3A_144] : memref<10000x32xf32, #tpu.memory_space<vmem_shared>> -> memref<10000x32xf32, #tpu.memory_space<vmem_shared>>
        tpu.enqueue_indirect_dma source(%arg8 : memref<250x32xf32, #tpu.memory_space<vmem>>) target(%dma_start3A_145 : memref<10000x32xf32, #tpu.memory_space<vmem_shared>>) offsets(%dma_start3A_142 : memref<250xi32, #tpu.memory_space<vmem>>) semaphore(%arg17 : memref<!tpu.dma_semaphore, #tpu.memory_space<semaphore_mem>>) {add = true}
        %add3A_146 = arith.constant 2 : i32
        %add3A_147 = arith.addi %add3A_133, %add3A_146 : i32
        %lt3A = arith.constant 40 : i32
        %lt3A_148 = arith.cmpi slt, %add3A_147, %lt3A : i32
        %convert_element_type3A_149 = arith.extui %lt3A_148 : i1 to i32
        %cond3A_150 = arith.constant 0 : i32
        %cond3A_151 = arith.cmpi ne, %convert_element_type3A_149, %cond3A_150 : i32
        scf.if %cond3A_151 {
          %ge3A = arith.constant 2 : i32
          %ge3A_221 = arith.cmpi sge, %add3A_133, %ge3A : i32
          %convert_element_type3A_222 = arith.extui %ge3A_221 : i1 to i32
          %cond3A_223 = arith.constant 0 : i32
          %cond3A_224 = arith.cmpi ne, %convert_element_type3A_222, %cond3A_223 : i32
          scf.if %cond3A_224 {
            %sub3A = arith.constant 2 : i32
            %sub3A_233 = arith.subi %add3A_133, %sub3A : i32
            %dma_wait3A_234 = arith.constant 0 : i32
            %dma_wait3A_235 = tpu.memref_slice %arg7[%sub3A_233, %dma_wait3A_234] : memref<40x250xi32, #tpu.memory_space<vmem>> -> memref<1x250xi32, #tpu.memory_space<vmem>>
            %dma_wait3A_236 = tpu.memref_squeeze %dma_wait3A_235 : memref<1x250xi32, #tpu.memory_space<vmem>> -> memref<250xi32, #tpu.memory_space<vmem>>
            %dma_wait3A_237 = arith.constant 0 : i32
            %dma_wait3A_238 = arith.constant 0 : i32
            %dma_wait3A_239 = tpu.memref_slice %arg12[%dma_wait3A_237, %dma_wait3A_238] : memref<10000x32xf32, #tpu.memory_space<vmem_shared>> -> memref<10000x32xf32, #tpu.memory_space<vmem_shared>>
            tpu.wait_indirect_dma semaphore(%arg19 : memref<!tpu.dma_semaphore, #tpu.memory_space<semaphore_mem>>) src(%arg10 : memref<250x32xf32, #tpu.memory_space<vmem>>) dst(%dma_wait3A_239 : memref<10000x32xf32, #tpu.memory_space<vmem_shared>>)
          } else {
          }
          %add3A_225 = arith.constant 2 : i32
          %add3A_226 = arith.addi %add3A_133, %add3A_225 : i32
          %dma_start3A_227 = arith.constant 0 : i32
          %dma_start3A_228 = tpu.memref_slice %arg6[%add3A_226, %dma_start3A_227] : memref<40x250xi32, #tpu.memory_space<vmem>> -> memref<1x250xi32, #tpu.memory_space<vmem>>
          %dma_start3A_229 = tpu.memref_squeeze %dma_start3A_228 : memref<1x250xi32, #tpu.memory_space<vmem>> -> memref<250xi32, #tpu.memory_space<vmem>>
          %dma_start3A_230 = arith.constant 0 : i32
          %dma_start3A_231 = arith.constant 0 : i32
          %dma_start3A_232 = tpu.memref_slice %arg3[%dma_start3A_230, %dma_start3A_231] : memref<10000x32xf32, #tpu.memory_space<hbm>> -> memref<10000x32xf32, #tpu.memory_space<hbm>>
          tpu.enqueue_indirect_dma source(%dma_start3A_232 : memref<10000x32xf32, #tpu.memory_space<hbm>>) target(%arg10 : memref<250x32xf32, #tpu.memory_space<vmem>>) offsets(%dma_start3A_229 : memref<250xi32, #tpu.memory_space<vmem>>) semaphore(%arg15 : memref<!tpu.dma_semaphore, #tpu.memory_space<semaphore_mem>>)
        } else {
        }
        %mul3A_152 = arith.constant 4 : i32
        %mul3A_153 = arith.muli %mul3A_152, %scan3A_129 : i32
        %add3A_154 = arith.constant 1 : i32
        %add3A_155 = arith.addi %mul3A_153, %add3A_154 : i32
        %dma_wait3A_156 = arith.constant 0 : i32
        %dma_wait3A_157 = tpu.memref_slice %arg6[%add3A_155, %dma_wait3A_156] : memref<40x250xi32, #tpu.memory_space<vmem>> -> memref<1x250xi32, #tpu.memory_space<vmem>>
        %dma_wait3A_158 = tpu.memref_squeeze %dma_wait3A_157 : memref<1x250xi32, #tpu.memory_space<vmem>> -> memref<250xi32, #tpu.memory_space<vmem>>
        %dma_wait3A_159 = arith.constant 0 : i32
        %dma_wait3A_160 = arith.constant 0 : i32
        %dma_wait3A_161 = tpu.memref_slice %arg3[%dma_wait3A_159, %dma_wait3A_160] : memref<10000x32xf32, #tpu.memory_space<hbm>> -> memref<10000x32xf32, #tpu.memory_space<hbm>>
        tpu.wait_indirect_dma semaphore(%arg14 : memref<!tpu.dma_semaphore, #tpu.memory_space<semaphore_mem>>) src(%dma_wait3A_161 : memref<10000x32xf32, #tpu.memory_space<hbm>>) dst(%arg9 : memref<250x32xf32, #tpu.memory_space<vmem>>)
        %dma_start3A_162 = arith.constant 0 : i32
        %dma_start3A_163 = tpu.memref_slice %arg7[%add3A_155, %dma_start3A_162] : memref<40x250xi32, #tpu.memory_space<vmem>> -> memref<1x250xi32, #tpu.memory_space<vmem>>
        %dma_start3A_164 = tpu.memref_squeeze %dma_start3A_163 : memref<1x250xi32, #tpu.memory_space<vmem>> -> memref<250xi32, #tpu.memory_space<vmem>>
        %dma_start3A_165 = arith.constant 0 : i32
        %dma_start3A_166 = arith.constant 0 : i32
        %dma_start3A_167 = tpu.memref_slice %arg12[%dma_start3A_165, %dma_start3A_166] : memref<10000x32xf32, #tpu.memory_space<vmem_shared>> -> memref<10000x32xf32, #tpu.memory_space<vmem_shared>>
        tpu.enqueue_indirect_dma source(%arg9 : memref<250x32xf32, #tpu.memory_space<vmem>>) target(%dma_start3A_167 : memref<10000x32xf32, #tpu.memory_space<vmem_shared>>) offsets(%dma_start3A_164 : memref<250xi32, #tpu.memory_space<vmem>>) semaphore(%arg18 : memref<!tpu.dma_semaphore, #tpu.memory_space<semaphore_mem>>) {add = true}
        %add3A_168 = arith.constant 2 : i32
        %add3A_169 = arith.addi %add3A_155, %add3A_168 : i32
        %lt3A_170 = arith.constant 40 : i32
        %lt3A_171 = arith.cmpi slt, %add3A_169, %lt3A_170 : i32
        %convert_element_type3A_172 = arith.extui %lt3A_171 : i1 to i32
        %cond3A_173 = arith.constant 0 : i32
        %cond3A_174 = arith.cmpi ne, %convert_element_type3A_172, %cond3A_173 : i32
        scf.if %cond3A_174 {
          %ge3A = arith.constant 2 : i32
          %ge3A_221 = arith.cmpi sge, %add3A_155, %ge3A : i32
          %convert_element_type3A_222 = arith.extui %ge3A_221 : i1 to i32
          %cond3A_223 = arith.constant 0 : i32
          %cond3A_224 = arith.cmpi ne, %convert_element_type3A_222, %cond3A_223 : i32
          scf.if %cond3A_224 {
            %sub3A = arith.constant 2 : i32
            %sub3A_233 = arith.subi %add3A_155, %sub3A : i32
            %dma_wait3A_234 = arith.constant 0 : i32
            %dma_wait3A_235 = tpu.memref_slice %arg7[%sub3A_233, %dma_wait3A_234] : memref<40x250xi32, #tpu.memory_space<vmem>> -> memref<1x250xi32, #tpu.memory_space<vmem>>
            %dma_wait3A_236 = tpu.memref_squeeze %dma_wait3A_235 : memref<1x250xi32, #tpu.memory_space<vmem>> -> memref<250xi32, #tpu.memory_space<vmem>>
            %dma_wait3A_237 = arith.constant 0 : i32
            %dma_wait3A_238 = arith.constant 0 : i32
            %dma_wait3A_239 = tpu.memref_slice %arg12[%dma_wait3A_237, %dma_wait3A_238] : memref<10000x32xf32, #tpu.memory_space<vmem_shared>> -> memref<10000x32xf32, #tpu.memory_space<vmem_shared>>
            tpu.wait_indirect_dma semaphore(%arg20 : memref<!tpu.dma_semaphore, #tpu.memory_space<semaphore_mem>>) src(%arg11 : memref<250x32xf32, #tpu.memory_space<vmem>>) dst(%dma_wait3A_239 : memref<10000x32xf32, #tpu.memory_space<vmem_shared>>)
          } else {
          }
          %add3A_225 = arith.constant 2 : i32
          %add3A_226 = arith.addi %add3A_155, %add3A_225 : i32
          %dma_start3A_227 = arith.constant 0 : i32
          %dma_start3A_228 = tpu.memref_slice %arg6[%add3A_226, %dma_start3A_227] : memref<40x250xi32, #tpu.memory_space<vmem>> -> memref<1x250xi32, #tpu.memory_space<vmem>>
          %dma_start3A_229 = tpu.memref_squeeze %dma_start3A_228 : memref<1x250xi32, #tpu.memory_space<vmem>> -> memref<250xi32, #tpu.memory_space<vmem>>
          %dma_start3A_230 = arith.constant 0 : i32
          %dma_start3A_231 = arith.constant 0 : i32
          %dma_start3A_232 = tpu.memref_slice %arg3[%dma_start3A_230, %dma_start3A_231] : memref<10000x32xf32, #tpu.memory_space<hbm>> -> memref<10000x32xf32, #tpu.memory_space<hbm>>
          tpu.enqueue_indirect_dma source(%dma_start3A_232 : memref<10000x32xf32, #tpu.memory_space<hbm>>) target(%arg11 : memref<250x32xf32, #tpu.memory_space<vmem>>) offsets(%dma_start3A_229 : memref<250xi32, #tpu.memory_space<vmem>>) semaphore(%arg16 : memref<!tpu.dma_semaphore, #tpu.memory_space<semaphore_mem>>)
        } else {
        }
        %mul3A_175 = arith.constant 4 : i32
        %mul3A_176 = arith.muli %mul3A_175, %scan3A_129 : i32
        %add3A_177 = arith.constant 2 : i32
        %add3A_178 = arith.addi %mul3A_176, %add3A_177 : i32
        %dma_wait3A_179 = arith.constant 0 : i32
        %dma_wait3A_180 = tpu.memref_slice %arg6[%add3A_178, %dma_wait3A_179] : memref<40x250xi32, #tpu.memory_space<vmem>> -> memref<1x250xi32, #tpu.memory_space<vmem>>
        %dma_wait3A_181 = tpu.memref_squeeze %dma_wait3A_180 : memref<1x250xi32, #tpu.memory_space<vmem>> -> memref<250xi32, #tpu.memory_space<vmem>>
        %dma_wait3A_182 = arith.constant 0 : i32
        %dma_wait3A_183 = arith.constant 0 : i32
        %dma_wait3A_184 = tpu.memref_slice %arg3[%dma_wait3A_182, %dma_wait3A_183] : memref<10000x32xf32, #tpu.memory_space<hbm>> -> memref<10000x32xf32, #tpu.memory_space<hbm>>
        tpu.wait_indirect_dma semaphore(%arg15 : memref<!tpu.dma_semaphore, #tpu.memory_space<semaphore_mem>>) src(%dma_wait3A_184 : memref<10000x32xf32, #tpu.memory_space<hbm>>) dst(%arg10 : memref<250x32xf32, #tpu.memory_space<vmem>>)
        %dma_start3A_185 = arith.constant 0 : i32
        %dma_start3A_186 = tpu.memref_slice %arg7[%add3A_178, %dma_start3A_185] : memref<40x250xi32, #tpu.memory_space<vmem>> -> memref<1x250xi32, #tpu.memory_space<vmem>>
        %dma_start3A_187 = tpu.memref_squeeze %dma_start3A_186 : memref<1x250xi32, #tpu.memory_space<vmem>> -> memref<250xi32, #tpu.memory_space<vmem>>
        %dma_start3A_188 = arith.constant 0 : i32
        %dma_start3A_189 = arith.constant 0 : i32
        %dma_start3A_190 = tpu.memref_slice %arg12[%dma_start3A_188, %dma_start3A_189] : memref<10000x32xf32, #tpu.memory_space<vmem_shared>> -> memref<10000x32xf32, #tpu.memory_space<vmem_shared>>
        tpu.enqueue_indirect_dma source(%arg10 : memref<250x32xf32, #tpu.memory_space<vmem>>) target(%dma_start3A_190 : memref<10000x32xf32, #tpu.memory_space<vmem_shared>>) offsets(%dma_start3A_187 : memref<250xi32, #tpu.memory_space<vmem>>) semaphore(%arg19 : memref<!tpu.dma_semaphore, #tpu.memory_space<semaphore_mem>>) {add = true}
        %add3A_191 = arith.constant 2 : i32
        %add3A_192 = arith.addi %add3A_178, %add3A_191 : i32
        %lt3A_193 = arith.constant 40 : i32
        %lt3A_194 = arith.cmpi slt, %add3A_192, %lt3A_193 : i32
        %convert_element_type3A_195 = arith.extui %lt3A_194 : i1 to i32
        %cond3A_196 = arith.constant 0 : i32
        %cond3A_197 = arith.cmpi ne, %convert_element_type3A_195, %cond3A_196 : i32
        scf.if %cond3A_197 {
          %ge3A = arith.constant 2 : i32
          %ge3A_221 = arith.cmpi sge, %add3A_178, %ge3A : i32
          %convert_element_type3A_222 = arith.extui %ge3A_221 : i1 to i32
          %cond3A_223 = arith.constant 0 : i32
          %cond3A_224 = arith.cmpi ne, %convert_element_type3A_222, %cond3A_223 : i32
          scf.if %cond3A_224 {
            %sub3A = arith.constant 2 : i32
            %sub3A_233 = arith.subi %add3A_178, %sub3A : i32
            %dma_wait3A_234 = arith.constant 0 : i32
            %dma_wait3A_235 = tpu.memref_slice %arg7[%sub3A_233, %dma_wait3A_234] : memref<40x250xi32, #tpu.memory_space<vmem>> -> memref<1x250xi32, #tpu.memory_space<vmem>>
            %dma_wait3A_236 = tpu.memref_squeeze %dma_wait3A_235 : memref<1x250xi32, #tpu.memory_space<vmem>> -> memref<250xi32, #tpu.memory_space<vmem>>
            %dma_wait3A_237 = arith.constant 0 : i32
            %dma_wait3A_238 = arith.constant 0 : i32
            %dma_wait3A_239 = tpu.memref_slice %arg12[%dma_wait3A_237, %dma_wait3A_238] : memref<10000x32xf32, #tpu.memory_space<vmem_shared>> -> memref<10000x32xf32, #tpu.memory_space<vmem_shared>>
            tpu.wait_indirect_dma semaphore(%arg17 : memref<!tpu.dma_semaphore, #tpu.memory_space<semaphore_mem>>) src(%arg8 : memref<250x32xf32, #tpu.memory_space<vmem>>) dst(%dma_wait3A_239 : memref<10000x32xf32, #tpu.memory_space<vmem_shared>>)
          } else {
          }
          %add3A_225 = arith.constant 2 : i32
          %add3A_226 = arith.addi %add3A_178, %add3A_225 : i32
          %dma_start3A_227 = arith.constant 0 : i32
          %dma_start3A_228 = tpu.memref_slice %arg6[%add3A_226, %dma_start3A_227] : memref<40x250xi32, #tpu.memory_space<vmem>> -> memref<1x250xi32, #tpu.memory_space<vmem>>
          %dma_start3A_229 = tpu.memref_squeeze %dma_start3A_228 : memref<1x250xi32, #tpu.memory_space<vmem>> -> memref<250xi32, #tpu.memory_space<vmem>>
          %dma_start3A_230 = arith.constant 0 : i32
          %dma_start3A_231 = arith.constant 0 : i32
          %dma_start3A_232 = tpu.memref_slice %arg3[%dma_start3A_230, %dma_start3A_231] : memref<10000x32xf32, #tpu.memory_space<hbm>> -> memref<10000x32xf32, #tpu.memory_space<hbm>>
          tpu.enqueue_indirect_dma source(%dma_start3A_232 : memref<10000x32xf32, #tpu.memory_space<hbm>>) target(%arg8 : memref<250x32xf32, #tpu.memory_space<vmem>>) offsets(%dma_start3A_229 : memref<250xi32, #tpu.memory_space<vmem>>) semaphore(%arg13 : memref<!tpu.dma_semaphore, #tpu.memory_space<semaphore_mem>>)
        } else {
        }
        %mul3A_198 = arith.constant 4 : i32
        %mul3A_199 = arith.muli %mul3A_198, %scan3A_129 : i32
        %add3A_200 = arith.constant 3 : i32
        %add3A_201 = arith.addi %mul3A_199, %add3A_200 : i32
        %dma_wait3A_202 = arith.constant 0 : i32
        %dma_wait3A_203 = tpu.memref_slice %arg6[%add3A_201, %dma_wait3A_202] : memref<40x250xi32, #tpu.memory_space<vmem>> -> memref<1x250xi32, #tpu.memory_space<vmem>>
        %dma_wait3A_204 = tpu.memref_squeeze %dma_wait3A_203 : memref<1x250xi32, #tpu.memory_space<vmem>> -> memref<250xi32, #tpu.memory_space<vmem>>
        %dma_wait3A_205 = arith.constant 0 : i32
        %dma_wait3A_206 = arith.constant 0 : i32
        %dma_wait3A_207 = tpu.memref_slice %arg3[%dma_wait3A_205, %dma_wait3A_206] : memref<10000x32xf32, #tpu.memory_space<hbm>> -> memref<10000x32xf32, #tpu.memory_space<hbm>>
        tpu.wait_indirect_dma semaphore(%arg16 : memref<!tpu.dma_semaphore, #tpu.memory_space<semaphore_mem>>) src(%dma_wait3A_207 : memref<10000x32xf32, #tpu.memory_space<hbm>>) dst(%arg11 : memref<250x32xf32, #tpu.memory_space<vmem>>)
        %dma_start3A_208 = arith.constant 0 : i32
        %dma_start3A_209 = tpu.memref_slice %arg7[%add3A_201, %dma_start3A_208] : memref<40x250xi32, #tpu.memory_space<vmem>> -> memref<1x250xi32, #tpu.memory_space<vmem>>
        %dma_start3A_210 = tpu.memref_squeeze %dma_start3A_209 : memref<1x250xi32, #tpu.memory_space<vmem>> -> memref<250xi32, #tpu.memory_space<vmem>>
        %dma_start3A_211 = arith.constant 0 : i32
        %dma_start3A_212 = arith.constant 0 : i32
        %dma_start3A_213 = tpu.memref_slice %arg12[%dma_start3A_211, %dma_start3A_212] : memref<10000x32xf32, #tpu.memory_space<vmem_shared>> -> memref<10000x32xf32, #tpu.memory_space<vmem_shared>>
        tpu.enqueue_indirect_dma source(%arg11 : memref<250x32xf32, #tpu.memory_space<vmem>>) target(%dma_start3A_213 : memref<10000x32xf32, #tpu.memory_space<vmem_shared>>) offsets(%dma_start3A_210 : memref<250xi32, #tpu.memory_space<vmem>>) semaphore(%arg20 : memref<!tpu.dma_semaphore, #tpu.memory_space<semaphore_mem>>) {add = true}
        %add3A_214 = arith.constant 2 : i32
        %add3A_215 = arith.addi %add3A_201, %add3A_214 : i32
        %lt3A_216 = arith.constant 40 : i32
        %lt3A_217 = arith.cmpi slt, %add3A_215, %lt3A_216 : i32
        %convert_element_type3A_218 = arith.extui %lt3A_217 : i1 to i32
        %cond3A_219 = arith.constant 0 : i32
        %cond3A_220 = arith.cmpi ne, %convert_element_type3A_218, %cond3A_219 : i32
        scf.if %cond3A_220 {
          %ge3A = arith.constant 2 : i32
          %ge3A_221 = arith.cmpi sge, %add3A_201, %ge3A : i32
          %convert_element_type3A_222 = arith.extui %ge3A_221 : i1 to i32
          %cond3A_223 = arith.constant 0 : i32
          %cond3A_224 = arith.cmpi ne, %convert_element_type3A_222, %cond3A_223 : i32
          scf.if %cond3A_224 {
            %sub3A = arith.constant 2 : i32
            %sub3A_233 = arith.subi %add3A_201, %sub3A : i32
            %dma_wait3A_234 = arith.constant 0 : i32
            %dma_wait3A_235 = tpu.memref_slice %arg7[%sub3A_233, %dma_wait3A_234] : memref<40x250xi32, #tpu.memory_space<vmem>> -> memref<1x250xi32, #tpu.memory_space<vmem>>
            %dma_wait3A_236 = tpu.memref_squeeze %dma_wait3A_235 : memref<1x250xi32, #tpu.memory_space<vmem>> -> memref<250xi32, #tpu.memory_space<vmem>>
            %dma_wait3A_237 = arith.constant 0 : i32
            %dma_wait3A_238 = arith.constant 0 : i32
            %dma_wait3A_239 = tpu.memref_slice %arg12[%dma_wait3A_237, %dma_wait3A_238] : memref<10000x32xf32, #tpu.memory_space<vmem_shared>> -> memref<10000x32xf32, #tpu.memory_space<vmem_shared>>
            tpu.wait_indirect_dma semaphore(%arg18 : memref<!tpu.dma_semaphore, #tpu.memory_space<semaphore_mem>>) src(%arg9 : memref<250x32xf32, #tpu.memory_space<vmem>>) dst(%dma_wait3A_239 : memref<10000x32xf32, #tpu.memory_space<vmem_shared>>)
          } else {
          }
          %add3A_225 = arith.constant 2 : i32
          %add3A_226 = arith.addi %add3A_201, %add3A_225 : i32
          %dma_start3A_227 = arith.constant 0 : i32
          %dma_start3A_228 = tpu.memref_slice %arg6[%add3A_226, %dma_start3A_227] : memref<40x250xi32, #tpu.memory_space<vmem>> -> memref<1x250xi32, #tpu.memory_space<vmem>>
          %dma_start3A_229 = tpu.memref_squeeze %dma_start3A_228 : memref<1x250xi32, #tpu.memory_space<vmem>> -> memref<250xi32, #tpu.memory_space<vmem>>
          %dma_start3A_230 = arith.constant 0 : i32
          %dma_start3A_231 = arith.constant 0 : i32
          %dma_start3A_232 = tpu.memref_slice %arg3[%dma_start3A_230, %dma_start3A_231] : memref<10000x32xf32, #tpu.memory_space<hbm>> -> memref<10000x32xf32, #tpu.memory_space<hbm>>
          tpu.enqueue_indirect_dma source(%dma_start3A_232 : memref<10000x32xf32, #tpu.memory_space<hbm>>) target(%arg9 : memref<250x32xf32, #tpu.memory_space<vmem>>) offsets(%dma_start3A_229 : memref<250xi32, #tpu.memory_space<vmem>>) semaphore(%arg14 : memref<!tpu.dma_semaphore, #tpu.memory_space<semaphore_mem>>)
        } else {
        }
      }
      %scan3A_101 = arith.constant 10 : i32
      %dma_wait3A = arith.constant 36 : i32
      %dma_wait3A_102 = arith.constant 0 : i32
      %dma_wait3A_103 = tpu.memref_slice %arg7[%dma_wait3A, %dma_wait3A_102] : memref<40x250xi32, #tpu.memory_space<vmem>> -> memref<1x250xi32, #tpu.memory_space<vmem>>
      %dma_wait3A_104 = tpu.memref_squeeze %dma_wait3A_103 : memref<1x250xi32, #tpu.memory_space<vmem>> -> memref<250xi32, #tpu.memory_space<vmem>>
      %dma_wait3A_105 = arith.constant 0 : i32
      %dma_wait3A_106 = arith.constant 0 : i32
      %dma_wait3A_107 = tpu.memref_slice %arg12[%dma_wait3A_105, %dma_wait3A_106] : memref<10000x32xf32, #tpu.memory_space<vmem_shared>> -> memref<10000x32xf32, #tpu.memory_space<vmem_shared>>
      tpu.wait_indirect_dma semaphore(%arg17 : memref<!tpu.dma_semaphore, #tpu.memory_space<semaphore_mem>>) src(%arg8 : memref<250x32xf32, #tpu.memory_space<vmem>>) dst(%dma_wait3A_107 : memref<10000x32xf32, #tpu.memory_space<vmem_shared>>)
      %dma_wait3A_108 = arith.constant 37 : i32
      %dma_wait3A_109 = arith.constant 0 : i32
      %dma_wait3A_110 = tpu.memref_slice %arg7[%dma_wait3A_108, %dma_wait3A_109] : memref<40x250xi32, #tpu.memory_space<vmem>> -> memref<1x250xi32, #tpu.memory_space<vmem>>
      %dma_wait3A_111 = tpu.memref_squeeze %dma_wait3A_110 : memref<1x250xi32, #tpu.memory_space<vmem>> -> memref<250xi32, #tpu.memory_space<vmem>>
      %dma_wait3A_112 = arith.constant 0 : i32
      %dma_wait3A_113 = arith.constant 0 : i32
      %dma_wait3A_114 = tpu.memref_slice %arg12[%dma_wait3A_112, %dma_wait3A_113] : memref<10000x32xf32, #tpu.memory_space<vmem_shared>> -> memref<10000x32xf32, #tpu.memory_space<vmem_shared>>
      tpu.wait_indirect_dma semaphore(%arg18 : memref<!tpu.dma_semaphore, #tpu.memory_space<semaphore_mem>>) src(%arg9 : memref<250x32xf32, #tpu.memory_space<vmem>>) dst(%dma_wait3A_114 : memref<10000x32xf32, #tpu.memory_space<vmem_shared>>)
      %dma_wait3A_115 = arith.constant 38 : i32
      %dma_wait3A_116 = arith.constant 0 : i32
      %dma_wait3A_117 = tpu.memref_slice %arg7[%dma_wait3A_115, %dma_wait3A_116] : memref<40x250xi32, #tpu.memory_space<vmem>> -> memref<1x250xi32, #tpu.memory_space<vmem>>
      %dma_wait3A_118 = tpu.memref_squeeze %dma_wait3A_117 : memref<1x250xi32, #tpu.memory_space<vmem>> -> memref<250xi32, #tpu.memory_space<vmem>>
      %dma_wait3A_119 = arith.constant 0 : i32
      %dma_wait3A_120 = arith.constant 0 : i32
      %dma_wait3A_121 = tpu.memref_slice %arg12[%dma_wait3A_119, %dma_wait3A_120] : memref<10000x32xf32, #tpu.memory_space<vmem_shared>> -> memref<10000x32xf32, #tpu.memory_space<vmem_shared>>
      tpu.wait_indirect_dma semaphore(%arg19 : memref<!tpu.dma_semaphore, #tpu.memory_space<semaphore_mem>>) src(%arg10 : memref<250x32xf32, #tpu.memory_space<vmem>>) dst(%dma_wait3A_121 : memref<10000x32xf32, #tpu.memory_space<vmem_shared>>)
      %dma_wait3A_122 = arith.constant 39 : i32
      %dma_wait3A_123 = arith.constant 0 : i32
      %dma_wait3A_124 = tpu.memref_slice %arg7[%dma_wait3A_122, %dma_wait3A_123] : memref<40x250xi32, #tpu.memory_space<vmem>> -> memref<1x250xi32, #tpu.memory_space<vmem>>
      %dma_wait3A_125 = tpu.memref_squeeze %dma_wait3A_124 : memref<1x250xi32, #tpu.memory_space<vmem>> -> memref<250xi32, #tpu.memory_space<vmem>>
      %dma_wait3A_126 = arith.constant 0 : i32
      %dma_wait3A_127 = arith.constant 0 : i32
      %dma_wait3A_128 = tpu.memref_slice %arg12[%dma_wait3A_126, %dma_wait3A_127] : memref<10000x32xf32, #tpu.memory_space<vmem_shared>> -> memref<10000x32xf32, #tpu.memory_space<vmem_shared>>
      tpu.wait_indirect_dma semaphore(%arg20 : memref<!tpu.dma_semaphore, #tpu.memory_space<semaphore_mem>>) src(%arg11 : memref<250x32xf32, #tpu.memory_space<vmem>>) dst(%dma_wait3A_128 : memref<10000x32xf32, #tpu.memory_space<vmem_shared>>)
    } else {
    }
    %barrier3A_41 = arith.constant 0 : index
    tpu.barrier barrier_id(%barrier3A_41)
    %mul3A_42 = arith.constant 624 : i32
    %mul3A_43 = arith.muli %arg1, %mul3A_42 : i32
    %add3A_44 = arith.constant 0 : i32
    %add3A_45 = arith.addi %mul3A_43, %add3A_44 : i32
    %mul3A_46 = arith.constant 32 : i32
    %mul3A_47 = arith.muli %arg0, %mul3A_46 : i32
    "tpu.region"() ({
      %run_scoped3A_83 = tpu.sem_alloc : memref<!tpu.dma_semaphore, #tpu.memory_space<semaphore_mem>>
      %dma_start3A = tpu.memref_slice %arg5[%add3A_45, %mul3A_47] : memref<10000x128xf32, #tpu.memory_space<hbm>> -> memref<104x32xf32, #tpu.memory_space<hbm>>
      %dma_start3A_84 = arith.constant 0 : i32
      %dma_start3A_85 = tpu.memref_slice %arg12[%add3A_45, %dma_start3A_84] : memref<10000x32xf32, #tpu.memory_space<vmem_shared>> -> memref<104x32xf32, #tpu.memory_space<vmem_shared>>
      tpu.enqueue_dma source(%dma_start3A_85 : memref<104x32xf32, #tpu.memory_space<vmem_shared>>) target(%dma_start3A : memref<104x32xf32, #tpu.memory_space<hbm>>) target_semaphore(%run_scoped3A_83 : memref<!tpu.dma_semaphore, #tpu.memory_space<semaphore_mem>>)
      %dma_wait3A = tpu.memref_slice %arg5[%add3A_45, %mul3A_47] : memref<10000x128xf32, #tpu.memory_space<hbm>> -> memref<104x32xf32, #tpu.memory_space<hbm>>
      %dma_wait3A_86 = arith.constant 0 : i32
      %dma_wait3A_87 = tpu.memref_slice %arg12[%add3A_45, %dma_wait3A_86] : memref<10000x32xf32, #tpu.memory_space<vmem_shared>> -> memref<104x32xf32, #tpu.memory_space<vmem_shared>>
      tpu.wait_dma2 semaphore(%run_scoped3A_83 : memref<!tpu.dma_semaphore, #tpu.memory_space<semaphore_mem>>) src(%dma_wait3A_87 : memref<104x32xf32, #tpu.memory_space<vmem_shared>>) dst(%dma_wait3A : memref<104x32xf32, #tpu.memory_space<hbm>>)
      tpu.yield
    }) : () -> ()
    %mul3A_48 = arith.constant 624 : i32
    %mul3A_49 = arith.muli %arg1, %mul3A_48 : i32
    %add3A_50 = arith.constant 104 : i32
    %add3A_51 = arith.addi %mul3A_49, %add3A_50 : i32
    %mul3A_52 = arith.constant 32 : i32
    %mul3A_53 = arith.muli %arg0, %mul3A_52 : i32
    "tpu.region"() ({
      %run_scoped3A_83 = tpu.sem_alloc : memref<!tpu.dma_semaphore, #tpu.memory_space<semaphore_mem>>
      %dma_start3A = tpu.memref_slice %arg5[%add3A_51, %mul3A_53] : memref<10000x128xf32, #tpu.memory_space<hbm>> -> memref<104x32xf32, #tpu.memory_space<hbm>>
      %dma_start3A_84 = arith.constant 0 : i32
      %dma_start3A_85 = tpu.memref_slice %arg12[%add3A_51, %dma_start3A_84] : memref<10000x32xf32, #tpu.memory_space<vmem_shared>> -> memref<104x32xf32, #tpu.memory_space<vmem_shared>>
      tpu.enqueue_dma source(%dma_start3A_85 : memref<104x32xf32, #tpu.memory_space<vmem_shared>>) target(%dma_start3A : memref<104x32xf32, #tpu.memory_space<hbm>>) target_semaphore(%run_scoped3A_83 : memref<!tpu.dma_semaphore, #tpu.memory_space<semaphore_mem>>)
      %dma_wait3A = tpu.memref_slice %arg5[%add3A_51, %mul3A_53] : memref<10000x128xf32, #tpu.memory_space<hbm>> -> memref<104x32xf32, #tpu.memory_space<hbm>>
      %dma_wait3A_86 = arith.constant 0 : i32
      %dma_wait3A_87 = tpu.memref_slice %arg12[%add3A_51, %dma_wait3A_86] : memref<10000x32xf32, #tpu.memory_space<vmem_shared>> -> memref<104x32xf32, #tpu.memory_space<vmem_shared>>
      tpu.wait_dma2 semaphore(%run_scoped3A_83 : memref<!tpu.dma_semaphore, #tpu.memory_space<semaphore_mem>>) src(%dma_wait3A_87 : memref<104x32xf32, #tpu.memory_space<vmem_shared>>) dst(%dma_wait3A : memref<104x32xf32, #tpu.memory_space<hbm>>)
      tpu.yield
    }) : () -> ()
    %mul3A_54 = arith.constant 624 : i32
    %mul3A_55 = arith.muli %arg1, %mul3A_54 : i32
    %add3A_56 = arith.constant 208 : i32
    %add3A_57 = arith.addi %mul3A_55, %add3A_56 : i32
    %mul3A_58 = arith.constant 32 : i32
    %mul3A_59 = arith.muli %arg0, %mul3A_58 : i32
    "tpu.region"() ({
      %run_scoped3A_83 = tpu.sem_alloc : memref<!tpu.dma_semaphore, #tpu.memory_space<semaphore_mem>>
      %dma_start3A = tpu.memref_slice %arg5[%add3A_57, %mul3A_59] : memref<10000x128xf32, #tpu.memory_space<hbm>> -> memref<104x32xf32, #tpu.memory_space<hbm>>
      %dma_start3A_84 = arith.constant 0 : i32
      %dma_start3A_85 = tpu.memref_slice %arg12[%add3A_57, %dma_start3A_84] : memref<10000x32xf32, #tpu.memory_space<vmem_shared>> -> memref<104x32xf32, #tpu.memory_space<vmem_shared>>
      tpu.enqueue_dma source(%dma_start3A_85 : memref<104x32xf32, #tpu.memory_space<vmem_shared>>) target(%dma_start3A : memref<104x32xf32, #tpu.memory_space<hbm>>) target_semaphore(%run_scoped3A_83 : memref<!tpu.dma_semaphore, #tpu.memory_space<semaphore_mem>>)
      %dma_wait3A = tpu.memref_slice %arg5[%add3A_57, %mul3A_59] : memref<10000x128xf32, #tpu.memory_space<hbm>> -> memref<104x32xf32, #tpu.memory_space<hbm>>
      %dma_wait3A_86 = arith.constant 0 : i32
      %dma_wait3A_87 = tpu.memref_slice %arg12[%add3A_57, %dma_wait3A_86] : memref<10000x32xf32, #tpu.memory_space<vmem_shared>> -> memref<104x32xf32, #tpu.memory_space<vmem_shared>>
      tpu.wait_dma2 semaphore(%run_scoped3A_83 : memref<!tpu.dma_semaphore, #tpu.memory_space<semaphore_mem>>) src(%dma_wait3A_87 : memref<104x32xf32, #tpu.memory_space<vmem_shared>>) dst(%dma_wait3A : memref<104x32xf32, #tpu.memory_space<hbm>>)
      tpu.yield
    }) : () -> ()
    %mul3A_60 = arith.constant 624 : i32
    %mul3A_61 = arith.muli %arg1, %mul3A_60 : i32
    %add3A_62 = arith.constant 312 : i32
    %add3A_63 = arith.addi %mul3A_61, %add3A_62 : i32
    %mul3A_64 = arith.constant 32 : i32
    %mul3A_65 = arith.muli %arg0, %mul3A_64 : i32
    "tpu.region"() ({
      %run_scoped3A_83 = tpu.sem_alloc : memref<!tpu.dma_semaphore, #tpu.memory_space<semaphore_mem>>
      %dma_start3A = tpu.memref_slice %arg5[%add3A_63, %mul3A_65] : memref<10000x128xf32, #tpu.memory_space<hbm>> -> memref<104x32xf32, #tpu.memory_space<hbm>>
      %dma_start3A_84 = arith.constant 0 : i32
      %dma_start3A_85 = tpu.memref_slice %arg12[%add3A_63, %dma_start3A_84] : memref<10000x32xf32, #tpu.memory_space<vmem_shared>> -> memref<104x32xf32, #tpu.memory_space<vmem_shared>>
      tpu.enqueue_dma source(%dma_start3A_85 : memref<104x32xf32, #tpu.memory_space<vmem_shared>>) target(%dma_start3A : memref<104x32xf32, #tpu.memory_space<hbm>>) target_semaphore(%run_scoped3A_83 : memref<!tpu.dma_semaphore, #tpu.memory_space<semaphore_mem>>)
      %dma_wait3A = tpu.memref_slice %arg5[%add3A_63, %mul3A_65] : memref<10000x128xf32, #tpu.memory_space<hbm>> -> memref<104x32xf32, #tpu.memory_space<hbm>>
      %dma_wait3A_86 = arith.constant 0 : i32
      %dma_wait3A_87 = tpu.memref_slice %arg12[%add3A_63, %dma_wait3A_86] : memref<10000x32xf32, #tpu.memory_space<vmem_shared>> -> memref<104x32xf32, #tpu.memory_space<vmem_shared>>
      tpu.wait_dma2 semaphore(%run_scoped3A_83 : memref<!tpu.dma_semaphore, #tpu.memory_space<semaphore_mem>>) src(%dma_wait3A_87 : memref<104x32xf32, #tpu.memory_space<vmem_shared>>) dst(%dma_wait3A : memref<104x32xf32, #tpu.memory_space<hbm>>)
      tpu.yield
    }) : () -> ()
    %mul3A_66 = arith.constant 624 : i32
    %mul3A_67 = arith.muli %arg1, %mul3A_66 : i32
    %add3A_68 = arith.constant 416 : i32
    %add3A_69 = arith.addi %mul3A_67, %add3A_68 : i32
    %mul3A_70 = arith.constant 32 : i32
    %mul3A_71 = arith.muli %arg0, %mul3A_70 : i32
    "tpu.region"() ({
      %run_scoped3A_83 = tpu.sem_alloc : memref<!tpu.dma_semaphore, #tpu.memory_space<semaphore_mem>>
      %dma_start3A = tpu.memref_slice %arg5[%add3A_69, %mul3A_71] : memref<10000x128xf32, #tpu.memory_space<hbm>> -> memref<104x32xf32, #tpu.memory_space<hbm>>
      %dma_start3A_84 = arith.constant 0 : i32
      %dma_start3A_85 = tpu.memref_slice %arg12[%add3A_69, %dma_start3A_84] : memref<10000x32xf32, #tpu.memory_space<vmem_shared>> -> memref<104x32xf32, #tpu.memory_space<vmem_shared>>
      tpu.enqueue_dma source(%dma_start3A_85 : memref<104x32xf32, #tpu.memory_space<vmem_shared>>) target(%dma_start3A : memref<104x32xf32, #tpu.memory_space<hbm>>) target_semaphore(%run_scoped3A_83 : memref<!tpu.dma_semaphore, #tpu.memory_space<semaphore_mem>>)
      %dma_wait3A = tpu.memref_slice %arg5[%add3A_69, %mul3A_71] : memref<10000x128xf32, #tpu.memory_space<hbm>> -> memref<104x32xf32, #tpu.memory_space<hbm>>
      %dma_wait3A_86 = arith.constant 0 : i32
      %dma_wait3A_87 = tpu.memref_slice %arg12[%add3A_69, %dma_wait3A_86] : memref<10000x32xf32, #tpu.memory_space<vmem_shared>> -> memref<104x32xf32, #tpu.memory_space<vmem_shared>>
      tpu.wait_dma2 semaphore(%run_scoped3A_83 : memref<!tpu.dma_semaphore, #tpu.memory_space<semaphore_mem>>) src(%dma_wait3A_87 : memref<104x32xf32, #tpu.memory_space<vmem_shared>>) dst(%dma_wait3A : memref<104x32xf32, #tpu.memory_space<hbm>>)
      tpu.yield
    }) : () -> ()
    %mul3A_72 = arith.constant 624 : i32
    %mul3A_73 = arith.muli %arg1, %mul3A_72 : i32
    %add3A_74 = arith.constant 520 : i32
    %add3A_75 = arith.addi %mul3A_73, %add3A_74 : i32
    %mul3A_76 = arith.constant 32 : i32
    %mul3A_77 = arith.muli %arg0, %mul3A_76 : i32
    "tpu.region"() ({
      %run_scoped3A_83 = tpu.sem_alloc : memref<!tpu.dma_semaphore, #tpu.memory_space<semaphore_mem>>
      %dma_start3A = tpu.memref_slice %arg5[%add3A_75, %mul3A_77] : memref<10000x128xf32, #tpu.memory_space<hbm>> -> memref<104x32xf32, #tpu.memory_space<hbm>>
      %dma_start3A_84 = arith.constant 0 : i32
      %dma_start3A_85 = tpu.memref_slice %arg12[%add3A_75, %dma_start3A_84] : memref<10000x32xf32, #tpu.memory_space<vmem_shared>> -> memref<104x32xf32, #tpu.memory_space<vmem_shared>>
      tpu.enqueue_dma source(%dma_start3A_85 : memref<104x32xf32, #tpu.memory_space<vmem_shared>>) target(%dma_start3A : memref<104x32xf32, #tpu.memory_space<hbm>>) target_semaphore(%run_scoped3A_83 : memref<!tpu.dma_semaphore, #tpu.memory_space<semaphore_mem>>)
      %dma_wait3A = tpu.memref_slice %arg5[%add3A_75, %mul3A_77] : memref<10000x128xf32, #tpu.memory_space<hbm>> -> memref<104x32xf32, #tpu.memory_space<hbm>>
      %dma_wait3A_86 = arith.constant 0 : i32
      %dma_wait3A_87 = tpu.memref_slice %arg12[%add3A_75, %dma_wait3A_86] : memref<10000x32xf32, #tpu.memory_space<vmem_shared>> -> memref<104x32xf32, #tpu.memory_space<vmem_shared>>
      tpu.wait_dma2 semaphore(%run_scoped3A_83 : memref<!tpu.dma_semaphore, #tpu.memory_space<semaphore_mem>>) src(%dma_wait3A_87 : memref<104x32xf32, #tpu.memory_space<vmem_shared>>) dst(%dma_wait3A : memref<104x32xf32, #tpu.memory_space<hbm>>)
      tpu.yield
    }) : () -> ()
    %eq3A_78 = arith.constant 15 : i32
    %eq3A_79 = arith.cmpi eq, %arg1, %eq3A_78 : i32
    %convert_element_type3A_80 = arith.extui %eq3A_79 : i1 to i32
    %cond3A_81 = arith.constant 0 : i32
    %cond3A_82 = arith.cmpi ne, %convert_element_type3A_80, %cond3A_81 : i32
    scf.if %cond3A_82 {
      %mul3A_83 = arith.constant 32 : i32
      %mul3A_84 = arith.muli %arg0, %mul3A_83 : i32
      "tpu.region"() ({
        %run_scoped3A_85 = tpu.sem_alloc : memref<!tpu.dma_semaphore, #tpu.memory_space<semaphore_mem>>
        %dma_start3A = arith.constant 9984 : i32
        %dma_start3A_86 = tpu.memref_slice %arg5[%dma_start3A, %mul3A_84] : memref<10000x128xf32, #tpu.memory_space<hbm>> -> memref<16x32xf32, #tpu.memory_space<hbm>>
        %dma_start3A_87 = arith.constant 9984 : i32
        %dma_start3A_88 = arith.constant 0 : i32
        %dma_start3A_89 = tpu.memref_slice %arg12[%dma_start3A_87, %dma_start3A_88] : memref<10000x32xf32, #tpu.memory_space<vmem_shared>> -> memref<16x32xf32, #tpu.memory_space<vmem_shared>>
        tpu.enqueue_dma source(%dma_start3A_89 : memref<16x32xf32, #tpu.memory_space<vmem_shared>>) target(%dma_start3A_86 : memref<16x32xf32, #tpu.memory_space<hbm>>) target_semaphore(%run_scoped3A_85 : memref<!tpu.dma_semaphore, #tpu.memory_space<semaphore_mem>>)
        %dma_wait3A = arith.constant 9984 : i32
        %dma_wait3A_90 = tpu.memref_slice %arg5[%dma_wait3A, %mul3A_84] : memref<10000x128xf32, #tpu.memory_space<hbm>> -> memref<16x32xf32, #tpu.memory_space<hbm>>
        %dma_wait3A_91 = arith.constant 9984 : i32
        %dma_wait3A_92 = arith.constant 0 : i32
        %dma_wait3A_93 = tpu.memref_slice %arg12[%dma_wait3A_91, %dma_wait3A_92] : memref<10000x32xf32, #tpu.memory_space<vmem_shared>> -> memref<16x32xf32, #tpu.memory_space<vmem_shared>>
        tpu.wait_dma2 semaphore(%run_scoped3A_85 : memref<!tpu.dma_semaphore, #tpu.memory_space<semaphore_mem>>) src(%dma_wait3A_93 : memref<16x32xf32, #tpu.memory_space<vmem_shared>>) dst(%dma_wait3A_90 : memref<16x32xf32, #tpu.memory_space<hbm>>)
        tpu.yield
      }) : () -> ()
    } else {
    }
    return
  }
}

#map = affine_map<(d0, d1) -> (0, 0)>
#map1 = affine_map<(d0, d1) -> (0, 0, 0, 0)>
module attributes {stable_mosaic.version = 14 : i64} {
  func.func @seg(%arg0: i32, %arg1: i32, %arg2: memref<10000x64xf32, #tpu.memory_space<hbm>>, %arg3: memref<10000x64xf32, #tpu.memory_space<hbm>>, %arg4: memref<2x16x40x250xi32, #tpu.memory_space<hbm>>, %arg5: memref<10000x128xf32, #tpu.memory_space<hbm>>, %arg6: memref<10000x16xbf16, #tpu.memory_space<hbm>>, %arg7: memref<10000x16xbf16, #tpu.memory_space<hbm>>, %arg8: memref<40x250xi32, #tpu.memory_space<vmem>>, %arg9: memref<40x250xi32, #tpu.memory_space<vmem>>, %arg10: memref<250x64xf32, #tpu.memory_space<vmem>>, %arg11: memref<250x64xf32, #tpu.memory_space<vmem>>, %arg12: memref<10000x64xf32, #tpu.memory_space<vmem_shared>>, %arg13: memref<250x16xbf16, #tpu.memory_space<vmem>>, %arg14: memref<10000x16xbf16, #tpu.memory_space<vmem_shared>>, %arg15: memref<!tpu.dma_semaphore, #tpu.memory_space<semaphore_mem>>, %arg16: memref<!tpu.dma_semaphore, #tpu.memory_space<semaphore_mem>>, %arg17: memref<!tpu.dma_semaphore, #tpu.memory_space<semaphore_mem>>, %arg18: memref<!tpu.dma_semaphore, #tpu.memory_space<semaphore_mem>>) attributes {dimension_semantics = [#tpu.dimension_semantics<core_parallel>, #tpu.dimension_semantics<subcore_parallel>], iteration_bounds = array<i64: 2, 16>, scalar_prefetch = 0 : i64, scratch_operands = 11 : i64, tpu.core_type = #tpu.core_type<sc_vector_subcore>, window_params = [{transform_indices = #map}, {transform_indices = #map}, {transform_indices = #map1}, {transform_indices = #map}, {transform_indices = #map}, {transform_indices = #map}]} {
    %run_scoped3A = arith.constant 0 : i32
    "tpu.region"() ({
      %run_scoped3A_197 = tpu.sem_alloc : memref<!tpu.dma_semaphore, #tpu.memory_space<semaphore_mem>>
      %dma_start3A = arith.constant 0 : i32
      %dma_start3A_198 = arith.constant 0 : i32
      %dma_start3A_199 = tpu.memref_slice %arg4[%run_scoped3A, %arg1, %dma_start3A, %dma_start3A_198] : memref<2x16x40x250xi32, #tpu.memory_space<hbm>> -> memref<1x1x40x250xi32, #tpu.memory_space<hbm>>
      %dma_start3A_200 = tpu.memref_squeeze %dma_start3A_199 : memref<1x1x40x250xi32, #tpu.memory_space<hbm>> -> memref<40x250xi32, #tpu.memory_space<hbm>>
      %dma_start3A_201 = arith.constant 0 : i32
      %dma_start3A_202 = arith.constant 0 : i32
      %dma_start3A_203 = tpu.memref_slice %arg4[%run_scoped3A, %arg1, %dma_start3A_201, %dma_start3A_202] : memref<2x16x40x250xi32, #tpu.memory_space<hbm>> -> memref<1x1x40x250xi32, #tpu.memory_space<hbm>>
      %dma_start3A_204 = tpu.memref_squeeze %dma_start3A_203 : memref<1x1x40x250xi32, #tpu.memory_space<hbm>> -> memref<40x250xi32, #tpu.memory_space<hbm>>
      tpu.enqueue_dma source(%dma_start3A_204 : memref<40x250xi32, #tpu.memory_space<hbm>>) target(%arg8 : memref<40x250xi32, #tpu.memory_space<vmem>>) target_semaphore(%run_scoped3A_197 : memref<!tpu.dma_semaphore, #tpu.memory_space<semaphore_mem>>)
      %dma_wait3A = arith.constant 0 : i32
      %dma_wait3A_205 = arith.constant 0 : i32
      %dma_wait3A_206 = tpu.memref_slice %arg4[%run_scoped3A, %arg1, %dma_wait3A, %dma_wait3A_205] : memref<2x16x40x250xi32, #tpu.memory_space<hbm>> -> memref<1x1x40x250xi32, #tpu.memory_space<hbm>>
      %dma_wait3A_207 = tpu.memref_squeeze %dma_wait3A_206 : memref<1x1x40x250xi32, #tpu.memory_space<hbm>> -> memref<40x250xi32, #tpu.memory_space<hbm>>
      %dma_wait3A_208 = arith.constant 0 : i32
      %dma_wait3A_209 = arith.constant 0 : i32
      %dma_wait3A_210 = tpu.memref_slice %arg4[%run_scoped3A, %arg1, %dma_wait3A_208, %dma_wait3A_209] : memref<2x16x40x250xi32, #tpu.memory_space<hbm>> -> memref<1x1x40x250xi32, #tpu.memory_space<hbm>>
      %dma_wait3A_211 = tpu.memref_squeeze %dma_wait3A_210 : memref<1x1x40x250xi32, #tpu.memory_space<hbm>> -> memref<40x250xi32, #tpu.memory_space<hbm>>
      tpu.wait_dma2 semaphore(%run_scoped3A_197 : memref<!tpu.dma_semaphore, #tpu.memory_space<semaphore_mem>>) src(%dma_wait3A_211 : memref<40x250xi32, #tpu.memory_space<hbm>>) dst(%arg8 : memref<40x250xi32, #tpu.memory_space<vmem>>)
      tpu.yield
    }) : () -> ()
    %run_scoped3A_0 = arith.constant 1 : i32
    "tpu.region"() ({
      %run_scoped3A_197 = tpu.sem_alloc : memref<!tpu.dma_semaphore, #tpu.memory_space<semaphore_mem>>
      %dma_start3A = arith.constant 0 : i32
      %dma_start3A_198 = arith.constant 0 : i32
      %dma_start3A_199 = tpu.memref_slice %arg4[%run_scoped3A_0, %arg1, %dma_start3A, %dma_start3A_198] : memref<2x16x40x250xi32, #tpu.memory_space<hbm>> -> memref<1x1x40x250xi32, #tpu.memory_space<hbm>>
      %dma_start3A_200 = tpu.memref_squeeze %dma_start3A_199 : memref<1x1x40x250xi32, #tpu.memory_space<hbm>> -> memref<40x250xi32, #tpu.memory_space<hbm>>
      %dma_start3A_201 = arith.constant 0 : i32
      %dma_start3A_202 = arith.constant 0 : i32
      %dma_start3A_203 = tpu.memref_slice %arg4[%run_scoped3A_0, %arg1, %dma_start3A_201, %dma_start3A_202] : memref<2x16x40x250xi32, #tpu.memory_space<hbm>> -> memref<1x1x40x250xi32, #tpu.memory_space<hbm>>
      %dma_start3A_204 = tpu.memref_squeeze %dma_start3A_203 : memref<1x1x40x250xi32, #tpu.memory_space<hbm>> -> memref<40x250xi32, #tpu.memory_space<hbm>>
      tpu.enqueue_dma source(%dma_start3A_204 : memref<40x250xi32, #tpu.memory_space<hbm>>) target(%arg9 : memref<40x250xi32, #tpu.memory_space<vmem>>) target_semaphore(%run_scoped3A_197 : memref<!tpu.dma_semaphore, #tpu.memory_space<semaphore_mem>>)
      %dma_wait3A = arith.constant 0 : i32
      %dma_wait3A_205 = arith.constant 0 : i32
      %dma_wait3A_206 = tpu.memref_slice %arg4[%run_scoped3A_0, %arg1, %dma_wait3A, %dma_wait3A_205] : memref<2x16x40x250xi32, #tpu.memory_space<hbm>> -> memref<1x1x40x250xi32, #tpu.memory_space<hbm>>
      %dma_wait3A_207 = tpu.memref_squeeze %dma_wait3A_206 : memref<1x1x40x250xi32, #tpu.memory_space<hbm>> -> memref<40x250xi32, #tpu.memory_space<hbm>>
      %dma_wait3A_208 = arith.constant 0 : i32
      %dma_wait3A_209 = arith.constant 0 : i32
      %dma_wait3A_210 = tpu.memref_slice %arg4[%run_scoped3A_0, %arg1, %dma_wait3A_208, %dma_wait3A_209] : memref<2x16x40x250xi32, #tpu.memory_space<hbm>> -> memref<1x1x40x250xi32, #tpu.memory_space<hbm>>
      %dma_wait3A_211 = tpu.memref_squeeze %dma_wait3A_210 : memref<1x1x40x250xi32, #tpu.memory_space<hbm>> -> memref<40x250xi32, #tpu.memory_space<hbm>>
      tpu.wait_dma2 semaphore(%run_scoped3A_197 : memref<!tpu.dma_semaphore, #tpu.memory_space<semaphore_mem>>) src(%dma_wait3A_211 : memref<40x250xi32, #tpu.memory_space<hbm>>) dst(%arg9 : memref<40x250xi32, #tpu.memory_space<vmem>>)
      tpu.yield
    }) : () -> ()
    %broadcast_in_dim3A = arith.constant 0.000000e+00 : f32
    %broadcast_in_dim3A_1 = vector.broadcast %broadcast_in_dim3A : f32 to vector<16xf32>
    %scan3A = arith.constant 0 : i32
    %scan3A_2 = arith.constant 0 : i32
    %scan3A_3 = arith.constant 104 : i32
    %scan3A_4 = arith.addi %scan3A_2, %scan3A_3 : i32
    %scan3A_5 = arith.constant 1 : i32
    scf.for %scan3A_197 = %scan3A_2 to %scan3A_4 step %scan3A_5  : i32 {
      %swap3A = arith.index_cast %scan3A_197 : i32 to index
      %swap3A_198 = arith.constant 0 : index
      %swap3A_199 = tpu.vector_load %arg10[%swap3A, %swap3A_198] {strides = array<i32>} : memref<250x64xf32, #tpu.memory_space<vmem>>, vector<1x16xf32>,
      %swap3A_200 = vector.shape_cast %swap3A_199 : vector<1x16xf32> to vector<16xf32>
      %swap3A_201 = vector.shape_cast %broadcast_in_dim3A_1 : vector<16xf32> to vector<1x16xf32>
      tpu.vector_store %arg10[%swap3A, %swap3A_198], %swap3A_201 {strides = array<i32>} : memref<250x64xf32, #tpu.memory_space<vmem>>, vector<1x16xf32>,
      %swap3A_202 = arith.index_cast %scan3A_197 : i32 to index
      %swap3A_203 = arith.constant 16 : index
      %swap3A_204 = tpu.vector_load %arg10[%swap3A_202, %swap3A_203] {strides = array<i32>} : memref<250x64xf32, #tpu.memory_space<vmem>>, vector<1x16xf32>,
      %swap3A_205 = vector.shape_cast %swap3A_204 : vector<1x16xf32> to vector<16xf32>
      %swap3A_206 = vector.shape_cast %broadcast_in_dim3A_1 : vector<16xf32> to vector<1x16xf32>
      tpu.vector_store %arg10[%swap3A_202, %swap3A_203], %swap3A_206 {strides = array<i32>} : memref<250x64xf32, #tpu.memory_space<vmem>>, vector<1x16xf32>,
      %swap3A_207 = arith.index_cast %scan3A_197 : i32 to index
      %swap3A_208 = arith.constant 32 : index
      %swap3A_209 = tpu.vector_load %arg10[%swap3A_207, %swap3A_208] {strides = array<i32>} : memref<250x64xf32, #tpu.memory_space<vmem>>, vector<1x16xf32>,
      %swap3A_210 = vector.shape_cast %swap3A_209 : vector<1x16xf32> to vector<16xf32>
      %swap3A_211 = vector.shape_cast %broadcast_in_dim3A_1 : vector<16xf32> to vector<1x16xf32>
      tpu.vector_store %arg10[%swap3A_207, %swap3A_208], %swap3A_211 {strides = array<i32>} : memref<250x64xf32, #tpu.memory_space<vmem>>, vector<1x16xf32>,
      %swap3A_212 = arith.index_cast %scan3A_197 : i32 to index
      %swap3A_213 = arith.constant 48 : index
      %swap3A_214 = tpu.vector_load %arg10[%swap3A_212, %swap3A_213] {strides = array<i32>} : memref<250x64xf32, #tpu.memory_space<vmem>>, vector<1x16xf32>,
      %swap3A_215 = vector.shape_cast %swap3A_214 : vector<1x16xf32> to vector<16xf32>
      %swap3A_216 = vector.shape_cast %broadcast_in_dim3A_1 : vector<16xf32> to vector<1x16xf32>
      tpu.vector_store %arg10[%swap3A_212, %swap3A_213], %swap3A_216 {strides = array<i32>} : memref<250x64xf32, #tpu.memory_space<vmem>>, vector<1x16xf32>,
    }
    %scan3A_6 = arith.constant 104 : i32
    %broadcast_in_dim3A_7 = arith.constant 0.000000e+00 : bf16
    %broadcast_in_dim3A_8 = vector.broadcast %broadcast_in_dim3A_7 : bf16 to vector<2x16xbf16>
    %scan3A_9 = arith.constant 0 : i32
    %scan3A_10 = arith.constant 0 : i32
    %scan3A_11 = arith.constant 52 : i32
    %scan3A_12 = arith.addi %scan3A_10, %scan3A_11 : i32
    %scan3A_13 = arith.constant 1 : i32
    scf.for %scan3A_197 = %scan3A_10 to %scan3A_12 step %scan3A_13  : i32 {
      %mul3A_198 = arith.constant 2 : i32
      %mul3A_199 = arith.muli %mul3A_198, %scan3A_197 : i32
      %swap3A = arith.index_cast %mul3A_199 : i32 to index
      %swap3A_200 = arith.constant 0 : index
      %swap3A_201 = tpu.vector_load %arg13[%swap3A, %swap3A_200] {strides = array<i32>} : memref<250x16xbf16, #tpu.memory_space<vmem>>, vector<2x16xbf16>,
      %swap3A_202 = vector.shape_cast %swap3A_201 : vector<2x16xbf16> to vector<2x16xbf16>
      %swap3A_203 = vector.shape_cast %broadcast_in_dim3A_8 : vector<2x16xbf16> to vector<2x16xbf16>
      tpu.vector_store %arg13[%swap3A, %swap3A_200], %swap3A_203 {strides = array<i32>} : memref<250x16xbf16, #tpu.memory_space<vmem>>, vector<2x16xbf16>,
    }
    %scan3A_14 = arith.constant 52 : i32
    %mul3A = arith.constant 624 : i32
    %mul3A_15 = arith.muli %arg1, %mul3A : i32
    %add3A = arith.constant 0 : i32
    %add3A_16 = arith.addi %mul3A_15, %add3A : i32
    "tpu.region"() ({
      %run_scoped3A_197 = tpu.sem_alloc : memref<!tpu.dma_semaphore, #tpu.memory_space<semaphore_mem>>
      %dma_start3A = arith.constant 0 : i32
      %dma_start3A_198 = arith.constant 0 : i32
      %dma_start3A_199 = tpu.memref_slice %arg10[%dma_start3A, %dma_start3A_198] : memref<250x64xf32, #tpu.memory_space<vmem>> -> memref<104x64xf32, #tpu.memory_space<vmem>>
      %dma_start3A_200 = arith.constant 0 : i32
      %dma_start3A_201 = tpu.memref_slice %arg12[%add3A_16, %dma_start3A_200] : memref<10000x64xf32, #tpu.memory_space<vmem_shared>> -> memref<104x64xf32, #tpu.memory_space<vmem_shared>>
      %dma_start3A_202 = arith.constant 0 : i32
      %dma_start3A_203 = tpu.memref_slice %arg12[%add3A_16, %dma_start3A_202] : memref<10000x64xf32, #tpu.memory_space<vmem_shared>> -> memref<104x64xf32, #tpu.memory_space<vmem_shared>>
      %dma_start3A_204 = arith.constant 0 : i32
      %dma_start3A_205 = arith.constant 0 : i32
      %dma_start3A_206 = tpu.memref_slice %arg10[%dma_start3A_204, %dma_start3A_205] : memref<250x64xf32, #tpu.memory_space<vmem>> -> memref<104x64xf32, #tpu.memory_space<vmem>>
      tpu.enqueue_dma source(%dma_start3A_206 : memref<104x64xf32, #tpu.memory_space<vmem>>) target(%dma_start3A_203 : memref<104x64xf32, #tpu.memory_space<vmem_shared>>) target_semaphore(%run_scoped3A_197 : memref<!tpu.dma_semaphore, #tpu.memory_space<semaphore_mem>>)
      %dma_wait3A = arith.constant 0 : i32
      %dma_wait3A_207 = arith.constant 0 : i32
      %dma_wait3A_208 = tpu.memref_slice %arg10[%dma_wait3A, %dma_wait3A_207] : memref<250x64xf32, #tpu.memory_space<vmem>> -> memref<104x64xf32, #tpu.memory_space<vmem>>
      %dma_wait3A_209 = arith.constant 0 : i32
      %dma_wait3A_210 = tpu.memref_slice %arg12[%add3A_16, %dma_wait3A_209] : memref<10000x64xf32, #tpu.memory_space<vmem_shared>> -> memref<104x64xf32, #tpu.memory_space<vmem_shared>>
      %dma_wait3A_211 = arith.constant 0 : i32
      %dma_wait3A_212 = tpu.memref_slice %arg12[%add3A_16, %dma_wait3A_211] : memref<10000x64xf32, #tpu.memory_space<vmem_shared>> -> memref<104x64xf32, #tpu.memory_space<vmem_shared>>
      %dma_wait3A_213 = arith.constant 0 : i32
      %dma_wait3A_214 = arith.constant 0 : i32
      %dma_wait3A_215 = tpu.memref_slice %arg10[%dma_wait3A_213, %dma_wait3A_214] : memref<250x64xf32, #tpu.memory_space<vmem>> -> memref<104x64xf32, #tpu.memory_space<vmem>>
      tpu.wait_dma2 semaphore(%run_scoped3A_197 : memref<!tpu.dma_semaphore, #tpu.memory_space<semaphore_mem>>) src(%dma_wait3A_215 : memref<104x64xf32, #tpu.memory_space<vmem>>) dst(%dma_wait3A_212 : memref<104x64xf32, #tpu.memory_space<vmem_shared>>)
      tpu.yield
    }) : () -> ()
    %mul3A_17 = arith.constant 624 : i32
    %mul3A_18 = arith.muli %arg1, %mul3A_17 : i32
    %add3A_19 = arith.constant 0 : i32
    %add3A_20 = arith.addi %mul3A_18, %add3A_19 : i32
    "tpu.region"() ({
      %run_scoped3A_197 = tpu.sem_alloc : memref<!tpu.dma_semaphore, #tpu.memory_space<semaphore_mem>>
      %dma_start3A = arith.constant 0 : i32
      %dma_start3A_198 = arith.constant 0 : i32
      %dma_start3A_199 = tpu.memref_slice %arg13[%dma_start3A, %dma_start3A_198] : memref<250x16xbf16, #tpu.memory_space<vmem>> -> memref<104x16xbf16, #tpu.memory_space<vmem>>
      %dma_start3A_200 = arith.constant 0 : i32
      %dma_start3A_201 = tpu.memref_slice %arg14[%add3A_20, %dma_start3A_200] : memref<10000x16xbf16, #tpu.memory_space<vmem_shared>> -> memref<104x16xbf16, #tpu.memory_space<vmem_shared>>
      %dma_start3A_202 = arith.constant 0 : i32
      %dma_start3A_203 = tpu.memref_slice %arg14[%add3A_20, %dma_start3A_202] : memref<10000x16xbf16, #tpu.memory_space<vmem_shared>> -> memref<104x16xbf16, #tpu.memory_space<vmem_shared>>
      %dma_start3A_204 = arith.constant 0 : i32
      %dma_start3A_205 = arith.constant 0 : i32
      %dma_start3A_206 = tpu.memref_slice %arg13[%dma_start3A_204, %dma_start3A_205] : memref<250x16xbf16, #tpu.memory_space<vmem>> -> memref<104x16xbf16, #tpu.memory_space<vmem>>
      tpu.enqueue_dma source(%dma_start3A_206 : memref<104x16xbf16, #tpu.memory_space<vmem>>) target(%dma_start3A_203 : memref<104x16xbf16, #tpu.memory_space<vmem_shared>>) target_semaphore(%run_scoped3A_197 : memref<!tpu.dma_semaphore, #tpu.memory_space<semaphore_mem>>)
      %dma_wait3A = arith.constant 0 : i32
      %dma_wait3A_207 = arith.constant 0 : i32
      %dma_wait3A_208 = tpu.memref_slice %arg13[%dma_wait3A, %dma_wait3A_207] : memref<250x16xbf16, #tpu.memory_space<vmem>> -> memref<104x16xbf16, #tpu.memory_space<vmem>>
      %dma_wait3A_209 = arith.constant 0 : i32
      %dma_wait3A_210 = tpu.memref_slice %arg14[%add3A_20, %dma_wait3A_209] : memref<10000x16xbf16, #tpu.memory_space<vmem_shared>> -> memref<104x16xbf16, #tpu.memory_space<vmem_shared>>
      %dma_wait3A_211 = arith.constant 0 : i32
      %dma_wait3A_212 = tpu.memref_slice %arg14[%add3A_20, %dma_wait3A_211] : memref<10000x16xbf16, #tpu.memory_space<vmem_shared>> -> memref<104x16xbf16, #tpu.memory_space<vmem_shared>>
      %dma_wait3A_213 = arith.constant 0 : i32
      %dma_wait3A_214 = arith.constant 0 : i32
      %dma_wait3A_215 = tpu.memref_slice %arg13[%dma_wait3A_213, %dma_wait3A_214] : memref<250x16xbf16, #tpu.memory_space<vmem>> -> memref<104x16xbf16, #tpu.memory_space<vmem>>
      tpu.wait_dma2 semaphore(%run_scoped3A_197 : memref<!tpu.dma_semaphore, #tpu.memory_space<semaphore_mem>>) src(%dma_wait3A_215 : memref<104x16xbf16, #tpu.memory_space<vmem>>) dst(%dma_wait3A_212 : memref<104x16xbf16, #tpu.memory_space<vmem_shared>>)
      tpu.yield
    }) : () -> ()
    %mul3A_21 = arith.constant 624 : i32
    %mul3A_22 = arith.muli %arg1, %mul3A_21 : i32
    %add3A_23 = arith.constant 104 : i32
    %add3A_24 = arith.addi %mul3A_22, %add3A_23 : i32
    "tpu.region"() ({
      %run_scoped3A_197 = tpu.sem_alloc : memref<!tpu.dma_semaphore, #tpu.memory_space<semaphore_mem>>
      %dma_start3A = arith.constant 0 : i32
      %dma_start3A_198 = arith.constant 0 : i32
      %dma_start3A_199 = tpu.memref_slice %arg10[%dma_start3A, %dma_start3A_198] : memref<250x64xf32, #tpu.memory_space<vmem>> -> memref<104x64xf32, #tpu.memory_space<vmem>>
      %dma_start3A_200 = arith.constant 0 : i32
      %dma_start3A_201 = tpu.memref_slice %arg12[%add3A_24, %dma_start3A_200] : memref<10000x64xf32, #tpu.memory_space<vmem_shared>> -> memref<104x64xf32, #tpu.memory_space<vmem_shared>>
      %dma_start3A_202 = arith.constant 0 : i32
      %dma_start3A_203 = tpu.memref_slice %arg12[%add3A_24, %dma_start3A_202] : memref<10000x64xf32, #tpu.memory_space<vmem_shared>> -> memref<104x64xf32, #tpu.memory_space<vmem_shared>>
      %dma_start3A_204 = arith.constant 0 : i32
      %dma_start3A_205 = arith.constant 0 : i32
      %dma_start3A_206 = tpu.memref_slice %arg10[%dma_start3A_204, %dma_start3A_205] : memref<250x64xf32, #tpu.memory_space<vmem>> -> memref<104x64xf32, #tpu.memory_space<vmem>>
      tpu.enqueue_dma source(%dma_start3A_206 : memref<104x64xf32, #tpu.memory_space<vmem>>) target(%dma_start3A_203 : memref<104x64xf32, #tpu.memory_space<vmem_shared>>) target_semaphore(%run_scoped3A_197 : memref<!tpu.dma_semaphore, #tpu.memory_space<semaphore_mem>>)
      %dma_wait3A = arith.constant 0 : i32
      %dma_wait3A_207 = arith.constant 0 : i32
      %dma_wait3A_208 = tpu.memref_slice %arg10[%dma_wait3A, %dma_wait3A_207] : memref<250x64xf32, #tpu.memory_space<vmem>> -> memref<104x64xf32, #tpu.memory_space<vmem>>
      %dma_wait3A_209 = arith.constant 0 : i32
      %dma_wait3A_210 = tpu.memref_slice %arg12[%add3A_24, %dma_wait3A_209] : memref<10000x64xf32, #tpu.memory_space<vmem_shared>> -> memref<104x64xf32, #tpu.memory_space<vmem_shared>>
      %dma_wait3A_211 = arith.constant 0 : i32
      %dma_wait3A_212 = tpu.memref_slice %arg12[%add3A_24, %dma_wait3A_211] : memref<10000x64xf32, #tpu.memory_space<vmem_shared>> -> memref<104x64xf32, #tpu.memory_space<vmem_shared>>
      %dma_wait3A_213 = arith.constant 0 : i32
      %dma_wait3A_214 = arith.constant 0 : i32
      %dma_wait3A_215 = tpu.memref_slice %arg10[%dma_wait3A_213, %dma_wait3A_214] : memref<250x64xf32, #tpu.memory_space<vmem>> -> memref<104x64xf32, #tpu.memory_space<vmem>>
      tpu.wait_dma2 semaphore(%run_scoped3A_197 : memref<!tpu.dma_semaphore, #tpu.memory_space<semaphore_mem>>) src(%dma_wait3A_215 : memref<104x64xf32, #tpu.memory_space<vmem>>) dst(%dma_wait3A_212 : memref<104x64xf32, #tpu.memory_space<vmem_shared>>)
      tpu.yield
    }) : () -> ()
    %mul3A_25 = arith.constant 624 : i32
    %mul3A_26 = arith.muli %arg1, %mul3A_25 : i32
    %add3A_27 = arith.constant 104 : i32
    %add3A_28 = arith.addi %mul3A_26, %add3A_27 : i32
    "tpu.region"() ({
      %run_scoped3A_197 = tpu.sem_alloc : memref<!tpu.dma_semaphore, #tpu.memory_space<semaphore_mem>>
      %dma_start3A = arith.constant 0 : i32
      %dma_start3A_198 = arith.constant 0 : i32
      %dma_start3A_199 = tpu.memref_slice %arg13[%dma_start3A, %dma_start3A_198] : memref<250x16xbf16, #tpu.memory_space<vmem>> -> memref<104x16xbf16, #tpu.memory_space<vmem>>
      %dma_start3A_200 = arith.constant 0 : i32
      %dma_start3A_201 = tpu.memref_slice %arg14[%add3A_28, %dma_start3A_200] : memref<10000x16xbf16, #tpu.memory_space<vmem_shared>> -> memref<104x16xbf16, #tpu.memory_space<vmem_shared>>
      %dma_start3A_202 = arith.constant 0 : i32
      %dma_start3A_203 = tpu.memref_slice %arg14[%add3A_28, %dma_start3A_202] : memref<10000x16xbf16, #tpu.memory_space<vmem_shared>> -> memref<104x16xbf16, #tpu.memory_space<vmem_shared>>
      %dma_start3A_204 = arith.constant 0 : i32
      %dma_start3A_205 = arith.constant 0 : i32
      %dma_start3A_206 = tpu.memref_slice %arg13[%dma_start3A_204, %dma_start3A_205] : memref<250x16xbf16, #tpu.memory_space<vmem>> -> memref<104x16xbf16, #tpu.memory_space<vmem>>
      tpu.enqueue_dma source(%dma_start3A_206 : memref<104x16xbf16, #tpu.memory_space<vmem>>) target(%dma_start3A_203 : memref<104x16xbf16, #tpu.memory_space<vmem_shared>>) target_semaphore(%run_scoped3A_197 : memref<!tpu.dma_semaphore, #tpu.memory_space<semaphore_mem>>)
      %dma_wait3A = arith.constant 0 : i32
      %dma_wait3A_207 = arith.constant 0 : i32
      %dma_wait3A_208 = tpu.memref_slice %arg13[%dma_wait3A, %dma_wait3A_207] : memref<250x16xbf16, #tpu.memory_space<vmem>> -> memref<104x16xbf16, #tpu.memory_space<vmem>>
      %dma_wait3A_209 = arith.constant 0 : i32
      %dma_wait3A_210 = tpu.memref_slice %arg14[%add3A_28, %dma_wait3A_209] : memref<10000x16xbf16, #tpu.memory_space<vmem_shared>> -> memref<104x16xbf16, #tpu.memory_space<vmem_shared>>
      %dma_wait3A_211 = arith.constant 0 : i32
      %dma_wait3A_212 = tpu.memref_slice %arg14[%add3A_28, %dma_wait3A_211] : memref<10000x16xbf16, #tpu.memory_space<vmem_shared>> -> memref<104x16xbf16, #tpu.memory_space<vmem_shared>>
      %dma_wait3A_213 = arith.constant 0 : i32
      %dma_wait3A_214 = arith.constant 0 : i32
      %dma_wait3A_215 = tpu.memref_slice %arg13[%dma_wait3A_213, %dma_wait3A_214] : memref<250x16xbf16, #tpu.memory_space<vmem>> -> memref<104x16xbf16, #tpu.memory_space<vmem>>
      tpu.wait_dma2 semaphore(%run_scoped3A_197 : memref<!tpu.dma_semaphore, #tpu.memory_space<semaphore_mem>>) src(%dma_wait3A_215 : memref<104x16xbf16, #tpu.memory_space<vmem>>) dst(%dma_wait3A_212 : memref<104x16xbf16, #tpu.memory_space<vmem_shared>>)
      tpu.yield
    }) : () -> ()
    %mul3A_29 = arith.constant 624 : i32
    %mul3A_30 = arith.muli %arg1, %mul3A_29 : i32
    %add3A_31 = arith.constant 208 : i32
    %add3A_32 = arith.addi %mul3A_30, %add3A_31 : i32
    "tpu.region"() ({
      %run_scoped3A_197 = tpu.sem_alloc : memref<!tpu.dma_semaphore, #tpu.memory_space<semaphore_mem>>
      %dma_start3A = arith.constant 0 : i32
      %dma_start3A_198 = arith.constant 0 : i32
      %dma_start3A_199 = tpu.memref_slice %arg10[%dma_start3A, %dma_start3A_198] : memref<250x64xf32, #tpu.memory_space<vmem>> -> memref<104x64xf32, #tpu.memory_space<vmem>>
      %dma_start3A_200 = arith.constant 0 : i32
      %dma_start3A_201 = tpu.memref_slice %arg12[%add3A_32, %dma_start3A_200] : memref<10000x64xf32, #tpu.memory_space<vmem_shared>> -> memref<104x64xf32, #tpu.memory_space<vmem_shared>>
      %dma_start3A_202 = arith.constant 0 : i32
      %dma_start3A_203 = tpu.memref_slice %arg12[%add3A_32, %dma_start3A_202] : memref<10000x64xf32, #tpu.memory_space<vmem_shared>> -> memref<104x64xf32, #tpu.memory_space<vmem_shared>>
      %dma_start3A_204 = arith.constant 0 : i32
      %dma_start3A_205 = arith.constant 0 : i32
      %dma_start3A_206 = tpu.memref_slice %arg10[%dma_start3A_204, %dma_start3A_205] : memref<250x64xf32, #tpu.memory_space<vmem>> -> memref<104x64xf32, #tpu.memory_space<vmem>>
      tpu.enqueue_dma source(%dma_start3A_206 : memref<104x64xf32, #tpu.memory_space<vmem>>) target(%dma_start3A_203 : memref<104x64xf32, #tpu.memory_space<vmem_shared>>) target_semaphore(%run_scoped3A_197 : memref<!tpu.dma_semaphore, #tpu.memory_space<semaphore_mem>>)
      %dma_wait3A = arith.constant 0 : i32
      %dma_wait3A_207 = arith.constant 0 : i32
      %dma_wait3A_208 = tpu.memref_slice %arg10[%dma_wait3A, %dma_wait3A_207] : memref<250x64xf32, #tpu.memory_space<vmem>> -> memref<104x64xf32, #tpu.memory_space<vmem>>
      %dma_wait3A_209 = arith.constant 0 : i32
      %dma_wait3A_210 = tpu.memref_slice %arg12[%add3A_32, %dma_wait3A_209] : memref<10000x64xf32, #tpu.memory_space<vmem_shared>> -> memref<104x64xf32, #tpu.memory_space<vmem_shared>>
      %dma_wait3A_211 = arith.constant 0 : i32
      %dma_wait3A_212 = tpu.memref_slice %arg12[%add3A_32, %dma_wait3A_211] : memref<10000x64xf32, #tpu.memory_space<vmem_shared>> -> memref<104x64xf32, #tpu.memory_space<vmem_shared>>
      %dma_wait3A_213 = arith.constant 0 : i32
      %dma_wait3A_214 = arith.constant 0 : i32
      %dma_wait3A_215 = tpu.memref_slice %arg10[%dma_wait3A_213, %dma_wait3A_214] : memref<250x64xf32, #tpu.memory_space<vmem>> -> memref<104x64xf32, #tpu.memory_space<vmem>>
      tpu.wait_dma2 semaphore(%run_scoped3A_197 : memref<!tpu.dma_semaphore, #tpu.memory_space<semaphore_mem>>) src(%dma_wait3A_215 : memref<104x64xf32, #tpu.memory_space<vmem>>) dst(%dma_wait3A_212 : memref<104x64xf32, #tpu.memory_space<vmem_shared>>)
      tpu.yield
    }) : () -> ()
    %mul3A_33 = arith.constant 624 : i32
    %mul3A_34 = arith.muli %arg1, %mul3A_33 : i32
    %add3A_35 = arith.constant 208 : i32
    %add3A_36 = arith.addi %mul3A_34, %add3A_35 : i32
    "tpu.region"() ({
      %run_scoped3A_197 = tpu.sem_alloc : memref<!tpu.dma_semaphore, #tpu.memory_space<semaphore_mem>>
      %dma_start3A = arith.constant 0 : i32
      %dma_start3A_198 = arith.constant 0 : i32
      %dma_start3A_199 = tpu.memref_slice %arg13[%dma_start3A, %dma_start3A_198] : memref<250x16xbf16, #tpu.memory_space<vmem>> -> memref<104x16xbf16, #tpu.memory_space<vmem>>
      %dma_start3A_200 = arith.constant 0 : i32
      %dma_start3A_201 = tpu.memref_slice %arg14[%add3A_36, %dma_start3A_200] : memref<10000x16xbf16, #tpu.memory_space<vmem_shared>> -> memref<104x16xbf16, #tpu.memory_space<vmem_shared>>
      %dma_start3A_202 = arith.constant 0 : i32
      %dma_start3A_203 = tpu.memref_slice %arg14[%add3A_36, %dma_start3A_202] : memref<10000x16xbf16, #tpu.memory_space<vmem_shared>> -> memref<104x16xbf16, #tpu.memory_space<vmem_shared>>
      %dma_start3A_204 = arith.constant 0 : i32
      %dma_start3A_205 = arith.constant 0 : i32
      %dma_start3A_206 = tpu.memref_slice %arg13[%dma_start3A_204, %dma_start3A_205] : memref<250x16xbf16, #tpu.memory_space<vmem>> -> memref<104x16xbf16, #tpu.memory_space<vmem>>
      tpu.enqueue_dma source(%dma_start3A_206 : memref<104x16xbf16, #tpu.memory_space<vmem>>) target(%dma_start3A_203 : memref<104x16xbf16, #tpu.memory_space<vmem_shared>>) target_semaphore(%run_scoped3A_197 : memref<!tpu.dma_semaphore, #tpu.memory_space<semaphore_mem>>)
      %dma_wait3A = arith.constant 0 : i32
      %dma_wait3A_207 = arith.constant 0 : i32
      %dma_wait3A_208 = tpu.memref_slice %arg13[%dma_wait3A, %dma_wait3A_207] : memref<250x16xbf16, #tpu.memory_space<vmem>> -> memref<104x16xbf16, #tpu.memory_space<vmem>>
      %dma_wait3A_209 = arith.constant 0 : i32
      %dma_wait3A_210 = tpu.memref_slice %arg14[%add3A_36, %dma_wait3A_209] : memref<10000x16xbf16, #tpu.memory_space<vmem_shared>> -> memref<104x16xbf16, #tpu.memory_space<vmem_shared>>
      %dma_wait3A_211 = arith.constant 0 : i32
      %dma_wait3A_212 = tpu.memref_slice %arg14[%add3A_36, %dma_wait3A_211] : memref<10000x16xbf16, #tpu.memory_space<vmem_shared>> -> memref<104x16xbf16, #tpu.memory_space<vmem_shared>>
      %dma_wait3A_213 = arith.constant 0 : i32
      %dma_wait3A_214 = arith.constant 0 : i32
      %dma_wait3A_215 = tpu.memref_slice %arg13[%dma_wait3A_213, %dma_wait3A_214] : memref<250x16xbf16, #tpu.memory_space<vmem>> -> memref<104x16xbf16, #tpu.memory_space<vmem>>
      tpu.wait_dma2 semaphore(%run_scoped3A_197 : memref<!tpu.dma_semaphore, #tpu.memory_space<semaphore_mem>>) src(%dma_wait3A_215 : memref<104x16xbf16, #tpu.memory_space<vmem>>) dst(%dma_wait3A_212 : memref<104x16xbf16, #tpu.memory_space<vmem_shared>>)
      tpu.yield
    }) : () -> ()
    %mul3A_37 = arith.constant 624 : i32
    %mul3A_38 = arith.muli %arg1, %mul3A_37 : i32
    %add3A_39 = arith.constant 312 : i32
    %add3A_40 = arith.addi %mul3A_38, %add3A_39 : i32
    "tpu.region"() ({
      %run_scoped3A_197 = tpu.sem_alloc : memref<!tpu.dma_semaphore, #tpu.memory_space<semaphore_mem>>
      %dma_start3A = arith.constant 0 : i32
      %dma_start3A_198 = arith.constant 0 : i32
      %dma_start3A_199 = tpu.memref_slice %arg10[%dma_start3A, %dma_start3A_198] : memref<250x64xf32, #tpu.memory_space<vmem>> -> memref<104x64xf32, #tpu.memory_space<vmem>>
      %dma_start3A_200 = arith.constant 0 : i32
      %dma_start3A_201 = tpu.memref_slice %arg12[%add3A_40, %dma_start3A_200] : memref<10000x64xf32, #tpu.memory_space<vmem_shared>> -> memref<104x64xf32, #tpu.memory_space<vmem_shared>>
      %dma_start3A_202 = arith.constant 0 : i32
      %dma_start3A_203 = tpu.memref_slice %arg12[%add3A_40, %dma_start3A_202] : memref<10000x64xf32, #tpu.memory_space<vmem_shared>> -> memref<104x64xf32, #tpu.memory_space<vmem_shared>>
      %dma_start3A_204 = arith.constant 0 : i32
      %dma_start3A_205 = arith.constant 0 : i32
      %dma_start3A_206 = tpu.memref_slice %arg10[%dma_start3A_204, %dma_start3A_205] : memref<250x64xf32, #tpu.memory_space<vmem>> -> memref<104x64xf32, #tpu.memory_space<vmem>>
      tpu.enqueue_dma source(%dma_start3A_206 : memref<104x64xf32, #tpu.memory_space<vmem>>) target(%dma_start3A_203 : memref<104x64xf32, #tpu.memory_space<vmem_shared>>) target_semaphore(%run_scoped3A_197 : memref<!tpu.dma_semaphore, #tpu.memory_space<semaphore_mem>>)
      %dma_wait3A = arith.constant 0 : i32
      %dma_wait3A_207 = arith.constant 0 : i32
      %dma_wait3A_208 = tpu.memref_slice %arg10[%dma_wait3A, %dma_wait3A_207] : memref<250x64xf32, #tpu.memory_space<vmem>> -> memref<104x64xf32, #tpu.memory_space<vmem>>
      %dma_wait3A_209 = arith.constant 0 : i32
      %dma_wait3A_210 = tpu.memref_slice %arg12[%add3A_40, %dma_wait3A_209] : memref<10000x64xf32, #tpu.memory_space<vmem_shared>> -> memref<104x64xf32, #tpu.memory_space<vmem_shared>>
      %dma_wait3A_211 = arith.constant 0 : i32
      %dma_wait3A_212 = tpu.memref_slice %arg12[%add3A_40, %dma_wait3A_211] : memref<10000x64xf32, #tpu.memory_space<vmem_shared>> -> memref<104x64xf32, #tpu.memory_space<vmem_shared>>
      %dma_wait3A_213 = arith.constant 0 : i32
      %dma_wait3A_214 = arith.constant 0 : i32
      %dma_wait3A_215 = tpu.memref_slice %arg10[%dma_wait3A_213, %dma_wait3A_214] : memref<250x64xf32, #tpu.memory_space<vmem>> -> memref<104x64xf32, #tpu.memory_space<vmem>>
      tpu.wait_dma2 semaphore(%run_scoped3A_197 : memref<!tpu.dma_semaphore, #tpu.memory_space<semaphore_mem>>) src(%dma_wait3A_215 : memref<104x64xf32, #tpu.memory_space<vmem>>) dst(%dma_wait3A_212 : memref<104x64xf32, #tpu.memory_space<vmem_shared>>)
      tpu.yield
    }) : () -> ()
    %mul3A_41 = arith.constant 624 : i32
    %mul3A_42 = arith.muli %arg1, %mul3A_41 : i32
    %add3A_43 = arith.constant 312 : i32
    %add3A_44 = arith.addi %mul3A_42, %add3A_43 : i32
    "tpu.region"() ({
      %run_scoped3A_197 = tpu.sem_alloc : memref<!tpu.dma_semaphore, #tpu.memory_space<semaphore_mem>>
      %dma_start3A = arith.constant 0 : i32
      %dma_start3A_198 = arith.constant 0 : i32
      %dma_start3A_199 = tpu.memref_slice %arg13[%dma_start3A, %dma_start3A_198] : memref<250x16xbf16, #tpu.memory_space<vmem>> -> memref<104x16xbf16, #tpu.memory_space<vmem>>
      %dma_start3A_200 = arith.constant 0 : i32
      %dma_start3A_201 = tpu.memref_slice %arg14[%add3A_44, %dma_start3A_200] : memref<10000x16xbf16, #tpu.memory_space<vmem_shared>> -> memref<104x16xbf16, #tpu.memory_space<vmem_shared>>
      %dma_start3A_202 = arith.constant 0 : i32
      %dma_start3A_203 = tpu.memref_slice %arg14[%add3A_44, %dma_start3A_202] : memref<10000x16xbf16, #tpu.memory_space<vmem_shared>> -> memref<104x16xbf16, #tpu.memory_space<vmem_shared>>
      %dma_start3A_204 = arith.constant 0 : i32
      %dma_start3A_205 = arith.constant 0 : i32
      %dma_start3A_206 = tpu.memref_slice %arg13[%dma_start3A_204, %dma_start3A_205] : memref<250x16xbf16, #tpu.memory_space<vmem>> -> memref<104x16xbf16, #tpu.memory_space<vmem>>
      tpu.enqueue_dma source(%dma_start3A_206 : memref<104x16xbf16, #tpu.memory_space<vmem>>) target(%dma_start3A_203 : memref<104x16xbf16, #tpu.memory_space<vmem_shared>>) target_semaphore(%run_scoped3A_197 : memref<!tpu.dma_semaphore, #tpu.memory_space<semaphore_mem>>)
      %dma_wait3A = arith.constant 0 : i32
      %dma_wait3A_207 = arith.constant 0 : i32
      %dma_wait3A_208 = tpu.memref_slice %arg13[%dma_wait3A, %dma_wait3A_207] : memref<250x16xbf16, #tpu.memory_space<vmem>> -> memref<104x16xbf16, #tpu.memory_space<vmem>>
      %dma_wait3A_209 = arith.constant 0 : i32
      %dma_wait3A_210 = tpu.memref_slice %arg14[%add3A_44, %dma_wait3A_209] : memref<10000x16xbf16, #tpu.memory_space<vmem_shared>> -> memref<104x16xbf16, #tpu.memory_space<vmem_shared>>
      %dma_wait3A_211 = arith.constant 0 : i32
      %dma_wait3A_212 = tpu.memref_slice %arg14[%add3A_44, %dma_wait3A_211] : memref<10000x16xbf16, #tpu.memory_space<vmem_shared>> -> memref<104x16xbf16, #tpu.memory_space<vmem_shared>>
      %dma_wait3A_213 = arith.constant 0 : i32
      %dma_wait3A_214 = arith.constant 0 : i32
      %dma_wait3A_215 = tpu.memref_slice %arg13[%dma_wait3A_213, %dma_wait3A_214] : memref<250x16xbf16, #tpu.memory_space<vmem>> -> memref<104x16xbf16, #tpu.memory_space<vmem>>
      tpu.wait_dma2 semaphore(%run_scoped3A_197 : memref<!tpu.dma_semaphore, #tpu.memory_space<semaphore_mem>>) src(%dma_wait3A_215 : memref<104x16xbf16, #tpu.memory_space<vmem>>) dst(%dma_wait3A_212 : memref<104x16xbf16, #tpu.memory_space<vmem_shared>>)
      tpu.yield
    }) : () -> ()
    %mul3A_45 = arith.constant 624 : i32
    %mul3A_46 = arith.muli %arg1, %mul3A_45 : i32
    %add3A_47 = arith.constant 416 : i32
    %add3A_48 = arith.addi %mul3A_46, %add3A_47 : i32
    "tpu.region"() ({
      %run_scoped3A_197 = tpu.sem_alloc : memref<!tpu.dma_semaphore, #tpu.memory_space<semaphore_mem>>
      %dma_start3A = arith.constant 0 : i32
      %dma_start3A_198 = arith.constant 0 : i32
      %dma_start3A_199 = tpu.memref_slice %arg10[%dma_start3A, %dma_start3A_198] : memref<250x64xf32, #tpu.memory_space<vmem>> -> memref<104x64xf32, #tpu.memory_space<vmem>>
      %dma_start3A_200 = arith.constant 0 : i32
      %dma_start3A_201 = tpu.memref_slice %arg12[%add3A_48, %dma_start3A_200] : memref<10000x64xf32, #tpu.memory_space<vmem_shared>> -> memref<104x64xf32, #tpu.memory_space<vmem_shared>>
      %dma_start3A_202 = arith.constant 0 : i32
      %dma_start3A_203 = tpu.memref_slice %arg12[%add3A_48, %dma_start3A_202] : memref<10000x64xf32, #tpu.memory_space<vmem_shared>> -> memref<104x64xf32, #tpu.memory_space<vmem_shared>>
      %dma_start3A_204 = arith.constant 0 : i32
      %dma_start3A_205 = arith.constant 0 : i32
      %dma_start3A_206 = tpu.memref_slice %arg10[%dma_start3A_204, %dma_start3A_205] : memref<250x64xf32, #tpu.memory_space<vmem>> -> memref<104x64xf32, #tpu.memory_space<vmem>>
      tpu.enqueue_dma source(%dma_start3A_206 : memref<104x64xf32, #tpu.memory_space<vmem>>) target(%dma_start3A_203 : memref<104x64xf32, #tpu.memory_space<vmem_shared>>) target_semaphore(%run_scoped3A_197 : memref<!tpu.dma_semaphore, #tpu.memory_space<semaphore_mem>>)
      %dma_wait3A = arith.constant 0 : i32
      %dma_wait3A_207 = arith.constant 0 : i32
      %dma_wait3A_208 = tpu.memref_slice %arg10[%dma_wait3A, %dma_wait3A_207] : memref<250x64xf32, #tpu.memory_space<vmem>> -> memref<104x64xf32, #tpu.memory_space<vmem>>
      %dma_wait3A_209 = arith.constant 0 : i32
      %dma_wait3A_210 = tpu.memref_slice %arg12[%add3A_48, %dma_wait3A_209] : memref<10000x64xf32, #tpu.memory_space<vmem_shared>> -> memref<104x64xf32, #tpu.memory_space<vmem_shared>>
      %dma_wait3A_211 = arith.constant 0 : i32
      %dma_wait3A_212 = tpu.memref_slice %arg12[%add3A_48, %dma_wait3A_211] : memref<10000x64xf32, #tpu.memory_space<vmem_shared>> -> memref<104x64xf32, #tpu.memory_space<vmem_shared>>
      %dma_wait3A_213 = arith.constant 0 : i32
      %dma_wait3A_214 = arith.constant 0 : i32
      %dma_wait3A_215 = tpu.memref_slice %arg10[%dma_wait3A_213, %dma_wait3A_214] : memref<250x64xf32, #tpu.memory_space<vmem>> -> memref<104x64xf32, #tpu.memory_space<vmem>>
      tpu.wait_dma2 semaphore(%run_scoped3A_197 : memref<!tpu.dma_semaphore, #tpu.memory_space<semaphore_mem>>) src(%dma_wait3A_215 : memref<104x64xf32, #tpu.memory_space<vmem>>) dst(%dma_wait3A_212 : memref<104x64xf32, #tpu.memory_space<vmem_shared>>)
      tpu.yield
    }) : () -> ()
    %mul3A_49 = arith.constant 624 : i32
    %mul3A_50 = arith.muli %arg1, %mul3A_49 : i32
    %add3A_51 = arith.constant 416 : i32
    %add3A_52 = arith.addi %mul3A_50, %add3A_51 : i32
    "tpu.region"() ({
      %run_scoped3A_197 = tpu.sem_alloc : memref<!tpu.dma_semaphore, #tpu.memory_space<semaphore_mem>>
      %dma_start3A = arith.constant 0 : i32
      %dma_start3A_198 = arith.constant 0 : i32
      %dma_start3A_199 = tpu.memref_slice %arg13[%dma_start3A, %dma_start3A_198] : memref<250x16xbf16, #tpu.memory_space<vmem>> -> memref<104x16xbf16, #tpu.memory_space<vmem>>
      %dma_start3A_200 = arith.constant 0 : i32
      %dma_start3A_201 = tpu.memref_slice %arg14[%add3A_52, %dma_start3A_200] : memref<10000x16xbf16, #tpu.memory_space<vmem_shared>> -> memref<104x16xbf16, #tpu.memory_space<vmem_shared>>
      %dma_start3A_202 = arith.constant 0 : i32
      %dma_start3A_203 = tpu.memref_slice %arg14[%add3A_52, %dma_start3A_202] : memref<10000x16xbf16, #tpu.memory_space<vmem_shared>> -> memref<104x16xbf16, #tpu.memory_space<vmem_shared>>
      %dma_start3A_204 = arith.constant 0 : i32
      %dma_start3A_205 = arith.constant 0 : i32
      %dma_start3A_206 = tpu.memref_slice %arg13[%dma_start3A_204, %dma_start3A_205] : memref<250x16xbf16, #tpu.memory_space<vmem>> -> memref<104x16xbf16, #tpu.memory_space<vmem>>
      tpu.enqueue_dma source(%dma_start3A_206 : memref<104x16xbf16, #tpu.memory_space<vmem>>) target(%dma_start3A_203 : memref<104x16xbf16, #tpu.memory_space<vmem_shared>>) target_semaphore(%run_scoped3A_197 : memref<!tpu.dma_semaphore, #tpu.memory_space<semaphore_mem>>)
      %dma_wait3A = arith.constant 0 : i32
      %dma_wait3A_207 = arith.constant 0 : i32
      %dma_wait3A_208 = tpu.memref_slice %arg13[%dma_wait3A, %dma_wait3A_207] : memref<250x16xbf16, #tpu.memory_space<vmem>> -> memref<104x16xbf16, #tpu.memory_space<vmem>>
      %dma_wait3A_209 = arith.constant 0 : i32
      %dma_wait3A_210 = tpu.memref_slice %arg14[%add3A_52, %dma_wait3A_209] : memref<10000x16xbf16, #tpu.memory_space<vmem_shared>> -> memref<104x16xbf16, #tpu.memory_space<vmem_shared>>
      %dma_wait3A_211 = arith.constant 0 : i32
      %dma_wait3A_212 = tpu.memref_slice %arg14[%add3A_52, %dma_wait3A_211] : memref<10000x16xbf16, #tpu.memory_space<vmem_shared>> -> memref<104x16xbf16, #tpu.memory_space<vmem_shared>>
      %dma_wait3A_213 = arith.constant 0 : i32
      %dma_wait3A_214 = arith.constant 0 : i32
      %dma_wait3A_215 = tpu.memref_slice %arg13[%dma_wait3A_213, %dma_wait3A_214] : memref<250x16xbf16, #tpu.memory_space<vmem>> -> memref<104x16xbf16, #tpu.memory_space<vmem>>
      tpu.wait_dma2 semaphore(%run_scoped3A_197 : memref<!tpu.dma_semaphore, #tpu.memory_space<semaphore_mem>>) src(%dma_wait3A_215 : memref<104x16xbf16, #tpu.memory_space<vmem>>) dst(%dma_wait3A_212 : memref<104x16xbf16, #tpu.memory_space<vmem_shared>>)
      tpu.yield
    }) : () -> ()
    %mul3A_53 = arith.constant 624 : i32
    %mul3A_54 = arith.muli %arg1, %mul3A_53 : i32
    %add3A_55 = arith.constant 520 : i32
    %add3A_56 = arith.addi %mul3A_54, %add3A_55 : i32
    "tpu.region"() ({
      %run_scoped3A_197 = tpu.sem_alloc : memref<!tpu.dma_semaphore, #tpu.memory_space<semaphore_mem>>
      %dma_start3A = arith.constant 0 : i32
      %dma_start3A_198 = arith.constant 0 : i32
      %dma_start3A_199 = tpu.memref_slice %arg10[%dma_start3A, %dma_start3A_198] : memref<250x64xf32, #tpu.memory_space<vmem>> -> memref<104x64xf32, #tpu.memory_space<vmem>>
      %dma_start3A_200 = arith.constant 0 : i32
      %dma_start3A_201 = tpu.memref_slice %arg12[%add3A_56, %dma_start3A_200] : memref<10000x64xf32, #tpu.memory_space<vmem_shared>> -> memref<104x64xf32, #tpu.memory_space<vmem_shared>>
      %dma_start3A_202 = arith.constant 0 : i32
      %dma_start3A_203 = tpu.memref_slice %arg12[%add3A_56, %dma_start3A_202] : memref<10000x64xf32, #tpu.memory_space<vmem_shared>> -> memref<104x64xf32, #tpu.memory_space<vmem_shared>>
      %dma_start3A_204 = arith.constant 0 : i32
      %dma_start3A_205 = arith.constant 0 : i32
      %dma_start3A_206 = tpu.memref_slice %arg10[%dma_start3A_204, %dma_start3A_205] : memref<250x64xf32, #tpu.memory_space<vmem>> -> memref<104x64xf32, #tpu.memory_space<vmem>>
      tpu.enqueue_dma source(%dma_start3A_206 : memref<104x64xf32, #tpu.memory_space<vmem>>) target(%dma_start3A_203 : memref<104x64xf32, #tpu.memory_space<vmem_shared>>) target_semaphore(%run_scoped3A_197 : memref<!tpu.dma_semaphore, #tpu.memory_space<semaphore_mem>>)
      %dma_wait3A = arith.constant 0 : i32
      %dma_wait3A_207 = arith.constant 0 : i32
      %dma_wait3A_208 = tpu.memref_slice %arg10[%dma_wait3A, %dma_wait3A_207] : memref<250x64xf32, #tpu.memory_space<vmem>> -> memref<104x64xf32, #tpu.memory_space<vmem>>
      %dma_wait3A_209 = arith.constant 0 : i32
      %dma_wait3A_210 = tpu.memref_slice %arg12[%add3A_56, %dma_wait3A_209] : memref<10000x64xf32, #tpu.memory_space<vmem_shared>> -> memref<104x64xf32, #tpu.memory_space<vmem_shared>>
      %dma_wait3A_211 = arith.constant 0 : i32
      %dma_wait3A_212 = tpu.memref_slice %arg12[%add3A_56, %dma_wait3A_211] : memref<10000x64xf32, #tpu.memory_space<vmem_shared>> -> memref<104x64xf32, #tpu.memory_space<vmem_shared>>
      %dma_wait3A_213 = arith.constant 0 : i32
      %dma_wait3A_214 = arith.constant 0 : i32
      %dma_wait3A_215 = tpu.memref_slice %arg10[%dma_wait3A_213, %dma_wait3A_214] : memref<250x64xf32, #tpu.memory_space<vmem>> -> memref<104x64xf32, #tpu.memory_space<vmem>>
      tpu.wait_dma2 semaphore(%run_scoped3A_197 : memref<!tpu.dma_semaphore, #tpu.memory_space<semaphore_mem>>) src(%dma_wait3A_215 : memref<104x64xf32, #tpu.memory_space<vmem>>) dst(%dma_wait3A_212 : memref<104x64xf32, #tpu.memory_space<vmem_shared>>)
      tpu.yield
    }) : () -> ()
    %mul3A_57 = arith.constant 624 : i32
    %mul3A_58 = arith.muli %arg1, %mul3A_57 : i32
    %add3A_59 = arith.constant 520 : i32
    %add3A_60 = arith.addi %mul3A_58, %add3A_59 : i32
    "tpu.region"() ({
      %run_scoped3A_197 = tpu.sem_alloc : memref<!tpu.dma_semaphore, #tpu.memory_space<semaphore_mem>>
      %dma_start3A = arith.constant 0 : i32
      %dma_start3A_198 = arith.constant 0 : i32
      %dma_start3A_199 = tpu.memref_slice %arg13[%dma_start3A, %dma_start3A_198] : memref<250x16xbf16, #tpu.memory_space<vmem>> -> memref<104x16xbf16, #tpu.memory_space<vmem>>
      %dma_start3A_200 = arith.constant 0 : i32
      %dma_start3A_201 = tpu.memref_slice %arg14[%add3A_60, %dma_start3A_200] : memref<10000x16xbf16, #tpu.memory_space<vmem_shared>> -> memref<104x16xbf16, #tpu.memory_space<vmem_shared>>
      %dma_start3A_202 = arith.constant 0 : i32
      %dma_start3A_203 = tpu.memref_slice %arg14[%add3A_60, %dma_start3A_202] : memref<10000x16xbf16, #tpu.memory_space<vmem_shared>> -> memref<104x16xbf16, #tpu.memory_space<vmem_shared>>
      %dma_start3A_204 = arith.constant 0 : i32
      %dma_start3A_205 = arith.constant 0 : i32
      %dma_start3A_206 = tpu.memref_slice %arg13[%dma_start3A_204, %dma_start3A_205] : memref<250x16xbf16, #tpu.memory_space<vmem>> -> memref<104x16xbf16, #tpu.memory_space<vmem>>
      tpu.enqueue_dma source(%dma_start3A_206 : memref<104x16xbf16, #tpu.memory_space<vmem>>) target(%dma_start3A_203 : memref<104x16xbf16, #tpu.memory_space<vmem_shared>>) target_semaphore(%run_scoped3A_197 : memref<!tpu.dma_semaphore, #tpu.memory_space<semaphore_mem>>)
      %dma_wait3A = arith.constant 0 : i32
      %dma_wait3A_207 = arith.constant 0 : i32
      %dma_wait3A_208 = tpu.memref_slice %arg13[%dma_wait3A, %dma_wait3A_207] : memref<250x16xbf16, #tpu.memory_space<vmem>> -> memref<104x16xbf16, #tpu.memory_space<vmem>>
      %dma_wait3A_209 = arith.constant 0 : i32
      %dma_wait3A_210 = tpu.memref_slice %arg14[%add3A_60, %dma_wait3A_209] : memref<10000x16xbf16, #tpu.memory_space<vmem_shared>> -> memref<104x16xbf16, #tpu.memory_space<vmem_shared>>
      %dma_wait3A_211 = arith.constant 0 : i32
      %dma_wait3A_212 = tpu.memref_slice %arg14[%add3A_60, %dma_wait3A_211] : memref<10000x16xbf16, #tpu.memory_space<vmem_shared>> -> memref<104x16xbf16, #tpu.memory_space<vmem_shared>>
      %dma_wait3A_213 = arith.constant 0 : i32
      %dma_wait3A_214 = arith.constant 0 : i32
      %dma_wait3A_215 = tpu.memref_slice %arg13[%dma_wait3A_213, %dma_wait3A_214] : memref<250x16xbf16, #tpu.memory_space<vmem>> -> memref<104x16xbf16, #tpu.memory_space<vmem>>
      tpu.wait_dma2 semaphore(%run_scoped3A_197 : memref<!tpu.dma_semaphore, #tpu.memory_space<semaphore_mem>>) src(%dma_wait3A_215 : memref<104x16xbf16, #tpu.memory_space<vmem>>) dst(%dma_wait3A_212 : memref<104x16xbf16, #tpu.memory_space<vmem_shared>>)
      tpu.yield
    }) : () -> ()
    %eq3A = arith.constant 15 : i32
    %eq3A_61 = arith.cmpi eq, %arg1, %eq3A : i32
    %convert_element_type3A = arith.extui %eq3A_61 : i1 to i32
    %cond3A = arith.constant 0 : i32
    %cond3A_62 = arith.cmpi ne, %convert_element_type3A, %cond3A : i32
    scf.if %cond3A_62 {
      "tpu.region"() ({
        %run_scoped3A_197 = tpu.sem_alloc : memref<!tpu.dma_semaphore, #tpu.memory_space<semaphore_mem>>
        %dma_start3A = arith.constant 0 : i32
        %dma_start3A_198 = arith.constant 0 : i32
        %dma_start3A_199 = tpu.memref_slice %arg10[%dma_start3A, %dma_start3A_198] : memref<250x64xf32, #tpu.memory_space<vmem>> -> memref<16x64xf32, #tpu.memory_space<vmem>>
        %dma_start3A_200 = arith.constant 9984 : i32
        %dma_start3A_201 = arith.constant 0 : i32
        %dma_start3A_202 = tpu.memref_slice %arg12[%dma_start3A_200, %dma_start3A_201] : memref<10000x64xf32, #tpu.memory_space<vmem_shared>> -> memref<16x64xf32, #tpu.memory_space<vmem_shared>>
        %dma_start3A_203 = arith.constant 9984 : i32
        %dma_start3A_204 = arith.constant 0 : i32
        %dma_start3A_205 = tpu.memref_slice %arg12[%dma_start3A_203, %dma_start3A_204] : memref<10000x64xf32, #tpu.memory_space<vmem_shared>> -> memref<16x64xf32, #tpu.memory_space<vmem_shared>>
        %dma_start3A_206 = arith.constant 0 : i32
        %dma_start3A_207 = arith.constant 0 : i32
        %dma_start3A_208 = tpu.memref_slice %arg10[%dma_start3A_206, %dma_start3A_207] : memref<250x64xf32, #tpu.memory_space<vmem>> -> memref<16x64xf32, #tpu.memory_space<vmem>>
        tpu.enqueue_dma source(%dma_start3A_208 : memref<16x64xf32, #tpu.memory_space<vmem>>) target(%dma_start3A_205 : memref<16x64xf32, #tpu.memory_space<vmem_shared>>) target_semaphore(%run_scoped3A_197 : memref<!tpu.dma_semaphore, #tpu.memory_space<semaphore_mem>>)
        %dma_wait3A = arith.constant 0 : i32
        %dma_wait3A_209 = arith.constant 0 : i32
        %dma_wait3A_210 = tpu.memref_slice %arg10[%dma_wait3A, %dma_wait3A_209] : memref<250x64xf32, #tpu.memory_space<vmem>> -> memref<16x64xf32, #tpu.memory_space<vmem>>
        %dma_wait3A_211 = arith.constant 9984 : i32
        %dma_wait3A_212 = arith.constant 0 : i32
        %dma_wait3A_213 = tpu.memref_slice %arg12[%dma_wait3A_211, %dma_wait3A_212] : memref<10000x64xf32, #tpu.memory_space<vmem_shared>> -> memref<16x64xf32, #tpu.memory_space<vmem_shared>>
        %dma_wait3A_214 = arith.constant 9984 : i32
        %dma_wait3A_215 = arith.constant 0 : i32
        %dma_wait3A_216 = tpu.memref_slice %arg12[%dma_wait3A_214, %dma_wait3A_215] : memref<10000x64xf32, #tpu.memory_space<vmem_shared>> -> memref<16x64xf32, #tpu.memory_space<vmem_shared>>
        %dma_wait3A_217 = arith.constant 0 : i32
        %dma_wait3A_218 = arith.constant 0 : i32
        %dma_wait3A_219 = tpu.memref_slice %arg10[%dma_wait3A_217, %dma_wait3A_218] : memref<250x64xf32, #tpu.memory_space<vmem>> -> memref<16x64xf32, #tpu.memory_space<vmem>>
        tpu.wait_dma2 semaphore(%run_scoped3A_197 : memref<!tpu.dma_semaphore, #tpu.memory_space<semaphore_mem>>) src(%dma_wait3A_219 : memref<16x64xf32, #tpu.memory_space<vmem>>) dst(%dma_wait3A_216 : memref<16x64xf32, #tpu.memory_space<vmem_shared>>)
        tpu.yield
      }) : () -> ()
      "tpu.region"() ({
        %run_scoped3A_197 = tpu.sem_alloc : memref<!tpu.dma_semaphore, #tpu.memory_space<semaphore_mem>>
        %dma_start3A = arith.constant 0 : i32
        %dma_start3A_198 = arith.constant 0 : i32
        %dma_start3A_199 = tpu.memref_slice %arg13[%dma_start3A, %dma_start3A_198] : memref<250x16xbf16, #tpu.memory_space<vmem>> -> memref<16x16xbf16, #tpu.memory_space<vmem>>
        %dma_start3A_200 = arith.constant 9984 : i32
        %dma_start3A_201 = arith.constant 0 : i32
        %dma_start3A_202 = tpu.memref_slice %arg14[%dma_start3A_200, %dma_start3A_201] : memref<10000x16xbf16, #tpu.memory_space<vmem_shared>> -> memref<16x16xbf16, #tpu.memory_space<vmem_shared>>
        %dma_start3A_203 = arith.constant 9984 : i32
        %dma_start3A_204 = arith.constant 0 : i32
        %dma_start3A_205 = tpu.memref_slice %arg14[%dma_start3A_203, %dma_start3A_204] : memref<10000x16xbf16, #tpu.memory_space<vmem_shared>> -> memref<16x16xbf16, #tpu.memory_space<vmem_shared>>
        %dma_start3A_206 = arith.constant 0 : i32
        %dma_start3A_207 = arith.constant 0 : i32
        %dma_start3A_208 = tpu.memref_slice %arg13[%dma_start3A_206, %dma_start3A_207] : memref<250x16xbf16, #tpu.memory_space<vmem>> -> memref<16x16xbf16, #tpu.memory_space<vmem>>
        tpu.enqueue_dma source(%dma_start3A_208 : memref<16x16xbf16, #tpu.memory_space<vmem>>) target(%dma_start3A_205 : memref<16x16xbf16, #tpu.memory_space<vmem_shared>>) target_semaphore(%run_scoped3A_197 : memref<!tpu.dma_semaphore, #tpu.memory_space<semaphore_mem>>)
        %dma_wait3A = arith.constant 0 : i32
        %dma_wait3A_209 = arith.constant 0 : i32
        %dma_wait3A_210 = tpu.memref_slice %arg13[%dma_wait3A, %dma_wait3A_209] : memref<250x16xbf16, #tpu.memory_space<vmem>> -> memref<16x16xbf16, #tpu.memory_space<vmem>>
        %dma_wait3A_211 = arith.constant 9984 : i32
        %dma_wait3A_212 = arith.constant 0 : i32
        %dma_wait3A_213 = tpu.memref_slice %arg14[%dma_wait3A_211, %dma_wait3A_212] : memref<10000x16xbf16, #tpu.memory_space<vmem_shared>> -> memref<16x16xbf16, #tpu.memory_space<vmem_shared>>
        %dma_wait3A_214 = arith.constant 9984 : i32
        %dma_wait3A_215 = arith.constant 0 : i32
        %dma_wait3A_216 = tpu.memref_slice %arg14[%dma_wait3A_214, %dma_wait3A_215] : memref<10000x16xbf16, #tpu.memory_space<vmem_shared>> -> memref<16x16xbf16, #tpu.memory_space<vmem_shared>>
        %dma_wait3A_217 = arith.constant 0 : i32
        %dma_wait3A_218 = arith.constant 0 : i32
        %dma_wait3A_219 = tpu.memref_slice %arg13[%dma_wait3A_217, %dma_wait3A_218] : memref<250x16xbf16, #tpu.memory_space<vmem>> -> memref<16x16xbf16, #tpu.memory_space<vmem>>
        tpu.wait_dma2 semaphore(%run_scoped3A_197 : memref<!tpu.dma_semaphore, #tpu.memory_space<semaphore_mem>>) src(%dma_wait3A_219 : memref<16x16xbf16, #tpu.memory_space<vmem>>) dst(%dma_wait3A_216 : memref<16x16xbf16, #tpu.memory_space<vmem_shared>>)
        tpu.yield
      }) : () -> ()
    } else {
    }
    %broadcast_in_dim3A_63 = arith.constant 1.000000e+00 : bf16
    %broadcast_in_dim3A_64 = vector.broadcast %broadcast_in_dim3A_63 : bf16 to vector<2x16xbf16>
    %scan3A_65 = arith.constant 0 : i32
    %scan3A_66 = arith.constant 0 : i32
    %scan3A_67 = arith.constant 125 : i32
    %scan3A_68 = arith.addi %scan3A_66, %scan3A_67 : i32
    %scan3A_69 = arith.constant 1 : i32
    scf.for %scan3A_197 = %scan3A_66 to %scan3A_68 step %scan3A_69  : i32 {
      %mul3A_198 = arith.constant 2 : i32
      %mul3A_199 = arith.muli %mul3A_198, %scan3A_197 : i32
      %swap3A = arith.index_cast %mul3A_199 : i32 to index
      %swap3A_200 = arith.constant 0 : index
      %swap3A_201 = tpu.vector_load %arg13[%swap3A, %swap3A_200] {strides = array<i32>} : memref<250x16xbf16, #tpu.memory_space<vmem>>, vector<2x16xbf16>,
      %swap3A_202 = vector.shape_cast %swap3A_201 : vector<2x16xbf16> to vector<2x16xbf16>
      %swap3A_203 = vector.shape_cast %broadcast_in_dim3A_64 : vector<2x16xbf16> to vector<2x16xbf16>
      tpu.vector_store %arg13[%swap3A, %swap3A_200], %swap3A_203 {strides = array<i32>} : memref<250x16xbf16, #tpu.memory_space<vmem>>, vector<2x16xbf16>,
    }
    %scan3A_70 = arith.constant 125 : i32
    %barrier3A = arith.constant 0 : index
    tpu.barrier barrier_id(%barrier3A)
    %eq3A_71 = arith.constant 0 : i32
    %eq3A_72 = arith.cmpi eq, %arg0, %eq3A_71 : i32
    %convert_element_type3A_73 = arith.extui %eq3A_72 : i1 to i32
    %cond3A_74 = arith.constant 0 : i32
    %cond3A_75 = arith.cmpi ne, %convert_element_type3A_73, %cond3A_74 : i32
    scf.if %cond3A_75 {
      %dma_start3A = arith.constant 0 : i32
      %dma_start3A_197 = arith.constant 0 : i32
      %dma_start3A_198 = tpu.memref_slice %arg8[%dma_start3A, %dma_start3A_197] : memref<40x250xi32, #tpu.memory_space<vmem>> -> memref<1x250xi32, #tpu.memory_space<vmem>>
      %dma_start3A_199 = tpu.memref_squeeze %dma_start3A_198 : memref<1x250xi32, #tpu.memory_space<vmem>> -> memref<250xi32, #tpu.memory_space<vmem>>
      %dma_start3A_200 = arith.constant 0 : i32
      %dma_start3A_201 = arith.constant 0 : i32
      %dma_start3A_202 = tpu.memref_slice %arg2[%dma_start3A_200, %dma_start3A_201] : memref<10000x64xf32, #tpu.memory_space<hbm>> -> memref<10000x64xf32, #tpu.memory_space<hbm>>
      tpu.enqueue_indirect_dma source(%dma_start3A_202 : memref<10000x64xf32, #tpu.memory_space<hbm>>) target(%arg10 : memref<250x64xf32, #tpu.memory_space<vmem>>) offsets(%dma_start3A_199 : memref<250xi32, #tpu.memory_space<vmem>>) semaphore(%arg15 : memref<!tpu.dma_semaphore, #tpu.memory_space<semaphore_mem>>)
      %dma_start3A_203 = arith.constant 1 : i32
      %dma_start3A_204 = arith.constant 0 : i32
      %dma_start3A_205 = tpu.memref_slice %arg8[%dma_start3A_203, %dma_start3A_204] : memref<40x250xi32, #tpu.memory_space<vmem>> -> memref<1x250xi32, #tpu.memory_space<vmem>>
      %dma_start3A_206 = tpu.memref_squeeze %dma_start3A_205 : memref<1x250xi32, #tpu.memory_space<vmem>> -> memref<250xi32, #tpu.memory_space<vmem>>
      %dma_start3A_207 = arith.constant 0 : i32
      %dma_start3A_208 = arith.constant 0 : i32
      %dma_start3A_209 = tpu.memref_slice %arg2[%dma_start3A_207, %dma_start3A_208] : memref<10000x64xf32, #tpu.memory_space<hbm>> -> memref<10000x64xf32, #tpu.memory_space<hbm>>
      tpu.enqueue_indirect_dma source(%dma_start3A_209 : memref<10000x64xf32, #tpu.memory_space<hbm>>) target(%arg11 : memref<250x64xf32, #tpu.memory_space<vmem>>) offsets(%dma_start3A_206 : memref<250xi32, #tpu.memory_space<vmem>>) semaphore(%arg16 : memref<!tpu.dma_semaphore, #tpu.memory_space<semaphore_mem>>)
      %scan3A_210 = arith.constant 0 : i32
      %scan3A_211 = arith.constant 0 : i32
      %scan3A_212 = arith.constant 20 : i32
      %scan3A_213 = arith.addi %scan3A_211, %scan3A_212 : i32
      %scan3A_214 = arith.constant 1 : i32
      scf.for %scan3A_229 = %scan3A_211 to %scan3A_213 step %scan3A_214  : i32 {
        %mul3A_230 = arith.constant 2 : i32
        %mul3A_231 = arith.muli %mul3A_230, %scan3A_229 : i32
        %add3A_232 = arith.constant 0 : i32
        %add3A_233 = arith.addi %mul3A_231, %add3A_232 : i32
        %dma_wait3A_234 = arith.constant 0 : i32
        %dma_wait3A_235 = tpu.memref_slice %arg8[%add3A_233, %dma_wait3A_234] : memref<40x250xi32, #tpu.memory_space<vmem>> -> memref<1x250xi32, #tpu.memory_space<vmem>>
        %dma_wait3A_236 = tpu.memref_squeeze %dma_wait3A_235 : memref<1x250xi32, #tpu.memory_space<vmem>> -> memref<250xi32, #tpu.memory_space<vmem>>
        %dma_wait3A_237 = arith.constant 0 : i32
        %dma_wait3A_238 = arith.constant 0 : i32
        %dma_wait3A_239 = tpu.memref_slice %arg2[%dma_wait3A_237, %dma_wait3A_238] : memref<10000x64xf32, #tpu.memory_space<hbm>> -> memref<10000x64xf32, #tpu.memory_space<hbm>>
        tpu.wait_indirect_dma semaphore(%arg15 : memref<!tpu.dma_semaphore, #tpu.memory_space<semaphore_mem>>) src(%dma_wait3A_239 : memref<10000x64xf32, #tpu.memory_space<hbm>>) dst(%arg10 : memref<250x64xf32, #tpu.memory_space<vmem>>)
        %dma_start3A_240 = arith.constant 0 : i32
        %dma_start3A_241 = tpu.memref_slice %arg9[%add3A_233, %dma_start3A_240] : memref<40x250xi32, #tpu.memory_space<vmem>> -> memref<1x250xi32, #tpu.memory_space<vmem>>
        %dma_start3A_242 = tpu.memref_squeeze %dma_start3A_241 : memref<1x250xi32, #tpu.memory_space<vmem>> -> memref<250xi32, #tpu.memory_space<vmem>>
        %dma_start3A_243 = arith.constant 0 : i32
        %dma_start3A_244 = arith.constant 0 : i32
        %dma_start3A_245 = tpu.memref_slice %arg12[%dma_start3A_243, %dma_start3A_244] : memref<10000x64xf32, #tpu.memory_space<vmem_shared>> -> memref<10000x64xf32, #tpu.memory_space<vmem_shared>>
        tpu.enqueue_indirect_dma source(%arg10 : memref<250x64xf32, #tpu.memory_space<vmem>>) target(%dma_start3A_245 : memref<10000x64xf32, #tpu.memory_space<vmem_shared>>) offsets(%dma_start3A_242 : memref<250xi32, #tpu.memory_space<vmem>>) semaphore(%arg17 : memref<!tpu.dma_semaphore, #tpu.memory_space<semaphore_mem>>) {add = true}
        %add3A_246 = arith.constant 2 : i32
        %add3A_247 = arith.addi %add3A_233, %add3A_246 : i32
        %lt3A = arith.constant 40 : i32
        %lt3A_248 = arith.cmpi slt, %add3A_247, %lt3A : i32
        %convert_element_type3A_249 = arith.extui %lt3A_248 : i1 to i32
        %cond3A_250 = arith.constant 0 : i32
        %cond3A_251 = arith.cmpi ne, %convert_element_type3A_249, %cond3A_250 : i32
        scf.if %cond3A_251 {
          %dma_wait3A_275 = arith.constant 0 : i32
          %dma_wait3A_276 = tpu.memref_slice %arg9[%add3A_233, %dma_wait3A_275] : memref<40x250xi32, #tpu.memory_space<vmem>> -> memref<1x250xi32, #tpu.memory_space<vmem>>
          %dma_wait3A_277 = tpu.memref_squeeze %dma_wait3A_276 : memref<1x250xi32, #tpu.memory_space<vmem>> -> memref<250xi32, #tpu.memory_space<vmem>>
          %dma_wait3A_278 = arith.constant 0 : i32
          %dma_wait3A_279 = arith.constant 0 : i32
          %dma_wait3A_280 = tpu.memref_slice %arg12[%dma_wait3A_278, %dma_wait3A_279] : memref<10000x64xf32, #tpu.memory_space<vmem_shared>> -> memref<10000x64xf32, #tpu.memory_space<vmem_shared>>
          tpu.wait_indirect_dma semaphore(%arg17 : memref<!tpu.dma_semaphore, #tpu.memory_space<semaphore_mem>>) src(%arg10 : memref<250x64xf32, #tpu.memory_space<vmem>>) dst(%dma_wait3A_280 : memref<10000x64xf32, #tpu.memory_space<vmem_shared>>)
          %add3A_281 = arith.constant 2 : i32
          %add3A_282 = arith.addi %add3A_233, %add3A_281 : i32
          %dma_start3A_283 = arith.constant 0 : i32
          %dma_start3A_284 = tpu.memref_slice %arg8[%add3A_282, %dma_start3A_283] : memref<40x250xi32, #tpu.memory_space<vmem>> -> memref<1x250xi32, #tpu.memory_space<vmem>>
          %dma_start3A_285 = tpu.memref_squeeze %dma_start3A_284 : memref<1x250xi32, #tpu.memory_space<vmem>> -> memref<250xi32, #tpu.memory_space<vmem>>
          %dma_start3A_286 = arith.constant 0 : i32
          %dma_start3A_287 = arith.constant 0 : i32
          %dma_start3A_288 = tpu.memref_slice %arg2[%dma_start3A_286, %dma_start3A_287] : memref<10000x64xf32, #tpu.memory_space<hbm>> -> memref<10000x64xf32, #tpu.memory_space<hbm>>
          tpu.enqueue_indirect_dma source(%dma_start3A_288 : memref<10000x64xf32, #tpu.memory_space<hbm>>) target(%arg10 : memref<250x64xf32, #tpu.memory_space<vmem>>) offsets(%dma_start3A_285 : memref<250xi32, #tpu.memory_space<vmem>>) semaphore(%arg15 : memref<!tpu.dma_semaphore, #tpu.memory_space<semaphore_mem>>)
        } else {
        }
        %mul3A_252 = arith.constant 2 : i32
        %mul3A_253 = arith.muli %mul3A_252, %scan3A_229 : i32
        %add3A_254 = arith.constant 1 : i32
        %add3A_255 = arith.addi %mul3A_253, %add3A_254 : i32
        %dma_wait3A_256 = arith.constant 0 : i32
        %dma_wait3A_257 = tpu.memref_slice %arg8[%add3A_255, %dma_wait3A_256] : memref<40x250xi32, #tpu.memory_space<vmem>> -> memref<1x250xi32, #tpu.memory_space<vmem>>
        %dma_wait3A_258 = tpu.memref_squeeze %dma_wait3A_257 : memref<1x250xi32, #tpu.memory_space<vmem>> -> memref<250xi32, #tpu.memory_space<vmem>>
        %dma_wait3A_259 = arith.constant 0 : i32
        %dma_wait3A_260 = arith.constant 0 : i32
        %dma_wait3A_261 = tpu.memref_slice %arg2[%dma_wait3A_259, %dma_wait3A_260] : memref<10000x64xf32, #tpu.memory_space<hbm>> -> memref<10000x64xf32, #tpu.memory_space<hbm>>
        tpu.wait_indirect_dma semaphore(%arg16 : memref<!tpu.dma_semaphore, #tpu.memory_space<semaphore_mem>>) src(%dma_wait3A_261 : memref<10000x64xf32, #tpu.memory_space<hbm>>) dst(%arg11 : memref<250x64xf32, #tpu.memory_space<vmem>>)
        %dma_start3A_262 = arith.constant 0 : i32
        %dma_start3A_263 = tpu.memref_slice %arg9[%add3A_255, %dma_start3A_262] : memref<40x250xi32, #tpu.memory_space<vmem>> -> memref<1x250xi32, #tpu.memory_space<vmem>>
        %dma_start3A_264 = tpu.memref_squeeze %dma_start3A_263 : memref<1x250xi32, #tpu.memory_space<vmem>> -> memref<250xi32, #tpu.memory_space<vmem>>
        %dma_start3A_265 = arith.constant 0 : i32
        %dma_start3A_266 = arith.constant 0 : i32
        %dma_start3A_267 = tpu.memref_slice %arg12[%dma_start3A_265, %dma_start3A_266] : memref<10000x64xf32, #tpu.memory_space<vmem_shared>> -> memref<10000x64xf32, #tpu.memory_space<vmem_shared>>
        tpu.enqueue_indirect_dma source(%arg11 : memref<250x64xf32, #tpu.memory_space<vmem>>) target(%dma_start3A_267 : memref<10000x64xf32, #tpu.memory_space<vmem_shared>>) offsets(%dma_start3A_264 : memref<250xi32, #tpu.memory_space<vmem>>) semaphore(%arg18 : memref<!tpu.dma_semaphore, #tpu.memory_space<semaphore_mem>>) {add = true}
        %add3A_268 = arith.constant 2 : i32
        %add3A_269 = arith.addi %add3A_255, %add3A_268 : i32
        %lt3A_270 = arith.constant 40 : i32
        %lt3A_271 = arith.cmpi slt, %add3A_269, %lt3A_270 : i32
        %convert_element_type3A_272 = arith.extui %lt3A_271 : i1 to i32
        %cond3A_273 = arith.constant 0 : i32
        %cond3A_274 = arith.cmpi ne, %convert_element_type3A_272, %cond3A_273 : i32
        scf.if %cond3A_274 {
          %dma_wait3A_275 = arith.constant 0 : i32
          %dma_wait3A_276 = tpu.memref_slice %arg9[%add3A_255, %dma_wait3A_275] : memref<40x250xi32, #tpu.memory_space<vmem>> -> memref<1x250xi32, #tpu.memory_space<vmem>>
          %dma_wait3A_277 = tpu.memref_squeeze %dma_wait3A_276 : memref<1x250xi32, #tpu.memory_space<vmem>> -> memref<250xi32, #tpu.memory_space<vmem>>
          %dma_wait3A_278 = arith.constant 0 : i32
          %dma_wait3A_279 = arith.constant 0 : i32
          %dma_wait3A_280 = tpu.memref_slice %arg12[%dma_wait3A_278, %dma_wait3A_279] : memref<10000x64xf32, #tpu.memory_space<vmem_shared>> -> memref<10000x64xf32, #tpu.memory_space<vmem_shared>>
          tpu.wait_indirect_dma semaphore(%arg18 : memref<!tpu.dma_semaphore, #tpu.memory_space<semaphore_mem>>) src(%arg11 : memref<250x64xf32, #tpu.memory_space<vmem>>) dst(%dma_wait3A_280 : memref<10000x64xf32, #tpu.memory_space<vmem_shared>>)
          %add3A_281 = arith.constant 2 : i32
          %add3A_282 = arith.addi %add3A_255, %add3A_281 : i32
          %dma_start3A_283 = arith.constant 0 : i32
          %dma_start3A_284 = tpu.memref_slice %arg8[%add3A_282, %dma_start3A_283] : memref<40x250xi32, #tpu.memory_space<vmem>> -> memref<1x250xi32, #tpu.memory_space<vmem>>
          %dma_start3A_285 = tpu.memref_squeeze %dma_start3A_284 : memref<1x250xi32, #tpu.memory_space<vmem>> -> memref<250xi32, #tpu.memory_space<vmem>>
          %dma_start3A_286 = arith.constant 0 : i32
          %dma_start3A_287 = arith.constant 0 : i32
          %dma_start3A_288 = tpu.memref_slice %arg2[%dma_start3A_286, %dma_start3A_287] : memref<10000x64xf32, #tpu.memory_space<hbm>> -> memref<10000x64xf32, #tpu.memory_space<hbm>>
          tpu.enqueue_indirect_dma source(%dma_start3A_288 : memref<10000x64xf32, #tpu.memory_space<hbm>>) target(%arg11 : memref<250x64xf32, #tpu.memory_space<vmem>>) offsets(%dma_start3A_285 : memref<250xi32, #tpu.memory_space<vmem>>) semaphore(%arg16 : memref<!tpu.dma_semaphore, #tpu.memory_space<semaphore_mem>>)
        } else {
        }
      }
      %scan3A_215 = arith.constant 20 : i32
      %dma_wait3A = arith.constant 38 : i32
      %dma_wait3A_216 = arith.constant 0 : i32
      %dma_wait3A_217 = tpu.memref_slice %arg9[%dma_wait3A, %dma_wait3A_216] : memref<40x250xi32, #tpu.memory_space<vmem>> -> memref<1x250xi32, #tpu.memory_space<vmem>>
      %dma_wait3A_218 = tpu.memref_squeeze %dma_wait3A_217 : memref<1x250xi32, #tpu.memory_space<vmem>> -> memref<250xi32, #tpu.memory_space<vmem>>
      %dma_wait3A_219 = arith.constant 0 : i32
      %dma_wait3A_220 = arith.constant 0 : i32
      %dma_wait3A_221 = tpu.memref_slice %arg12[%dma_wait3A_219, %dma_wait3A_220] : memref<10000x64xf32, #tpu.memory_space<vmem_shared>> -> memref<10000x64xf32, #tpu.memory_space<vmem_shared>>
      tpu.wait_indirect_dma semaphore(%arg17 : memref<!tpu.dma_semaphore, #tpu.memory_space<semaphore_mem>>) src(%arg10 : memref<250x64xf32, #tpu.memory_space<vmem>>) dst(%dma_wait3A_221 : memref<10000x64xf32, #tpu.memory_space<vmem_shared>>)
      %dma_wait3A_222 = arith.constant 39 : i32
      %dma_wait3A_223 = arith.constant 0 : i32
      %dma_wait3A_224 = tpu.memref_slice %arg9[%dma_wait3A_222, %dma_wait3A_223] : memref<40x250xi32, #tpu.memory_space<vmem>> -> memref<1x250xi32, #tpu.memory_space<vmem>>
      %dma_wait3A_225 = tpu.memref_squeeze %dma_wait3A_224 : memref<1x250xi32, #tpu.memory_space<vmem>> -> memref<250xi32, #tpu.memory_space<vmem>>
      %dma_wait3A_226 = arith.constant 0 : i32
      %dma_wait3A_227 = arith.constant 0 : i32
      %dma_wait3A_228 = tpu.memref_slice %arg12[%dma_wait3A_226, %dma_wait3A_227] : memref<10000x64xf32, #tpu.memory_space<vmem_shared>> -> memref<10000x64xf32, #tpu.memory_space<vmem_shared>>
      tpu.wait_indirect_dma semaphore(%arg18 : memref<!tpu.dma_semaphore, #tpu.memory_space<semaphore_mem>>) src(%arg11 : memref<250x64xf32, #tpu.memory_space<vmem>>) dst(%dma_wait3A_228 : memref<10000x64xf32, #tpu.memory_space<vmem_shared>>)
    } else {
    }
    %eq3A_76 = arith.constant 1 : i32
    %eq3A_77 = arith.cmpi eq, %arg0, %eq3A_76 : i32
    %convert_element_type3A_78 = arith.extui %eq3A_77 : i1 to i32
    %cond3A_79 = arith.constant 0 : i32
    %cond3A_80 = arith.cmpi ne, %convert_element_type3A_78, %cond3A_79 : i32
    scf.if %cond3A_80 {
      %dma_start3A = arith.constant 0 : i32
      %dma_start3A_197 = arith.constant 0 : i32
      %dma_start3A_198 = tpu.memref_slice %arg8[%dma_start3A, %dma_start3A_197] : memref<40x250xi32, #tpu.memory_space<vmem>> -> memref<1x250xi32, #tpu.memory_space<vmem>>
      %dma_start3A_199 = tpu.memref_squeeze %dma_start3A_198 : memref<1x250xi32, #tpu.memory_space<vmem>> -> memref<250xi32, #tpu.memory_space<vmem>>
      %dma_start3A_200 = arith.constant 0 : i32
      %dma_start3A_201 = arith.constant 0 : i32
      %dma_start3A_202 = tpu.memref_slice %arg3[%dma_start3A_200, %dma_start3A_201] : memref<10000x64xf32, #tpu.memory_space<hbm>> -> memref<10000x64xf32, #tpu.memory_space<hbm>>
      tpu.enqueue_indirect_dma source(%dma_start3A_202 : memref<10000x64xf32, #tpu.memory_space<hbm>>) target(%arg10 : memref<250x64xf32, #tpu.memory_space<vmem>>) offsets(%dma_start3A_199 : memref<250xi32, #tpu.memory_space<vmem>>) semaphore(%arg15 : memref<!tpu.dma_semaphore, #tpu.memory_space<semaphore_mem>>)
      %dma_start3A_203 = arith.constant 1 : i32
      %dma_start3A_204 = arith.constant 0 : i32
      %dma_start3A_205 = tpu.memref_slice %arg8[%dma_start3A_203, %dma_start3A_204] : memref<40x250xi32, #tpu.memory_space<vmem>> -> memref<1x250xi32, #tpu.memory_space<vmem>>
      %dma_start3A_206 = tpu.memref_squeeze %dma_start3A_205 : memref<1x250xi32, #tpu.memory_space<vmem>> -> memref<250xi32, #tpu.memory_space<vmem>>
      %dma_start3A_207 = arith.constant 0 : i32
      %dma_start3A_208 = arith.constant 0 : i32
      %dma_start3A_209 = tpu.memref_slice %arg3[%dma_start3A_207, %dma_start3A_208] : memref<10000x64xf32, #tpu.memory_space<hbm>> -> memref<10000x64xf32, #tpu.memory_space<hbm>>
      tpu.enqueue_indirect_dma source(%dma_start3A_209 : memref<10000x64xf32, #tpu.memory_space<hbm>>) target(%arg11 : memref<250x64xf32, #tpu.memory_space<vmem>>) offsets(%dma_start3A_206 : memref<250xi32, #tpu.memory_space<vmem>>) semaphore(%arg16 : memref<!tpu.dma_semaphore, #tpu.memory_space<semaphore_mem>>)
      %scan3A_210 = arith.constant 0 : i32
      %scan3A_211 = arith.constant 0 : i32
      %scan3A_212 = arith.constant 20 : i32
      %scan3A_213 = arith.addi %scan3A_211, %scan3A_212 : i32
      %scan3A_214 = arith.constant 1 : i32
      scf.for %scan3A_229 = %scan3A_211 to %scan3A_213 step %scan3A_214  : i32 {
        %mul3A_230 = arith.constant 2 : i32
        %mul3A_231 = arith.muli %mul3A_230, %scan3A_229 : i32
        %add3A_232 = arith.constant 0 : i32
        %add3A_233 = arith.addi %mul3A_231, %add3A_232 : i32
        %dma_wait3A_234 = arith.constant 0 : i32
        %dma_wait3A_235 = tpu.memref_slice %arg8[%add3A_233, %dma_wait3A_234] : memref<40x250xi32, #tpu.memory_space<vmem>> -> memref<1x250xi32, #tpu.memory_space<vmem>>
        %dma_wait3A_236 = tpu.memref_squeeze %dma_wait3A_235 : memref<1x250xi32, #tpu.memory_space<vmem>> -> memref<250xi32, #tpu.memory_space<vmem>>
        %dma_wait3A_237 = arith.constant 0 : i32
        %dma_wait3A_238 = arith.constant 0 : i32
        %dma_wait3A_239 = tpu.memref_slice %arg3[%dma_wait3A_237, %dma_wait3A_238] : memref<10000x64xf32, #tpu.memory_space<hbm>> -> memref<10000x64xf32, #tpu.memory_space<hbm>>
        tpu.wait_indirect_dma semaphore(%arg15 : memref<!tpu.dma_semaphore, #tpu.memory_space<semaphore_mem>>) src(%dma_wait3A_239 : memref<10000x64xf32, #tpu.memory_space<hbm>>) dst(%arg10 : memref<250x64xf32, #tpu.memory_space<vmem>>)
        %dma_start3A_240 = arith.constant 0 : i32
        %dma_start3A_241 = tpu.memref_slice %arg9[%add3A_233, %dma_start3A_240] : memref<40x250xi32, #tpu.memory_space<vmem>> -> memref<1x250xi32, #tpu.memory_space<vmem>>
        %dma_start3A_242 = tpu.memref_squeeze %dma_start3A_241 : memref<1x250xi32, #tpu.memory_space<vmem>> -> memref<250xi32, #tpu.memory_space<vmem>>
        %dma_start3A_243 = arith.constant 0 : i32
        %dma_start3A_244 = arith.constant 0 : i32
        %dma_start3A_245 = tpu.memref_slice %arg12[%dma_start3A_243, %dma_start3A_244] : memref<10000x64xf32, #tpu.memory_space<vmem_shared>> -> memref<10000x64xf32, #tpu.memory_space<vmem_shared>>
        tpu.enqueue_indirect_dma source(%arg10 : memref<250x64xf32, #tpu.memory_space<vmem>>) target(%dma_start3A_245 : memref<10000x64xf32, #tpu.memory_space<vmem_shared>>) offsets(%dma_start3A_242 : memref<250xi32, #tpu.memory_space<vmem>>) semaphore(%arg17 : memref<!tpu.dma_semaphore, #tpu.memory_space<semaphore_mem>>) {add = true}
        %add3A_246 = arith.constant 2 : i32
        %add3A_247 = arith.addi %add3A_233, %add3A_246 : i32
        %lt3A = arith.constant 40 : i32
        %lt3A_248 = arith.cmpi slt, %add3A_247, %lt3A : i32
        %convert_element_type3A_249 = arith.extui %lt3A_248 : i1 to i32
        %cond3A_250 = arith.constant 0 : i32
        %cond3A_251 = arith.cmpi ne, %convert_element_type3A_249, %cond3A_250 : i32
        scf.if %cond3A_251 {
          %dma_wait3A_275 = arith.constant 0 : i32
          %dma_wait3A_276 = tpu.memref_slice %arg9[%add3A_233, %dma_wait3A_275] : memref<40x250xi32, #tpu.memory_space<vmem>> -> memref<1x250xi32, #tpu.memory_space<vmem>>
          %dma_wait3A_277 = tpu.memref_squeeze %dma_wait3A_276 : memref<1x250xi32, #tpu.memory_space<vmem>> -> memref<250xi32, #tpu.memory_space<vmem>>
          %dma_wait3A_278 = arith.constant 0 : i32
          %dma_wait3A_279 = arith.constant 0 : i32
          %dma_wait3A_280 = tpu.memref_slice %arg12[%dma_wait3A_278, %dma_wait3A_279] : memref<10000x64xf32, #tpu.memory_space<vmem_shared>> -> memref<10000x64xf32, #tpu.memory_space<vmem_shared>>
          tpu.wait_indirect_dma semaphore(%arg17 : memref<!tpu.dma_semaphore, #tpu.memory_space<semaphore_mem>>) src(%arg10 : memref<250x64xf32, #tpu.memory_space<vmem>>) dst(%dma_wait3A_280 : memref<10000x64xf32, #tpu.memory_space<vmem_shared>>)
          %add3A_281 = arith.constant 2 : i32
          %add3A_282 = arith.addi %add3A_233, %add3A_281 : i32
          %dma_start3A_283 = arith.constant 0 : i32
          %dma_start3A_284 = tpu.memref_slice %arg8[%add3A_282, %dma_start3A_283] : memref<40x250xi32, #tpu.memory_space<vmem>> -> memref<1x250xi32, #tpu.memory_space<vmem>>
          %dma_start3A_285 = tpu.memref_squeeze %dma_start3A_284 : memref<1x250xi32, #tpu.memory_space<vmem>> -> memref<250xi32, #tpu.memory_space<vmem>>
          %dma_start3A_286 = arith.constant 0 : i32
          %dma_start3A_287 = arith.constant 0 : i32
          %dma_start3A_288 = tpu.memref_slice %arg3[%dma_start3A_286, %dma_start3A_287] : memref<10000x64xf32, #tpu.memory_space<hbm>> -> memref<10000x64xf32, #tpu.memory_space<hbm>>
          tpu.enqueue_indirect_dma source(%dma_start3A_288 : memref<10000x64xf32, #tpu.memory_space<hbm>>) target(%arg10 : memref<250x64xf32, #tpu.memory_space<vmem>>) offsets(%dma_start3A_285 : memref<250xi32, #tpu.memory_space<vmem>>) semaphore(%arg15 : memref<!tpu.dma_semaphore, #tpu.memory_space<semaphore_mem>>)
        } else {
        }
        %mul3A_252 = arith.constant 2 : i32
        %mul3A_253 = arith.muli %mul3A_252, %scan3A_229 : i32
        %add3A_254 = arith.constant 1 : i32
        %add3A_255 = arith.addi %mul3A_253, %add3A_254 : i32
        %dma_wait3A_256 = arith.constant 0 : i32
        %dma_wait3A_257 = tpu.memref_slice %arg8[%add3A_255, %dma_wait3A_256] : memref<40x250xi32, #tpu.memory_space<vmem>> -> memref<1x250xi32, #tpu.memory_space<vmem>>
        %dma_wait3A_258 = tpu.memref_squeeze %dma_wait3A_257 : memref<1x250xi32, #tpu.memory_space<vmem>> -> memref<250xi32, #tpu.memory_space<vmem>>
        %dma_wait3A_259 = arith.constant 0 : i32
        %dma_wait3A_260 = arith.constant 0 : i32
        %dma_wait3A_261 = tpu.memref_slice %arg3[%dma_wait3A_259, %dma_wait3A_260] : memref<10000x64xf32, #tpu.memory_space<hbm>> -> memref<10000x64xf32, #tpu.memory_space<hbm>>
        tpu.wait_indirect_dma semaphore(%arg16 : memref<!tpu.dma_semaphore, #tpu.memory_space<semaphore_mem>>) src(%dma_wait3A_261 : memref<10000x64xf32, #tpu.memory_space<hbm>>) dst(%arg11 : memref<250x64xf32, #tpu.memory_space<vmem>>)
        %dma_start3A_262 = arith.constant 0 : i32
        %dma_start3A_263 = tpu.memref_slice %arg9[%add3A_255, %dma_start3A_262] : memref<40x250xi32, #tpu.memory_space<vmem>> -> memref<1x250xi32, #tpu.memory_space<vmem>>
        %dma_start3A_264 = tpu.memref_squeeze %dma_start3A_263 : memref<1x250xi32, #tpu.memory_space<vmem>> -> memref<250xi32, #tpu.memory_space<vmem>>
        %dma_start3A_265 = arith.constant 0 : i32
        %dma_start3A_266 = arith.constant 0 : i32
        %dma_start3A_267 = tpu.memref_slice %arg12[%dma_start3A_265, %dma_start3A_266] : memref<10000x64xf32, #tpu.memory_space<vmem_shared>> -> memref<10000x64xf32, #tpu.memory_space<vmem_shared>>
        tpu.enqueue_indirect_dma source(%arg11 : memref<250x64xf32, #tpu.memory_space<vmem>>) target(%dma_start3A_267 : memref<10000x64xf32, #tpu.memory_space<vmem_shared>>) offsets(%dma_start3A_264 : memref<250xi32, #tpu.memory_space<vmem>>) semaphore(%arg18 : memref<!tpu.dma_semaphore, #tpu.memory_space<semaphore_mem>>) {add = true}
        %add3A_268 = arith.constant 2 : i32
        %add3A_269 = arith.addi %add3A_255, %add3A_268 : i32
        %lt3A_270 = arith.constant 40 : i32
        %lt3A_271 = arith.cmpi slt, %add3A_269, %lt3A_270 : i32
        %convert_element_type3A_272 = arith.extui %lt3A_271 : i1 to i32
        %cond3A_273 = arith.constant 0 : i32
        %cond3A_274 = arith.cmpi ne, %convert_element_type3A_272, %cond3A_273 : i32
        scf.if %cond3A_274 {
          %dma_wait3A_275 = arith.constant 0 : i32
          %dma_wait3A_276 = tpu.memref_slice %arg9[%add3A_255, %dma_wait3A_275] : memref<40x250xi32, #tpu.memory_space<vmem>> -> memref<1x250xi32, #tpu.memory_space<vmem>>
          %dma_wait3A_277 = tpu.memref_squeeze %dma_wait3A_276 : memref<1x250xi32, #tpu.memory_space<vmem>> -> memref<250xi32, #tpu.memory_space<vmem>>
          %dma_wait3A_278 = arith.constant 0 : i32
          %dma_wait3A_279 = arith.constant 0 : i32
          %dma_wait3A_280 = tpu.memref_slice %arg12[%dma_wait3A_278, %dma_wait3A_279] : memref<10000x64xf32, #tpu.memory_space<vmem_shared>> -> memref<10000x64xf32, #tpu.memory_space<vmem_shared>>
          tpu.wait_indirect_dma semaphore(%arg18 : memref<!tpu.dma_semaphore, #tpu.memory_space<semaphore_mem>>) src(%arg11 : memref<250x64xf32, #tpu.memory_space<vmem>>) dst(%dma_wait3A_280 : memref<10000x64xf32, #tpu.memory_space<vmem_shared>>)
          %add3A_281 = arith.constant 2 : i32
          %add3A_282 = arith.addi %add3A_255, %add3A_281 : i32
          %dma_start3A_283 = arith.constant 0 : i32
          %dma_start3A_284 = tpu.memref_slice %arg8[%add3A_282, %dma_start3A_283] : memref<40x250xi32, #tpu.memory_space<vmem>> -> memref<1x250xi32, #tpu.memory_space<vmem>>
          %dma_start3A_285 = tpu.memref_squeeze %dma_start3A_284 : memref<1x250xi32, #tpu.memory_space<vmem>> -> memref<250xi32, #tpu.memory_space<vmem>>
          %dma_start3A_286 = arith.constant 0 : i32
          %dma_start3A_287 = arith.constant 0 : i32
          %dma_start3A_288 = tpu.memref_slice %arg3[%dma_start3A_286, %dma_start3A_287] : memref<10000x64xf32, #tpu.memory_space<hbm>> -> memref<10000x64xf32, #tpu.memory_space<hbm>>
          tpu.enqueue_indirect_dma source(%dma_start3A_288 : memref<10000x64xf32, #tpu.memory_space<hbm>>) target(%arg11 : memref<250x64xf32, #tpu.memory_space<vmem>>) offsets(%dma_start3A_285 : memref<250xi32, #tpu.memory_space<vmem>>) semaphore(%arg16 : memref<!tpu.dma_semaphore, #tpu.memory_space<semaphore_mem>>)
        } else {
        }
      }
      %scan3A_215 = arith.constant 20 : i32
      %dma_wait3A = arith.constant 38 : i32
      %dma_wait3A_216 = arith.constant 0 : i32
      %dma_wait3A_217 = tpu.memref_slice %arg9[%dma_wait3A, %dma_wait3A_216] : memref<40x250xi32, #tpu.memory_space<vmem>> -> memref<1x250xi32, #tpu.memory_space<vmem>>
      %dma_wait3A_218 = tpu.memref_squeeze %dma_wait3A_217 : memref<1x250xi32, #tpu.memory_space<vmem>> -> memref<250xi32, #tpu.memory_space<vmem>>
      %dma_wait3A_219 = arith.constant 0 : i32
      %dma_wait3A_220 = arith.constant 0 : i32
      %dma_wait3A_221 = tpu.memref_slice %arg12[%dma_wait3A_219, %dma_wait3A_220] : memref<10000x64xf32, #tpu.memory_space<vmem_shared>> -> memref<10000x64xf32, #tpu.memory_space<vmem_shared>>
      tpu.wait_indirect_dma semaphore(%arg17 : memref<!tpu.dma_semaphore, #tpu.memory_space<semaphore_mem>>) src(%arg10 : memref<250x64xf32, #tpu.memory_space<vmem>>) dst(%dma_wait3A_221 : memref<10000x64xf32, #tpu.memory_space<vmem_shared>>)
      %dma_wait3A_222 = arith.constant 39 : i32
      %dma_wait3A_223 = arith.constant 0 : i32
      %dma_wait3A_224 = tpu.memref_slice %arg9[%dma_wait3A_222, %dma_wait3A_223] : memref<40x250xi32, #tpu.memory_space<vmem>> -> memref<1x250xi32, #tpu.memory_space<vmem>>
      %dma_wait3A_225 = tpu.memref_squeeze %dma_wait3A_224 : memref<1x250xi32, #tpu.memory_space<vmem>> -> memref<250xi32, #tpu.memory_space<vmem>>
      %dma_wait3A_226 = arith.constant 0 : i32
      %dma_wait3A_227 = arith.constant 0 : i32
      %dma_wait3A_228 = tpu.memref_slice %arg12[%dma_wait3A_226, %dma_wait3A_227] : memref<10000x64xf32, #tpu.memory_space<vmem_shared>> -> memref<10000x64xf32, #tpu.memory_space<vmem_shared>>
      tpu.wait_indirect_dma semaphore(%arg18 : memref<!tpu.dma_semaphore, #tpu.memory_space<semaphore_mem>>) src(%arg11 : memref<250x64xf32, #tpu.memory_space<vmem>>) dst(%dma_wait3A_228 : memref<10000x64xf32, #tpu.memory_space<vmem_shared>>)
    } else {
    }
    %mul3A_81 = arith.constant 20 : i32
    %mul3A_82 = arith.muli %arg0, %mul3A_81 : i32
    %add3A_83 = arith.constant 1 : i32
    %add3A_84 = arith.addi %arg0, %add3A_83 : i32
    %mul3A_85 = arith.constant 20 : i32
    %mul3A_86 = arith.muli %add3A_84, %mul3A_85 : i32
    %while3A = arith.constant 0 : i32
    %while3A_87 = arith.subi %mul3A_86, %mul3A_82 : i32
    %while3A_88 = arith.addi %mul3A_82, %while3A_87 : i32
    %while3A_89 = arith.constant 1 : i32
    %while3A_90 = arith.divsi %while3A_87, %while3A_89 : i32
    %while3A_91 = arith.muli %while3A_90, %while3A_89 : i32
    %while3A_92 = arith.addi %mul3A_82, %while3A_91 : i32
    %while3A_93 = arith.constant 1 : i32
    scf.for %while3A_197 = %mul3A_82 to %while3A_92 step %while3A_93  : i32 {
      "tpu.region"() ({
        %run_scoped3A_198 = tpu.sem_alloc : memref<!tpu.dma_semaphore, #tpu.memory_space<semaphore_mem>>
        %dma_start3A = arith.constant 0 : i32
        %dma_start3A_199 = tpu.memref_slice %arg9[%while3A_197, %dma_start3A] : memref<40x250xi32, #tpu.memory_space<vmem>> -> memref<1x250xi32, #tpu.memory_space<vmem>>
        %dma_start3A_200 = tpu.memref_squeeze %dma_start3A_199 : memref<1x250xi32, #tpu.memory_space<vmem>> -> memref<250xi32, #tpu.memory_space<vmem>>
        %dma_start3A_201 = arith.constant 0 : i32
        %dma_start3A_202 = arith.constant 0 : i32
        %dma_start3A_203 = tpu.memref_slice %arg14[%dma_start3A_201, %dma_start3A_202] : memref<10000x16xbf16, #tpu.memory_space<vmem_shared>> -> memref<10000x16xbf16, #tpu.memory_space<vmem_shared>>
        tpu.enqueue_indirect_dma source(%arg13 : memref<250x16xbf16, #tpu.memory_space<vmem>>) target(%dma_start3A_203 : memref<10000x16xbf16, #tpu.memory_space<vmem_shared>>) offsets(%dma_start3A_200 : memref<250xi32, #tpu.memory_space<vmem>>) semaphore(%run_scoped3A_198 : memref<!tpu.dma_semaphore, #tpu.memory_space<semaphore_mem>>) {add = true}
        %dma_wait3A = arith.constant 0 : i32
        %dma_wait3A_204 = tpu.memref_slice %arg9[%while3A_197, %dma_wait3A] : memref<40x250xi32, #tpu.memory_space<vmem>> -> memref<1x250xi32, #tpu.memory_space<vmem>>
        %dma_wait3A_205 = tpu.memref_squeeze %dma_wait3A_204 : memref<1x250xi32, #tpu.memory_space<vmem>> -> memref<250xi32, #tpu.memory_space<vmem>>
        %dma_wait3A_206 = arith.constant 0 : i32
        %dma_wait3A_207 = arith.constant 0 : i32
        %dma_wait3A_208 = tpu.memref_slice %arg14[%dma_wait3A_206, %dma_wait3A_207] : memref<10000x16xbf16, #tpu.memory_space<vmem_shared>> -> memref<10000x16xbf16, #tpu.memory_space<vmem_shared>>
        tpu.wait_indirect_dma semaphore(%run_scoped3A_198 : memref<!tpu.dma_semaphore, #tpu.memory_space<semaphore_mem>>) src(%arg13 : memref<250x16xbf16, #tpu.memory_space<vmem>>) dst(%dma_wait3A_208 : memref<10000x16xbf16, #tpu.memory_space<vmem_shared>>)
        tpu.yield
      }) : () -> ()
    }
    %while3A_94 = arith.constant 1 : i32
    scf.for %while3A_197 = %while3A_92 to %while3A_88 step %while3A_94  : i32 {
      "tpu.region"() ({
        %run_scoped3A_198 = tpu.sem_alloc : memref<!tpu.dma_semaphore, #tpu.memory_space<semaphore_mem>>
        %dma_start3A = arith.constant 0 : i32
        %dma_start3A_199 = tpu.memref_slice %arg9[%while3A_197, %dma_start3A] : memref<40x250xi32, #tpu.memory_space<vmem>> -> memref<1x250xi32, #tpu.memory_space<vmem>>
        %dma_start3A_200 = tpu.memref_squeeze %dma_start3A_199 : memref<1x250xi32, #tpu.memory_space<vmem>> -> memref<250xi32, #tpu.memory_space<vmem>>
        %dma_start3A_201 = arith.constant 0 : i32
        %dma_start3A_202 = arith.constant 0 : i32
        %dma_start3A_203 = tpu.memref_slice %arg14[%dma_start3A_201, %dma_start3A_202] : memref<10000x16xbf16, #tpu.memory_space<vmem_shared>> -> memref<10000x16xbf16, #tpu.memory_space<vmem_shared>>
        tpu.enqueue_indirect_dma source(%arg13 : memref<250x16xbf16, #tpu.memory_space<vmem>>) target(%dma_start3A_203 : memref<10000x16xbf16, #tpu.memory_space<vmem_shared>>) offsets(%dma_start3A_200 : memref<250xi32, #tpu.memory_space<vmem>>) semaphore(%run_scoped3A_198 : memref<!tpu.dma_semaphore, #tpu.memory_space<semaphore_mem>>) {add = true}
        %dma_wait3A = arith.constant 0 : i32
        %dma_wait3A_204 = tpu.memref_slice %arg9[%while3A_197, %dma_wait3A] : memref<40x250xi32, #tpu.memory_space<vmem>> -> memref<1x250xi32, #tpu.memory_space<vmem>>
        %dma_wait3A_205 = tpu.memref_squeeze %dma_wait3A_204 : memref<1x250xi32, #tpu.memory_space<vmem>> -> memref<250xi32, #tpu.memory_space<vmem>>
        %dma_wait3A_206 = arith.constant 0 : i32
        %dma_wait3A_207 = arith.constant 0 : i32
        %dma_wait3A_208 = tpu.memref_slice %arg14[%dma_wait3A_206, %dma_wait3A_207] : memref<10000x16xbf16, #tpu.memory_space<vmem_shared>> -> memref<10000x16xbf16, #tpu.memory_space<vmem_shared>>
        tpu.wait_indirect_dma semaphore(%run_scoped3A_198 : memref<!tpu.dma_semaphore, #tpu.memory_space<semaphore_mem>>) src(%arg13 : memref<250x16xbf16, #tpu.memory_space<vmem>>) dst(%dma_wait3A_208 : memref<10000x16xbf16, #tpu.memory_space<vmem_shared>>)
        tpu.yield
      }) : () -> ()
    }
    %barrier3A_95 = arith.constant 0 : index
    tpu.barrier barrier_id(%barrier3A_95)
    %mul3A_96 = arith.constant 624 : i32
    %mul3A_97 = arith.muli %arg1, %mul3A_96 : i32
    %add3A_98 = arith.constant 0 : i32
    %add3A_99 = arith.addi %mul3A_97, %add3A_98 : i32
    %mul3A_100 = arith.constant 64 : i32
    %mul3A_101 = arith.muli %arg0, %mul3A_100 : i32
    "tpu.region"() ({
      %run_scoped3A_197 = tpu.sem_alloc : memref<!tpu.dma_semaphore, #tpu.memory_space<semaphore_mem>>
      %dma_start3A = tpu.memref_slice %arg5[%add3A_99, %mul3A_101] : memref<10000x128xf32, #tpu.memory_space<hbm>> -> memref<104x64xf32, #tpu.memory_space<hbm>>
      %dma_start3A_198 = arith.constant 0 : i32
      %dma_start3A_199 = tpu.memref_slice %arg12[%add3A_99, %dma_start3A_198] : memref<10000x64xf32, #tpu.memory_space<vmem_shared>> -> memref<104x64xf32, #tpu.memory_space<vmem_shared>>
      tpu.enqueue_dma source(%dma_start3A_199 : memref<104x64xf32, #tpu.memory_space<vmem_shared>>) target(%dma_start3A : memref<104x64xf32, #tpu.memory_space<hbm>>) target_semaphore(%run_scoped3A_197 : memref<!tpu.dma_semaphore, #tpu.memory_space<semaphore_mem>>)
      %dma_wait3A = tpu.memref_slice %arg5[%add3A_99, %mul3A_101] : memref<10000x128xf32, #tpu.memory_space<hbm>> -> memref<104x64xf32, #tpu.memory_space<hbm>>
      %dma_wait3A_200 = arith.constant 0 : i32
      %dma_wait3A_201 = tpu.memref_slice %arg12[%add3A_99, %dma_wait3A_200] : memref<10000x64xf32, #tpu.memory_space<vmem_shared>> -> memref<104x64xf32, #tpu.memory_space<vmem_shared>>
      tpu.wait_dma2 semaphore(%run_scoped3A_197 : memref<!tpu.dma_semaphore, #tpu.memory_space<semaphore_mem>>) src(%dma_wait3A_201 : memref<104x64xf32, #tpu.memory_space<vmem_shared>>) dst(%dma_wait3A : memref<104x64xf32, #tpu.memory_space<hbm>>)
      tpu.yield
    }) : () -> ()
    %eq3A_102 = arith.constant 0 : i32
    %eq3A_103 = arith.cmpi eq, %arg0, %eq3A_102 : i32
    %convert_element_type3A_104 = arith.extui %eq3A_103 : i1 to i32
    %cond3A_105 = arith.constant 0 : i32
    %cond3A_106 = arith.cmpi ne, %convert_element_type3A_104, %cond3A_105 : i32
    scf.if %cond3A_106 {
      "tpu.region"() ({
        %run_scoped3A_197 = tpu.sem_alloc : memref<!tpu.dma_semaphore, #tpu.memory_space<semaphore_mem>>
        %dma_start3A = arith.constant 0 : i32
        %dma_start3A_198 = tpu.memref_slice %arg6[%add3A_99, %dma_start3A] : memref<10000x16xbf16, #tpu.memory_space<hbm>> -> memref<104x16xbf16, #tpu.memory_space<hbm>>
        %dma_start3A_199 = arith.constant 0 : i32
        %dma_start3A_200 = tpu.memref_slice %arg14[%add3A_99, %dma_start3A_199] : memref<10000x16xbf16, #tpu.memory_space<vmem_shared>> -> memref<104x16xbf16, #tpu.memory_space<vmem_shared>>
        tpu.enqueue_dma source(%dma_start3A_200 : memref<104x16xbf16, #tpu.memory_space<vmem_shared>>) target(%dma_start3A_198 : memref<104x16xbf16, #tpu.memory_space<hbm>>) target_semaphore(%run_scoped3A_197 : memref<!tpu.dma_semaphore, #tpu.memory_space<semaphore_mem>>)
        %dma_wait3A = arith.constant 0 : i32
        %dma_wait3A_201 = tpu.memref_slice %arg6[%add3A_99, %dma_wait3A] : memref<10000x16xbf16, #tpu.memory_space<hbm>> -> memref<104x16xbf16, #tpu.memory_space<hbm>>
        %dma_wait3A_202 = arith.constant 0 : i32
        %dma_wait3A_203 = tpu.memref_slice %arg14[%add3A_99, %dma_wait3A_202] : memref<10000x16xbf16, #tpu.memory_space<vmem_shared>> -> memref<104x16xbf16, #tpu.memory_space<vmem_shared>>
        tpu.wait_dma2 semaphore(%run_scoped3A_197 : memref<!tpu.dma_semaphore, #tpu.memory_space<semaphore_mem>>) src(%dma_wait3A_203 : memref<104x16xbf16, #tpu.memory_space<vmem_shared>>) dst(%dma_wait3A_201 : memref<104x16xbf16, #tpu.memory_space<hbm>>)
        tpu.yield
      }) : () -> ()
    } else {
    }
    %eq3A_107 = arith.constant 1 : i32
    %eq3A_108 = arith.cmpi eq, %arg0, %eq3A_107 : i32
    %convert_element_type3A_109 = arith.extui %eq3A_108 : i1 to i32
    %cond3A_110 = arith.constant 0 : i32
    %cond3A_111 = arith.cmpi ne, %convert_element_type3A_109, %cond3A_110 : i32
    scf.if %cond3A_111 {
      "tpu.region"() ({
        %run_scoped3A_197 = tpu.sem_alloc : memref<!tpu.dma_semaphore, #tpu.memory_space<semaphore_mem>>
        %dma_start3A = arith.constant 0 : i32
        %dma_start3A_198 = tpu.memref_slice %arg7[%add3A_99, %dma_start3A] : memref<10000x16xbf16, #tpu.memory_space<hbm>> -> memref<104x16xbf16, #tpu.memory_space<hbm>>
        %dma_start3A_199 = arith.constant 0 : i32
        %dma_start3A_200 = tpu.memref_slice %arg14[%add3A_99, %dma_start3A_199] : memref<10000x16xbf16, #tpu.memory_space<vmem_shared>> -> memref<104x16xbf16, #tpu.memory_space<vmem_shared>>
        tpu.enqueue_dma source(%dma_start3A_200 : memref<104x16xbf16, #tpu.memory_space<vmem_shared>>) target(%dma_start3A_198 : memref<104x16xbf16, #tpu.memory_space<hbm>>) target_semaphore(%run_scoped3A_197 : memref<!tpu.dma_semaphore, #tpu.memory_space<semaphore_mem>>)
        %dma_wait3A = arith.constant 0 : i32
        %dma_wait3A_201 = tpu.memref_slice %arg7[%add3A_99, %dma_wait3A] : memref<10000x16xbf16, #tpu.memory_space<hbm>> -> memref<104x16xbf16, #tpu.memory_space<hbm>>
        %dma_wait3A_202 = arith.constant 0 : i32
        %dma_wait3A_203 = tpu.memref_slice %arg14[%add3A_99, %dma_wait3A_202] : memref<10000x16xbf16, #tpu.memory_space<vmem_shared>> -> memref<104x16xbf16, #tpu.memory_space<vmem_shared>>
        tpu.wait_dma2 semaphore(%run_scoped3A_197 : memref<!tpu.dma_semaphore, #tpu.memory_space<semaphore_mem>>) src(%dma_wait3A_203 : memref<104x16xbf16, #tpu.memory_space<vmem_shared>>) dst(%dma_wait3A_201 : memref<104x16xbf16, #tpu.memory_space<hbm>>)
        tpu.yield
      }) : () -> ()
    } else {
    }
    %mul3A_112 = arith.constant 624 : i32
    %mul3A_113 = arith.muli %arg1, %mul3A_112 : i32
    %add3A_114 = arith.constant 104 : i32
    %add3A_115 = arith.addi %mul3A_113, %add3A_114 : i32
    %mul3A_116 = arith.constant 64 : i32
    %mul3A_117 = arith.muli %arg0, %mul3A_116 : i32
    "tpu.region"() ({
      %run_scoped3A_197 = tpu.sem_alloc : memref<!tpu.dma_semaphore, #tpu.memory_space<semaphore_mem>>
      %dma_start3A = tpu.memref_slice %arg5[%add3A_115, %mul3A_117] : memref<10000x128xf32, #tpu.memory_space<hbm>> -> memref<104x64xf32, #tpu.memory_space<hbm>>
      %dma_start3A_198 = arith.constant 0 : i32
      %dma_start3A_199 = tpu.memref_slice %arg12[%add3A_115, %dma_start3A_198] : memref<10000x64xf32, #tpu.memory_space<vmem_shared>> -> memref<104x64xf32, #tpu.memory_space<vmem_shared>>
      tpu.enqueue_dma source(%dma_start3A_199 : memref<104x64xf32, #tpu.memory_space<vmem_shared>>) target(%dma_start3A : memref<104x64xf32, #tpu.memory_space<hbm>>) target_semaphore(%run_scoped3A_197 : memref<!tpu.dma_semaphore, #tpu.memory_space<semaphore_mem>>)
      %dma_wait3A = tpu.memref_slice %arg5[%add3A_115, %mul3A_117] : memref<10000x128xf32, #tpu.memory_space<hbm>> -> memref<104x64xf32, #tpu.memory_space<hbm>>
      %dma_wait3A_200 = arith.constant 0 : i32
      %dma_wait3A_201 = tpu.memref_slice %arg12[%add3A_115, %dma_wait3A_200] : memref<10000x64xf32, #tpu.memory_space<vmem_shared>> -> memref<104x64xf32, #tpu.memory_space<vmem_shared>>
      tpu.wait_dma2 semaphore(%run_scoped3A_197 : memref<!tpu.dma_semaphore, #tpu.memory_space<semaphore_mem>>) src(%dma_wait3A_201 : memref<104x64xf32, #tpu.memory_space<vmem_shared>>) dst(%dma_wait3A : memref<104x64xf32, #tpu.memory_space<hbm>>)
      tpu.yield
    }) : () -> ()
    %eq3A_118 = arith.constant 0 : i32
    %eq3A_119 = arith.cmpi eq, %arg0, %eq3A_118 : i32
    %convert_element_type3A_120 = arith.extui %eq3A_119 : i1 to i32
    %cond3A_121 = arith.constant 0 : i32
    %cond3A_122 = arith.cmpi ne, %convert_element_type3A_120, %cond3A_121 : i32
    scf.if %cond3A_122 {
      "tpu.region"() ({
        %run_scoped3A_197 = tpu.sem_alloc : memref<!tpu.dma_semaphore, #tpu.memory_space<semaphore_mem>>
        %dma_start3A = arith.constant 0 : i32
        %dma_start3A_198 = tpu.memref_slice %arg6[%add3A_115, %dma_start3A] : memref<10000x16xbf16, #tpu.memory_space<hbm>> -> memref<104x16xbf16, #tpu.memory_space<hbm>>
        %dma_start3A_199 = arith.constant 0 : i32
        %dma_start3A_200 = tpu.memref_slice %arg14[%add3A_115, %dma_start3A_199] : memref<10000x16xbf16, #tpu.memory_space<vmem_shared>> -> memref<104x16xbf16, #tpu.memory_space<vmem_shared>>
        tpu.enqueue_dma source(%dma_start3A_200 : memref<104x16xbf16, #tpu.memory_space<vmem_shared>>) target(%dma_start3A_198 : memref<104x16xbf16, #tpu.memory_space<hbm>>) target_semaphore(%run_scoped3A_197 : memref<!tpu.dma_semaphore, #tpu.memory_space<semaphore_mem>>)
        %dma_wait3A = arith.constant 0 : i32
        %dma_wait3A_201 = tpu.memref_slice %arg6[%add3A_115, %dma_wait3A] : memref<10000x16xbf16, #tpu.memory_space<hbm>> -> memref<104x16xbf16, #tpu.memory_space<hbm>>
        %dma_wait3A_202 = arith.constant 0 : i32
        %dma_wait3A_203 = tpu.memref_slice %arg14[%add3A_115, %dma_wait3A_202] : memref<10000x16xbf16, #tpu.memory_space<vmem_shared>> -> memref<104x16xbf16, #tpu.memory_space<vmem_shared>>
        tpu.wait_dma2 semaphore(%run_scoped3A_197 : memref<!tpu.dma_semaphore, #tpu.memory_space<semaphore_mem>>) src(%dma_wait3A_203 : memref<104x16xbf16, #tpu.memory_space<vmem_shared>>) dst(%dma_wait3A_201 : memref<104x16xbf16, #tpu.memory_space<hbm>>)
        tpu.yield
      }) : () -> ()
    } else {
    }
    %eq3A_123 = arith.constant 1 : i32
    %eq3A_124 = arith.cmpi eq, %arg0, %eq3A_123 : i32
    %convert_element_type3A_125 = arith.extui %eq3A_124 : i1 to i32
    %cond3A_126 = arith.constant 0 : i32
    %cond3A_127 = arith.cmpi ne, %convert_element_type3A_125, %cond3A_126 : i32
    scf.if %cond3A_127 {
      "tpu.region"() ({
        %run_scoped3A_197 = tpu.sem_alloc : memref<!tpu.dma_semaphore, #tpu.memory_space<semaphore_mem>>
        %dma_start3A = arith.constant 0 : i32
        %dma_start3A_198 = tpu.memref_slice %arg7[%add3A_115, %dma_start3A] : memref<10000x16xbf16, #tpu.memory_space<hbm>> -> memref<104x16xbf16, #tpu.memory_space<hbm>>
        %dma_start3A_199 = arith.constant 0 : i32
        %dma_start3A_200 = tpu.memref_slice %arg14[%add3A_115, %dma_start3A_199] : memref<10000x16xbf16, #tpu.memory_space<vmem_shared>> -> memref<104x16xbf16, #tpu.memory_space<vmem_shared>>
        tpu.enqueue_dma source(%dma_start3A_200 : memref<104x16xbf16, #tpu.memory_space<vmem_shared>>) target(%dma_start3A_198 : memref<104x16xbf16, #tpu.memory_space<hbm>>) target_semaphore(%run_scoped3A_197 : memref<!tpu.dma_semaphore, #tpu.memory_space<semaphore_mem>>)
        %dma_wait3A = arith.constant 0 : i32
        %dma_wait3A_201 = tpu.memref_slice %arg7[%add3A_115, %dma_wait3A] : memref<10000x16xbf16, #tpu.memory_space<hbm>> -> memref<104x16xbf16, #tpu.memory_space<hbm>>
        %dma_wait3A_202 = arith.constant 0 : i32
        %dma_wait3A_203 = tpu.memref_slice %arg14[%add3A_115, %dma_wait3A_202] : memref<10000x16xbf16, #tpu.memory_space<vmem_shared>> -> memref<104x16xbf16, #tpu.memory_space<vmem_shared>>
        tpu.wait_dma2 semaphore(%run_scoped3A_197 : memref<!tpu.dma_semaphore, #tpu.memory_space<semaphore_mem>>) src(%dma_wait3A_203 : memref<104x16xbf16, #tpu.memory_space<vmem_shared>>) dst(%dma_wait3A_201 : memref<104x16xbf16, #tpu.memory_space<hbm>>)
        tpu.yield
      }) : () -> ()
    } else {
    }
    %mul3A_128 = arith.constant 624 : i32
    %mul3A_129 = arith.muli %arg1, %mul3A_128 : i32
    %add3A_130 = arith.constant 208 : i32
    %add3A_131 = arith.addi %mul3A_129, %add3A_130 : i32
    %mul3A_132 = arith.constant 64 : i32
    %mul3A_133 = arith.muli %arg0, %mul3A_132 : i32
    "tpu.region"() ({
      %run_scoped3A_197 = tpu.sem_alloc : memref<!tpu.dma_semaphore, #tpu.memory_space<semaphore_mem>>
      %dma_start3A = tpu.memref_slice %arg5[%add3A_131, %mul3A_133] : memref<10000x128xf32, #tpu.memory_space<hbm>> -> memref<104x64xf32, #tpu.memory_space<hbm>>
      %dma_start3A_198 = arith.constant 0 : i32
      %dma_start3A_199 = tpu.memref_slice %arg12[%add3A_131, %dma_start3A_198] : memref<10000x64xf32, #tpu.memory_space<vmem_shared>> -> memref<104x64xf32, #tpu.memory_space<vmem_shared>>
      tpu.enqueue_dma source(%dma_start3A_199 : memref<104x64xf32, #tpu.memory_space<vmem_shared>>) target(%dma_start3A : memref<104x64xf32, #tpu.memory_space<hbm>>) target_semaphore(%run_scoped3A_197 : memref<!tpu.dma_semaphore, #tpu.memory_space<semaphore_mem>>)
      %dma_wait3A = tpu.memref_slice %arg5[%add3A_131, %mul3A_133] : memref<10000x128xf32, #tpu.memory_space<hbm>> -> memref<104x64xf32, #tpu.memory_space<hbm>>
      %dma_wait3A_200 = arith.constant 0 : i32
      %dma_wait3A_201 = tpu.memref_slice %arg12[%add3A_131, %dma_wait3A_200] : memref<10000x64xf32, #tpu.memory_space<vmem_shared>> -> memref<104x64xf32, #tpu.memory_space<vmem_shared>>
      tpu.wait_dma2 semaphore(%run_scoped3A_197 : memref<!tpu.dma_semaphore, #tpu.memory_space<semaphore_mem>>) src(%dma_wait3A_201 : memref<104x64xf32, #tpu.memory_space<vmem_shared>>) dst(%dma_wait3A : memref<104x64xf32, #tpu.memory_space<hbm>>)
      tpu.yield
    }) : () -> ()
    %eq3A_134 = arith.constant 0 : i32
    %eq3A_135 = arith.cmpi eq, %arg0, %eq3A_134 : i32
    %convert_element_type3A_136 = arith.extui %eq3A_135 : i1 to i32
    %cond3A_137 = arith.constant 0 : i32
    %cond3A_138 = arith.cmpi ne, %convert_element_type3A_136, %cond3A_137 : i32
    scf.if %cond3A_138 {
      "tpu.region"() ({
        %run_scoped3A_197 = tpu.sem_alloc : memref<!tpu.dma_semaphore, #tpu.memory_space<semaphore_mem>>
        %dma_start3A = arith.constant 0 : i32
        %dma_start3A_198 = tpu.memref_slice %arg6[%add3A_131, %dma_start3A] : memref<10000x16xbf16, #tpu.memory_space<hbm>> -> memref<104x16xbf16, #tpu.memory_space<hbm>>
        %dma_start3A_199 = arith.constant 0 : i32
        %dma_start3A_200 = tpu.memref_slice %arg14[%add3A_131, %dma_start3A_199] : memref<10000x16xbf16, #tpu.memory_space<vmem_shared>> -> memref<104x16xbf16, #tpu.memory_space<vmem_shared>>
        tpu.enqueue_dma source(%dma_start3A_200 : memref<104x16xbf16, #tpu.memory_space<vmem_shared>>) target(%dma_start3A_198 : memref<104x16xbf16, #tpu.memory_space<hbm>>) target_semaphore(%run_scoped3A_197 : memref<!tpu.dma_semaphore, #tpu.memory_space<semaphore_mem>>)
        %dma_wait3A = arith.constant 0 : i32
        %dma_wait3A_201 = tpu.memref_slice %arg6[%add3A_131, %dma_wait3A] : memref<10000x16xbf16, #tpu.memory_space<hbm>> -> memref<104x16xbf16, #tpu.memory_space<hbm>>
        %dma_wait3A_202 = arith.constant 0 : i32
        %dma_wait3A_203 = tpu.memref_slice %arg14[%add3A_131, %dma_wait3A_202] : memref<10000x16xbf16, #tpu.memory_space<vmem_shared>> -> memref<104x16xbf16, #tpu.memory_space<vmem_shared>>
        tpu.wait_dma2 semaphore(%run_scoped3A_197 : memref<!tpu.dma_semaphore, #tpu.memory_space<semaphore_mem>>) src(%dma_wait3A_203 : memref<104x16xbf16, #tpu.memory_space<vmem_shared>>) dst(%dma_wait3A_201 : memref<104x16xbf16, #tpu.memory_space<hbm>>)
        tpu.yield
      }) : () -> ()
    } else {
    }
    %eq3A_139 = arith.constant 1 : i32
    %eq3A_140 = arith.cmpi eq, %arg0, %eq3A_139 : i32
    %convert_element_type3A_141 = arith.extui %eq3A_140 : i1 to i32
    %cond3A_142 = arith.constant 0 : i32
    %cond3A_143 = arith.cmpi ne, %convert_element_type3A_141, %cond3A_142 : i32
    scf.if %cond3A_143 {
      "tpu.region"() ({
        %run_scoped3A_197 = tpu.sem_alloc : memref<!tpu.dma_semaphore, #tpu.memory_space<semaphore_mem>>
        %dma_start3A = arith.constant 0 : i32
        %dma_start3A_198 = tpu.memref_slice %arg7[%add3A_131, %dma_start3A] : memref<10000x16xbf16, #tpu.memory_space<hbm>> -> memref<104x16xbf16, #tpu.memory_space<hbm>>
        %dma_start3A_199 = arith.constant 0 : i32
        %dma_start3A_200 = tpu.memref_slice %arg14[%add3A_131, %dma_start3A_199] : memref<10000x16xbf16, #tpu.memory_space<vmem_shared>> -> memref<104x16xbf16, #tpu.memory_space<vmem_shared>>
        tpu.enqueue_dma source(%dma_start3A_200 : memref<104x16xbf16, #tpu.memory_space<vmem_shared>>) target(%dma_start3A_198 : memref<104x16xbf16, #tpu.memory_space<hbm>>) target_semaphore(%run_scoped3A_197 : memref<!tpu.dma_semaphore, #tpu.memory_space<semaphore_mem>>)
        %dma_wait3A = arith.constant 0 : i32
        %dma_wait3A_201 = tpu.memref_slice %arg7[%add3A_131, %dma_wait3A] : memref<10000x16xbf16, #tpu.memory_space<hbm>> -> memref<104x16xbf16, #tpu.memory_space<hbm>>
        %dma_wait3A_202 = arith.constant 0 : i32
        %dma_wait3A_203 = tpu.memref_slice %arg14[%add3A_131, %dma_wait3A_202] : memref<10000x16xbf16, #tpu.memory_space<vmem_shared>> -> memref<104x16xbf16, #tpu.memory_space<vmem_shared>>
        tpu.wait_dma2 semaphore(%run_scoped3A_197 : memref<!tpu.dma_semaphore, #tpu.memory_space<semaphore_mem>>) src(%dma_wait3A_203 : memref<104x16xbf16, #tpu.memory_space<vmem_shared>>) dst(%dma_wait3A_201 : memref<104x16xbf16, #tpu.memory_space<hbm>>)
        tpu.yield
      }) : () -> ()
    } else {
    }
    %mul3A_144 = arith.constant 624 : i32
    %mul3A_145 = arith.muli %arg1, %mul3A_144 : i32
    %add3A_146 = arith.constant 312 : i32
    %add3A_147 = arith.addi %mul3A_145, %add3A_146 : i32
    %mul3A_148 = arith.constant 64 : i32
    %mul3A_149 = arith.muli %arg0, %mul3A_148 : i32
    "tpu.region"() ({
      %run_scoped3A_197 = tpu.sem_alloc : memref<!tpu.dma_semaphore, #tpu.memory_space<semaphore_mem>>
      %dma_start3A = tpu.memref_slice %arg5[%add3A_147, %mul3A_149] : memref<10000x128xf32, #tpu.memory_space<hbm>> -> memref<104x64xf32, #tpu.memory_space<hbm>>
      %dma_start3A_198 = arith.constant 0 : i32
      %dma_start3A_199 = tpu.memref_slice %arg12[%add3A_147, %dma_start3A_198] : memref<10000x64xf32, #tpu.memory_space<vmem_shared>> -> memref<104x64xf32, #tpu.memory_space<vmem_shared>>
      tpu.enqueue_dma source(%dma_start3A_199 : memref<104x64xf32, #tpu.memory_space<vmem_shared>>) target(%dma_start3A : memref<104x64xf32, #tpu.memory_space<hbm>>) target_semaphore(%run_scoped3A_197 : memref<!tpu.dma_semaphore, #tpu.memory_space<semaphore_mem>>)
      %dma_wait3A = tpu.memref_slice %arg5[%add3A_147, %mul3A_149] : memref<10000x128xf32, #tpu.memory_space<hbm>> -> memref<104x64xf32, #tpu.memory_space<hbm>>
      %dma_wait3A_200 = arith.constant 0 : i32
      %dma_wait3A_201 = tpu.memref_slice %arg12[%add3A_147, %dma_wait3A_200] : memref<10000x64xf32, #tpu.memory_space<vmem_shared>> -> memref<104x64xf32, #tpu.memory_space<vmem_shared>>
      tpu.wait_dma2 semaphore(%run_scoped3A_197 : memref<!tpu.dma_semaphore, #tpu.memory_space<semaphore_mem>>) src(%dma_wait3A_201 : memref<104x64xf32, #tpu.memory_space<vmem_shared>>) dst(%dma_wait3A : memref<104x64xf32, #tpu.memory_space<hbm>>)
      tpu.yield
    }) : () -> ()
    %eq3A_150 = arith.constant 0 : i32
    %eq3A_151 = arith.cmpi eq, %arg0, %eq3A_150 : i32
    %convert_element_type3A_152 = arith.extui %eq3A_151 : i1 to i32
    %cond3A_153 = arith.constant 0 : i32
    %cond3A_154 = arith.cmpi ne, %convert_element_type3A_152, %cond3A_153 : i32
    scf.if %cond3A_154 {
      "tpu.region"() ({
        %run_scoped3A_197 = tpu.sem_alloc : memref<!tpu.dma_semaphore, #tpu.memory_space<semaphore_mem>>
        %dma_start3A = arith.constant 0 : i32
        %dma_start3A_198 = tpu.memref_slice %arg6[%add3A_147, %dma_start3A] : memref<10000x16xbf16, #tpu.memory_space<hbm>> -> memref<104x16xbf16, #tpu.memory_space<hbm>>
        %dma_start3A_199 = arith.constant 0 : i32
        %dma_start3A_200 = tpu.memref_slice %arg14[%add3A_147, %dma_start3A_199] : memref<10000x16xbf16, #tpu.memory_space<vmem_shared>> -> memref<104x16xbf16, #tpu.memory_space<vmem_shared>>
        tpu.enqueue_dma source(%dma_start3A_200 : memref<104x16xbf16, #tpu.memory_space<vmem_shared>>) target(%dma_start3A_198 : memref<104x16xbf16, #tpu.memory_space<hbm>>) target_semaphore(%run_scoped3A_197 : memref<!tpu.dma_semaphore, #tpu.memory_space<semaphore_mem>>)
        %dma_wait3A = arith.constant 0 : i32
        %dma_wait3A_201 = tpu.memref_slice %arg6[%add3A_147, %dma_wait3A] : memref<10000x16xbf16, #tpu.memory_space<hbm>> -> memref<104x16xbf16, #tpu.memory_space<hbm>>
        %dma_wait3A_202 = arith.constant 0 : i32
        %dma_wait3A_203 = tpu.memref_slice %arg14[%add3A_147, %dma_wait3A_202] : memref<10000x16xbf16, #tpu.memory_space<vmem_shared>> -> memref<104x16xbf16, #tpu.memory_space<vmem_shared>>
        tpu.wait_dma2 semaphore(%run_scoped3A_197 : memref<!tpu.dma_semaphore, #tpu.memory_space<semaphore_mem>>) src(%dma_wait3A_203 : memref<104x16xbf16, #tpu.memory_space<vmem_shared>>) dst(%dma_wait3A_201 : memref<104x16xbf16, #tpu.memory_space<hbm>>)
        tpu.yield
      }) : () -> ()
    } else {
    }
    %eq3A_155 = arith.constant 1 : i32
    %eq3A_156 = arith.cmpi eq, %arg0, %eq3A_155 : i32
    %convert_element_type3A_157 = arith.extui %eq3A_156 : i1 to i32
    %cond3A_158 = arith.constant 0 : i32
    %cond3A_159 = arith.cmpi ne, %convert_element_type3A_157, %cond3A_158 : i32
    scf.if %cond3A_159 {
      "tpu.region"() ({
        %run_scoped3A_197 = tpu.sem_alloc : memref<!tpu.dma_semaphore, #tpu.memory_space<semaphore_mem>>
        %dma_start3A = arith.constant 0 : i32
        %dma_start3A_198 = tpu.memref_slice %arg7[%add3A_147, %dma_start3A] : memref<10000x16xbf16, #tpu.memory_space<hbm>> -> memref<104x16xbf16, #tpu.memory_space<hbm>>
        %dma_start3A_199 = arith.constant 0 : i32
        %dma_start3A_200 = tpu.memref_slice %arg14[%add3A_147, %dma_start3A_199] : memref<10000x16xbf16, #tpu.memory_space<vmem_shared>> -> memref<104x16xbf16, #tpu.memory_space<vmem_shared>>
        tpu.enqueue_dma source(%dma_start3A_200 : memref<104x16xbf16, #tpu.memory_space<vmem_shared>>) target(%dma_start3A_198 : memref<104x16xbf16, #tpu.memory_space<hbm>>) target_semaphore(%run_scoped3A_197 : memref<!tpu.dma_semaphore, #tpu.memory_space<semaphore_mem>>)
        %dma_wait3A = arith.constant 0 : i32
        %dma_wait3A_201 = tpu.memref_slice %arg7[%add3A_147, %dma_wait3A] : memref<10000x16xbf16, #tpu.memory_space<hbm>> -> memref<104x16xbf16, #tpu.memory_space<hbm>>
        %dma_wait3A_202 = arith.constant 0 : i32
        %dma_wait3A_203 = tpu.memref_slice %arg14[%add3A_147, %dma_wait3A_202] : memref<10000x16xbf16, #tpu.memory_space<vmem_shared>> -> memref<104x16xbf16, #tpu.memory_space<vmem_shared>>
        tpu.wait_dma2 semaphore(%run_scoped3A_197 : memref<!tpu.dma_semaphore, #tpu.memory_space<semaphore_mem>>) src(%dma_wait3A_203 : memref<104x16xbf16, #tpu.memory_space<vmem_shared>>) dst(%dma_wait3A_201 : memref<104x16xbf16, #tpu.memory_space<hbm>>)
        tpu.yield
      }) : () -> ()
    } else {
    }
    %mul3A_160 = arith.constant 624 : i32
    %mul3A_161 = arith.muli %arg1, %mul3A_160 : i32
    %add3A_162 = arith.constant 416 : i32
    %add3A_163 = arith.addi %mul3A_161, %add3A_162 : i32
    %mul3A_164 = arith.constant 64 : i32
    %mul3A_165 = arith.muli %arg0, %mul3A_164 : i32
    "tpu.region"() ({
      %run_scoped3A_197 = tpu.sem_alloc : memref<!tpu.dma_semaphore, #tpu.memory_space<semaphore_mem>>
      %dma_start3A = tpu.memref_slice %arg5[%add3A_163, %mul3A_165] : memref<10000x128xf32, #tpu.memory_space<hbm>> -> memref<104x64xf32, #tpu.memory_space<hbm>>
      %dma_start3A_198 = arith.constant 0 : i32
      %dma_start3A_199 = tpu.memref_slice %arg12[%add3A_163, %dma_start3A_198] : memref<10000x64xf32, #tpu.memory_space<vmem_shared>> -> memref<104x64xf32, #tpu.memory_space<vmem_shared>>
      tpu.enqueue_dma source(%dma_start3A_199 : memref<104x64xf32, #tpu.memory_space<vmem_shared>>) target(%dma_start3A : memref<104x64xf32, #tpu.memory_space<hbm>>) target_semaphore(%run_scoped3A_197 : memref<!tpu.dma_semaphore, #tpu.memory_space<semaphore_mem>>)
      %dma_wait3A = tpu.memref_slice %arg5[%add3A_163, %mul3A_165] : memref<10000x128xf32, #tpu.memory_space<hbm>> -> memref<104x64xf32, #tpu.memory_space<hbm>>
      %dma_wait3A_200 = arith.constant 0 : i32
      %dma_wait3A_201 = tpu.memref_slice %arg12[%add3A_163, %dma_wait3A_200] : memref<10000x64xf32, #tpu.memory_space<vmem_shared>> -> memref<104x64xf32, #tpu.memory_space<vmem_shared>>
      tpu.wait_dma2 semaphore(%run_scoped3A_197 : memref<!tpu.dma_semaphore, #tpu.memory_space<semaphore_mem>>) src(%dma_wait3A_201 : memref<104x64xf32, #tpu.memory_space<vmem_shared>>) dst(%dma_wait3A : memref<104x64xf32, #tpu.memory_space<hbm>>)
      tpu.yield
    }) : () -> ()
    %eq3A_166 = arith.constant 0 : i32
    %eq3A_167 = arith.cmpi eq, %arg0, %eq3A_166 : i32
    %convert_element_type3A_168 = arith.extui %eq3A_167 : i1 to i32
    %cond3A_169 = arith.constant 0 : i32
    %cond3A_170 = arith.cmpi ne, %convert_element_type3A_168, %cond3A_169 : i32
    scf.if %cond3A_170 {
      "tpu.region"() ({
        %run_scoped3A_197 = tpu.sem_alloc : memref<!tpu.dma_semaphore, #tpu.memory_space<semaphore_mem>>
        %dma_start3A = arith.constant 0 : i32
        %dma_start3A_198 = tpu.memref_slice %arg6[%add3A_163, %dma_start3A] : memref<10000x16xbf16, #tpu.memory_space<hbm>> -> memref<104x16xbf16, #tpu.memory_space<hbm>>
        %dma_start3A_199 = arith.constant 0 : i32
        %dma_start3A_200 = tpu.memref_slice %arg14[%add3A_163, %dma_start3A_199] : memref<10000x16xbf16, #tpu.memory_space<vmem_shared>> -> memref<104x16xbf16, #tpu.memory_space<vmem_shared>>
        tpu.enqueue_dma source(%dma_start3A_200 : memref<104x16xbf16, #tpu.memory_space<vmem_shared>>) target(%dma_start3A_198 : memref<104x16xbf16, #tpu.memory_space<hbm>>) target_semaphore(%run_scoped3A_197 : memref<!tpu.dma_semaphore, #tpu.memory_space<semaphore_mem>>)
        %dma_wait3A = arith.constant 0 : i32
        %dma_wait3A_201 = tpu.memref_slice %arg6[%add3A_163, %dma_wait3A] : memref<10000x16xbf16, #tpu.memory_space<hbm>> -> memref<104x16xbf16, #tpu.memory_space<hbm>>
        %dma_wait3A_202 = arith.constant 0 : i32
        %dma_wait3A_203 = tpu.memref_slice %arg14[%add3A_163, %dma_wait3A_202] : memref<10000x16xbf16, #tpu.memory_space<vmem_shared>> -> memref<104x16xbf16, #tpu.memory_space<vmem_shared>>
        tpu.wait_dma2 semaphore(%run_scoped3A_197 : memref<!tpu.dma_semaphore, #tpu.memory_space<semaphore_mem>>) src(%dma_wait3A_203 : memref<104x16xbf16, #tpu.memory_space<vmem_shared>>) dst(%dma_wait3A_201 : memref<104x16xbf16, #tpu.memory_space<hbm>>)
        tpu.yield
      }) : () -> ()
    } else {
    }
    %eq3A_171 = arith.constant 1 : i32
    %eq3A_172 = arith.cmpi eq, %arg0, %eq3A_171 : i32
    %convert_element_type3A_173 = arith.extui %eq3A_172 : i1 to i32
    %cond3A_174 = arith.constant 0 : i32
    %cond3A_175 = arith.cmpi ne, %convert_element_type3A_173, %cond3A_174 : i32
    scf.if %cond3A_175 {
      "tpu.region"() ({
        %run_scoped3A_197 = tpu.sem_alloc : memref<!tpu.dma_semaphore, #tpu.memory_space<semaphore_mem>>
        %dma_start3A = arith.constant 0 : i32
        %dma_start3A_198 = tpu.memref_slice %arg7[%add3A_163, %dma_start3A] : memref<10000x16xbf16, #tpu.memory_space<hbm>> -> memref<104x16xbf16, #tpu.memory_space<hbm>>
        %dma_start3A_199 = arith.constant 0 : i32
        %dma_start3A_200 = tpu.memref_slice %arg14[%add3A_163, %dma_start3A_199] : memref<10000x16xbf16, #tpu.memory_space<vmem_shared>> -> memref<104x16xbf16, #tpu.memory_space<vmem_shared>>
        tpu.enqueue_dma source(%dma_start3A_200 : memref<104x16xbf16, #tpu.memory_space<vmem_shared>>) target(%dma_start3A_198 : memref<104x16xbf16, #tpu.memory_space<hbm>>) target_semaphore(%run_scoped3A_197 : memref<!tpu.dma_semaphore, #tpu.memory_space<semaphore_mem>>)
        %dma_wait3A = arith.constant 0 : i32
        %dma_wait3A_201 = tpu.memref_slice %arg7[%add3A_163, %dma_wait3A] : memref<10000x16xbf16, #tpu.memory_space<hbm>> -> memref<104x16xbf16, #tpu.memory_space<hbm>>
        %dma_wait3A_202 = arith.constant 0 : i32
        %dma_wait3A_203 = tpu.memref_slice %arg14[%add3A_163, %dma_wait3A_202] : memref<10000x16xbf16, #tpu.memory_space<vmem_shared>> -> memref<104x16xbf16, #tpu.memory_space<vmem_shared>>
        tpu.wait_dma2 semaphore(%run_scoped3A_197 : memref<!tpu.dma_semaphore, #tpu.memory_space<semaphore_mem>>) src(%dma_wait3A_203 : memref<104x16xbf16, #tpu.memory_space<vmem_shared>>) dst(%dma_wait3A_201 : memref<104x16xbf16, #tpu.memory_space<hbm>>)
        tpu.yield
      }) : () -> ()
    } else {
    }
    %mul3A_176 = arith.constant 624 : i32
    %mul3A_177 = arith.muli %arg1, %mul3A_176 : i32
    %add3A_178 = arith.constant 520 : i32
    %add3A_179 = arith.addi %mul3A_177, %add3A_178 : i32
    %mul3A_180 = arith.constant 64 : i32
    %mul3A_181 = arith.muli %arg0, %mul3A_180 : i32
    "tpu.region"() ({
      %run_scoped3A_197 = tpu.sem_alloc : memref<!tpu.dma_semaphore, #tpu.memory_space<semaphore_mem>>
      %dma_start3A = tpu.memref_slice %arg5[%add3A_179, %mul3A_181] : memref<10000x128xf32, #tpu.memory_space<hbm>> -> memref<104x64xf32, #tpu.memory_space<hbm>>
      %dma_start3A_198 = arith.constant 0 : i32
      %dma_start3A_199 = tpu.memref_slice %arg12[%add3A_179, %dma_start3A_198] : memref<10000x64xf32, #tpu.memory_space<vmem_shared>> -> memref<104x64xf32, #tpu.memory_space<vmem_shared>>
      tpu.enqueue_dma source(%dma_start3A_199 : memref<104x64xf32, #tpu.memory_space<vmem_shared>>) target(%dma_start3A : memref<104x64xf32, #tpu.memory_space<hbm>>) target_semaphore(%run_scoped3A_197 : memref<!tpu.dma_semaphore, #tpu.memory_space<semaphore_mem>>)
      %dma_wait3A = tpu.memref_slice %arg5[%add3A_179, %mul3A_181] : memref<10000x128xf32, #tpu.memory_space<hbm>> -> memref<104x64xf32, #tpu.memory_space<hbm>>
      %dma_wait3A_200 = arith.constant 0 : i32
      %dma_wait3A_201 = tpu.memref_slice %arg12[%add3A_179, %dma_wait3A_200] : memref<10000x64xf32, #tpu.memory_space<vmem_shared>> -> memref<104x64xf32, #tpu.memory_space<vmem_shared>>
      tpu.wait_dma2 semaphore(%run_scoped3A_197 : memref<!tpu.dma_semaphore, #tpu.memory_space<semaphore_mem>>) src(%dma_wait3A_201 : memref<104x64xf32, #tpu.memory_space<vmem_shared>>) dst(%dma_wait3A : memref<104x64xf32, #tpu.memory_space<hbm>>)
      tpu.yield
    }) : () -> ()
    %eq3A_182 = arith.constant 0 : i32
    %eq3A_183 = arith.cmpi eq, %arg0, %eq3A_182 : i32
    %convert_element_type3A_184 = arith.extui %eq3A_183 : i1 to i32
    %cond3A_185 = arith.constant 0 : i32
    %cond3A_186 = arith.cmpi ne, %convert_element_type3A_184, %cond3A_185 : i32
    scf.if %cond3A_186 {
      "tpu.region"() ({
        %run_scoped3A_197 = tpu.sem_alloc : memref<!tpu.dma_semaphore, #tpu.memory_space<semaphore_mem>>
        %dma_start3A = arith.constant 0 : i32
        %dma_start3A_198 = tpu.memref_slice %arg6[%add3A_179, %dma_start3A] : memref<10000x16xbf16, #tpu.memory_space<hbm>> -> memref<104x16xbf16, #tpu.memory_space<hbm>>
        %dma_start3A_199 = arith.constant 0 : i32
        %dma_start3A_200 = tpu.memref_slice %arg14[%add3A_179, %dma_start3A_199] : memref<10000x16xbf16, #tpu.memory_space<vmem_shared>> -> memref<104x16xbf16, #tpu.memory_space<vmem_shared>>
        tpu.enqueue_dma source(%dma_start3A_200 : memref<104x16xbf16, #tpu.memory_space<vmem_shared>>) target(%dma_start3A_198 : memref<104x16xbf16, #tpu.memory_space<hbm>>) target_semaphore(%run_scoped3A_197 : memref<!tpu.dma_semaphore, #tpu.memory_space<semaphore_mem>>)
        %dma_wait3A = arith.constant 0 : i32
        %dma_wait3A_201 = tpu.memref_slice %arg6[%add3A_179, %dma_wait3A] : memref<10000x16xbf16, #tpu.memory_space<hbm>> -> memref<104x16xbf16, #tpu.memory_space<hbm>>
        %dma_wait3A_202 = arith.constant 0 : i32
        %dma_wait3A_203 = tpu.memref_slice %arg14[%add3A_179, %dma_wait3A_202] : memref<10000x16xbf16, #tpu.memory_space<vmem_shared>> -> memref<104x16xbf16, #tpu.memory_space<vmem_shared>>
        tpu.wait_dma2 semaphore(%run_scoped3A_197 : memref<!tpu.dma_semaphore, #tpu.memory_space<semaphore_mem>>) src(%dma_wait3A_203 : memref<104x16xbf16, #tpu.memory_space<vmem_shared>>) dst(%dma_wait3A_201 : memref<104x16xbf16, #tpu.memory_space<hbm>>)
        tpu.yield
      }) : () -> ()
    } else {
    }
    %eq3A_187 = arith.constant 1 : i32
    %eq3A_188 = arith.cmpi eq, %arg0, %eq3A_187 : i32
    %convert_element_type3A_189 = arith.extui %eq3A_188 : i1 to i32
    %cond3A_190 = arith.constant 0 : i32
    %cond3A_191 = arith.cmpi ne, %convert_element_type3A_189, %cond3A_190 : i32
    scf.if %cond3A_191 {
      "tpu.region"() ({
        %run_scoped3A_197 = tpu.sem_alloc : memref<!tpu.dma_semaphore, #tpu.memory_space<semaphore_mem>>
        %dma_start3A = arith.constant 0 : i32
        %dma_start3A_198 = tpu.memref_slice %arg7[%add3A_179, %dma_start3A] : memref<10000x16xbf16, #tpu.memory_space<hbm>> -> memref<104x16xbf16, #tpu.memory_space<hbm>>
        %dma_start3A_199 = arith.constant 0 : i32
        %dma_start3A_200 = tpu.memref_slice %arg14[%add3A_179, %dma_start3A_199] : memref<10000x16xbf16, #tpu.memory_space<vmem_shared>> -> memref<104x16xbf16, #tpu.memory_space<vmem_shared>>
        tpu.enqueue_dma source(%dma_start3A_200 : memref<104x16xbf16, #tpu.memory_space<vmem_shared>>) target(%dma_start3A_198 : memref<104x16xbf16, #tpu.memory_space<hbm>>) target_semaphore(%run_scoped3A_197 : memref<!tpu.dma_semaphore, #tpu.memory_space<semaphore_mem>>)
        %dma_wait3A = arith.constant 0 : i32
        %dma_wait3A_201 = tpu.memref_slice %arg7[%add3A_179, %dma_wait3A] : memref<10000x16xbf16, #tpu.memory_space<hbm>> -> memref<104x16xbf16, #tpu.memory_space<hbm>>
        %dma_wait3A_202 = arith.constant 0 : i32
        %dma_wait3A_203 = tpu.memref_slice %arg14[%add3A_179, %dma_wait3A_202] : memref<10000x16xbf16, #tpu.memory_space<vmem_shared>> -> memref<104x16xbf16, #tpu.memory_space<vmem_shared>>
        tpu.wait_dma2 semaphore(%run_scoped3A_197 : memref<!tpu.dma_semaphore, #tpu.memory_space<semaphore_mem>>) src(%dma_wait3A_203 : memref<104x16xbf16, #tpu.memory_space<vmem_shared>>) dst(%dma_wait3A_201 : memref<104x16xbf16, #tpu.memory_space<hbm>>)
        tpu.yield
      }) : () -> ()
    } else {
    }
    %eq3A_192 = arith.constant 15 : i32
    %eq3A_193 = arith.cmpi eq, %arg1, %eq3A_192 : i32
    %convert_element_type3A_194 = arith.extui %eq3A_193 : i1 to i32
    %cond3A_195 = arith.constant 0 : i32
    %cond3A_196 = arith.cmpi ne, %convert_element_type3A_194, %cond3A_195 : i32
    scf.if %cond3A_196 {
      %mul3A_197 = arith.constant 64 : i32
      %mul3A_198 = arith.muli %arg0, %mul3A_197 : i32
      "tpu.region"() ({
        %run_scoped3A_209 = tpu.sem_alloc : memref<!tpu.dma_semaphore, #tpu.memory_space<semaphore_mem>>
        %dma_start3A = arith.constant 9984 : i32
        %dma_start3A_210 = tpu.memref_slice %arg5[%dma_start3A, %mul3A_198] : memref<10000x128xf32, #tpu.memory_space<hbm>> -> memref<16x64xf32, #tpu.memory_space<hbm>>
        %dma_start3A_211 = arith.constant 9984 : i32
        %dma_start3A_212 = arith.constant 0 : i32
        %dma_start3A_213 = tpu.memref_slice %arg12[%dma_start3A_211, %dma_start3A_212] : memref<10000x64xf32, #tpu.memory_space<vmem_shared>> -> memref<16x64xf32, #tpu.memory_space<vmem_shared>>
        tpu.enqueue_dma source(%dma_start3A_213 : memref<16x64xf32, #tpu.memory_space<vmem_shared>>) target(%dma_start3A_210 : memref<16x64xf32, #tpu.memory_space<hbm>>) target_semaphore(%run_scoped3A_209 : memref<!tpu.dma_semaphore, #tpu.memory_space<semaphore_mem>>)
        %dma_wait3A = arith.constant 9984 : i32
        %dma_wait3A_214 = tpu.memref_slice %arg5[%dma_wait3A, %mul3A_198] : memref<10000x128xf32, #tpu.memory_space<hbm>> -> memref<16x64xf32, #tpu.memory_space<hbm>>
        %dma_wait3A_215 = arith.constant 9984 : i32
        %dma_wait3A_216 = arith.constant 0 : i32
        %dma_wait3A_217 = tpu.memref_slice %arg12[%dma_wait3A_215, %dma_wait3A_216] : memref<10000x64xf32, #tpu.memory_space<vmem_shared>> -> memref<16x64xf32, #tpu.memory_space<vmem_shared>>
        tpu.wait_dma2 semaphore(%run_scoped3A_209 : memref<!tpu.dma_semaphore, #tpu.memory_space<semaphore_mem>>) src(%dma_wait3A_217 : memref<16x64xf32, #tpu.memory_space<vmem_shared>>) dst(%dma_wait3A_214 : memref<16x64xf32, #tpu.memory_space<hbm>>)
        tpu.yield
      }) : () -> ()
      %eq3A_199 = arith.constant 0 : i32
      %eq3A_200 = arith.cmpi eq, %arg0, %eq3A_199 : i32
      %convert_element_type3A_201 = arith.extui %eq3A_200 : i1 to i32
      %cond3A_202 = arith.constant 0 : i32
      %cond3A_203 = arith.cmpi ne, %convert_element_type3A_201, %cond3A_202 : i32
      scf.if %cond3A_203 {
        "tpu.region"() ({
          %run_scoped3A_209 = tpu.sem_alloc : memref<!tpu.dma_semaphore, #tpu.memory_space<semaphore_mem>>
          %dma_start3A = arith.constant 9984 : i32
          %dma_start3A_210 = arith.constant 0 : i32
          %dma_start3A_211 = tpu.memref_slice %arg6[%dma_start3A, %dma_start3A_210] : memref<10000x16xbf16, #tpu.memory_space<hbm>> -> memref<16x16xbf16, #tpu.memory_space<hbm>>
          %dma_start3A_212 = arith.constant 9984 : i32
          %dma_start3A_213 = arith.constant 0 : i32
          %dma_start3A_214 = tpu.memref_slice %arg14[%dma_start3A_212, %dma_start3A_213] : memref<10000x16xbf16, #tpu.memory_space<vmem_shared>> -> memref<16x16xbf16, #tpu.memory_space<vmem_shared>>
          tpu.enqueue_dma source(%dma_start3A_214 : memref<16x16xbf16, #tpu.memory_space<vmem_shared>>) target(%dma_start3A_211 : memref<16x16xbf16, #tpu.memory_space<hbm>>) target_semaphore(%run_scoped3A_209 : memref<!tpu.dma_semaphore, #tpu.memory_space<semaphore_mem>>)
          %dma_wait3A = arith.constant 9984 : i32
          %dma_wait3A_215 = arith.constant 0 : i32
          %dma_wait3A_216 = tpu.memref_slice %arg6[%dma_wait3A, %dma_wait3A_215] : memref<10000x16xbf16, #tpu.memory_space<hbm>> -> memref<16x16xbf16, #tpu.memory_space<hbm>>
          %dma_wait3A_217 = arith.constant 9984 : i32
          %dma_wait3A_218 = arith.constant 0 : i32
          %dma_wait3A_219 = tpu.memref_slice %arg14[%dma_wait3A_217, %dma_wait3A_218] : memref<10000x16xbf16, #tpu.memory_space<vmem_shared>> -> memref<16x16xbf16, #tpu.memory_space<vmem_shared>>
          tpu.wait_dma2 semaphore(%run_scoped3A_209 : memref<!tpu.dma_semaphore, #tpu.memory_space<semaphore_mem>>) src(%dma_wait3A_219 : memref<16x16xbf16, #tpu.memory_space<vmem_shared>>) dst(%dma_wait3A_216 : memref<16x16xbf16, #tpu.memory_space<hbm>>)
          tpu.yield
        }) : () -> ()
      } else {
      }
      %eq3A_204 = arith.constant 1 : i32
      %eq3A_205 = arith.cmpi eq, %arg0, %eq3A_204 : i32
      %convert_element_type3A_206 = arith.extui %eq3A_205 : i1 to i32
      %cond3A_207 = arith.constant 0 : i32
      %cond3A_208 = arith.cmpi ne, %convert_element_type3A_206, %cond3A_207 : i32
      scf.if %cond3A_208 {
        "tpu.region"() ({
          %run_scoped3A_209 = tpu.sem_alloc : memref<!tpu.dma_semaphore, #tpu.memory_space<semaphore_mem>>
          %dma_start3A = arith.constant 9984 : i32
          %dma_start3A_210 = arith.constant 0 : i32
          %dma_start3A_211 = tpu.memref_slice %arg7[%dma_start3A, %dma_start3A_210] : memref<10000x16xbf16, #tpu.memory_space<hbm>> -> memref<16x16xbf16, #tpu.memory_space<hbm>>
          %dma_start3A_212 = arith.constant 9984 : i32
          %dma_start3A_213 = arith.constant 0 : i32
          %dma_start3A_214 = tpu.memref_slice %arg14[%dma_start3A_212, %dma_start3A_213] : memref<10000x16xbf16, #tpu.memory_space<vmem_shared>> -> memref<16x16xbf16, #tpu.memory_space<vmem_shared>>
          tpu.enqueue_dma source(%dma_start3A_214 : memref<16x16xbf16, #tpu.memory_space<vmem_shared>>) target(%dma_start3A_211 : memref<16x16xbf16, #tpu.memory_space<hbm>>) target_semaphore(%run_scoped3A_209 : memref<!tpu.dma_semaphore, #tpu.memory_space<semaphore_mem>>)
          %dma_wait3A = arith.constant 9984 : i32
          %dma_wait3A_215 = arith.constant 0 : i32
          %dma_wait3A_216 = tpu.memref_slice %arg7[%dma_wait3A, %dma_wait3A_215] : memref<10000x16xbf16, #tpu.memory_space<hbm>> -> memref<16x16xbf16, #tpu.memory_space<hbm>>
          %dma_wait3A_217 = arith.constant 9984 : i32
          %dma_wait3A_218 = arith.constant 0 : i32
          %dma_wait3A_219 = tpu.memref_slice %arg14[%dma_wait3A_217, %dma_wait3A_218] : memref<10000x16xbf16, #tpu.memory_space<vmem_shared>> -> memref<16x16xbf16, #tpu.memory_space<vmem_shared>>
          tpu.wait_dma2 semaphore(%run_scoped3A_209 : memref<!tpu.dma_semaphore, #tpu.memory_space<semaphore_mem>>) src(%dma_wait3A_219 : memref<16x16xbf16, #tpu.memory_space<vmem_shared>>) dst(%dma_wait3A_216 : memref<16x16xbf16, #tpu.memory_space<hbm>>)
          tpu.yield
        }) : () -> ()
      } else {
      }
    } else {
    }
    return
  }
}

module attributes {stable_mosaic.version = 14 : i64} {
  func.func @_tc1_body(%arg0: i32, %arg1: memref<400x256xf32, #tpu.memory_space<vmem>>, %arg2: memref<256x128xf32, #tpu.memory_space<vmem>>, %arg3: memref<400x64xf32, #tpu.memory_space<vmem>>, %arg4: memref<400x64xf32, #tpu.memory_space<vmem>>) attributes {dimension_semantics = [#tpu.dimension_semantics<arbitrary>], iteration_bounds = array<i64: 25>, scalar_prefetch = 0 : i64, scratch_operands = 0 : i64, tpu.core_type = #tpu.core_type<tc>, window_params = [{transform_indices = @transform_0, window_bounds = array<i64: 400, 256>}, {pipeline_mode = #tpu.pipeline_mode<synchronous>, transform_indices = @transform_1, window_bounds = array<i64: 256, 128>}, {transform_indices = @transform_2, window_bounds = array<i64: 400, 64>}, {transform_indices = @transform_3, window_bounds = array<i64: 400, 64>}]} {
    %get3A = arith.constant 0 : index
    %get3A_0 = arith.constant 0 : index
    %get3A_1 = vector.load %arg1[%get3A, %get3A_0] : memref<400x256xf32, #tpu.memory_space<vmem>>, vector<400x256xf32>
    %get3A_2 = arith.constant 0 : index
    %get3A_3 = arith.constant 0 : index
    %get3A_4 = vector.load %arg2[%get3A_2, %get3A_3] : memref<256x128xf32, #tpu.memory_space<vmem>>, vector<256x128xf32>
    %dot_general3A = arith.constant dense<0.000000e+00> : vector<400x128xf32>
    %dot_general3A_5 = tpu.matmul %get3A_1, %get3A_4, %dot_general3A {dimension_numbers = #tpu.dot_dimension_numbers<[1], [0], [0], [1], [0, 0, 1, 1], [], []>, transpose_lhs_hint = false} : vector<400x256xf32>, vector<256x128xf32>, vector<400x128xf32> -> vector<400x128xf32>
    %slice3A = vector.extract_strided_slice %dot_general3A_5 {offsets = [0, 0], sizes = [400, 64], strides = [1, 1]} : vector<400x128xf32> to vector<400x64xf32>
    %swap3A = arith.constant 0 : index
    %swap3A_6 = arith.constant 0 : index
    %swap3A_7 = vector.load %arg3[%swap3A, %swap3A_6] : memref<400x64xf32, #tpu.memory_space<vmem>>, vector<400x64xf32>
    tpu.vector_store %arg3[%swap3A, %swap3A_6], %slice3A {strides = array<i32>} : memref<400x64xf32, #tpu.memory_space<vmem>>, vector<400x64xf32>,
    %slice3A_8 = vector.extract_strided_slice %dot_general3A_5 {offsets = [0, 64], sizes = [400, 64], strides = [1, 1]} : vector<400x128xf32> to vector<400x64xf32>
    %swap3A_9 = arith.constant 0 : index
    %swap3A_10 = arith.constant 0 : index
    %swap3A_11 = vector.load %arg4[%swap3A_9, %swap3A_10] : memref<400x64xf32, #tpu.memory_space<vmem>>, vector<400x64xf32>
    tpu.vector_store %arg4[%swap3A_9, %swap3A_10], %slice3A_8 {strides = array<i32>} : memref<400x64xf32, #tpu.memory_space<vmem>>, vector<400x64xf32>,
    return
  }
  func.func @transform_0(%arg0: i32) -> (i32, i32) {
    %c0_i32 = arith.constant 0 : i32
    %c0_i32_0 = arith.constant 0 : i32
    return %arg0, %c0_i32 : i32, i32
  }
  func.func @transform_1(%arg0: i32) -> (i32, i32) {
    %c0_i32 = arith.constant 0 : i32
    %c0_i32_0 = arith.constant 0 : i32
    %c0_i32_1 = arith.constant 0 : i32
    return %c0_i32, %c0_i32_0 : i32, i32
  }
  func.func @transform_2(%arg0: i32) -> (i32, i32) {
    %c0_i32 = arith.constant 0 : i32
    %c0_i32_0 = arith.constant 0 : i32
    return %arg0, %c0_i32 : i32, i32
  }
  func.func @transform_3(%arg0: i32) -> (i32, i32) {
    %c0_i32 = arith.constant 0 : i32
    %c0_i32_0 = arith.constant 0 : i32
    return %arg0, %c0_i32 : i32, i32
  }
}

module attributes {stable_mosaic.version = 14 : i64} {
  func.func @_tc_self1_body(%arg0: i32, %arg1: memref<400x256xf32, #tpu.memory_space<vmem>>, %arg2: memref<256x256xf32, #tpu.memory_space<vmem>>, %arg3: memref<1x256xf32, #tpu.memory_space<vmem>>, %arg4: memref<400x256xf32, #tpu.memory_space<vmem>>) attributes {dimension_semantics = [#tpu.dimension_semantics<arbitrary>], iteration_bounds = array<i64: 25>, scalar_prefetch = 0 : i64, scratch_operands = 0 : i64, tpu.core_type = #tpu.core_type<tc>, window_params = [{transform_indices = @transform_0, window_bounds = array<i64: 400, 256>}, {pipeline_mode = #tpu.pipeline_mode<synchronous>, transform_indices = @transform_1, window_bounds = array<i64: 256, 256>}, {pipeline_mode = #tpu.pipeline_mode<synchronous>, transform_indices = @transform_2, window_bounds = array<i64: 1, 256>}, {transform_indices = @transform_3, window_bounds = array<i64: 400, 256>}]} {
    %get3A = arith.constant 0 : index
    %get3A_0 = arith.constant 0 : index
    %get3A_1 = vector.load %arg1[%get3A, %get3A_0] : memref<400x256xf32, #tpu.memory_space<vmem>>, vector<400x256xf32>
    %get3A_2 = arith.constant 0 : index
    %get3A_3 = arith.constant 0 : index
    %get3A_4 = vector.load %arg2[%get3A_2, %get3A_3] : memref<256x256xf32, #tpu.memory_space<vmem>>, vector<256x256xf32>
    %dot_general3A = arith.constant dense<0.000000e+00> : vector<400x256xf32>
    %dot_general3A_5 = tpu.matmul %get3A_1, %get3A_4, %dot_general3A {dimension_numbers = #tpu.dot_dimension_numbers<[1], [0], [0], [1], [0, 0, 1, 1], [], []>, transpose_lhs_hint = false} : vector<400x256xf32>, vector<256x256xf32>, vector<400x256xf32> -> vector<400x256xf32>
    %get3A_6 = arith.constant 0 : index
    %get3A_7 = arith.constant 0 : index
    %get3A_8 = vector.load %arg3[%get3A_6, %get3A_7] : memref<1x256xf32, #tpu.memory_space<vmem>>, vector<1x256xf32>
    %add3A = vector.broadcast %get3A_8 : vector<1x256xf32> to vector<400x256xf32>
    %add3A_9 = arith.addf %dot_general3A_5, %add3A : vector<400x256xf32>
    %swap3A = arith.constant 0 : index
    %swap3A_10 = arith.constant 0 : index
    %swap3A_11 = vector.load %arg4[%swap3A, %swap3A_10] : memref<400x256xf32, #tpu.memory_space<vmem>>, vector<400x256xf32>
    tpu.vector_store %arg4[%swap3A, %swap3A_10], %add3A_9 {strides = array<i32>} : memref<400x256xf32, #tpu.memory_space<vmem>>, vector<400x256xf32>,
    return
  }
  func.func @transform_0(%arg0: i32) -> (i32, i32) {
    %c0_i32 = arith.constant 0 : i32
    %c0_i32_0 = arith.constant 0 : i32
    return %arg0, %c0_i32 : i32, i32
  }
  func.func @transform_1(%arg0: i32) -> (i32, i32) {
    %c0_i32 = arith.constant 0 : i32
    %c0_i32_0 = arith.constant 0 : i32
    %c0_i32_1 = arith.constant 0 : i32
    return %c0_i32, %c0_i32_0 : i32, i32
  }
  func.func @transform_2(%arg0: i32) -> (i32, i32) {
    %c0_i32 = arith.constant 0 : i32
    %c0_i32_0 = arith.constant 0 : i32
    %c0_i32_1 = arith.constant 0 : i32
    return %c0_i32, %c0_i32_0 : i32, i32
  }
  func.func @transform_3(%arg0: i32) -> (i32, i32) {
    %c0_i32 = arith.constant 0 : i32
    %c0_i32_0 = arith.constant 0 : i32
    return %arg0, %c0_i32 : i32, i32
  }
}

module attributes {stable_mosaic.version = 14 : i64} {
  func.func @_tc2_body(%arg0: i32, %arg1: memref<400x256xf32, #tpu.memory_space<vmem>>, %arg2: memref<400x128xf32, #tpu.memory_space<vmem>>, %arg3: memref<400x128xf32, #tpu.memory_space<vmem>>, %arg4: memref<400x16xbf16, #tpu.memory_space<vmem>>, %arg5: memref<400x16xbf16, #tpu.memory_space<vmem>>, %arg6: memref<256x64xf32, #tpu.memory_space<vmem>>, %arg7: memref<400x256xf32, #tpu.memory_space<vmem>>, %arg8: memref<400x32xf32, #tpu.memory_space<vmem>>, %arg9: memref<400x32xf32, #tpu.memory_space<vmem>>, %arg10: memref<400x8xf32, #tpu.memory_space<vmem>>) attributes {dimension_semantics = [#tpu.dimension_semantics<arbitrary>], iteration_bounds = array<i64: 25>, scalar_prefetch = 0 : i64, scratch_operands = 0 : i64, tpu.core_type = #tpu.core_type<tc>, window_params = [{transform_indices = @transform_0, window_bounds = array<i64: 400, 256>}, {transform_indices = @transform_1, window_bounds = array<i64: 400, 128>}, {transform_indices = @transform_2, window_bounds = array<i64: 400, 128>}, {transform_indices = @transform_3, window_bounds = array<i64: 400, 16>}, {transform_indices = @transform_4, window_bounds = array<i64: 400, 16>}, {pipeline_mode = #tpu.pipeline_mode<synchronous>, transform_indices = @transform_5, window_bounds = array<i64: 256, 64>}, {transform_indices = @transform_6, window_bounds = array<i64: 400, 256>}, {transform_indices = @transform_7, window_bounds = array<i64: 400, 32>}, {transform_indices = @transform_8, window_bounds = array<i64: 400, 32>}, {transform_indices = @transform_9, window_bounds = array<i64: 400, 8>}]} {
    %get3A = arith.constant 0 : index
    %get3A_0 = arith.constant 0 : index
    %get3A_1 = vector.load %arg4[%get3A, %get3A_0] : memref<400x16xbf16, #tpu.memory_space<vmem>>, vector<400x1xbf16>
    %convert_element_type3A = arith.extf %get3A_1 : vector<400x1xbf16> to vector<400x1xf32>
    %get3A_2 = arith.constant 0 : index
    %get3A_3 = arith.constant 0 : index
    %get3A_4 = vector.load %arg5[%get3A_2, %get3A_3] : memref<400x16xbf16, #tpu.memory_space<vmem>>, vector<400x1xbf16>
    %convert_element_type3A_5 = arith.extf %get3A_4 : vector<400x1xbf16> to vector<400x1xf32>
    %add3A = arith.addf %convert_element_type3A, %convert_element_type3A_5 : vector<400x1xf32>
    %max3A = arith.constant 1.000000e+00 : f32
    %max3A_6 = vector.broadcast %max3A : f32 to vector<400x1xf32>
    %max3A_7 = arith.maximumf %add3A, %max3A_6 : vector<400x1xf32>
    %div3A = arith.constant 1.000000e+00 : f32
    %div3A_8 = vector.broadcast %div3A : f32 to vector<400x1xf32>
    %div3A_9 = arith.divf %div3A_8, %max3A_7 : vector<400x1xf32>
    %get3A_10 = arith.constant 0 : index
    %get3A_11 = arith.constant 0 : index
    %get3A_12 = vector.load %arg2[%get3A_10, %get3A_11] : memref<400x128xf32, #tpu.memory_space<vmem>>, vector<400x128xf32>
    %get3A_13 = arith.constant 0 : index
    %get3A_14 = arith.constant 0 : index
    %get3A_15 = vector.load %arg3[%get3A_13, %get3A_14] : memref<400x128xf32, #tpu.memory_space<vmem>>, vector<400x128xf32>
    %concatenate3A = tpu.concatenate %get3A_12, %get3A_15 in 1 : vector<400x128xf32>, vector<400x128xf32> -> vector<400x256xf32>
    %mul3A = vector.broadcast %div3A_9 : vector<400x1xf32> to vector<400x256xf32>
    %mul3A_16 = arith.mulf %concatenate3A, %mul3A : vector<400x256xf32>
    %get3A_17 = arith.constant 0 : index
    %get3A_18 = arith.constant 0 : index
    %get3A_19 = vector.load %arg1[%get3A_17, %get3A_18] : memref<400x256xf32, #tpu.memory_space<vmem>>, vector<400x256xf32>
    %add3A_20 = arith.addf %get3A_19, %mul3A_16 : vector<400x256xf32>
    %max3A_21 = arith.constant 0.000000e+00 : f32
    %max3A_22 = vector.broadcast %max3A_21 : f32 to vector<400x256xf32>
    %max3A_23 = arith.maximumf %add3A_20, %max3A_22 : vector<400x256xf32>
    %swap3A = arith.constant 0 : index
    %swap3A_24 = arith.constant 0 : index
    %swap3A_25 = vector.load %arg7[%swap3A, %swap3A_24] : memref<400x256xf32, #tpu.memory_space<vmem>>, vector<400x256xf32>
    tpu.vector_store %arg7[%swap3A, %swap3A_24], %max3A_23 {strides = array<i32>} : memref<400x256xf32, #tpu.memory_space<vmem>>, vector<400x256xf32>,
    %get3A_26 = arith.constant 0 : index
    %get3A_27 = arith.constant 0 : index
    %get3A_28 = vector.load %arg6[%get3A_26, %get3A_27] : memref<256x64xf32, #tpu.memory_space<vmem>>, vector<256x64xf32>
    %dot_general3A = arith.constant dense<0.000000e+00> : vector<400x64xf32>
    %dot_general3A_29 = tpu.matmul %max3A_23, %get3A_28, %dot_general3A {dimension_numbers = #tpu.dot_dimension_numbers<[1], [0], [0], [1], [0, 0, 1, 1], [], []>, transpose_lhs_hint = false} : vector<400x256xf32>, vector<256x64xf32>, vector<400x64xf32> -> vector<400x64xf32>
    %slice3A = vector.extract_strided_slice %dot_general3A_29 {offsets = [0, 0], sizes = [400, 32], strides = [1, 1]} : vector<400x64xf32> to vector<400x32xf32>
    %swap3A_30 = arith.constant 0 : index
    %swap3A_31 = arith.constant 0 : index
    %swap3A_32 = vector.load %arg8[%swap3A_30, %swap3A_31] : memref<400x32xf32, #tpu.memory_space<vmem>>, vector<400x32xf32>
    tpu.vector_store %arg8[%swap3A_30, %swap3A_31], %slice3A {strides = array<i32>} : memref<400x32xf32, #tpu.memory_space<vmem>>, vector<400x32xf32>,
    %slice3A_33 = vector.extract_strided_slice %dot_general3A_29 {offsets = [0, 32], sizes = [400, 32], strides = [1, 1]} : vector<400x64xf32> to vector<400x32xf32>
    %swap3A_34 = arith.constant 0 : index
    %swap3A_35 = arith.constant 0 : index
    %swap3A_36 = vector.load %arg9[%swap3A_34, %swap3A_35] : memref<400x32xf32, #tpu.memory_space<vmem>>, vector<400x32xf32>
    tpu.vector_store %arg9[%swap3A_34, %swap3A_35], %slice3A_33 {strides = array<i32>} : memref<400x32xf32, #tpu.memory_space<vmem>>, vector<400x32xf32>,
    %broadcast_in_dim3A = vector.shape_cast %div3A_9 : vector<400x1xf32> to vector<400x1xf32>
    %broadcast_in_dim3A_37 = vector.broadcast %broadcast_in_dim3A : vector<400x1xf32> to vector<400x8xf32>
    %swap3A_38 = arith.constant 0 : index
    %swap3A_39 = arith.constant 0 : index
    %swap3A_40 = vector.load %arg10[%swap3A_38, %swap3A_39] : memref<400x8xf32, #tpu.memory_space<vmem>>, vector<400x8xf32>
    tpu.vector_store %arg10[%swap3A_38, %swap3A_39], %broadcast_in_dim3A_37 {strides = array<i32>} : memref<400x8xf32, #tpu.memory_space<vmem>>, vector<400x8xf32>,
    return
  }
  func.func @transform_0(%arg0: i32) -> (i32, i32) {
    %c0_i32 = arith.constant 0 : i32
    %c0_i32_0 = arith.constant 0 : i32
    return %arg0, %c0_i32 : i32, i32
  }
  func.func @transform_1(%arg0: i32) -> (i32, i32) {
    %c0_i32 = arith.constant 0 : i32
    %c0_i32_0 = arith.constant 0 : i32
    return %arg0, %c0_i32 : i32, i32
  }
  func.func @transform_2(%arg0: i32) -> (i32, i32) {
    %c0_i32 = arith.constant 0 : i32
    %c0_i32_0 = arith.constant 0 : i32
    return %arg0, %c0_i32 : i32, i32
  }
  func.func @transform_3(%arg0: i32) -> (i32, i32) {
    %c0_i32 = arith.constant 0 : i32
    %c0_i32_0 = arith.constant 0 : i32
    return %arg0, %c0_i32 : i32, i32
  }
  func.func @transform_4(%arg0: i32) -> (i32, i32) {
    %c0_i32 = arith.constant 0 : i32
    %c0_i32_0 = arith.constant 0 : i32
    return %arg0, %c0_i32 : i32, i32
  }
  func.func @transform_5(%arg0: i32) -> (i32, i32) {
    %c0_i32 = arith.constant 0 : i32
    %c0_i32_0 = arith.constant 0 : i32
    %c0_i32_1 = arith.constant 0 : i32
    return %c0_i32, %c0_i32_0 : i32, i32
  }
  func.func @transform_6(%arg0: i32) -> (i32, i32) {
    %c0_i32 = arith.constant 0 : i32
    %c0_i32_0 = arith.constant 0 : i32
    return %arg0, %c0_i32 : i32, i32
  }
  func.func @transform_7(%arg0: i32) -> (i32, i32) {
    %c0_i32 = arith.constant 0 : i32
    %c0_i32_0 = arith.constant 0 : i32
    return %arg0, %c0_i32 : i32, i32
  }
  func.func @transform_8(%arg0: i32) -> (i32, i32) {
    %c0_i32 = arith.constant 0 : i32
    %c0_i32_0 = arith.constant 0 : i32
    return %arg0, %c0_i32 : i32, i32
  }
  func.func @transform_9(%arg0: i32) -> (i32, i32) {
    %c0_i32 = arith.constant 0 : i32
    %c0_i32_0 = arith.constant 0 : i32
    return %arg0, %c0_i32 : i32, i32
  }
}

module attributes {stable_mosaic.version = 14 : i64} {
  func.func @_tc_self2_body(%arg0: i32, %arg1: memref<400x256xf32, #tpu.memory_space<vmem>>, %arg2: memref<256x64xf32, #tpu.memory_space<vmem>>, %arg3: memref<1x64xf32, #tpu.memory_space<vmem>>, %arg4: memref<400x64xf32, #tpu.memory_space<vmem>>) attributes {dimension_semantics = [#tpu.dimension_semantics<arbitrary>], iteration_bounds = array<i64: 25>, scalar_prefetch = 0 : i64, scratch_operands = 0 : i64, tpu.core_type = #tpu.core_type<tc>, window_params = [{transform_indices = @transform_0, window_bounds = array<i64: 400, 256>}, {pipeline_mode = #tpu.pipeline_mode<synchronous>, transform_indices = @transform_1, window_bounds = array<i64: 256, 64>}, {pipeline_mode = #tpu.pipeline_mode<synchronous>, transform_indices = @transform_2, window_bounds = array<i64: 1, 64>}, {transform_indices = @transform_3, window_bounds = array<i64: 400, 64>}]} {
    %get3A = arith.constant 0 : index
    %get3A_0 = arith.constant 0 : index
    %get3A_1 = vector.load %arg1[%get3A, %get3A_0] : memref<400x256xf32, #tpu.memory_space<vmem>>, vector<400x256xf32>
    %get3A_2 = arith.constant 0 : index
    %get3A_3 = arith.constant 0 : index
    %get3A_4 = vector.load %arg2[%get3A_2, %get3A_3] : memref<256x64xf32, #tpu.memory_space<vmem>>, vector<256x64xf32>
    %dot_general3A = arith.constant dense<0.000000e+00> : vector<400x64xf32>
    %dot_general3A_5 = tpu.matmul %get3A_1, %get3A_4, %dot_general3A {dimension_numbers = #tpu.dot_dimension_numbers<[1], [0], [0], [1], [0, 0, 1, 1], [], []>, transpose_lhs_hint = false} : vector<400x256xf32>, vector<256x64xf32>, vector<400x64xf32> -> vector<400x64xf32>
    %get3A_6 = arith.constant 0 : index
    %get3A_7 = arith.constant 0 : index
    %get3A_8 = vector.load %arg3[%get3A_6, %get3A_7] : memref<1x64xf32, #tpu.memory_space<vmem>>, vector<1x64xf32>
    %add3A = vector.broadcast %get3A_8 : vector<1x64xf32> to vector<400x64xf32>
    %add3A_9 = arith.addf %dot_general3A_5, %add3A : vector<400x64xf32>
    %swap3A = arith.constant 0 : index
    %swap3A_10 = arith.constant 0 : index
    %swap3A_11 = vector.load %arg4[%swap3A, %swap3A_10] : memref<400x64xf32, #tpu.memory_space<vmem>>, vector<400x64xf32>
    tpu.vector_store %arg4[%swap3A, %swap3A_10], %add3A_9 {strides = array<i32>} : memref<400x64xf32, #tpu.memory_space<vmem>>, vector<400x64xf32>,
    return
  }
  func.func @transform_0(%arg0: i32) -> (i32, i32) {
    %c0_i32 = arith.constant 0 : i32
    %c0_i32_0 = arith.constant 0 : i32
    return %arg0, %c0_i32 : i32, i32
  }
  func.func @transform_1(%arg0: i32) -> (i32, i32) {
    %c0_i32 = arith.constant 0 : i32
    %c0_i32_0 = arith.constant 0 : i32
    %c0_i32_1 = arith.constant 0 : i32
    return %c0_i32, %c0_i32_0 : i32, i32
  }
  func.func @transform_2(%arg0: i32) -> (i32, i32) {
    %c0_i32 = arith.constant 0 : i32
    %c0_i32_0 = arith.constant 0 : i32
    %c0_i32_1 = arith.constant 0 : i32
    return %c0_i32, %c0_i32_0 : i32, i32
  }
  func.func @transform_3(%arg0: i32) -> (i32, i32) {
    %c0_i32 = arith.constant 0 : i32
    %c0_i32_0 = arith.constant 0 : i32
    return %arg0, %c0_i32 : i32, i32
  }
}

module attributes {stable_mosaic.version = 14 : i64} {
  func.func @_tc3_body(%arg0: i32, %arg1: memref<400x64xf32, #tpu.memory_space<vmem>>, %arg2: memref<400x128xf32, #tpu.memory_space<vmem>>, %arg3: memref<400x8xf32, #tpu.memory_space<vmem>>, %arg4: memref<64x32xf32, #tpu.memory_space<vmem>>, %arg5: memref<1x32xf32, #tpu.memory_space<vmem>>, %arg6: memref<1x32xf32, #tpu.memory_space<vmem>>, %arg7: memref<1x1xf32, #tpu.memory_space<vmem>>, %arg8: memref<400x1xf32, #tpu.memory_space<vmem>>) attributes {dimension_semantics = [#tpu.dimension_semantics<arbitrary>], iteration_bounds = array<i64: 25>, scalar_prefetch = 0 : i64, scratch_operands = 0 : i64, tpu.core_type = #tpu.core_type<tc>, window_params = [{transform_indices = @transform_0, window_bounds = array<i64: 400, 64>}, {transform_indices = @transform_1, window_bounds = array<i64: 400, 128>}, {transform_indices = @transform_2, window_bounds = array<i64: 400, 8>}, {pipeline_mode = #tpu.pipeline_mode<synchronous>, transform_indices = @transform_3, window_bounds = array<i64: 64, 32>}, {pipeline_mode = #tpu.pipeline_mode<synchronous>, transform_indices = @transform_4, window_bounds = array<i64: 1, 32>}, {pipeline_mode = #tpu.pipeline_mode<synchronous>, transform_indices = @transform_5, window_bounds = array<i64: 1, 32>}, {pipeline_mode = #tpu.pipeline_mode<synchronous>, transform_indices = @transform_6, window_bounds = array<i64: 1, 1>}, {transform_indices = @transform_7, window_bounds = array<i64: 400, 1>}]} {
    %get3A = arith.constant 0 : index
    %get3A_0 = arith.constant 0 : index
    %get3A_1 = vector.load %arg3[%get3A, %get3A_0] : memref<400x8xf32, #tpu.memory_space<vmem>>, vector<400x1xf32>
    %get3A_2 = arith.constant 0 : index
    %get3A_3 = arith.constant 0 : index
    %get3A_4 = vector.load %arg2[%get3A_2, %get3A_3] : memref<400x128xf32, #tpu.memory_space<vmem>>, vector<400x64xf32>
    %mul3A = vector.broadcast %get3A_1 : vector<400x1xf32> to vector<400x64xf32>
    %mul3A_5 = arith.mulf %get3A_4, %mul3A : vector<400x64xf32>
    %get3A_6 = arith.constant 0 : index
    %get3A_7 = arith.constant 0 : index
    %get3A_8 = vector.load %arg1[%get3A_6, %get3A_7] : memref<400x64xf32, #tpu.memory_space<vmem>>, vector<400x64xf32>
    %add3A = arith.addf %get3A_8, %mul3A_5 : vector<400x64xf32>
    %max3A = arith.constant 0.000000e+00 : f32
    %max3A_9 = vector.broadcast %max3A : f32 to vector<400x64xf32>
    %max3A_10 = arith.maximumf %add3A, %max3A_9 : vector<400x64xf32>
    %get3A_11 = arith.constant 0 : index
    %get3A_12 = arith.constant 0 : index
    %get3A_13 = vector.load %arg4[%get3A_11, %get3A_12] : memref<64x32xf32, #tpu.memory_space<vmem>>, vector<64x32xf32>
    %dot_general3A = arith.constant dense<0.000000e+00> : vector<400x32xf32>
    %dot_general3A_14 = tpu.matmul %max3A_10, %get3A_13, %dot_general3A {dimension_numbers = #tpu.dot_dimension_numbers<[1], [0], [0], [1], [0, 0, 1, 1], [], []>, transpose_lhs_hint = false} : vector<400x64xf32>, vector<64x32xf32>, vector<400x32xf32> -> vector<400x32xf32>
    %get3A_15 = arith.constant 0 : index
    %get3A_16 = arith.constant 0 : index
    %get3A_17 = vector.load %arg5[%get3A_15, %get3A_16] : memref<1x32xf32, #tpu.memory_space<vmem>>, vector<1x32xf32>
    %add3A_18 = vector.broadcast %get3A_17 : vector<1x32xf32> to vector<400x32xf32>
    %add3A_19 = arith.addf %dot_general3A_14, %add3A_18 : vector<400x32xf32>
    %max3A_20 = arith.constant 0.000000e+00 : f32
    %max3A_21 = vector.broadcast %max3A_20 : f32 to vector<400x32xf32>
    %max3A_22 = arith.maximumf %add3A_19, %max3A_21 : vector<400x32xf32>
    %get3A_23 = arith.constant 0 : index
    %get3A_24 = arith.constant 0 : index
    %get3A_25 = vector.load %arg6[%get3A_23, %get3A_24] : memref<1x32xf32, #tpu.memory_space<vmem>>, vector<1x32xf32>
    %mul3A_26 = vector.broadcast %get3A_25 : vector<1x32xf32> to vector<400x32xf32>
    %mul3A_27 = arith.mulf %max3A_22, %mul3A_26 : vector<400x32xf32>
    %reduce_sum3A = arith.constant dense<0.000000e+00> : vector<400xf32>
    %reduce_sum3A_28 = vector.multi_reduction <add>, %mul3A_27, %reduce_sum3A [1] : vector<400x32xf32> to vector<400xf32>
    %broadcast_in_dim3A = vector.shape_cast %reduce_sum3A_28 : vector<400xf32> to vector<400x1xf32>
    %get3A_29 = arith.constant 0 : index
    %get3A_30 = arith.constant 0 : index
    %get3A_31 = vector.load %arg7[%get3A_29, %get3A_30] : memref<1x1xf32, #tpu.memory_space<vmem>>, vector<1x1xf32>
    %add3A_32 = vector.broadcast %get3A_31 : vector<1x1xf32> to vector<400x1xf32>
    %add3A_33 = arith.addf %broadcast_in_dim3A, %add3A_32 : vector<400x1xf32>
    %swap3A = arith.constant 0 : index
    %swap3A_34 = arith.constant 0 : index
    %swap3A_35 = vector.load %arg8[%swap3A, %swap3A_34] : memref<400x1xf32, #tpu.memory_space<vmem>>, vector<400x1xf32>
    tpu.vector_store %arg8[%swap3A, %swap3A_34], %add3A_33 {strides = array<i32>} : memref<400x1xf32, #tpu.memory_space<vmem>>, vector<400x1xf32>,
    return
  }
  func.func @transform_0(%arg0: i32) -> (i32, i32) {
    %c0_i32 = arith.constant 0 : i32
    %c0_i32_0 = arith.constant 0 : i32
    return %arg0, %c0_i32 : i32, i32
  }
  func.func @transform_1(%arg0: i32) -> (i32, i32) {
    %c0_i32 = arith.constant 0 : i32
    %c0_i32_0 = arith.constant 0 : i32
    return %arg0, %c0_i32 : i32, i32
  }
  func.func @transform_2(%arg0: i32) -> (i32, i32) {
    %c0_i32 = arith.constant 0 : i32
    %c0_i32_0 = arith.constant 0 : i32
    return %arg0, %c0_i32 : i32, i32
  }
  func.func @transform_3(%arg0: i32) -> (i32, i32) {
    %c0_i32 = arith.constant 0 : i32
    %c0_i32_0 = arith.constant 0 : i32
    %c0_i32_1 = arith.constant 0 : i32
    return %c0_i32, %c0_i32_0 : i32, i32
  }
  func.func @transform_4(%arg0: i32) -> (i32, i32) {
    %c0_i32 = arith.constant 0 : i32
    %c0_i32_0 = arith.constant 0 : i32
    %c0_i32_1 = arith.constant 0 : i32
    return %c0_i32, %c0_i32_0 : i32, i32
  }
  func.func @transform_5(%arg0: i32) -> (i32, i32) {
    %c0_i32 = arith.constant 0 : i32
    %c0_i32_0 = arith.constant 0 : i32
    %c0_i32_1 = arith.constant 0 : i32
    return %c0_i32, %c0_i32_0 : i32, i32
  }
  func.func @transform_6(%arg0: i32) -> (i32, i32) {
    %c0_i32 = arith.constant 0 : i32
    %c0_i32_0 = arith.constant 0 : i32
    %c0_i32_1 = arith.constant 0 : i32
    return %c0_i32, %c0_i32_0 : i32, i32
  }
  func.func @transform_7(%arg0: i32) -> (i32, i32) {
    %c0_i32 = arith.constant 0 : i32
    %c0_i32_0 = arith.constant 0 : i32
    return %arg0, %c0_i32 : i32, i32
  }
}

</mosaic_0001>

<sc_bundles>
// kernel: kernel.11.cloned.1.call-start
scs
__scs_entry_jumppad:
0x0: {  	(pc) =	sbr.rel $0x88, $3  }
0x1: {  	(tag) =	ssettag $0x0;
	lr =	simm.s32 $0x1  }
0x2: {  	[smem:$0x3F95] =	sst lr;
	_ =	strace $0xD0000000  }
0x3: {  	_ = 	snop  }
0x4: {  	_ = 	snop  }
0x5: {  	_ = 	snop  }
0x6: {  	_ = 	snop  }
0x7: {  	_ = 	snop  }
__scs_overlays_trampoline_lowered:
0x8: {  	[smem:$0x3FA4] =	sst s0  }
0x9: {  	[smem:$0x3FA5] =	sst s1  }
0xa: {  	[smem:$0x3FA6] =	sst s2  }
0xb: {  	[smem:$0x3FA7] =	sst s3  }
0xc: {  	[smem:$0x3FA8] =	sst s4  }
0xd: {  	[smem:$0x3FA9] =	sst s5  }
0xe: {  	[smem:$0x3FAA] =	sst s6  }
0xf: {  	[smem:$0x3FAB] =	sst s7  }
0x10: {  	[smem:$0x3FAC] =	sst s8  }
0x11: {  	[smem:$0x3FAD] =	sst s9;
	s0 =	simm.s32 @!p0 $0x0  }
0x12: {  	s1 =	sld [smem:$0x3F93];
	s0 =	simm.s32 @p0 $0x1  }
0x13: {  	[smem:$0x3FAE] =	sst s0;
	s0 =	simm.s32 @!p1 $0x0  }
0x14: {  	s2 =	sld [smem:$0x3F92];
	s0 =	simm.s32 @p1 $0x1  }
0x15: {  	[smem:$0x3FAF] =	sst s0;
	s0 =	simm.s32 @!p2 $0x0  }
0x16: {  	s3 =	sld [smem:$0x3FDB];
	s0 =	simm.s32 @p2 $0x1  }
0x17: {  	s4 =	simm.s32 $0x1BF5;
	[smem:$0x3FB1] =	sst s0  }
0x18: {  	s0 =	sld [smem:$0x3F94];
	_ =	swait.ge [sflag:s4], $0x0  }
0x19: {  	s7 =	sld [smem:$0x3F95]  }
0x1a: {  	s8 =	sadd.s32 $0xFFFFE003, lr  }
0x1b: {  	s9 =	sadd.s32 $0xFFFFFEF7, lr;
	s5 =	simm.s32 $0xFFFFFFFF;
	p2 =	slt.u32 s8, $0xFFFFF086  }
0x1c: {  	p1 =	slt.u32 s9, $0xF7A;
	s5 =	simm.s32 @!p2 $0x0  }
0x1d: {  	s5 =	simm.s32 @p1 $0x1;
	p0 =	seq.s32 s7, s2  }
0x1e: {  	s7 =	smul.u32 @!p0 $0xF7A, s2;
	p2 =	seq.s32 @!p0 s5, $0x0  }
0x1f: {  	s9 =	smul.u32 $0xF7A, s1;
	s8 =	simm.s32 @!p0 $0x1BF5;
	p2 =	por !p2, p0  }
0x20: {  	[sflag:s8] =	ssyncset.s32 @!p0 $0xFFFFF086;
	s6 =	sadd.s32 @!p0 s3, s7;
	s7 =	simm.s32 @!p0 $0x108  }
0x21: {  	s3 =	sadd.s32 s3, s9;
	s6 =	sadd.s32 @!p0 $0x88, s6;
	s7 =	simm.s32 @p2 $0x1082  }
0x22: {  	[simem:s7], [sflag:s8] =	dma.local @!p0 [hbm:s6], $0xF7A  }
0x23: {  	s9 =	sor.u32 $0xD0000000, s2;
	s6 =	simm.s32 $0x108;
	_ =	swait.ge @!p0 [sflag:s8], $0x0  }
0x24: {  	s3 =	sadd.s32 $0x88, s3;
	s6 =	simm.s32 @!p1 $0x1082;
	[sflag:s4] =	ssyncset.s32 $0xFFFFF086  }
0x25: {  	[simem:s6], [sflag:s4] =	dma.local [hbm:s3], $0xF7A  }
0x26: {  	[smem:$0x3F95] =	sst s1;
	(tag) =	ssettag s2;
	_ =	strace s9  }
0x27: {  	s1 =	sld [smem:$0x3FA5]  }
0x28: {  	s2 =	sld [smem:$0x3FA6]  }
0x29: {  	s4 =	sld [smem:$0x3FA8]  }
0x2a: {  	p0 =	seq.s32 s5, $0x0;
	s5 =	sld [smem:$0x3FA9]  }
0x2b: {  	s6 =	sld [smem:$0x3FAA]  }
0x2c: {  	s7 =	sld [smem:$0x3FAB]  }
0x2d: {  	s3 =	simm.s32 $0x108;
	s8 =	sld [smem:$0x3FAC]  }
0x2e: {  	s3 =	simm.s32 @!p0 $0x1082;
	s9 =	sld [smem:$0x3FAD]  }
0x2f: {  	lr =	sadd.s32 s0, s3;
	s0 =	sld [smem:$0x3FA4]  }
0x30: {  	s3 =	sld [smem:$0x3FA7]  }
0x31: {  	[smem:$0x3FB0] =	sst s10  }
0x32: {  	s10 =	sld [smem:$0x3FAE];
	_ =	sdelay $0x3  }
0x33: {  	p0 =	seq.s32 s10, $0x1;
	s10 =	sld [smem:$0x3FB0];
	_ =	sdelay $0x3  }
0x34: {  	[smem:$0x3FB0] =	sst s10  }
0x35: {  	s10 =	sld [smem:$0x3FAF];
	_ =	sdelay $0x3  }
0x36: {  	p1 =	seq.s32 s10, $0x1;
	s10 =	sld [smem:$0x3FB0];
	_ =	sdelay $0x3  }
0x37: {  	[smem:$0x3FB0] =	sst s10  }
0x38: {  	s10 =	sld [smem:$0x3FB1]  }
0x39: {  	_ = 	snop;
	(pc) =	sbr.ind lr, $3  }
0x3a: {  	_ = 	snop  }
0x3b: {  	_ = 	snop  }
0x3c: {  	p2 =	seq.s32 s10, $0x1;
	s10 =	sld [smem:$0x3FB0]  }
0x3d: {  	_ =	shalt  }
0x3e: {  	_ =	shalt  }
0x3f: {  	_ =	shalt  }
0x40: {  	_ =	shalt  }
0x41: {  	_ =	shalt  }
0x42: {  	_ =	shalt  }
0x43: {  	_ =	shalt  }
0x44: {  	_ =	shalt  }
0x45: {  	_ =	shalt  }
0x46: {  	_ =	shalt  }
0x47: {  	_ =	shalt  }
0x48: {  	_ =	shalt  }
0x49: {  	_ =	shalt  }
0x4a: {  	_ =	shalt  }
0x4b: {  	_ =	shalt  }
0x4c: {  	_ =	shalt  }
0x4d: {  	_ =	shalt  }
0x4e: {  	_ =	shalt  }
0x4f: {  	_ =	shalt  }
0x50: {  	_ =	shalt  }
0x51: {  	_ =	shalt  }
0x52: {  	_ =	shalt  }
0x53: {  	_ =	shalt  }
0x54: {  	_ =	shalt  }
0x55: {  	_ =	shalt  }
0x56: {  	_ =	shalt  }
0x57: {  	_ =	shalt  }
0x58: {  	_ =	shalt  }
0x59: {  	_ =	shalt  }
0x5a: {  	_ =	shalt  }
0x5b: {  	_ =	shalt  }
0x5c: {  	_ =	shalt  }
0x5d: {  	_ =	shalt  }
0x5e: {  	_ =	shalt  }
0x5f: {  	_ =	shalt  }
0x60: {  	_ =	shalt  }
0x61: {  	_ =	shalt  }
0x62: {  	_ =	shalt  }
0x63: {  	_ =	shalt  }
0x64: {  	_ =	shalt  }
0x65: {  	_ =	shalt  }
0x66: {  	_ =	shalt  }
0x67: {  	_ =	shalt  }
0x68: {  	_ =	shalt  }
0x69: {  	_ =	shalt  }
0x6a: {  	_ =	shalt  }
0x6b: {  	_ =	shalt  }
0x6c: {  	_ =	shalt  }
0x6d: {  	_ =	shalt  }
0x6e: {  	_ =	shalt  }
0x6f: {  	_ =	shalt  }
0x70: {  	_ =	shalt  }
0x71: {  	_ =	shalt  }
0x72: {  	_ =	shalt  }
0x73: {  	_ =	shalt  }
0x74: {  	_ =	shalt  }
0x75: {  	_ =	shalt  }
0x76: {  	_ =	shalt  }
0x77: {  	_ =	shalt  }
0x78: {  	_ =	shalt  }
0x79: {  	_ =	shalt  }
0x7a: {  	_ =	shalt  }
0x7b: {  	_ =	shalt  }
0x7c: {  	_ =	shalt  }
0x7d: {  	_ =	shalt  }
0x7e: {  	_ =	shalt  }
0x7f: {  	_ =	shalt  }
0x80: {  	_ =	shalt  }
0x81: {  	_ =	shalt  }
0x82: {  	_ =	shalt  }
0x83: {  	_ =	shalt  }
0x84: {  	_ =	shalt  }
0x85: {  	_ =	shalt  }
0x86: {  	_ =	shalt  }
0x87: {  	_ =	shalt  }
.Lfunc_end0:
.L_simem_size_0:
called_computation_lowered:
.L_overlay_start_0:
0x88: {  	s2 =	sld [smem:$0x3FD9]  }
0x89: {  	s3 =	sld [smem:$0x3FFE];
	_ =	sdelay $0x1  }
0x8a: {  	s1 =	srdreg.scid  }
0x8b: {  	s0 =	sand.u32 $0x1, s1  }
0x8c: {  	s16 =	sshll.u32 s0, $0xA;
	s2 =	sadd.s32 s3, s2  }
0x8d: {  	s2 =	sadd.s32 s2, s16  }
0x8e: {  	[smem:$0x3FBC] =	sst s2  }
0x8f: {  	_ = 	snop  }
0x90: {  	(tm) =	ssettm $0x1  }
0x91: {  	s17 =	sld [smem:$0x3FFB];
	_ =	sdelay $0x3  }
0x92: {  	_ =	strace s17  }
0x93: {  	s2 =	sld [smem:$0x3FFC];
	_ =	sdelay $0x3  }
0x94: {  	_ =	strace s2  }
0x95: {  	s2 =	sld [smem:$0x3FFD];
	_ =	sdelay $0x3  }
0x96: {  	_ =	strace s2  }
0x97: {  	_ =	strace $0x8FFFFFFF  }
0x98: {  	s18 =	sld [smem:$0x3FDB];
	_ =	sdelay $0x1  }
0x99: {  	s19 =	simm.s32 $_scs_section_size  }
0x9a: {  	s4 =	simm.s32 $_size__tile_overlayer_lowered;
	s5 =	simm.s32 $_tile_overlayer_lowered  }
0x9b: {  	s22 =	simm.s32 $0x1BFF;
	s21 =	sshll.u32 s5, $0x1;
	s2 =	sadd.s32 s19, s18  }
0x9c: {  	s6 =	simm.s32 $0x0;
	s20 =	sshll.u32 s4, $0x1;
	s4 =	sadd.s32 s21, s2  }
0x9d: {  	[timem:s6], [sflag:s22] =	dma.local [hbm:s4], s20  }
0x9e: {  	_ =	swait.ge [sflag:s22], s20  }
0x9f: {  	s3 =	ssub.s32 $0x0, s20;
	[sflag:s22] =	ssyncset.done $0x0  }
0xa0: {  	[sflag:s22] =	ssyncadd.s32 s3;
	_ =	sdelay $0x1  }
0xa1: {  	s23 =	simm.s32 $0x1B8B  }
0xa2: {  	_ =	swait.ge [sflag:s23], $0x1  }
0xa3: {  	[sflag:s23] =	ssyncset.done $0x0  }
0xa4: {  	s25 =	simm.s32 $0x1B8E;
	s24 =	sld [smem:$0x3FFE];
	[sflag:s23] =	ssyncadd.s32 $0xFFFFFFFF  }
0xa5: {  	s26 =	simm.s32 $execute0_lowered;
	[smem:$0x3FD2] =	sst s25  }
0xa6: {  	s4 =	sshll.u32 s26, $0x1;
	_ =	strace $0x80000046;
	[dreg:$0x1] =	wrdreg $0xFFFFFFFF  }
0xa7: {  	s28 =	simm.s32 $_size_execute0_lowered;
	s2 =	sadd.s32 s2, s4;
	[dreg:$0x0] =	wrdreg $0x0  }
0xa8: {  	s4 =	sshll.u32 s28, $0x1;
	[dreg:$0x2] =	wrdreg s2  }
0xa9: {  	[dreg:$0x3] =	wrdreg s4  }
0xaa: {  	[dreg:$0x4] =	wrdreg $0xC0  }
0xab: {  	_ =	task [dreg:s6], $0x5FFFF  }
0xac: {  	[dreg:$0x1] =	wrdreg $0xFFFFFFFF  }
0xad: {  	[dreg:$0x0] =	wrdreg $0x60  }
0xae: {  	[dreg:$0x2] =	wrdreg s24  }
0xaf: {  	[dreg:$0x3] =	wrdreg $0xCD000  }
0xb0: {  	[dreg:$0x4] =	wrdreg $0x171100  }
0xb1: {  	[dreg:$0x5] =	wrdreg $0x9  }
0xb2: {  	_ =	task.clear_ibuf [dreg:s6], $0x6FFFF;
	_ =	strace $0x90000046  }
0xb3: {  	s29 =	simm.s32 $0x9;
	_ =	strace $0x80000048  }
0xb4: {  	_ =	swait.ge [sflag:s29], $0x1  }
0xb5: {  	[sflag:s29] =	ssyncadd.s32 $0xFFFFFFFF  }
0xb6: {  	_ =	strace $0x90000048  }
0xb7: {  	_ =	sfence  }
0xb8: {  	s30 =	sld [smem:$0x0];
	_ =	sdelay $0x2  }
0xb9: {  	s31 =	sshll.u32 s1, $0xD;
	s1 =	sshrl.u32 s1, $0x2  }
0xba: {  	s3 =	sand.u32 $0x4000, s31;
	s1 =	sadd.s32 s1, s30  }
0xbb: {  	s0 =	sor.u32 s3, s0;
	s1 =	sshll.u32 s1, $0x11  }
0xbc: {  	s0 =	sor.u32 s1, s0  }
0xbd: {  	s0 =	sadd.s32 $0x8F2B, s0  }
0xbe: {  	[sflag:s0] =	ssyncadd.remote.s32 $0x1  }
0xbf: {  	_ =	sfence.sel $0xFFFF  }
0xc0: {  	[dreg:$0x0] =	wrdreg $0xFFFFFFFF;
	(pc) =	sbr.abs _section_cstart, $3  }
0xc1: {  	[dreg:$0x1] =	wrdreg $0xFFFFFFFF  }
0xc2: {  	_ =	task.clear_ibuf [dreg:s6], $0x2FFFF;
	_ =	strace $0x9FFFFFFF  }
0xc3: {  	(tm) =	ssettm $0x7FFFFFFF  }
tec
execute0_lowered:
.L_overlay_start_1:
0x0: {  	(tag) =	ssettag $0x1  }
0x1: {  	s4 =	rddreg [dreg:$0x0]  }
0x2: {  	s2 =	rddreg [dreg:$0x1]  }
0x3: {  	s3 =	rddreg [dreg:$0x2]  }
0x4: {  	s0 =	simm.s32 $0x0;
	s14 =	stileid.u32;
	s1 =	srdreg.scid  }
0x5: {  	[smem:$0x7FF] =	sst s0;
	s20 =	smul.u32 $0x2800, s14;
	s5 =	sadd.s32 $0x17200, s4  }
0x6: {  	s0 =	sand.u32 $0x1, s1;
	s6 =	sadd.s32 $0x3800, s4;
	s10 =	smul.u32 $0x270, s14  }
0x7: {  	s8 =	sadd.s32 $0x39C00, s4;
	s15 =	sadd.s32 $0x37400, s4;
	s11 =	smul.u32 $0x13800, s14  }
0x8: {  	_ =	strace $0x80000047;
	s1 =	ssub.s32 $0x2, s0;
	s12 =	sshll.u32 s0, $0x6  }
0x9: {  	p1 =	seq.s32 s0, $0x0;
	p0 =	sne.s32 s0, $0x0;
	[dreg:$0x4] =	wrdreg s15  }
0xa: {  	s7 =	sshrl.u32 s20, $0x3;
	s9 =	sshrl.u32 s1, $0x1;
	s16 =	sadd.s32 $0x68, s10  }
0xb: {  	s17 =	sadd.s32 $0xD0, s10;
	s18 =	sadd.s32 $0x138, s10;
	s19 =	sadd.s32 $0x1A0, s10  }
0xc: {  	s20 =	sadd.s32 $0x208, s10;
	s21 =	sor.u32 s12, s11;
	[dreg:$0x5] =	wrdreg s16  }
0xd: {  	s7 =	sadd.s32 s7, s4;
	s1 =	ssub.s32 s1, s9;
	[dreg:$0x6] =	wrdreg s17  }
0xe: {  	s9 =	smul.u32 $0x27000, s14;
	s22 =	sshll.u32 s16, $0x7;
	[dreg:$0x7] =	wrdreg s18  }
0xf: {  	s10 =	sshrl.u32 s21, $0x3;
	s13 =	sshll.u32 s17, $0x7;
	[dreg:$0x8] =	wrdreg s19  }
0x10: {  	s26 =	sshll.u32 s18, $0x7;
	s21 =	sshll.u32 s20, $0x7;
	[dreg:$0x9] =	wrdreg s20  }
0x11: {  	s11 =	sor.u32 s12, s22;
	s10 =	sadd.s32 s8, s10;
	s24 =	sor.u32 s12, s13  }
0x12: {  	s13 =	sshll.u32 s19, $0x7;
	s1 =	smax.u32 s1, $0x1;
	[dreg:$0xa] =	wrdreg s10  }
0x13: {  	s23 =	sshrl.u32 s11, $0x3;
	s25 =	sshrl.u32 s24, $0x3;
	s11 =	sor.u32 s12, s26  }
0x14: {  	s26 =	sadd.s32 $0x2AC00, s7;
	s7 =	sadd.s32 $0x2FC00, s7;
	[dreg:$0x1a] =	wrdreg s1  }
0x15: {  	s1 =	simm.s32 $0x8E80;
	s10 =	sadd.s32 s8, s23;
	[dreg:$0x11] =	wrdreg s26  }
0x16: {  	s23 =	sor.u32 s12, s21;
	[dreg:$0x12] =	wrdreg s7;
	s21 =	sshll.u32 s16, $0x6  }
0x17: {  	s26 =	sshll.u32 s17, $0x3;
	[dreg:$0xb] =	wrdreg s10;
	s10 =	sadd.s32 s8, s25  }
0x18: {  	s24 =	sshrl.u32 s23, $0x3;
	s23 =	sadd.s32 s21, s2;
	[dreg:$0xc] =	wrdreg s10  }
0x19: {  	s10 =	sshrl.u32 s11, $0x3;
	s11 =	sor.u32 s12, s13;
	s12 =	sshrl.u32 s9, $0x2  }
0x1a: {  	[dreg:$0x15] =	wrdreg s23;
	s10 =	sadd.s32 s8, s10;
	s22 =	sshrl.u32 s11, $0x3  }
0x1b: {  	s11 =	sadd.s32 $0x34C00, s4;
	s4 =	sadd.s32 s12, s2;
	[dreg:$0xd] =	wrdreg s10  }
0x1c: {  	s25 =	sshll.u32 s0, $0x3;
	s28 =	sadd.s32 s26, s3;
	[dreg:$0x13] =	wrdreg s4  }
0x1d: {  	s12 =	sshll.u32 s18, $0x6;
	s10 =	sadd.s32 s8, s22;
	[dreg:$0x10] =	wrdreg s11  }
0x1e: {  	s29 =	sadd.s32 s12, s2;
	[dreg:$0xe] =	wrdreg s10;
	s10 =	sadd.s32 s8, s24  }
0x1f: {  	s8 =	sadd.s32 s25, s8;
	s24 =	sshll.u32 s16, $0x3;
	s25 =	sshll.u32 s17, $0x6  }
0x20: {  	s17 =	smul.u32 $0x5000, s0;
	[dreg:$0xf] =	wrdreg s10;
	s4 =	sadd.s32 s24, s3  }
0x21: {  	s10 =	smul.u32 $0x2700, s14;
	s7 =	sadd.s32 s25, s2;
	[dreg:$0x16] =	wrdreg s4  }
0x22: {  	s16 =	sshll.u32 s19, $0x6;
	s8 =	sadd.s32 $0x27000, s8;
	[dreg:$0x19] =	wrdreg s7  }
0x23: {  	[dreg:$0x18] =	wrdreg s8;
	s4 =	sshrl.u32 s17, $0x2;
	s21 =	sshrl.u32 s10, $0x4  }
0x24: {  	s31 =	sadd.s32 s16, s2;
	s23 =	sadd.s32 $0x2900, s4;
	[dreg:$0x17] =	wrdreg s21  }
0x25: {  	s8 =	smov.u32 s11;
	s24 =	sadd.s32 $0x2A00, s4;
	[dreg:$0x1c] =	wrdreg s23  }
0x26: {  	s13 =	sshrl.u32 s10, $0x1;
	s25 =	sadd.s32 $0x2B00, s4;
	[dreg:$0x1d] =	wrdreg s24  }
0x27: {  	s8 =	smov.u32 @p1 s15;
	s26 =	sadd.s32 $0x2C00, s4;
	[dreg:$0x1e] =	wrdreg s25  }
0x28: {  	s9 =	sadd.s32 $0x2D00, s4;
	s10 =	sadd.s32 $0x2E00, s4;
	[dreg:$0x1f] =	wrdreg s26  }
0x29: {  	s11 =	sadd.s32 $0x2F00, s4;
	s12 =	sadd.s32 $0x3000, s4;
	[smem:$0x7EE] =	sst s9  }
0x2a: {  	s15 =	sadd.s32 $0x3200, s4;
	s16 =	sadd.s32 $0x3300, s4;
	[smem:$0x7EF] =	sst s10  }
0x2b: {  	s17 =	sadd.s32 $0x3400, s4;
	p1 =	sne.s32 s14, $0xF;
	[smem:$0x7F0] =	sst s11  }
0x2c: {  	s14 =	simm.s32 $0x2;
	s22 =	sadd.s32 s13, s3;
	[smem:$0x7F1] =	sst s12  }
0x2d: {  	s13 =	sshll.u32 s18, $0x3;
	s18 =	sshll.u32 s19, $0x3;
	[smem:$0x7F3] =	sst s15  }
0x2e: {  	s19 =	sshll.u32 s20, $0x6;
	s20 =	sshll.u32 s20, $0x3;
	[smem:$0x7F4] =	sst s16  }
0x2f: {  	[smem:$0x7F5] =	sst s17;
	s21 =	sadd.s32 $0x3700, s4;
	s23 =	sadd.s32 $0x3900, s4  }
0x30: {  	s24 =	sadd.s32 $0x3A00, s4;
	s25 =	sadd.s32 $0x3B00, s4;
	s26 =	sadd.s32 $0x2700, s8  }
0x31: {  	s8 =	sadd.s32 $0x13800, s3;
	s9 =	simm.s32 $0x5;
	[dreg:$0x14] =	wrdreg s22  }
0x32: {  	s10 =	simm.s32 $0x5000;
	s11 =	simm.s32 $0x16940;
	[smem:$0x7F8] =	sst s21  }
0x33: {  	s12 =	simm.s32 $0xFA;
	s15 =	simm.s32 $0x4;
	[smem:$0x7FA] =	sst s23  }
0x34: {  	s16 =	simm.s32 $0x10;
	s17 =	simm.s32 $0x8;
	[smem:$0x7FB] =	sst s24  }
0x35: {  	s30 =	sadd.s32 s13, s3;
	s0 =	sadd.s32 s18, s3;
	[smem:$0x7FC] =	sst s25  }
0x36: {  	s7 =	sadd.s32 s19, s2;
	s22 =	sadd.s32 $0x2800, s4;
	[smem:$0x7FD] =	sst s26  }
.Ltmp0:
0x37: {  	s13 =	sadd.s32 $0x3100, s4;
	[dreg:$0x1b] =	wrdreg s22;
	(pc) =	sbr.rel .LBB2_1-.Ltmp0, $4  }
0x38: {  	s19 =	sadd.s32 s20, s3;
	s18 =	sadd.s32 $0x3500, s4;
	[smem:$0x7F2] =	sst s13  }
0x39: {  	s20 =	sadd.s32 $0x3600, s4;
	s21 =	sadd.s32 $0x9C000, s2;
	[smem:$0x7F6] =	sst s18  }
0x3a: {  	[smem:$0x7F7] =	sst s20;
	s22 =	sadd.s32 $0x3800, s4;
	s4 =	simm.s32 $0x1  }
0x3b: {  	v0 =	vimm.f32 $0.0e+00;
	v1 =	vimm.bf16 $0.0e+00;
	v2 =	vimm.bf16 $1.0000e+00;
	s13 =	simm.s32 $0x3;
	s18 =	simm.s32 $0x0;
	[smem:$0x7F9] =	sst s22  }
.LBB2_13:
0x3c: {  	[tilespmem:s1], [sflag:$0x2] =	stream.indirect.gather [hbm4b:s6+s12], $0x40, s22, s12, $0xb8;
	[tilespmem:$0x18498] =	vst v63  }
0x3d: {  	s20 =	rddreg [dreg:$0x10]  }
.LBB2_14:
0x3e: {  	_ =	swait.ge [sflag:s4], $0x3E80  }
0x3f: {  	[sflag:s4] =	ssyncset.done $0x0  }
0x40: {  	s22 =	simm.s32 $0x4E00;
	[sflag:s4] =	ssyncadd.s32 $0xFFFFC180  }
0x41: {  	[spmem:s2] =	stream.indirect.scatter.add.f32 [tilespmem:s10], [sflag:$0x3], $0x40, s22, s12, $0xb8;
	[tilespmem:$0x18498] =	vst v63  }
0x42: {  	_ =	swait.ge [sflag:s14], $0x3E80  }
0x43: {  	[sflag:s14] =	ssyncset.done $0x0  }
0x44: {  	s23 =	simm.s32 $0x4F00;
	[sflag:s14] =	ssyncadd.s32 $0xFFFFC180  }
0x45: {  	[spmem:s2] =	stream.indirect.scatter.add.f32 [tilespmem:s1], [sflag:$0x4], $0x40, s23, s12, $0xb8;
	[tilespmem:$0x18498] =	vst v63  }
0x46: {  	_ =	swait.ge [sflag:s13], $0x3E80  }
0x47: {  	[sflag:s13] =	ssyncset.done $0x0  }
0x48: {  	[sflag:s13] =	ssyncadd.s32 $0xFFFFC180  }
0x49: {  	_ =	swait.ge [sflag:s15], $0x3E80  }
0x4a: {  	[sflag:s15] =	ssyncset.done $0x0  }
0x4b: {  	s24 =	rddreg [dreg:$0x1b];
	[sflag:s15] =	ssyncadd.s32 $0xFFFFC180  }
0x4c: {  	[spmem:s3] =	stream.indirect.scatter.add.bf16 [tilespmem:s11], [sflag:$0x5], $0x8, s24, s12, $0xb8;
	[tilespmem:$0x18498] =	vst v63  }
0x4d: {  	_ =	swait.ge [sflag:s9], $0x7D0  }
0x4e: {  	[sflag:s9] =	ssyncset.done $0x0  }
0x4f: {  	s25 =	rddreg [dreg:$0x1c];
	[sflag:s9] =	ssyncadd.s32 $0xFFFFF830  }
0x50: {  	[spmem:s3] =	stream.indirect.scatter.add.bf16 [tilespmem:s11], [sflag:$0x5], $0x8, s25, s12, $0xb8;
	[tilespmem:$0x18498] =	vst v63  }
0x51: {  	_ =	swait.ge [sflag:s9], $0x7D0  }
0x52: {  	[sflag:s9] =	ssyncset.done $0x0  }
0x53: {  	s26 =	rddreg [dreg:$0x1d];
	[sflag:s9] =	ssyncadd.s32 $0xFFFFF830  }
0x54: {  	[spmem:s3] =	stream.indirect.scatter.add.bf16 [tilespmem:s11], [sflag:$0x5], $0x8, s26, s12, $0xb8;
	[tilespmem:$0x18498] =	vst v63  }
0x55: {  	_ =	swait.ge [sflag:s9], $0x7D0  }
0x56: {  	[sflag:s9] =	ssyncset.done $0x0  }
0x57: {  	s23 =	rddreg [dreg:$0x1e];
	[sflag:s9] =	ssyncadd.s32 $0xFFFFF830  }
0x58: {  	[spmem:s3] =	stream.indirect.scatter.add.bf16 [tilespmem:s11], [sflag:$0x5], $0x8, s23, s12, $0xb8;
	[tilespmem:$0x18498] =	vst v63  }
0x59: {  	_ =	swait.ge [sflag:s9], $0x7D0  }
0x5a: {  	[sflag:s9] =	ssyncset.done $0x0  }
0x5b: {  	s24 =	rddreg [dreg:$0x1f];
	[sflag:s9] =	ssyncadd.s32 $0xFFFFF830  }
0x5c: {  	[spmem:s3] =	stream.indirect.scatter.add.bf16 [tilespmem:s11], [sflag:$0x5], $0x8, s24, s12, $0xb8;
	[tilespmem:$0x18498] =	vst v63  }
0x5d: {  	_ =	swait.ge [sflag:s9], $0x7D0  }
0x5e: {  	s25 =	sld [smem:$0x7EE]  }
0x5f: {  	[sflag:s9] =	ssyncset.done $0x0  }
0x60: {  	[sflag:s9] =	ssyncadd.s32 $0xFFFFF830  }
0x61: {  	[spmem:s3] =	stream.indirect.scatter.add.bf16 [tilespmem:s11], [sflag:$0x5], $0x8, s25, s12, $0xb8;
	[tilespmem:$0x18498] =	vst v63  }
0x62: {  	_ =	swait.ge [sflag:s9], $0x7D0  }
0x63: {  	s26 =	sld [smem:$0x7EF]  }
0x64: {  	[sflag:s9] =	ssyncset.done $0x0  }
0x65: {  	[sflag:s9] =	ssyncadd.s32 $0xFFFFF830  }
0x66: {  	[spmem:s3] =	stream.indirect.scatter.add.bf16 [tilespmem:s11], [sflag:$0x5], $0x8, s26, s12, $0xb8;
	[tilespmem:$0x18498] =	vst v63  }
0x67: {  	_ =	swait.ge [sflag:s9], $0x7D0  }
0x68: {  	s23 =	sld [smem:$0x7F0]  }
0x69: {  	[sflag:s9] =	ssyncset.done $0x0  }
0x6a: {  	[sflag:s9] =	ssyncadd.s32 $0xFFFFF830  }
0x6b: {  	[spmem:s3] =	stream.indirect.scatter.add.bf16 [tilespmem:s11], [sflag:$0x5], $0x8, s23, s12, $0xb8;
	[tilespmem:$0x18498] =	vst v63  }
0x6c: {  	_ =	swait.ge [sflag:s9], $0x7D0  }
0x6d: {  	s24 =	sld [smem:$0x7F1]  }
0x6e: {  	[sflag:s9] =	ssyncset.done $0x0  }
0x6f: {  	[sflag:s9] =	ssyncadd.s32 $0xFFFFF830  }
0x70: {  	[spmem:s3] =	stream.indirect.scatter.add.bf16 [tilespmem:s11], [sflag:$0x5], $0x8, s24, s12, $0xb8;
	[tilespmem:$0x18498] =	vst v63  }
0x71: {  	_ =	swait.ge [sflag:s9], $0x7D0  }
0x72: {  	s25 =	sld [smem:$0x7F2]  }
0x73: {  	[sflag:s9] =	ssyncset.done $0x0  }
0x74: {  	[sflag:s9] =	ssyncadd.s32 $0xFFFFF830  }
0x75: {  	[spmem:s3] =	stream.indirect.scatter.add.bf16 [tilespmem:s11], [sflag:$0x5], $0x8, s25, s12, $0xb8;
	[tilespmem:$0x18498] =	vst v63  }
0x76: {  	_ =	swait.ge [sflag:s9], $0x7D0  }
0x77: {  	s26 =	sld [smem:$0x7F3]  }
0x78: {  	[sflag:s9] =	ssyncset.done $0x0  }
0x79: {  	[sflag:s9] =	ssyncadd.s32 $0xFFFFF830  }
0x7a: {  	[spmem:s3] =	stream.indirect.scatter.add.bf16 [tilespmem:s11], [sflag:$0x5], $0x8, s26, s12, $0xb8;
	[tilespmem:$0x18498] =	vst v63  }
0x7b: {  	_ =	swait.ge [sflag:s9], $0x7D0  }
0x7c: {  	s23 =	sld [smem:$0x7F4]  }
0x7d: {  	[sflag:s9] =	ssyncset.done $0x0  }
0x7e: {  	[sflag:s9] =	ssyncadd.s32 $0xFFFFF830  }
0x7f: {  	[spmem:s3] =	stream.indirect.scatter.add.bf16 [tilespmem:s11], [sflag:$0x5], $0x8, s23, s12, $0xb8;
	[tilespmem:$0x18498] =	vst v63  }
0x80: {  	_ =	swait.ge [sflag:s9], $0x7D0  }
0x81: {  	s24 =	sld [smem:$0x7F5]  }
0x82: {  	[sflag:s9] =	ssyncset.done $0x0  }
0x83: {  	[sflag:s9] =	ssyncadd.s32 $0xFFFFF830  }
0x84: {  	[spmem:s3] =	stream.indirect.scatter.add.bf16 [tilespmem:s11], [sflag:$0x5], $0x8, s24, s12, $0xb8;
	[tilespmem:$0x18498] =	vst v63  }
0x85: {  	_ =	swait.ge [sflag:s9], $0x7D0  }
0x86: {  	s25 =	sld [smem:$0x7F6]  }
0x87: {  	[sflag:s9] =	ssyncset.done $0x0  }
0x88: {  	[sflag:s9] =	ssyncadd.s32 $0xFFFFF830  }
0x89: {  	[spmem:s3] =	stream.indirect.scatter.add.bf16 [tilespmem:s11], [sflag:$0x5], $0x8, s25, s12, $0xb8;
	[tilespmem:$0x18498] =	vst v63  }
0x8a: {  	_ =	swait.ge [sflag:s9], $0x7D0  }
0x8b: {  	s26 =	sld [smem:$0x7F7]  }
0x8c: {  	[sflag:s9] =	ssyncset.done $0x0  }
0x8d: {  	[sflag:s9] =	ssyncadd.s32 $0xFFFFF830  }
0x8e: {  	[spmem:s3] =	stream.indirect.scatter.add.bf16 [tilespmem:s11], [sflag:$0x5], $0x8, s26, s12, $0xb8;
	[tilespmem:$0x18498] =	vst v63  }
0x8f: {  	_ =	swait.ge [sflag:s9], $0x7D0  }
0x90: {  	s23 =	sld [smem:$0x7F8]  }
0x91: {  	[sflag:s9] =	ssyncset.done $0x0  }
0x92: {  	[sflag:s9] =	ssyncadd.s32 $0xFFFFF830  }
0x93: {  	[spmem:s3] =	stream.indirect.scatter.add.bf16 [tilespmem:s11], [sflag:$0x5], $0x8, s23, s12, $0xb8;
	[tilespmem:$0x18498] =	vst v63  }
0x94: {  	_ =	swait.ge [sflag:s9], $0x7D0  }
0x95: {  	s24 =	sld [smem:$0x7F9]  }
0x96: {  	[sflag:s9] =	ssyncset.done $0x0  }
0x97: {  	[sflag:s9] =	ssyncadd.s32 $0xFFFFF830  }
0x98: {  	[spmem:s3] =	stream.indirect.scatter.add.bf16 [tilespmem:s11], [sflag:$0x5], $0x8, s24, s12, $0xb8;
	[tilespmem:$0x18498] =	vst v63  }
0x99: {  	_ =	swait.ge [sflag:s9], $0x7D0  }
0x9a: {  	s25 =	sld [smem:$0x7FA]  }
0x9b: {  	[sflag:s9] =	ssyncset.done $0x0  }
0x9c: {  	[sflag:s9] =	ssyncadd.s32 $0xFFFFF830  }
0x9d: {  	[spmem:s3] =	stream.indirect.scatter.add.bf16 [tilespmem:s11], [sflag:$0x5], $0x8, s25, s12, $0xb8;
	[tilespmem:$0x18498] =	vst v63  }
0x9e: {  	_ =	swait.ge [sflag:s9], $0x7D0  }
0x9f: {  	s26 =	sld [smem:$0x7FB]  }
0xa0: {  	[sflag:s9] =	ssyncset.done $0x0  }
0xa1: {  	[sflag:s9] =	ssyncadd.s32 $0xFFFFF830  }
0xa2: {  	[spmem:s3] =	stream.indirect.scatter.add.bf16 [tilespmem:s11], [sflag:$0x5], $0x8, s26, s12, $0xb8;
	[tilespmem:$0x18498] =	vst v63  }
0xa3: {  	_ =	swait.ge [sflag:s9], $0x7D0  }
0xa4: {  	s23 =	sld [smem:$0x7FC]  }
0xa5: {  	[sflag:s9] =	ssyncset.done $0x0  }
0xa6: {  	[sflag:s9] =	ssyncadd.s32 $0xFFFFF830  }
0xa7: {  	[spmem:s3] =	stream.indirect.scatter.add.bf16 [tilespmem:s11], [sflag:$0x5], $0x8, s23, s12, $0xb8;
	[tilespmem:$0x18498] =	vst v63  }
0xa8: {  	_ =	swait.ge [sflag:s9], $0x7D0  }
0xa9: {  	[sflag:s9] =	ssyncset.done $0x0  }
0xaa: {  	[sflag:s9] =	ssyncadd.s32 $0xFFFFF830  }
0xab: {  	s24 =	stileid.u32;
	[bflag:$0x0] =	sbarrier.arrive $0xFFFF  }
0xac: {  	s22 =	sshll.u32 s24, $0x6;
	s23 =	rddreg [dreg:$0x13]  }
0xad: {  	s22 =	sor.u32 $0x1C05, s22;
	s24 =	rddreg [dreg:$0xa];
	s23 =	sshrl.u32 s23, $0x3  }
0xae: {  	[hbm:s24@s16], [sflag:s22] =	dma.strided [spmem:s23@s17], $0x340, s4, $0x8   }
0xaf: {  	_ =	swait.ge [sflag:s9], $0x340  }
0xb0: {  	s25 =	rddreg [dreg:$0x17]  }
0xb1: {  	[sflag:s9] =	ssyncset.done $0x0;
	s26 =	rddreg [dreg:$0x14]  }
0xb2: {  	[sflag:s9] =	ssyncadd.s32 $0xFFFFFCC0;
	s23 =	sadd.s32 s20, s25;
	s24 =	sshrl.u32 s26, $0x3  }
0xb3: {  	[hbm:s23], [sflag:s22] =	dma.local [spmem:s24], $0x68  }
0xb4: {  	_ =	swait.ge [sflag:s9], $0x68  }
0xb5: {  	[sflag:s9] =	ssyncset.done $0x0;
	s25 =	rddreg [dreg:$0x15]  }
0xb6: {  	s26 =	rddreg [dreg:$0xb];
	[sflag:s9] =	ssyncadd.s32 $0xFFFFFF98;
	s23 =	sshrl.u32 s25, $0x3  }
0xb7: {  	[hbm:s26@s16], [sflag:s22] =	dma.strided [spmem:s23@s17], $0x340, s4, $0x8   }
0xb8: {  	_ =	swait.ge [sflag:s9], $0x340  }
0xb9: {  	s25 =	rddreg [dreg:$0x5]  }
0xba: {  	[sflag:s9] =	ssyncset.done $0x0;
	s26 =	rddreg [dreg:$0x16]  }
0xbb: {  	[sflag:s9] =	ssyncadd.s32 $0xFFFFFCC0;
	s23 =	sadd.s32 s20, s25;
	s24 =	sshrl.u32 s26, $0x3  }
0xbc: {  	[hbm:s23], [sflag:s22] =	dma.local [spmem:s24], $0x68  }
0xbd: {  	_ =	swait.ge [sflag:s9], $0x68  }
0xbe: {  	[sflag:s9] =	ssyncset.done $0x0;
	s25 =	rddreg [dreg:$0x19]  }
0xbf: {  	s26 =	rddreg [dreg:$0xc];
	[sflag:s9] =	ssyncadd.s32 $0xFFFFFF98;
	s23 =	sshrl.u32 s25, $0x3  }
0xc0: {  	[hbm:s26@s16], [sflag:s22] =	dma.strided [spmem:s23@s17], $0x340, s4, $0x8   }
0xc1: {  	_ =	swait.ge [sflag:s9], $0x340  }
0xc2: {  	[sflag:s9] =	ssyncset.done $0x0;
	s25 =	rddreg [dreg:$0x6]  }
0xc3: {  	s26 =	sshrl.u32 s28, $0x3;
	[sflag:s9] =	ssyncadd.s32 $0xFFFFFCC0;
	s23 =	sadd.s32 s20, s25  }
0xc4: {  	[hbm:s23], [sflag:s22] =	dma.local [spmem:s26], $0x68  }
0xc5: {  	_ =	swait.ge [sflag:s9], $0x68  }
0xc6: {  	[sflag:s9] =	ssyncset.done $0x0  }
0xc7: {  	s25 =	sshrl.u32 s29, $0x3;
	s26 =	rddreg [dreg:$0xd];
	[sflag:s9] =	ssyncadd.s32 $0xFFFFFF98  }
0xc8: {  	[hbm:s26@s16], [sflag:s22] =	dma.strided [spmem:s25@s17], $0x340, s4, $0x8   }
0xc9: {  	_ =	swait.ge [sflag:s9], $0x340  }
0xca: {  	[sflag:s9] =	ssyncset.done $0x0;
	s25 =	rddreg [dreg:$0x7]  }
0xcb: {  	s26 =	sshrl.u32 s30, $0x3;
	[sflag:s9] =	ssyncadd.s32 $0xFFFFFCC0;
	s23 =	sadd.s32 s20, s25  }
0xcc: {  	[hbm:s23], [sflag:s22] =	dma.local [spmem:s26], $0x68  }
0xcd: {  	_ =	swait.ge [sflag:s9], $0x68  }
0xce: {  	[sflag:s9] =	ssyncset.done $0x0  }
0xcf: {  	s25 =	sshrl.u32 s31, $0x3;
	s26 =	rddreg [dreg:$0xe];
	[sflag:s9] =	ssyncadd.s32 $0xFFFFFF98  }
0xd0: {  	[hbm:s26@s16], [sflag:s22] =	dma.strided [spmem:s25@s17], $0x340, s4, $0x8   }
0xd1: {  	_ =	swait.ge [sflag:s9], $0x340  }
0xd2: {  	[sflag:s9] =	ssyncset.done $0x0;
	s25 =	rddreg [dreg:$0x8]  }
0xd3: {  	s26 =	sshrl.u32 s0, $0x3;
	[sflag:s9] =	ssyncadd.s32 $0xFFFFFCC0;
	s23 =	sadd.s32 s20, s25  }
0xd4: {  	[hbm:s23], [sflag:s22] =	dma.local [spmem:s26], $0x68  }
0xd5: {  	_ =	swait.ge [sflag:s9], $0x68  }
0xd6: {  	[sflag:s9] =	ssyncset.done $0x0  }
0xd7: {  	s24 =	sshrl.u32 s7, $0x3;
	s25 =	rddreg [dreg:$0xf];
	[sflag:s9] =	ssyncadd.s32 $0xFFFFFF98  }
0xd8: {  	[hbm:s25@s16], [sflag:s22] =	dma.strided [spmem:s24@s17], $0x340, s4, $0x8   }
0xd9: {  	_ =	swait.ge [sflag:s9], $0x340  }
0xda: {  	[sflag:s9] =	ssyncset.done $0x0;
	s26 =	rddreg [dreg:$0x9]  }
0xdb: {  	s25 =	sshrl.u32 s19, $0x3;
	[sflag:s9] =	ssyncadd.s32 $0xFFFFFCC0;
	s24 =	sadd.s32 s20, s26  }
0xdc: {  	[hbm:s24], [sflag:s22] =	dma.local [spmem:s25], $0x68  }
0xdd: {  	s23 =	simm.s32 @!p1 $0x1;
	_ =	swait.ge [sflag:s9], $0x68  }
0xde: {  	s20 =	sshrl.u32 @!p1 s21, $0x3;
	s24 =	simm.s32 @!p1 $0x10;
	[sflag:s9] =	ssyncset.done $0x0  }
0xdf: {  	s25 =	simm.s32 @!p1 $0x8;
	s26 =	rddreg [dreg:$0x18];
	[sflag:s9] =	ssyncadd.s32 $0xFFFFFF98  }
0xe0: {  	[hbm:s26@s24], [sflag:s22] =	dma.strided @!p1 [spmem:s20@s25], $0x80, s23, $0x8   }
0xe1: {  	s20 =	simm.s32 @!p1 $0x5  }
0xe2: {  	_ =	swait.ge @!p1 [sflag:s20], $0x80  }
0xe3: {  	s24 =	sld [smem:$0x7FD]  }
0xe4: {  	[sflag:s20] =	ssyncset.done @!p1 $0x0  }
0xe5: {  	s23 =	sshrl.u32 @!p1 s8, $0x3;
	[sflag:s20] =	ssyncadd.s32 @!p1 $0xFFFFFF80  }
0xe6: {  	[hbm:s24], [sflag:s22] =	dma.local @!p1 [spmem:s23], $0x10  }
0xe7: {  	_ =	swait.ge @!p1 [sflag:s20], $0x10  }
0xe8: {  	s18 =	sadd.s32 $0x1, s18;
	s26 =	rddreg [dreg:$0x1a]  }
0xe9: {  	p2 =	sne.s32 s18, s26  }
.Ltmp1:
0xea: {  	_ = 	snop;
	(pc) =	sbr.rel @!p2 .LBB2_15-.Ltmp1, $3  }
0xeb: {  	_ =	sdelay $0x1  }
0xec: {  	[sflag:s20] =	ssyncset.done @!p1 $0x0  }
0xed: {  	[sflag:s20] =	ssyncadd.s32 @!p1 $0xFFFFFFF0  }
.LBB2_1:
0xee: {  	s20 =	simm.s32 $0x0;
	s22 =	rddreg [dreg:$0x11]  }
0xef: {  	[tilespmem:s20], [sflag:$0x5] =	stream.linear.gather [hbm4b:s22+s20], $0x2800, $0x38;
	[tilespmem:$0x18498] =	vst v63  }
0xf0: {  	_ =	swait.ge [sflag:s9], $0x2800  }
0xf1: {  	[sflag:s9] =	ssyncset.done $0x0  }
0xf2: {  	s23 =	simm.s32 $0x2800;
	s26 =	rddreg [dreg:$0x12];
	[sflag:s9] =	ssyncadd.s32 $0xFFFFD800  }
0xf3: {  	[tilespmem:s23], [sflag:$0x5] =	stream.linear.gather [hbm4b:s26+s20], $0x2800, $0x38;
	[tilespmem:$0x18498] =	vst v63  }
0xf4: {  	_ =	swait.ge [sflag:s9], $0x2800  }
0xf5: {  	[sflag:s9] =	ssyncset.done $0x0  }
0xf6: {  	s20 =	simm.s32 $0x0;
	[sflag:s9] =	ssyncadd.s32 $0xFFFFD800  }
.LBB2_2:
0xf7: {  	p2 =	sne.s32 s20, $0x6700  }
.Ltmp2:
0xf8: {  	s22 =	sshra.s32 s20, $0x2;
	(pc) =	sbr.rel @p2 .LBB2_2-.Ltmp2, $4  }
0xf9: {  	[tilespmem:s22+$0x5000] =	vst v0  }
0xfa: {  	[tilespmem:s22+$0x5010] =	vst v0  }
0xfb: {  	[tilespmem:s22+$0x5020] =	vst v0  }
0xfc: {  	s20 =	sadd.s32 $0x100, s20;
	[tilespmem:s22+$0x5030] =	vst v0  }
0xfd: {  	s20 =	simm.s32 $0x40;
	s22 =	simm.s32 $0x0  }
.LBB2_4:
0xfe: {  	p2 =	sne.s32 s20, $0xCC0;
	[tilespmem:s22+$0x16940] =	vst.msk $0xff, v1;
	s23 =	smov.u32 s20;
	s20 =	sadd.s32 $0x40, s20  }
.Ltmp3:
0xff: {  	[tilespmem:s22+$0x16948] =	vst.msk $0xff, v1;
	(pc) =	sbr.rel @p2 .LBB2_4-.Ltmp3, $2  }
0x100: {  	_ =	sdelay $0x2  }
0x101: {  	s22 =	sshra.s32 s23, $0x2  }
0x102: {  	[tilespmem:s22+$0x16940] =	vst.msk $0xff, v1  }
0x103: {  	[tilespmem:s22+$0x16948] =	vst.msk $0xff, v1;
	s20 =	rddreg [dreg:$0x13]  }
0x104: {  	[spmem:s20] =	stream.linear.scatter [tilespmem:s10], [sflag:$0x5], $0x1A00, $0x38;
	[tilespmem:$0x18498] =	vst v63  }
0x105: {  	_ =	swait.ge [sflag:s9], $0x1A00  }
0x106: {  	[sflag:s9] =	ssyncset.done $0x0  }
0x107: {  	s23 =	rddreg [dreg:$0x14];
	[sflag:s9] =	ssyncadd.s32 $0xFFFFE600  }
0x108: {  	[spmem:s23] =	stream.linear.scatter [tilespmem:s11], [sflag:$0x5], $0x340, $0x38;
	[tilespmem:$0x18498] =	vst v63  }
0x109: {  	_ =	swait.ge [sflag:s9], $0x340  }
0x10a: {  	[sflag:s9] =	ssyncset.done $0x0  }
0x10b: {  	s24 =	rddreg [dreg:$0x15];
	[sflag:s9] =	ssyncadd.s32 $0xFFFFFCC0  }
0x10c: {  	[spmem:s24] =	stream.linear.scatter [tilespmem:s10], [sflag:$0x5], $0x1A00, $0x38;
	[tilespmem:$0x18498] =	vst v63  }
0x10d: {  	_ =	swait.ge [sflag:s9], $0x1A00  }
0x10e: {  	[sflag:s9] =	ssyncset.done $0x0  }
0x10f: {  	s25 =	rddreg [dreg:$0x16];
	[sflag:s9] =	ssyncadd.s32 $0xFFFFE600  }
0x110: {  	[spmem:s25] =	stream.linear.scatter [tilespmem:s11], [sflag:$0x5], $0x340, $0x38;
	[tilespmem:$0x18498] =	vst v63  }
0x111: {  	_ =	swait.ge [sflag:s9], $0x340  }
0x112: {  	[sflag:s9] =	ssyncset.done $0x0  }
0x113: {  	s26 =	rddreg [dreg:$0x19];
	[sflag:s9] =	ssyncadd.s32 $0xFFFFFCC0  }
0x114: {  	[spmem:s26] =	stream.linear.scatter [tilespmem:s10], [sflag:$0x5], $0x1A00, $0x38;
	[tilespmem:$0x18498] =	vst v63  }
0x115: {  	_ =	swait.ge [sflag:s9], $0x1A00  }
0x116: {  	[sflag:s9] =	ssyncset.done $0x0  }
0x117: {  	[sflag:s9] =	ssyncadd.s32 $0xFFFFE600  }
0x118: {  	[spmem:s28] =	stream.linear.scatter [tilespmem:s11], [sflag:$0x5], $0x340, $0x38;
	[tilespmem:$0x18498] =	vst v63  }
0x119: {  	_ =	swait.ge [sflag:s9], $0x340  }
0x11a: {  	[sflag:s9] =	ssyncset.done $0x0  }
0x11b: {  	[sflag:s9] =	ssyncadd.s32 $0xFFFFFCC0  }
0x11c: {  	[spmem:s29] =	stream.linear.scatter [tilespmem:s10], [sflag:$0x5], $0x1A00, $0x38;
	[tilespmem:$0x18498] =	vst v63  }
0x11d: {  	_ =	swait.ge [sflag:s9], $0x1A00  }
0x11e: {  	[sflag:s9] =	ssyncset.done $0x0  }
0x11f: {  	[sflag:s9] =	ssyncadd.s32 $0xFFFFE600  }
0x120: {  	[spmem:s30] =	stream.linear.scatter [tilespmem:s11], [sflag:$0x5], $0x340, $0x38;
	[tilespmem:$0x18498] =	vst v63  }
0x121: {  	_ =	swait.ge [sflag:s9], $0x340  }
0x122: {  	[sflag:s9] =	ssyncset.done $0x0  }
0x123: {  	[sflag:s9] =	ssyncadd.s32 $0xFFFFFCC0  }
0x124: {  	[spmem:s31] =	stream.linear.scatter [tilespmem:s10], [sflag:$0x5], $0x1A00, $0x38;
	[tilespmem:$0x18498] =	vst v63  }
0x125: {  	_ =	swait.ge [sflag:s9], $0x1A00  }
0x126: {  	[sflag:s9] =	ssyncset.done $0x0  }
0x127: {  	[sflag:s9] =	ssyncadd.s32 $0xFFFFE600  }
0x128: {  	[spmem:s0] =	stream.linear.scatter [tilespmem:s11], [sflag:$0x5], $0x340, $0x38;
	[tilespmem:$0x18498] =	vst v63  }
0x129: {  	_ =	swait.ge [sflag:s9], $0x340  }
0x12a: {  	[sflag:s9] =	ssyncset.done $0x0  }
0x12b: {  	[sflag:s9] =	ssyncadd.s32 $0xFFFFFCC0  }
0x12c: {  	[spmem:s7] =	stream.linear.scatter [tilespmem:s10], [sflag:$0x5], $0x1A00, $0x38;
	[tilespmem:$0x18498] =	vst v63  }
0x12d: {  	_ =	swait.ge [sflag:s9], $0x1A00  }
0x12e: {  	[sflag:s9] =	ssyncset.done $0x0  }
0x12f: {  	[sflag:s9] =	ssyncadd.s32 $0xFFFFE600  }
0x130: {  	[spmem:s19] =	stream.linear.scatter [tilespmem:s11], [sflag:$0x5], $0x340, $0x38;
	[tilespmem:$0x18498] =	vst v63  }
0x131: {  	_ =	swait.ge [sflag:s9], $0x340  }
0x132: {  	[sflag:s9] =	ssyncset.done $0x0  }
0x133: {  	s20 =	simm.s32 @!p1 $0x5000;
	[sflag:s9] =	ssyncadd.s32 $0xFFFFFCC0  }
0x134: {  	[spmem:s21] =	stream.linear.scatter @!p1 [tilespmem:s20], [sflag:$0x5], $0x400, $0x38;
	[tilespmem:$0x18498] =	vst v63  }
0x135: {  	s20 =	simm.s32 @!p1 $0x5  }
0x136: {  	_ =	swait.ge @!p1 [sflag:s20], $0x400  }
0x137: {  	[sflag:s20] =	ssyncset.done @!p1 $0x0  }
0x138: {  	s22 =	simm.s32 @!p1 $0x16940;
	[sflag:s20] =	ssyncadd.s32 @!p1 $0xFFFFFC00  }
0x139: {  	[spmem:s8] =	stream.linear.scatter @!p1 [tilespmem:s22], [sflag:$0x5], $0x80, $0x38;
	[tilespmem:$0x18498] =	vst v63  }
0x13a: {  	_ =	swait.ge @!p1 [sflag:s20], $0x80  }
0x13b: {  	[sflag:s20] =	ssyncset.done @!p1 $0x0  }
0x13c: {  	s22 =	simm.s32 $0x0;
	[sflag:s20] =	ssyncadd.s32 @!p1 $0xFFFFFF80;
	s20 =	simm.s32 $0x40  }
.LBB2_6:
0x13d: {  	p2 =	sne.s32 s20, $0x1F00;
	[tilespmem:s22+$0x16940] =	vst.msk $0xff, v2;
	s23 =	smov.u32 s20;
	s20 =	sadd.s32 $0x40, s20  }
.Ltmp4:
0x13e: {  	[tilespmem:s22+$0x16948] =	vst.msk $0xff, v2;
	(pc) =	sbr.rel @p2 .LBB2_6-.Ltmp4, $2  }
0x13f: {  	_ =	sdelay $0x2  }
0x140: {  	s22 =	sshra.s32 s23, $0x2  }
.Ltmp5:
0x141: {  	(pc) =	sbr.rel @p0 .LBB2_11-.Ltmp5, $4  }
0x142: {  	[tilespmem:s22+$0x16940] =	vst.msk $0xff, v2  }
0x143: {  	[tilespmem:s22+$0x16948] =	vst.msk $0xff, v2  }
0x144: {  	[bflag:$0x0] =	sbarrier.arrive $0xFFFF  }
0x145: {  	s20 =	simm.s32 $0x0  }
0x146: {  	[tilespmem:s10], [sflag:$0x1] =	stream.indirect.gather [hbm4b:s5+s12], $0x40, s20, s12, $0xb8;
	[tilespmem:$0x18498] =	vst v63  }
0x147: {  	s23 =	simm.s32 $0x100  }
0x148: {  	[tilespmem:s1], [sflag:$0x2] =	stream.indirect.gather [hbm4b:s5+s12], $0x40, s23, s12, $0xb8;
	[tilespmem:$0x18498] =	vst v63  }
0x149: {  	_ =	swait.ge [sflag:s4], $0x3E80  }
0x14a: {  	[sflag:s4] =	ssyncset.done $0x0  }
0x14b: {  	s24 =	simm.s32 $0x2800;
	[sflag:s4] =	ssyncadd.s32 $0xFFFFC180  }
0x14c: {  	[spmem:s2] =	stream.indirect.scatter.add.f32 [tilespmem:s10], [sflag:$0x3], $0x40, s24, s12, $0xb8;
	[tilespmem:$0x18498] =	vst v63  }
0x14d: {  	_ =	swait.ge [sflag:s13], $0x3E80  }
0x14e: {  	[sflag:s13] =	ssyncset.done $0x0  }
0x14f: {  	s25 =	simm.s32 $0x200;
	[sflag:s13] =	ssyncadd.s32 $0xFFFFC180  }
0x150: {  	[tilespmem:s10], [sflag:$0x1] =	stream.indirect.gather [hbm4b:s5+s12], $0x40, s25, s12, $0xb8;
	[tilespmem:$0x18498] =	vst v63  }
0x151: {  	_ =	swait.ge [sflag:s14], $0x3E80  }
0x152: {  	[sflag:s14] =	ssyncset.done $0x0  }
0x153: {  	s26 =	simm.s32 $0x2900;
	[sflag:s14] =	ssyncadd.s32 $0xFFFFC180  }
0x154: {  	[spmem:s2] =	stream.indirect.scatter.add.f32 [tilespmem:s1], [sflag:$0x4], $0x40, s26, s12, $0xb8;
	[tilespmem:$0x18498] =	vst v63  }
0x155: {  	_ =	swait.ge [sflag:s15], $0x3E80  }
0x156: {  	[sflag:s15] =	ssyncset.done $0x0  }
0x157: {  	s20 =	simm.s32 $0x800;
	s22 =	simm.s32 $0x300;
	[sflag:s15] =	ssyncadd.s32 $0xFFFFC180  }
.LBB2_9:
0x158: {  	[tilespmem:s1], [sflag:$0x2] =	stream.indirect.gather [hbm4b:s5+s12], $0x40, s22, s12, $0xb8;
	[tilespmem:$0x18498] =	vst v63  }
0x159: {  	s22 =	smov.u32 s20  }
0x15a: {  	p2 =	seq.s32 s20, $0x9000;
	s20 =	sadd.s32 $0x800, s20;
	_ =	swait.ge [sflag:s4], $0x3E80  }
0x15b: {  	s22 =	sshra.s32 s22, $0x2;
	[sflag:s4] =	ssyncset.done $0x0  }
0x15c: {  	s23 =	sadd.s32 $0x2800, s22;
	[sflag:s4] =	ssyncadd.s32 $0xFFFFC180  }
0x15d: {  	[spmem:s2] =	stream.indirect.scatter.add.f32 [tilespmem:s10], [sflag:$0x3], $0x40, s23, s12, $0xb8;
	[tilespmem:$0x18498] =	vst v63  }
0x15e: {  	_ =	swait.ge [sflag:s13], $0x3E80  }
0x15f: {  	[sflag:s13] =	ssyncset.done $0x0  }
0x160: {  	s23 =	sadd.s32 $0x200, s22;
	[sflag:s13] =	ssyncadd.s32 $0xFFFFC180  }
0x161: {  	[tilespmem:s10], [sflag:$0x1] =	stream.indirect.gather [hbm4b:s5+s12], $0x40, s23, s12, $0xb8;
	[tilespmem:$0x18498] =	vst v63  }
0x162: {  	_ =	swait.ge [sflag:s14], $0x3E80  }
0x163: {  	[sflag:s14] =	ssyncset.done $0x0  }
.Ltmp6:
0x164: {  	s23 =	sadd.s32 $0x2900, s22;
	[sflag:s14] =	ssyncadd.s32 $0xFFFFC180;
	(pc) =	sbr.rel @!p2 .LBB2_9-.Ltmp6, $4  }
0x165: {  	[spmem:s2] =	stream.indirect.scatter.add.f32 [tilespmem:s1], [sflag:$0x4], $0x40, s23, s12, $0xb8;
	[tilespmem:$0x18498] =	vst v63  }
0x166: {  	_ =	swait.ge [sflag:s15], $0x3E80  }
0x167: {  	[sflag:s15] =	ssyncset.done $0x0  }
0x168: {  	s22 =	sadd.s32 $0x300, s22;
	[sflag:s15] =	ssyncadd.s32 $0xFFFFC180  }
.Ltmp7:
0x169: {  	(pc) =	sbr.rel .LBB2_14-.Ltmp7, $3  }
0x16a: {  	_ =	sdelay $0x1  }
0x16b: {  	[tilespmem:s1], [sflag:$0x2] =	stream.indirect.gather [hbm4b:s5+s12], $0x40, s22, s12, $0xb8;
	[tilespmem:$0x18498] =	vst v63  }
0x16c: {  	s20 =	rddreg [dreg:$0x4]  }
.LBB2_11:
0x16d: {  	[tilespmem:s10], [sflag:$0x1] =	stream.indirect.gather [hbm4b:s6+s12], $0x40, s20, s12, $0xb8;
	[tilespmem:$0x18498] =	vst v63  }
0x16e: {  	s23 =	simm.s32 $0x100  }
0x16f: {  	[tilespmem:s1], [sflag:$0x2] =	stream.indirect.gather [hbm4b:s6+s12], $0x40, s23, s12, $0xb8;
	[tilespmem:$0x18498] =	vst v63  }
0x170: {  	_ =	swait.ge [sflag:s4], $0x3E80  }
0x171: {  	[sflag:s4] =	ssyncset.done $0x0  }
0x172: {  	s24 =	simm.s32 $0x2800;
	[sflag:s4] =	ssyncadd.s32 $0xFFFFC180  }
0x173: {  	[spmem:s2] =	stream.indirect.scatter.add.f32 [tilespmem:s10], [sflag:$0x3], $0x40, s24, s12, $0xb8;
	[tilespmem:$0x18498] =	vst v63  }
0x174: {  	_ =	swait.ge [sflag:s13], $0x3E80  }
0x175: {  	[sflag:s13] =	ssyncset.done $0x0  }
0x176: {  	s25 =	simm.s32 $0x200;
	[sflag:s13] =	ssyncadd.s32 $0xFFFFC180  }
0x177: {  	[tilespmem:s10], [sflag:$0x1] =	stream.indirect.gather [hbm4b:s6+s12], $0x40, s25, s12, $0xb8;
	[tilespmem:$0x18498] =	vst v63  }
0x178: {  	_ =	swait.ge [sflag:s14], $0x3E80  }
0x179: {  	[sflag:s14] =	ssyncset.done $0x0  }
0x17a: {  	s26 =	simm.s32 $0x2900;
	[sflag:s14] =	ssyncadd.s32 $0xFFFFC180  }
0x17b: {  	[spmem:s2] =	stream.indirect.scatter.add.f32 [tilespmem:s1], [sflag:$0x4], $0x40, s26, s12, $0xb8;
	[tilespmem:$0x18498] =	vst v63  }
0x17c: {  	_ =	swait.ge [sflag:s15], $0x3E80  }
0x17d: {  	[sflag:s15] =	ssyncset.done $0x0  }
0x17e: {  	s20 =	simm.s32 $0x800;
	s22 =	simm.s32 $0x300;
	[sflag:s15] =	ssyncadd.s32 $0xFFFFC180  }
.LBB2_12:
0x17f: {  	[tilespmem:s1], [sflag:$0x2] =	stream.indirect.gather [hbm4b:s6+s12], $0x40, s22, s12, $0xb8;
	[tilespmem:$0x18498] =	vst v63  }
0x180: {  	s22 =	smov.u32 s20  }
0x181: {  	p2 =	sne.s32 s20, $0x9000;
	s20 =	sadd.s32 $0x800, s20;
	_ =	swait.ge [sflag:s4], $0x3E80  }
0x182: {  	s22 =	sshra.s32 s22, $0x2;
	[sflag:s4] =	ssyncset.done $0x0  }
0x183: {  	s23 =	sadd.s32 $0x2800, s22;
	[sflag:s4] =	ssyncadd.s32 $0xFFFFC180  }
0x184: {  	[spmem:s2] =	stream.indirect.scatter.add.f32 [tilespmem:s10], [sflag:$0x3], $0x40, s23, s12, $0xb8;
	[tilespmem:$0x18498] =	vst v63  }
0x185: {  	_ =	swait.ge [sflag:s13], $0x3E80  }
0x186: {  	[sflag:s13] =	ssyncset.done $0x0  }
0x187: {  	s23 =	sadd.s32 $0x200, s22;
	[sflag:s13] =	ssyncadd.s32 $0xFFFFC180  }
0x188: {  	[tilespmem:s10], [sflag:$0x1] =	stream.indirect.gather [hbm4b:s6+s12], $0x40, s23, s12, $0xb8;
	[tilespmem:$0x18498] =	vst v63  }
0x189: {  	_ =	swait.ge [sflag:s14], $0x3E80  }
0x18a: {  	[sflag:s14] =	ssyncset.done $0x0  }
.Ltmp8:
0x18b: {  	s23 =	sadd.s32 $0x2900, s22;
	[sflag:s14] =	ssyncadd.s32 $0xFFFFC180;
	(pc) =	sbr.rel @p2 .LBB2_12-.Ltmp8, $4  }
0x18c: {  	[spmem:s2] =	stream.indirect.scatter.add.f32 [tilespmem:s1], [sflag:$0x4], $0x40, s23, s12, $0xb8;
	[tilespmem:$0x18498] =	vst v63  }
0x18d: {  	_ =	swait.ge [sflag:s15], $0x3E80  }
0x18e: {  	[sflag:s15] =	ssyncset.done $0x0  }
0x18f: {  	s22 =	sadd.s32 $0x300, s22;
	[sflag:s15] =	ssyncadd.s32 $0xFFFFC180  }
.Ltmp9:
0x190: {  	_ = 	snop;
	(pc) =	sbr.rel .LBB2_13-.Ltmp9, $1  }
0x191: {  	_ =	sdelay $0x3  }
.LBB2_15:
0x192: {  	_ =	sfence.sel $0x180000  }
0x193: {  	[bflag:$0x0] =	sbarrier.arrive $0xFFFF  }
0x194: {  	_ =	strace $0x90000047  }
0x195: {  	s0 =	stileid.u32;
	[bflag:$0x2] =	sbarrier.arrive $0xFFFF  }
0x196: {  	p0 =	sne.s32 s0, $0x0;
	s0 =	rddreg [dreg:$0x3]  }
0x197: {  	s0 =	sadd.s32 @!p0 $0x100000, s0  }
0x198: {  	[sflag:s0] =	ssyncadd.tile.s32 @!p0 $0x1;
	_ =	shalt  }
.Lfunc_end2:
_tile_overlayer_lowered:
.L_overlay_start_2:
0x199: {  	(tag) =	ssettag $0x2  }
0x19a: {  	s0 =	rddreg [dreg:$0x0];
	s2 =	stileid.u32  }
0x19b: {  	s1 =	rddreg [dreg:$0x1];
	p0 =	sne.s32 s2, $0x0  }
0x19c: {  	s3 =	rddreg [dreg:$0x2];
	[bflag:$0x3] =	sbarrier.arrive $0xFFFF;
	s2 =	simm.s32 @!p0 $0x1C05  }
0x19d: {  	[timem:s3], [sflag:s2] =	dma.local @!p0 [hbm:s0], s1  }
0x19e: {  	s0 =	simm.s32 @!p0 $0x5  }
0x19f: {  	_ =	swait.ge @!p0 [sflag:s0], s1  }
0x1a0: {  	s1 =	ssub.s32 @!p0 $0x0, s1;
	[sflag:s0] =	ssyncset.done @!p0 $0x0  }
0x1a1: {  	[sflag:s0] =	ssyncadd.s32 @!p0 s1  }
0x1a2: {  	[bflag:$0x3] =	sbarrier.arrive $0xFFFF  }
0x1a3: {  	_ =	shalt  }

// kernel: kernel.14.cloned.1.call-start
scs
__scs_entry_jumppad:
0x0: {  	(pc) =	sbr.rel $0x88, $3  }
0x1: {  	(tag) =	ssettag $0x0;
	lr =	simm.s32 $0x1  }
0x2: {  	[smem:$0x3F95] =	sst lr;
	_ =	strace $0xD0000000  }
0x3: {  	_ = 	snop  }
0x4: {  	_ = 	snop  }
0x5: {  	_ = 	snop  }
0x6: {  	_ = 	snop  }
0x7: {  	_ = 	snop  }
__scs_overlays_trampoline_lowered:
0x8: {  	[smem:$0x3FA4] =	sst s0  }
0x9: {  	[smem:$0x3FA5] =	sst s1  }
0xa: {  	[smem:$0x3FA6] =	sst s2  }
0xb: {  	[smem:$0x3FA7] =	sst s3  }
0xc: {  	[smem:$0x3FA8] =	sst s4  }
0xd: {  	[smem:$0x3FA9] =	sst s5  }
0xe: {  	[smem:$0x3FAA] =	sst s6  }
0xf: {  	[smem:$0x3FAB] =	sst s7  }
0x10: {  	[smem:$0x3FAC] =	sst s8  }
0x11: {  	[smem:$0x3FAD] =	sst s9;
	s0 =	simm.s32 @!p0 $0x0  }
0x12: {  	s1 =	sld [smem:$0x3F93];
	s0 =	simm.s32 @p0 $0x1  }
0x13: {  	[smem:$0x3FAE] =	sst s0;
	s0 =	simm.s32 @!p1 $0x0  }
0x14: {  	s2 =	sld [smem:$0x3F92];
	s0 =	simm.s32 @p1 $0x1  }
0x15: {  	[smem:$0x3FAF] =	sst s0;
	s0 =	simm.s32 @!p2 $0x0  }
0x16: {  	s3 =	sld [smem:$0x3FDB];
	s0 =	simm.s32 @p2 $0x1  }
0x17: {  	s4 =	simm.s32 $0x1BF5;
	[smem:$0x3FB1] =	sst s0  }
0x18: {  	s0 =	sld [smem:$0x3F94];
	_ =	swait.ge [sflag:s4], $0x0  }
0x19: {  	s7 =	sld [smem:$0x3F95]  }
0x1a: {  	s8 =	sadd.s32 $0xFFFFE003, lr  }
0x1b: {  	s9 =	sadd.s32 $0xFFFFFEF7, lr;
	s5 =	simm.s32 $0xFFFFFFFF;
	p2 =	slt.u32 s8, $0xFFFFF086  }
0x1c: {  	p1 =	slt.u32 s9, $0xF7A;
	s5 =	simm.s32 @!p2 $0x0  }
0x1d: {  	s5 =	simm.s32 @p1 $0x1;
	p0 =	seq.s32 s7, s2  }
0x1e: {  	s7 =	smul.u32 @!p0 $0xF7A, s2;
	p2 =	seq.s32 @!p0 s5, $0x0  }
0x1f: {  	s9 =	smul.u32 $0xF7A, s1;
	s8 =	simm.s32 @!p0 $0x1BF5;
	p2 =	por !p2, p0  }
0x20: {  	[sflag:s8] =	ssyncset.s32 @!p0 $0xFFFFF086;
	s6 =	sadd.s32 @!p0 s3, s7;
	s7 =	simm.s32 @!p0 $0x108  }
0x21: {  	s3 =	sadd.s32 s3, s9;
	s6 =	sadd.s32 @!p0 $0x88, s6;
	s7 =	simm.s32 @p2 $0x1082  }
0x22: {  	[simem:s7], [sflag:s8] =	dma.local @!p0 [hbm:s6], $0xF7A  }
0x23: {  	s9 =	sor.u32 $0xD0000000, s2;
	s6 =	simm.s32 $0x108;
	_ =	swait.ge @!p0 [sflag:s8], $0x0  }
0x24: {  	s3 =	sadd.s32 $0x88, s3;
	s6 =	simm.s32 @!p1 $0x1082;
	[sflag:s4] =	ssyncset.s32 $0xFFFFF086  }
0x25: {  	[simem:s6], [sflag:s4] =	dma.local [hbm:s3], $0xF7A  }
0x26: {  	[smem:$0x3F95] =	sst s1;
	(tag) =	ssettag s2;
	_ =	strace s9  }
0x27: {  	s1 =	sld [smem:$0x3FA5]  }
0x28: {  	s2 =	sld [smem:$0x3FA6]  }
0x29: {  	s4 =	sld [smem:$0x3FA8]  }
0x2a: {  	p0 =	seq.s32 s5, $0x0;
	s5 =	sld [smem:$0x3FA9]  }
0x2b: {  	s6 =	sld [smem:$0x3FAA]  }
0x2c: {  	s7 =	sld [smem:$0x3FAB]  }
0x2d: {  	s3 =	simm.s32 $0x108;
	s8 =	sld [smem:$0x3FAC]  }
0x2e: {  	s3 =	simm.s32 @!p0 $0x1082;
	s9 =	sld [smem:$0x3FAD]  }
0x2f: {  	lr =	sadd.s32 s0, s3;
	s0 =	sld [smem:$0x3FA4]  }
0x30: {  	s3 =	sld [smem:$0x3FA7]  }
0x31: {  	[smem:$0x3FB0] =	sst s10  }
0x32: {  	s10 =	sld [smem:$0x3FAE];
	_ =	sdelay $0x3  }
0x33: {  	p0 =	seq.s32 s10, $0x1;
	s10 =	sld [smem:$0x3FB0];
	_ =	sdelay $0x3  }
0x34: {  	[smem:$0x3FB0] =	sst s10  }
0x35: {  	s10 =	sld [smem:$0x3FAF];
	_ =	sdelay $0x3  }
0x36: {  	p1 =	seq.s32 s10, $0x1;
	s10 =	sld [smem:$0x3FB0];
	_ =	sdelay $0x3  }
0x37: {  	[smem:$0x3FB0] =	sst s10  }
0x38: {  	s10 =	sld [smem:$0x3FB1]  }
0x39: {  	_ = 	snop;
	(pc) =	sbr.ind lr, $3  }
0x3a: {  	_ = 	snop  }
0x3b: {  	_ = 	snop  }
0x3c: {  	p2 =	seq.s32 s10, $0x1;
	s10 =	sld [smem:$0x3FB0]  }
0x3d: {  	_ =	shalt  }
0x3e: {  	_ =	shalt  }
0x3f: {  	_ =	shalt  }
0x40: {  	_ =	shalt  }
0x41: {  	_ =	shalt  }
0x42: {  	_ =	shalt  }
0x43: {  	_ =	shalt  }
0x44: {  	_ =	shalt  }
0x45: {  	_ =	shalt  }
0x46: {  	_ =	shalt  }
0x47: {  	_ =	shalt  }
0x48: {  	_ =	shalt  }
0x49: {  	_ =	shalt  }
0x4a: {  	_ =	shalt  }
0x4b: {  	_ =	shalt  }
0x4c: {  	_ =	shalt  }
0x4d: {  	_ =	shalt  }
0x4e: {  	_ =	shalt  }
0x4f: {  	_ =	shalt  }
0x50: {  	_ =	shalt  }
0x51: {  	_ =	shalt  }
0x52: {  	_ =	shalt  }
0x53: {  	_ =	shalt  }
0x54: {  	_ =	shalt  }
0x55: {  	_ =	shalt  }
0x56: {  	_ =	shalt  }
0x57: {  	_ =	shalt  }
0x58: {  	_ =	shalt  }
0x59: {  	_ =	shalt  }
0x5a: {  	_ =	shalt  }
0x5b: {  	_ =	shalt  }
0x5c: {  	_ =	shalt  }
0x5d: {  	_ =	shalt  }
0x5e: {  	_ =	shalt  }
0x5f: {  	_ =	shalt  }
0x60: {  	_ =	shalt  }
0x61: {  	_ =	shalt  }
0x62: {  	_ =	shalt  }
0x63: {  	_ =	shalt  }
0x64: {  	_ =	shalt  }
0x65: {  	_ =	shalt  }
0x66: {  	_ =	shalt  }
0x67: {  	_ =	shalt  }
0x68: {  	_ =	shalt  }
0x69: {  	_ =	shalt  }
0x6a: {  	_ =	shalt  }
0x6b: {  	_ =	shalt  }
0x6c: {  	_ =	shalt  }
0x6d: {  	_ =	shalt  }
0x6e: {  	_ =	shalt  }
0x6f: {  	_ =	shalt  }
0x70: {  	_ =	shalt  }
0x71: {  	_ =	shalt  }
0x72: {  	_ =	shalt  }
0x73: {  	_ =	shalt  }
0x74: {  	_ =	shalt  }
0x75: {  	_ =	shalt  }
0x76: {  	_ =	shalt  }
0x77: {  	_ =	shalt  }
0x78: {  	_ =	shalt  }
0x79: {  	_ =	shalt  }
0x7a: {  	_ =	shalt  }
0x7b: {  	_ =	shalt  }
0x7c: {  	_ =	shalt  }
0x7d: {  	_ =	shalt  }
0x7e: {  	_ =	shalt  }
0x7f: {  	_ =	shalt  }
0x80: {  	_ =	shalt  }
0x81: {  	_ =	shalt  }
0x82: {  	_ =	shalt  }
0x83: {  	_ =	shalt  }
0x84: {  	_ =	shalt  }
0x85: {  	_ =	shalt  }
0x86: {  	_ =	shalt  }
0x87: {  	_ =	shalt  }
.Lfunc_end0:
.L_simem_size_0:
called_computation.1_lowered:
.L_overlay_start_0:
0x88: {  	s2 =	sld [smem:$0x3FD9]  }
0x89: {  	s3 =	sld [smem:$0x3FFE];
	_ =	sdelay $0x1  }
0x8a: {  	s1 =	srdreg.scid  }
0x8b: {  	s0 =	sand.u32 $0x1, s1  }
0x8c: {  	s17 =	sshll.u32 s0, $0xA;
	s2 =	sadd.s32 s3, s2  }
0x8d: {  	s2 =	sadd.s32 s2, s17  }
0x8e: {  	[smem:$0x3FBC] =	sst s2  }
0x8f: {  	_ = 	snop  }
0x90: {  	(tm) =	ssettm $0x1  }
0x91: {  	s18 =	sld [smem:$0x3FFB];
	_ =	sdelay $0x3  }
0x92: {  	_ =	strace s18  }
0x93: {  	s2 =	sld [smem:$0x3FFC];
	_ =	sdelay $0x3  }
0x94: {  	_ =	strace s2  }
0x95: {  	s2 =	sld [smem:$0x3FFD];
	_ =	sdelay $0x3  }
0x96: {  	_ =	strace s2  }
0x97: {  	_ =	strace $0x8FFFFFFF  }
0x98: {  	s19 =	sld [smem:$0x3FDB];
	_ =	sdelay $0x1  }
0x99: {  	s20 =	simm.s32 $_scs_section_size  }
0x9a: {  	s4 =	simm.s32 $_size__tile_overlayer_lowered;
	s5 =	simm.s32 $_tile_overlayer_lowered  }
0x9b: {  	s6 =	simm.s32 $0x1BFF;
	s21 =	sshll.u32 s5, $0x1;
	s3 =	sadd.s32 s20, s19  }
0x9c: {  	s22 =	simm.s32 $0x0;
	s4 =	sshll.u32 s4, $0x1;
	s5 =	sadd.s32 s21, s3  }
0x9d: {  	[timem:s22], [sflag:s6] =	dma.local [hbm:s5], s4  }
0x9e: {  	_ =	swait.ge [sflag:s6], s4  }
0x9f: {  	s4 =	ssub.s32 $0x0, s4;
	[sflag:s6] =	ssyncset.done $0x0  }
0xa0: {  	[sflag:s6] =	ssyncadd.s32 s4;
	_ =	sdelay $0x1  }
0xa1: {  	s23 =	simm.s32 $0x1B8B  }
0xa2: {  	_ =	swait.ge [sflag:s23], $0x1  }
0xa3: {  	[sflag:s23] =	ssyncset.done $0x0  }
0xa4: {  	[sflag:s23] =	ssyncadd.s32 $0xFFFFFFFF  }
0xa5: {  	s4 =	sld [smem:$0x0]  }
0xa6: {  	s5 =	sand.u32 $0xFFFFFFFE, s1  }
0xa7: {  	p0 =	sne.s32 s1, s5  }
0xa8: {  	s5 =	sshll.u32 @p0 s5, $0xE  }
0xa9: {  	s5 =	sadd.s32 @p0 $0x11B8D, s5;
	s6 =	sshll.u32 @p0 s4, $0x11  }
0xaa: {  	s5 =	sor.u32 @p0 s6, s5  }
0xab: {  	[sflag:s5] =	ssyncadd.remote.s32 @p0 $0x1;
	_ =	sdelay $0x1  }
0xac: {  	s5 =	simm.s32 @p0 $0x1B8D  }
0xad: {  	_ =	swait.eq @p0 [sflag:s5], $0x1  }
0xae: {  	[sflag:s5] =	ssyncadd.s32 @p0 $0xFFFFFFFF  }
0xaf: {  	s6 =	sshll.u32 @!p0 s1, $0xE  }
0xb0: {  	s6 =	sor.u32 @!p0 $0x4000, s6;
	s5 =	simm.s32 @!p0 $0x1B8D  }
0xb1: {  	s4 =	sshll.u32 @!p0 s4, $0x11;
	s6 =	sadd.s32 @!p0 $0x11B8D, s6;
	_ =	swait.eq @!p0 [sflag:s5], $0x1  }
0xb2: {  	s4 =	sor.u32 @!p0 s4, s6;
	[sflag:s5] =	ssyncadd.s32 @!p0 $0xFFFFFFFF  }
0xb3: {  	s25 =	simm.s32 $0x1B8E;
	s24 =	sld [smem:$0x3FFE];
	[sflag:s4] =	ssyncadd.remote.s32 @!p0 $0x1  }
0xb4: {  	s26 =	simm.s32 $execute0_lowered;
	[smem:$0x3FD2] =	sst s25  }
0xb5: {  	s5 =	sshll.u32 s26, $0x1;
	_ =	strace $0x80000049;
	[dreg:$0x1] =	wrdreg $0xFFFFFFFF  }
0xb6: {  	s28 =	simm.s32 $_size_execute0_lowered;
	s3 =	sadd.s32 s3, s5;
	[dreg:$0x0] =	wrdreg $0x0  }
0xb7: {  	s5 =	sshll.u32 s28, $0x1;
	[dreg:$0x2] =	wrdreg s3  }
0xb8: {  	[dreg:$0x3] =	wrdreg s5  }
0xb9: {  	[dreg:$0x4] =	wrdreg $0xC0  }
0xba: {  	_ =	task [dreg:s22], $0x5FFFF  }
0xbb: {  	[dreg:$0x1] =	wrdreg $0xFFFFFFFF  }
0xbc: {  	[dreg:$0x0] =	wrdreg $0x60  }
0xbd: {  	[dreg:$0x2] =	wrdreg s24  }
0xbe: {  	[dreg:$0x3] =	wrdreg $0x14A000  }
0xbf: {  	[dreg:$0x4] =	wrdreg $0xA  }
0xc0: {  	_ =	task.clear_ibuf [dreg:s22], $0x5FFFF;
	_ =	strace $0x90000049  }
0xc1: {  	s29 =	simm.s32 $0xA;
	_ =	strace $0x8000004B  }
0xc2: {  	_ =	swait.ge [sflag:s29], $0x1  }
0xc3: {  	[sflag:s29] =	ssyncadd.s32 $0xFFFFFFFF  }
0xc4: {  	_ =	strace $0x9000004B  }
0xc5: {  	_ =	sfence  }
0xc6: {  	s30 =	sld [smem:$0x0];
	_ =	sdelay $0x2  }
0xc7: {  	s31 =	sshll.u32 s1, $0xD;
	s1 =	sshrl.u32 s1, $0x2  }
0xc8: {  	s4 =	sand.u32 $0x4000, s31;
	s1 =	sadd.s32 s1, s30  }
0xc9: {  	s0 =	sor.u32 s4, s0;
	s1 =	sshll.u32 s1, $0x11  }
0xca: {  	s0 =	sor.u32 s1, s0  }
0xcb: {  	s0 =	sadd.s32 $0x8F2B, s0  }
0xcc: {  	[sflag:s0] =	ssyncadd.remote.s32 $0x1  }
0xcd: {  	_ =	sfence.sel $0xFFFF  }
0xce: {  	[dreg:$0x0] =	wrdreg $0xFFFFFFFF;
	(pc) =	sbr.abs _section_cstart, $3  }
0xcf: {  	[dreg:$0x1] =	wrdreg $0xFFFFFFFF  }
0xd0: {  	_ =	task.clear_ibuf [dreg:s22], $0x2FFFF;
	_ =	strace $0x9FFFFFFF  }
0xd1: {  	(tm) =	ssettm $0x7FFFFFFF  }
tec
execute0_lowered:
.L_overlay_start_1:
0x0: {  	(tag) =	ssettag $0x1  }
0x1: {  	s0 =	rddreg [dreg:$0x0]  }
0x2: {  	s2 =	rddreg [dreg:$0x1];
	s1 =	simm.s32 $0x0  }
0x3: {  	s20 =	stileid.u32;
	s3 =	srdreg.scid;
	s29 =	simm.s32 $0x8E80  }
0x4: {  	s30 =	simm.s32 $0x1;
	s28 =	simm.s32 $0x10B80;
	s24 =	smul.u32 $0x2800, s20  }
0x5: {  	s31 =	simm.s32 $0x3;
	[smem:$0x7FF] =	sst s1;
	s7 =	smul.u32 $0x27000, s20  }
0x6: {  	s4 =	sadd.s32 $0x74800, s0;
	s5 =	sadd.s32 $0x60E00, s0;
	s12 =	smul.u32 $0x270, s20  }
0x7: {  	s3 =	sand.u32 $0x1, s3;
	s14 =	smul.u32 $0x13800, s20;
	p1 =	sne.s32 s20, $0xF  }
0x8: {  	_ =	strace $0x8000004A;
	s6 =	ssub.s32 $0x2, s3;
	s18 =	sshll.u32 s3, $0x6  }
0x9: {  	p0 =	seq.s32 s3, $0x1;
	s3 =	sshll.u32 s3, $0x3;
	s1 =	sshrl.u32 s24, $0x3  }
0xa: {  	s8 =	sshrl.u32 s6, $0x1;
	s7 =	sshrl.u32 s7, $0x2;
	s15 =	sadd.s32 $0x138, s12  }
0xb: {  	s16 =	sadd.s32 $0x1A0, s12;
	s17 =	sadd.s32 $0x208, s12;
	s1 =	sadd.s32 s1, s0  }
0xc: {  	s0 =	sadd.s32 $0x88200, s0;
	s6 =	ssub.s32 s6, s8;
	s26 =	sadd.s32 s7, s2  }
0xd: {  	s7 =	sadd.s32 $0x68, s12;
	s8 =	sadd.s32 $0xD0, s12;
	s11 =	sshll.u32 s15, $0x6  }
0xe: {  	s19 =	sshll.u32 s16, $0x6;
	s13 =	sshll.u32 s17, $0x6;
	s15 =	sshll.u32 s15, $0x7  }
0xf: {  	s23 =	sshll.u32 s16, $0x7;
	s24 =	sshll.u32 s17, $0x7;
	s16 =	simm.s32 $0x8  }
0x10: {  	s17 =	simm.s32 $0x10;
	s25 =	sadd.s32 $0x2AC00, s1;
	s1 =	sadd.s32 $0x2FC00, s1  }
0x11: {  	[dreg:$0xc] =	wrdreg s26;
	s9 =	sshll.u32 s7, $0x6;
	s10 =	sshll.u32 s8, $0x6  }
0x12: {  	s11 =	sadd.s32 s11, s2;
	s12 =	sadd.s32 s19, s2;
	s13 =	sadd.s32 s13, s2  }
0x13: {  	s19 =	sor.u32 s18, s14;
	s14 =	sadd.s32 $0x9C000, s2;
	s15 =	sor.u32 s18, s15  }
0x14: {  	s3 =	sadd.s32 s3, s0;
	s26 =	smax.u32 s6, $0x1;
	[dreg:$0x3] =	wrdreg s25  }
0x15: {  	s6 =	simm.s32 $0x4;
	[dreg:$0x4] =	wrdreg s1;
	s9 =	sadd.s32 s9, s2  }
0x16: {  	s10 =	sadd.s32 s10, s2;
	s19 =	sshrl.u32 s19, $0x3;
	s1 =	sshll.u32 s7, $0x7  }
0x17: {  	s7 =	sshll.u32 s8, $0x7;
	s22 =	sshrl.u32 s15, $0x3;
	s25 =	sadd.s32 $0x27000, s3  }
0x18: {  	[dreg:$0xd] =	wrdreg s26;
	s26 =	simm.s32 $0xFA;
	s3 =	simm.s32 $0x5  }
0x19: {  	s15 =	simm.s32 $0x7;
	s19 =	sadd.s32 s0, s19;
	s1 =	sor.u32 s18, s1  }
0x1a: {  	s7 =	sor.u32 s18, s7;
	[dreg:$0xb] =	wrdreg s25;
	s1 =	sshrl.u32 s1, $0x3  }
0x1b: {  	[dreg:$0x5] =	wrdreg s19;
	s7 =	sshrl.u32 s7, $0x3;
	s1 =	sadd.s32 s0, s1  }
0x1c: {  	s25 =	simm.s32 $0x5000;
	s21 =	sadd.s32 s0, s7;
	[dreg:$0x6] =	wrdreg s1  }
0x1d: {  	s7 =	sor.u32 s18, s24;
	[dreg:$0x7] =	wrdreg s21;
	s1 =	sadd.s32 s0, s22  }
.Ltmp0:
0x1e: {  	[dreg:$0x8] =	wrdreg s1;
	s1 =	sor.u32 s18, s23;
	(pc) =	sbr.rel .LBB2_1-.Ltmp0, $4  }
0x1f: {  	s7 =	sshrl.u32 s7, $0x3;
	s21 =	simm.s32 $0x2800;
	s1 =	sshrl.u32 s1, $0x3  }
0x20: {  	s23 =	simm.s32 $0x9;
	s18 =	simm.s32 $0x0;
	s1 =	sadd.s32 s0, s1  }
0x21: {  	s0 =	sadd.s32 s0, s7;
	s7 =	simm.s32 $0x6;
	[dreg:$0x9] =	wrdreg s1  }
0x22: {  	v0 =	vimm.f32 $0.0e+00;
	[dreg:$0xa] =	wrdreg s0;
	s0 =	simm.s32 $0xCD00;
	s1 =	simm.s32 $0x2  }
.LBB2_11:
0x23: {  	s19 =	sadd.s32 $0x1C00, s24  }
.LBB2_12:
0x24: {  	_ =	swait.ge [sflag:s6], $0x3E80  }
0x25: {  	s19 =	sshra.s32 s19, $0x2;
	[sflag:s6] =	ssyncset.done $0x0  }
0x26: {  	s19 =	sadd.s32 $0x2800, s19;
	[sflag:s6] =	ssyncadd.s32 $0xFFFFC180  }
0x27: {  	[spmem:s2] =	stream.indirect.scatter.add.f32 [tilespmem:s28], [sflag:$0x8], $0x40, s19, s26, $0xb8;
	[tilespmem:$0x1E640] =	vst v63  }
0x28: {  	_ =	swait.ge [sflag:s3], $0x3E80  }
0x29: {  	[sflag:s3] =	ssyncset.done $0x0  }
0x2a: {  	[sflag:s3] =	ssyncadd.s32 $0xFFFFC180  }
0x2b: {  	_ =	swait.ge [sflag:s7], $0x3E80  }
0x2c: {  	[sflag:s7] =	ssyncset.done $0x0  }
0x2d: {  	[sflag:s7] =	ssyncadd.s32 $0xFFFFC180  }
0x2e: {  	_ =	swait.ge [sflag:s15], $0x3E80  }
0x2f: {  	[sflag:s15] =	ssyncset.done $0x0  }
0x30: {  	[sflag:s15] =	ssyncadd.s32 $0xFFFFC180  }
0x31: {  	_ =	swait.ge [sflag:s16], $0x3E80  }
0x32: {  	[sflag:s16] =	ssyncset.done $0x0  }
0x33: {  	[sflag:s16] =	ssyncadd.s32 $0xFFFFC180  }
0x34: {  	s20 =	stileid.u32;
	[bflag:$0x0] =	sbarrier.arrive $0xFFFF  }
0x35: {  	s19 =	sshll.u32 s20, $0x6;
	s8 =	rddreg [dreg:$0xc]  }
0x36: {  	s19 =	sor.u32 $0x1C09, s19;
	s21 =	rddreg [dreg:$0x5];
	s20 =	sshrl.u32 s8, $0x3  }
0x37: {  	[hbm:s21@s17], [sflag:s19] =	dma.strided [spmem:s20@s16], $0x340, s30, $0x8   }
0x38: {  	_ =	swait.ge [sflag:s23], $0x340  }
0x39: {  	[sflag:s23] =	ssyncset.done $0x0  }
0x3a: {  	s21 =	sshrl.u32 s9, $0x3;
	s22 =	rddreg [dreg:$0x6];
	[sflag:s23] =	ssyncadd.s32 $0xFFFFFCC0  }
0x3b: {  	[hbm:s22@s17], [sflag:s19] =	dma.strided [spmem:s21@s16], $0x340, s30, $0x8   }
0x3c: {  	_ =	swait.ge [sflag:s23], $0x340  }
0x3d: {  	[sflag:s23] =	ssyncset.done $0x0  }
0x3e: {  	s24 =	sshrl.u32 s10, $0x3;
	s8 =	rddreg [dreg:$0x7];
	[sflag:s23] =	ssyncadd.s32 $0xFFFFFCC0  }
0x3f: {  	[hbm:s8@s17], [sflag:s19] =	dma.strided [spmem:s24@s16], $0x340, s30, $0x8   }
0x40: {  	_ =	swait.ge [sflag:s23], $0x340  }
0x41: {  	[sflag:s23] =	ssyncset.done $0x0  }
0x42: {  	s21 =	sshrl.u32 s11, $0x3;
	s22 =	rddreg [dreg:$0x8];
	[sflag:s23] =	ssyncadd.s32 $0xFFFFFCC0  }
0x43: {  	[hbm:s22@s17], [sflag:s19] =	dma.strided [spmem:s21@s16], $0x340, s30, $0x8   }
0x44: {  	_ =	swait.ge [sflag:s23], $0x340  }
0x45: {  	[sflag:s23] =	ssyncset.done $0x0  }
0x46: {  	s24 =	sshrl.u32 s12, $0x3;
	s8 =	rddreg [dreg:$0x9];
	[sflag:s23] =	ssyncadd.s32 $0xFFFFFCC0  }
0x47: {  	[hbm:s8@s17], [sflag:s19] =	dma.strided [spmem:s24@s16], $0x340, s30, $0x8   }
0x48: {  	_ =	swait.ge [sflag:s23], $0x340  }
0x49: {  	[sflag:s23] =	ssyncset.done $0x0  }
0x4a: {  	s21 =	sshrl.u32 s13, $0x3;
	s22 =	rddreg [dreg:$0xa];
	[sflag:s23] =	ssyncadd.s32 $0xFFFFFCC0  }
0x4b: {  	[hbm:s22@s17], [sflag:s19] =	dma.strided [spmem:s21@s16], $0x340, s30, $0x8   }
0x4c: {  	s20 =	sshrl.u32 @!p1 s14, $0x3;
	_ =	swait.ge [sflag:s23], $0x340  }
0x4d: {  	s24 =	simm.s32 @!p1 $0x1;
	s21 =	simm.s32 @!p1 $0x10;
	[sflag:s23] =	ssyncset.done $0x0  }
0x4e: {  	s22 =	simm.s32 @!p1 $0x8;
	s8 =	rddreg [dreg:$0xb];
	[sflag:s23] =	ssyncadd.s32 $0xFFFFFCC0  }
0x4f: {  	[hbm:s8@s21], [sflag:s19] =	dma.strided @!p1 [spmem:s20@s22], $0x80, s24, $0x8   }
0x50: {  	s19 =	simm.s32 @!p1 $0x9  }
0x51: {  	_ =	swait.ge @!p1 [sflag:s19], $0x80  }
0x52: {  	s18 =	sadd.s32 $0x1, s18;
	s24 =	rddreg [dreg:$0xd]  }
0x53: {  	p2 =	sne.s32 s18, s24  }
.Ltmp1:
0x54: {  	_ = 	snop;
	(pc) =	sbr.rel @!p2 .LBB2_13-.Ltmp1, $3  }
0x55: {  	_ =	sdelay $0x1  }
0x56: {  	[sflag:s19] =	ssyncset.done @!p1 $0x0  }
0x57: {  	s21 =	simm.s32 $0x2800;
	[sflag:s19] =	ssyncadd.s32 @!p1 $0xFFFFFF80  }
.LBB2_1:
0x58: {  	s19 =	simm.s32 $0x0;
	s20 =	rddreg [dreg:$0x3]  }
0x59: {  	[tilespmem:s19], [sflag:$0x9] =	stream.linear.gather [hbm4b:s20+s19], $0x2800, $0x38;
	[tilespmem:$0x1E640] =	vst v63  }
0x5a: {  	_ =	swait.ge [sflag:s23], $0x2800  }
0x5b: {  	[sflag:s23] =	ssyncset.done $0x0  }
0x5c: {  	s24 =	rddreg [dreg:$0x4];
	[sflag:s23] =	ssyncadd.s32 $0xFFFFD800  }
0x5d: {  	[tilespmem:s21], [sflag:$0x9] =	stream.linear.gather [hbm4b:s24+s19], $0x2800, $0x38;
	[tilespmem:$0x1E640] =	vst v63  }
0x5e: {  	_ =	swait.ge [sflag:s23], $0x2800  }
0x5f: {  	[sflag:s23] =	ssyncset.done $0x0  }
0x60: {  	s24 =	simm.s32 $0x100;
	s19 =	simm.s32 $0x0;
	[sflag:s23] =	ssyncadd.s32 $0xFFFFD800  }
.LBB2_2:
0x61: {  	p2 =	sne.s32 s24, $0x6700;
	[tilespmem:s19+$0x5030] =	vst v0;
	s20 =	smov.u32 s24;
	s24 =	sadd.s32 $0x100, s24  }
.Ltmp2:
0x62: {  	[tilespmem:s19+$0x5020] =	vst v0;
	(pc) =	sbr.rel @p2 .LBB2_2-.Ltmp2, $3  }
0x63: {  	[tilespmem:s19+$0x5000] =	vst v0  }
0x64: {  	[tilespmem:s19+$0x5010] =	vst v0;
	_ =	sdelay $0x1  }
0x65: {  	s19 =	sshra.s32 s20, $0x2  }
0x66: {  	[tilespmem:s19+$0x5030] =	vst v0  }
0x67: {  	[tilespmem:s19+$0x5020] =	vst v0  }
0x68: {  	[tilespmem:s19+$0x5000] =	vst v0  }
0x69: {  	[tilespmem:s19+$0x5010] =	vst v0;
	s8 =	rddreg [dreg:$0xc]  }
0x6a: {  	[spmem:s8] =	stream.linear.scatter [tilespmem:s25], [sflag:$0x9], $0x1A00, $0x38;
	[tilespmem:$0x1E640] =	vst v63  }
0x6b: {  	_ =	swait.ge [sflag:s23], $0x1A00  }
0x6c: {  	[sflag:s23] =	ssyncset.done $0x0  }
0x6d: {  	[sflag:s23] =	ssyncadd.s32 $0xFFFFE600  }
0x6e: {  	[spmem:s9] =	stream.linear.scatter [tilespmem:s25], [sflag:$0x9], $0x1A00, $0x38;
	[tilespmem:$0x1E640] =	vst v63  }
0x6f: {  	_ =	swait.ge [sflag:s23], $0x1A00  }
0x70: {  	[sflag:s23] =	ssyncset.done $0x0  }
0x71: {  	[sflag:s23] =	ssyncadd.s32 $0xFFFFE600  }
0x72: {  	[spmem:s10] =	stream.linear.scatter [tilespmem:s25], [sflag:$0x9], $0x1A00, $0x38;
	[tilespmem:$0x1E640] =	vst v63  }
0x73: {  	_ =	swait.ge [sflag:s23], $0x1A00  }
0x74: {  	[sflag:s23] =	ssyncset.done $0x0  }
0x75: {  	[sflag:s23] =	ssyncadd.s32 $0xFFFFE600  }
0x76: {  	[spmem:s11] =	stream.linear.scatter [tilespmem:s25], [sflag:$0x9], $0x1A00, $0x38;
	[tilespmem:$0x1E640] =	vst v63  }
0x77: {  	_ =	swait.ge [sflag:s23], $0x1A00  }
0x78: {  	[sflag:s23] =	ssyncset.done $0x0  }
0x79: {  	[sflag:s23] =	ssyncadd.s32 $0xFFFFE600  }
0x7a: {  	[spmem:s12] =	stream.linear.scatter [tilespmem:s25], [sflag:$0x9], $0x1A00, $0x38;
	[tilespmem:$0x1E640] =	vst v63  }
0x7b: {  	_ =	swait.ge [sflag:s23], $0x1A00  }
0x7c: {  	[sflag:s23] =	ssyncset.done $0x0  }
0x7d: {  	[sflag:s23] =	ssyncadd.s32 $0xFFFFE600  }
0x7e: {  	[spmem:s13] =	stream.linear.scatter [tilespmem:s25], [sflag:$0x9], $0x1A00, $0x38;
	[tilespmem:$0x1E640] =	vst v63  }
0x7f: {  	_ =	swait.ge [sflag:s23], $0x1A00  }
0x80: {  	[sflag:s23] =	ssyncset.done $0x0  }
0x81: {  	s19 =	simm.s32 @!p1 $0x5000;
	[sflag:s23] =	ssyncadd.s32 $0xFFFFE600  }
0x82: {  	[spmem:s14] =	stream.linear.scatter @!p1 [tilespmem:s19], [sflag:$0x9], $0x400, $0x38;
	[tilespmem:$0x1E640] =	vst v63  }
0x83: {  	s19 =	simm.s32 @!p1 $0x9  }
.Ltmp3:
0x84: {  	_ =	swait.ge @!p1 [sflag:s19], $0x400;
	(pc) =	sbr.rel @!p0 .LBB2_4-.Ltmp3, $4  }
0x85: {  	[sflag:s19] =	ssyncset.done @!p1 $0x0  }
0x86: {  	[sflag:s19] =	ssyncadd.s32 @!p1 $0xFFFFFC00  }
0x87: {  	[bflag:$0x0] =	sbarrier.arrive $0xFFFF  }
0x88: {  	s24 =	simm.s32 $0x0  }
0x89: {  	[tilespmem:s25], [sflag:$0x1] =	stream.indirect.gather [hbm4b:s5+s26], $0x40, s24, s26, $0xb8;
	[tilespmem:$0x1E640] =	vst v63  }
0x8a: {  	s8 =	simm.s32 $0x100  }
0x8b: {  	[tilespmem:s29], [sflag:$0x2] =	stream.indirect.gather [hbm4b:s5+s26], $0x40, s8, s26, $0xb8;
	[tilespmem:$0x1E640] =	vst v63  }
0x8c: {  	_ =	swait.ge [sflag:s30], $0x3E80  }
0x8d: {  	[sflag:s30] =	ssyncset.done $0x0  }
0x8e: {  	[sflag:s30] =	ssyncadd.s32 $0xFFFFC180  }
0x8f: {  	[spmem:s2] =	stream.indirect.scatter.add.f32 [tilespmem:s25], [sflag:$0x5], $0x40, s21, s26, $0xb8;
	[tilespmem:$0x1E640] =	vst v63  }
0x90: {  	s20 =	simm.s32 $0x200  }
0x91: {  	[tilespmem:s0], [sflag:$0x3] =	stream.indirect.gather [hbm4b:s5+s26], $0x40, s20, s26, $0xb8;
	[tilespmem:$0x1E640] =	vst v63  }
0x92: {  	_ =	swait.ge [sflag:s1], $0x3E80  }
0x93: {  	[sflag:s1] =	ssyncset.done $0x0  }
0x94: {  	s21 =	simm.s32 $0x2900;
	[sflag:s1] =	ssyncadd.s32 $0xFFFFC180  }
0x95: {  	[spmem:s2] =	stream.indirect.scatter.add.f32 [tilespmem:s29], [sflag:$0x6], $0x40, s21, s26, $0xb8;
	[tilespmem:$0x1E640] =	vst v63  }
0x96: {  	s22 =	simm.s32 $0x300  }
0x97: {  	[tilespmem:s28], [sflag:$0x4] =	stream.indirect.gather [hbm4b:s5+s26], $0x40, s22, s26, $0xb8;
	[tilespmem:$0x1E640] =	vst v63  }
0x98: {  	_ =	swait.ge [sflag:s31], $0x3E80  }
0x99: {  	[sflag:s31] =	ssyncset.done $0x0  }
0x9a: {  	s19 =	simm.s32 $0x2A00;
	[sflag:s31] =	ssyncadd.s32 $0xFFFFC180  }
0x9b: {  	[spmem:s2] =	stream.indirect.scatter.add.f32 [tilespmem:s0], [sflag:$0x7], $0x40, s19, s26, $0xb8;
	[tilespmem:$0x1E640] =	vst v63  }
0x9c: {  	_ =	swait.ge [sflag:s3], $0x3E80  }
0x9d: {  	[sflag:s3] =	ssyncset.done $0x0  }
0x9e: {  	s20 =	simm.s32 $0x400;
	[sflag:s3] =	ssyncadd.s32 $0xFFFFC180  }
0x9f: {  	[tilespmem:s25], [sflag:$0x1] =	stream.indirect.gather [hbm4b:s5+s26], $0x40, s20, s26, $0xb8;
	[tilespmem:$0x1E640] =	vst v63  }
0xa0: {  	_ =	swait.ge [sflag:s6], $0x3E80  }
0xa1: {  	[sflag:s6] =	ssyncset.done $0x0  }
0xa2: {  	s21 =	simm.s32 $0x2B00;
	[sflag:s6] =	ssyncadd.s32 $0xFFFFC180  }
0xa3: {  	[spmem:s2] =	stream.indirect.scatter.add.f32 [tilespmem:s28], [sflag:$0x8], $0x40, s21, s26, $0xb8;
	[tilespmem:$0x1E640] =	vst v63  }
0xa4: {  	_ =	swait.ge [sflag:s7], $0x3E80  }
0xa5: {  	[sflag:s7] =	ssyncset.done $0x0  }
0xa6: {  	s22 =	simm.s32 $0x500;
	[sflag:s7] =	ssyncadd.s32 $0xFFFFC180  }
0xa7: {  	[tilespmem:s29], [sflag:$0x2] =	stream.indirect.gather [hbm4b:s5+s26], $0x40, s22, s26, $0xb8;
	[tilespmem:$0x1E640] =	vst v63  }
.LBB2_8:
0xa8: {  	_ =	swait.ge [sflag:s30], $0x3E80  }
0xa9: {  	s19 =	sshra.s32 s24, $0x2;
	[sflag:s30] =	ssyncset.done $0x0  }
0xaa: {  	s20 =	sadd.s32 $0x2C00, s19;
	[sflag:s30] =	ssyncadd.s32 $0xFFFFC180  }
0xab: {  	[spmem:s2] =	stream.indirect.scatter.add.f32 [tilespmem:s25], [sflag:$0x5], $0x40, s20, s26, $0xb8;
	[tilespmem:$0x1E640] =	vst v63  }
0xac: {  	_ =	swait.ge [sflag:s15], $0x3E80  }
0xad: {  	[sflag:s15] =	ssyncset.done $0x0  }
0xae: {  	s22 =	sadd.s32 $0x600, s19;
	[sflag:s15] =	ssyncadd.s32 $0xFFFFC180  }
0xaf: {  	[tilespmem:s0], [sflag:$0x3] =	stream.indirect.gather [hbm4b:s5+s26], $0x40, s22, s26, $0xb8;
	[tilespmem:$0x1E640] =	vst v63  }
0xb0: {  	_ =	swait.ge [sflag:s1], $0x3E80  }
0xb1: {  	[sflag:s1] =	ssyncset.done $0x0  }
0xb2: {  	s8 =	sadd.s32 $0x2D00, s19;
	[sflag:s1] =	ssyncadd.s32 $0xFFFFC180  }
0xb3: {  	[spmem:s2] =	stream.indirect.scatter.add.f32 [tilespmem:s29], [sflag:$0x6], $0x40, s8, s26, $0xb8;
	[tilespmem:$0x1E640] =	vst v63  }
0xb4: {  	_ =	swait.ge [sflag:s16], $0x3E80  }
0xb5: {  	[sflag:s16] =	ssyncset.done $0x0  }
0xb6: {  	p2 =	seq.s32 s24, $0x8000;
	s21 =	sadd.s32 $0x700, s19;
	[sflag:s16] =	ssyncadd.s32 $0xFFFFC180  }
0xb7: {  	[tilespmem:s28], [sflag:$0x4] =	stream.indirect.gather [hbm4b:s5+s26], $0x40, s21, s26, $0xb8;
	[tilespmem:$0x1E640] =	vst v63  }
.Ltmp4:
0xb8: {  	_ = 	snop;
	(pc) =	sbr.rel @p2 .LBB2_10-.Ltmp4, $4  }
0xb9: {  	_ =	swait.ge [sflag:s31], $0x3E80  }
0xba: {  	[sflag:s31] =	ssyncset.done $0x0  }
0xbb: {  	s22 =	sadd.s32 $0x2E00, s19;
	[sflag:s31] =	ssyncadd.s32 $0xFFFFC180  }
0xbc: {  	[spmem:s2] =	stream.indirect.scatter.add.f32 [tilespmem:s0], [sflag:$0x7], $0x40, s22, s26, $0xb8;
	[tilespmem:$0x1E640] =	vst v63  }
0xbd: {  	_ =	swait.ge [sflag:s3], $0x3E80  }
0xbe: {  	[sflag:s3] =	ssyncset.done $0x0  }
0xbf: {  	s20 =	sadd.s32 $0x800, s19;
	[sflag:s3] =	ssyncadd.s32 $0xFFFFC180  }
0xc0: {  	[tilespmem:s25], [sflag:$0x1] =	stream.indirect.gather [hbm4b:s5+s26], $0x40, s20, s26, $0xb8;
	[tilespmem:$0x1E640] =	vst v63  }
0xc1: {  	_ =	swait.ge [sflag:s6], $0x3E80  }
0xc2: {  	[sflag:s6] =	ssyncset.done $0x0  }
0xc3: {  	s21 =	sadd.s32 $0x2F00, s19;
	[sflag:s6] =	ssyncadd.s32 $0xFFFFC180  }
0xc4: {  	[spmem:s2] =	stream.indirect.scatter.add.f32 [tilespmem:s28], [sflag:$0x8], $0x40, s21, s26, $0xb8;
	[tilespmem:$0x1E640] =	vst v63  }
.Ltmp5:
0xc5: {  	_ = 	snop;
	(pc) =	sbr.rel .LBB2_8-.Ltmp5, $4  }
0xc6: {  	_ =	swait.ge [sflag:s7], $0x3E80  }
0xc7: {  	[sflag:s7] =	ssyncset.done $0x0  }
0xc8: {  	s22 =	sadd.s32 $0x900, s19;
	s24 =	sadd.s32 $0x1000, s24;
	[sflag:s7] =	ssyncadd.s32 $0xFFFFC180  }
0xc9: {  	[tilespmem:s29], [sflag:$0x2] =	stream.indirect.gather [hbm4b:s5+s26], $0x40, s22, s26, $0xb8;
	[tilespmem:$0x1E640] =	vst v63  }
.LBB2_4:
0xca: {  	[tilespmem:s25], [sflag:$0x1] =	stream.indirect.gather [hbm4b:s4+s26], $0x40, s24, s26, $0xb8;
	[tilespmem:$0x1E640] =	vst v63  }
0xcb: {  	s8 =	simm.s32 $0x100  }
0xcc: {  	[tilespmem:s29], [sflag:$0x2] =	stream.indirect.gather [hbm4b:s4+s26], $0x40, s8, s26, $0xb8;
	[tilespmem:$0x1E640] =	vst v63  }
0xcd: {  	_ =	swait.ge [sflag:s30], $0x3E80  }
0xce: {  	[sflag:s30] =	ssyncset.done $0x0  }
0xcf: {  	[sflag:s30] =	ssyncadd.s32 $0xFFFFC180  }
0xd0: {  	[spmem:s2] =	stream.indirect.scatter.add.f32 [tilespmem:s25], [sflag:$0x5], $0x40, s21, s26, $0xb8;
	[tilespmem:$0x1E640] =	vst v63  }
0xd1: {  	s20 =	simm.s32 $0x200  }
0xd2: {  	[tilespmem:s0], [sflag:$0x3] =	stream.indirect.gather [hbm4b:s4+s26], $0x40, s20, s26, $0xb8;
	[tilespmem:$0x1E640] =	vst v63  }
0xd3: {  	_ =	swait.ge [sflag:s1], $0x3E80  }
0xd4: {  	[sflag:s1] =	ssyncset.done $0x0  }
0xd5: {  	s21 =	simm.s32 $0x2900;
	[sflag:s1] =	ssyncadd.s32 $0xFFFFC180  }
0xd6: {  	[spmem:s2] =	stream.indirect.scatter.add.f32 [tilespmem:s29], [sflag:$0x6], $0x40, s21, s26, $0xb8;
	[tilespmem:$0x1E640] =	vst v63  }
0xd7: {  	s22 =	simm.s32 $0x300  }
0xd8: {  	[tilespmem:s28], [sflag:$0x4] =	stream.indirect.gather [hbm4b:s4+s26], $0x40, s22, s26, $0xb8;
	[tilespmem:$0x1E640] =	vst v63  }
0xd9: {  	_ =	swait.ge [sflag:s31], $0x3E80  }
0xda: {  	[sflag:s31] =	ssyncset.done $0x0  }
0xdb: {  	s19 =	simm.s32 $0x2A00;
	[sflag:s31] =	ssyncadd.s32 $0xFFFFC180  }
0xdc: {  	[spmem:s2] =	stream.indirect.scatter.add.f32 [tilespmem:s0], [sflag:$0x7], $0x40, s19, s26, $0xb8;
	[tilespmem:$0x1E640] =	vst v63  }
0xdd: {  	_ =	swait.ge [sflag:s3], $0x3E80  }
0xde: {  	[sflag:s3] =	ssyncset.done $0x0  }
0xdf: {  	s20 =	simm.s32 $0x400;
	[sflag:s3] =	ssyncadd.s32 $0xFFFFC180  }
0xe0: {  	[tilespmem:s25], [sflag:$0x1] =	stream.indirect.gather [hbm4b:s4+s26], $0x40, s20, s26, $0xb8;
	[tilespmem:$0x1E640] =	vst v63  }
0xe1: {  	_ =	swait.ge [sflag:s6], $0x3E80  }
0xe2: {  	[sflag:s6] =	ssyncset.done $0x0  }
0xe3: {  	s21 =	simm.s32 $0x2B00;
	[sflag:s6] =	ssyncadd.s32 $0xFFFFC180  }
0xe4: {  	[spmem:s2] =	stream.indirect.scatter.add.f32 [tilespmem:s28], [sflag:$0x8], $0x40, s21, s26, $0xb8;
	[tilespmem:$0x1E640] =	vst v63  }
0xe5: {  	_ =	swait.ge [sflag:s7], $0x3E80  }
0xe6: {  	[sflag:s7] =	ssyncset.done $0x0  }
0xe7: {  	s22 =	simm.s32 $0x500;
	[sflag:s7] =	ssyncadd.s32 $0xFFFFC180  }
0xe8: {  	[tilespmem:s29], [sflag:$0x2] =	stream.indirect.gather [hbm4b:s4+s26], $0x40, s22, s26, $0xb8;
	[tilespmem:$0x1E640] =	vst v63  }
.LBB2_5:
0xe9: {  	_ =	swait.ge [sflag:s30], $0x3E80  }
0xea: {  	s19 =	sshra.s32 s24, $0x2;
	[sflag:s30] =	ssyncset.done $0x0  }
0xeb: {  	s20 =	sadd.s32 $0x2C00, s19;
	[sflag:s30] =	ssyncadd.s32 $0xFFFFC180  }
0xec: {  	[spmem:s2] =	stream.indirect.scatter.add.f32 [tilespmem:s25], [sflag:$0x5], $0x40, s20, s26, $0xb8;
	[tilespmem:$0x1E640] =	vst v63  }
0xed: {  	_ =	swait.ge [sflag:s15], $0x3E80  }
0xee: {  	[sflag:s15] =	ssyncset.done $0x0  }
0xef: {  	s22 =	sadd.s32 $0x600, s19;
	[sflag:s15] =	ssyncadd.s32 $0xFFFFC180  }
0xf0: {  	[tilespmem:s0], [sflag:$0x3] =	stream.indirect.gather [hbm4b:s4+s26], $0x40, s22, s26, $0xb8;
	[tilespmem:$0x1E640] =	vst v63  }
0xf1: {  	_ =	swait.ge [sflag:s1], $0x3E80  }
0xf2: {  	[sflag:s1] =	ssyncset.done $0x0  }
0xf3: {  	s8 =	sadd.s32 $0x2D00, s19;
	[sflag:s1] =	ssyncadd.s32 $0xFFFFC180  }
0xf4: {  	[spmem:s2] =	stream.indirect.scatter.add.f32 [tilespmem:s29], [sflag:$0x6], $0x40, s8, s26, $0xb8;
	[tilespmem:$0x1E640] =	vst v63  }
0xf5: {  	_ =	swait.ge [sflag:s16], $0x3E80  }
0xf6: {  	[sflag:s16] =	ssyncset.done $0x0  }
0xf7: {  	p2 =	seq.s32 s24, $0x8000;
	s21 =	sadd.s32 $0x700, s19;
	[sflag:s16] =	ssyncadd.s32 $0xFFFFC180  }
0xf8: {  	[tilespmem:s28], [sflag:$0x4] =	stream.indirect.gather [hbm4b:s4+s26], $0x40, s21, s26, $0xb8;
	[tilespmem:$0x1E640] =	vst v63  }
.Ltmp6:
0xf9: {  	_ = 	snop;
	(pc) =	sbr.rel @p2 .LBB2_11-.Ltmp6, $4  }
0xfa: {  	_ =	swait.ge [sflag:s31], $0x3E80  }
0xfb: {  	[sflag:s31] =	ssyncset.done $0x0  }
0xfc: {  	s22 =	sadd.s32 $0x2E00, s19;
	[sflag:s31] =	ssyncadd.s32 $0xFFFFC180  }
0xfd: {  	[spmem:s2] =	stream.indirect.scatter.add.f32 [tilespmem:s0], [sflag:$0x7], $0x40, s22, s26, $0xb8;
	[tilespmem:$0x1E640] =	vst v63  }
0xfe: {  	_ =	swait.ge [sflag:s3], $0x3E80  }
0xff: {  	[sflag:s3] =	ssyncset.done $0x0  }
0x100: {  	s20 =	sadd.s32 $0x800, s19;
	[sflag:s3] =	ssyncadd.s32 $0xFFFFC180  }
0x101: {  	[tilespmem:s25], [sflag:$0x1] =	stream.indirect.gather [hbm4b:s4+s26], $0x40, s20, s26, $0xb8;
	[tilespmem:$0x1E640] =	vst v63  }
0x102: {  	_ =	swait.ge [sflag:s6], $0x3E80  }
0x103: {  	[sflag:s6] =	ssyncset.done $0x0  }
0x104: {  	s21 =	sadd.s32 $0x2F00, s19;
	[sflag:s6] =	ssyncadd.s32 $0xFFFFC180  }
0x105: {  	[spmem:s2] =	stream.indirect.scatter.add.f32 [tilespmem:s28], [sflag:$0x8], $0x40, s21, s26, $0xb8;
	[tilespmem:$0x1E640] =	vst v63  }
.Ltmp7:
0x106: {  	_ = 	snop;
	(pc) =	sbr.rel .LBB2_5-.Ltmp7, $4  }
0x107: {  	_ =	swait.ge [sflag:s7], $0x3E80  }
0x108: {  	[sflag:s7] =	ssyncset.done $0x0  }
0x109: {  	s22 =	sadd.s32 $0x900, s19;
	s24 =	sadd.s32 $0x1000, s24;
	[sflag:s7] =	ssyncadd.s32 $0xFFFFC180  }
0x10a: {  	[tilespmem:s29], [sflag:$0x2] =	stream.indirect.gather [hbm4b:s4+s26], $0x40, s22, s26, $0xb8;
	[tilespmem:$0x1E640] =	vst v63  }
.LBB2_10:
.Ltmp8:
0x10b: {  	(pc) =	sbr.rel .LBB2_12-.Ltmp8, $2  }
0x10c: {  	_ =	sdelay $0x2  }
0x10d: {  	s19 =	sadd.s32 $0x1C00, s24  }
.LBB2_13:
0x10e: {  	_ =	sfence.sel $0x180000  }
0x10f: {  	[bflag:$0x0] =	sbarrier.arrive $0xFFFF  }
0x110: {  	_ =	strace $0x9000004A  }
0x111: {  	s0 =	stileid.u32;
	[bflag:$0x2] =	sbarrier.arrive $0xFFFF  }
0x112: {  	p0 =	sne.s32 s0, $0x0;
	s0 =	rddreg [dreg:$0x2]  }
0x113: {  	s0 =	sadd.s32 @!p0 $0x100000, s0  }
0x114: {  	[sflag:s0] =	ssyncadd.tile.s32 @!p0 $0x1;
	_ =	shalt  }
.Lfunc_end2:
_tile_overlayer_lowered:
.L_overlay_start_2:
0x115: {  	(tag) =	ssettag $0x2  }
0x116: {  	s0 =	rddreg [dreg:$0x0];
	s2 =	stileid.u32  }
0x117: {  	s1 =	rddreg [dreg:$0x1];
	p0 =	sne.s32 s2, $0x0  }
0x118: {  	s3 =	rddreg [dreg:$0x2];
	[bflag:$0x3] =	sbarrier.arrive $0xFFFF;
	s2 =	simm.s32 @!p0 $0x1C09  }
0x119: {  	[timem:s3], [sflag:s2] =	dma.local @!p0 [hbm:s0], s1  }
0x11a: {  	s0 =	simm.s32 @!p0 $0x9  }
0x11b: {  	_ =	swait.ge @!p0 [sflag:s0], s1  }
0x11c: {  	s1 =	ssub.s32 @!p0 $0x0, s1;
	[sflag:s0] =	ssyncset.done @!p0 $0x0  }
0x11d: {  	[sflag:s0] =	ssyncadd.s32 @!p0 s1  }
0x11e: {  	[bflag:$0x3] =	sbarrier.arrive $0xFFFF  }
0x11f: {  	_ =	shalt  }

// kernel: kernel.17.cloned.1.call-start
scs
__scs_entry_jumppad:
0x0: {  	(pc) =	sbr.rel $0x88, $3  }
0x1: {  	(tag) =	ssettag $0x0;
	lr =	simm.s32 $0x1  }
0x2: {  	[smem:$0x3F95] =	sst lr;
	_ =	strace $0xD0000000  }
0x3: {  	_ = 	snop  }
0x4: {  	_ = 	snop  }
0x5: {  	_ = 	snop  }
0x6: {  	_ = 	snop  }
0x7: {  	_ = 	snop  }
__scs_overlays_trampoline_lowered:
0x8: {  	[smem:$0x3FA4] =	sst s0  }
0x9: {  	[smem:$0x3FA5] =	sst s1  }
0xa: {  	[smem:$0x3FA6] =	sst s2  }
0xb: {  	[smem:$0x3FA7] =	sst s3  }
0xc: {  	[smem:$0x3FA8] =	sst s4  }
0xd: {  	[smem:$0x3FA9] =	sst s5  }
0xe: {  	[smem:$0x3FAA] =	sst s6  }
0xf: {  	[smem:$0x3FAB] =	sst s7  }
0x10: {  	[smem:$0x3FAC] =	sst s8  }
0x11: {  	[smem:$0x3FAD] =	sst s9;
	s0 =	simm.s32 @!p0 $0x0  }
0x12: {  	s1 =	sld [smem:$0x3F93];
	s0 =	simm.s32 @p0 $0x1  }
0x13: {  	[smem:$0x3FAE] =	sst s0;
	s0 =	simm.s32 @!p1 $0x0  }
0x14: {  	s2 =	sld [smem:$0x3F92];
	s0 =	simm.s32 @p1 $0x1  }
0x15: {  	[smem:$0x3FAF] =	sst s0;
	s0 =	simm.s32 @!p2 $0x0  }
0x16: {  	s3 =	sld [smem:$0x3FDB];
	s0 =	simm.s32 @p2 $0x1  }
0x17: {  	s4 =	simm.s32 $0x1BF5;
	[smem:$0x3FB1] =	sst s0  }
0x18: {  	s0 =	sld [smem:$0x3F94];
	_ =	swait.ge [sflag:s4], $0x0  }
0x19: {  	s7 =	sld [smem:$0x3F95]  }
0x1a: {  	s8 =	sadd.s32 $0xFFFFE003, lr  }
0x1b: {  	s9 =	sadd.s32 $0xFFFFFEF7, lr;
	s5 =	simm.s32 $0xFFFFFFFF;
	p2 =	slt.u32 s8, $0xFFFFF086  }
0x1c: {  	p1 =	slt.u32 s9, $0xF7A;
	s5 =	simm.s32 @!p2 $0x0  }
0x1d: {  	s5 =	simm.s32 @p1 $0x1;
	p0 =	seq.s32 s7, s2  }
0x1e: {  	s7 =	smul.u32 @!p0 $0xF7A, s2;
	p2 =	seq.s32 @!p0 s5, $0x0  }
0x1f: {  	s9 =	smul.u32 $0xF7A, s1;
	s8 =	simm.s32 @!p0 $0x1BF5;
	p2 =	por !p2, p0  }
0x20: {  	[sflag:s8] =	ssyncset.s32 @!p0 $0xFFFFF086;
	s6 =	sadd.s32 @!p0 s3, s7;
	s7 =	simm.s32 @!p0 $0x108  }
0x21: {  	s3 =	sadd.s32 s3, s9;
	s6 =	sadd.s32 @!p0 $0x88, s6;
	s7 =	simm.s32 @p2 $0x1082  }
0x22: {  	[simem:s7], [sflag:s8] =	dma.local @!p0 [hbm:s6], $0xF7A  }
0x23: {  	s9 =	sor.u32 $0xD0000000, s2;
	s6 =	simm.s32 $0x108;
	_ =	swait.ge @!p0 [sflag:s8], $0x0  }
0x24: {  	s3 =	sadd.s32 $0x88, s3;
	s6 =	simm.s32 @!p1 $0x1082;
	[sflag:s4] =	ssyncset.s32 $0xFFFFF086  }
0x25: {  	[simem:s6], [sflag:s4] =	dma.local [hbm:s3], $0xF7A  }
0x26: {  	[smem:$0x3F95] =	sst s1;
	(tag) =	ssettag s2;
	_ =	strace s9  }
0x27: {  	s1 =	sld [smem:$0x3FA5]  }
0x28: {  	s2 =	sld [smem:$0x3FA6]  }
0x29: {  	s4 =	sld [smem:$0x3FA8]  }
0x2a: {  	p0 =	seq.s32 s5, $0x0;
	s5 =	sld [smem:$0x3FA9]  }
0x2b: {  	s6 =	sld [smem:$0x3FAA]  }
0x2c: {  	s7 =	sld [smem:$0x3FAB]  }
0x2d: {  	s3 =	simm.s32 $0x108;
	s8 =	sld [smem:$0x3FAC]  }
0x2e: {  	s3 =	simm.s32 @!p0 $0x1082;
	s9 =	sld [smem:$0x3FAD]  }
0x2f: {  	lr =	sadd.s32 s0, s3;
	s0 =	sld [smem:$0x3FA4]  }
0x30: {  	s3 =	sld [smem:$0x3FA7]  }
0x31: {  	[smem:$0x3FB0] =	sst s10  }
0x32: {  	s10 =	sld [smem:$0x3FAE];
	_ =	sdelay $0x3  }
0x33: {  	p0 =	seq.s32 s10, $0x1;
	s10 =	sld [smem:$0x3FB0];
	_ =	sdelay $0x3  }
0x34: {  	[smem:$0x3FB0] =	sst s10  }
0x35: {  	s10 =	sld [smem:$0x3FAF];
	_ =	sdelay $0x3  }
0x36: {  	p1 =	seq.s32 s10, $0x1;
	s10 =	sld [smem:$0x3FB0];
	_ =	sdelay $0x3  }
0x37: {  	[smem:$0x3FB0] =	sst s10  }
0x38: {  	s10 =	sld [smem:$0x3FB1]  }
0x39: {  	_ = 	snop;
	(pc) =	sbr.ind lr, $3  }
0x3a: {  	_ = 	snop  }
0x3b: {  	_ = 	snop  }
0x3c: {  	p2 =	seq.s32 s10, $0x1;
	s10 =	sld [smem:$0x3FB0]  }
0x3d: {  	_ =	shalt  }
0x3e: {  	_ =	shalt  }
0x3f: {  	_ =	shalt  }
0x40: {  	_ =	shalt  }
0x41: {  	_ =	shalt  }
0x42: {  	_ =	shalt  }
0x43: {  	_ =	shalt  }
0x44: {  	_ =	shalt  }
0x45: {  	_ =	shalt  }
0x46: {  	_ =	shalt  }
0x47: {  	_ =	shalt  }
0x48: {  	_ =	shalt  }
0x49: {  	_ =	shalt  }
0x4a: {  	_ =	shalt  }
0x4b: {  	_ =	shalt  }
0x4c: {  	_ =	shalt  }
0x4d: {  	_ =	shalt  }
0x4e: {  	_ =	shalt  }
0x4f: {  	_ =	shalt  }
0x50: {  	_ =	shalt  }
0x51: {  	_ =	shalt  }
0x52: {  	_ =	shalt  }
0x53: {  	_ =	shalt  }
0x54: {  	_ =	shalt  }
0x55: {  	_ =	shalt  }
0x56: {  	_ =	shalt  }
0x57: {  	_ =	shalt  }
0x58: {  	_ =	shalt  }
0x59: {  	_ =	shalt  }
0x5a: {  	_ =	shalt  }
0x5b: {  	_ =	shalt  }
0x5c: {  	_ =	shalt  }
0x5d: {  	_ =	shalt  }
0x5e: {  	_ =	shalt  }
0x5f: {  	_ =	shalt  }
0x60: {  	_ =	shalt  }
0x61: {  	_ =	shalt  }
0x62: {  	_ =	shalt  }
0x63: {  	_ =	shalt  }
0x64: {  	_ =	shalt  }
0x65: {  	_ =	shalt  }
0x66: {  	_ =	shalt  }
0x67: {  	_ =	shalt  }
0x68: {  	_ =	shalt  }
0x69: {  	_ =	shalt  }
0x6a: {  	_ =	shalt  }
0x6b: {  	_ =	shalt  }
0x6c: {  	_ =	shalt  }
0x6d: {  	_ =	shalt  }
0x6e: {  	_ =	shalt  }
0x6f: {  	_ =	shalt  }
0x70: {  	_ =	shalt  }
0x71: {  	_ =	shalt  }
0x72: {  	_ =	shalt  }
0x73: {  	_ =	shalt  }
0x74: {  	_ =	shalt  }
0x75: {  	_ =	shalt  }
0x76: {  	_ =	shalt  }
0x77: {  	_ =	shalt  }
0x78: {  	_ =	shalt  }
0x79: {  	_ =	shalt  }
0x7a: {  	_ =	shalt  }
0x7b: {  	_ =	shalt  }
0x7c: {  	_ =	shalt  }
0x7d: {  	_ =	shalt  }
0x7e: {  	_ =	shalt  }
0x7f: {  	_ =	shalt  }
0x80: {  	_ =	shalt  }
0x81: {  	_ =	shalt  }
0x82: {  	_ =	shalt  }
0x83: {  	_ =	shalt  }
0x84: {  	_ =	shalt  }
0x85: {  	_ =	shalt  }
0x86: {  	_ =	shalt  }
0x87: {  	_ =	shalt  }
.Lfunc_end0:
.L_simem_size_0:
called_computation.2_lowered:
.L_overlay_start_0:
0x88: {  	s2 =	sld [smem:$0x3FD9]  }
0x89: {  	s3 =	sld [smem:$0x3FFE];
	_ =	sdelay $0x1  }
0x8a: {  	s1 =	srdreg.scid  }
0x8b: {  	s0 =	sand.u32 $0x1, s1  }
0x8c: {  	s16 =	sshll.u32 s0, $0xA;
	s2 =	sadd.s32 s3, s2  }
0x8d: {  	s2 =	sadd.s32 s2, s16  }
0x8e: {  	[smem:$0x3FBC] =	sst s2  }
0x8f: {  	_ = 	snop  }
0x90: {  	(tm) =	ssettm $0x1  }
0x91: {  	s17 =	sld [smem:$0x3FFB];
	_ =	sdelay $0x3  }
0x92: {  	_ =	strace s17  }
0x93: {  	s2 =	sld [smem:$0x3FFC];
	_ =	sdelay $0x3  }
0x94: {  	_ =	strace s2  }
0x95: {  	s2 =	sld [smem:$0x3FFD];
	_ =	sdelay $0x3  }
0x96: {  	_ =	strace s2  }
0x97: {  	_ =	strace $0x8FFFFFFF  }
0x98: {  	s18 =	sld [smem:$0x3FDB];
	_ =	sdelay $0x1  }
0x99: {  	s19 =	simm.s32 $_scs_section_size  }
0x9a: {  	s4 =	simm.s32 $_size__tile_overlayer_lowered;
	s5 =	simm.s32 $_tile_overlayer_lowered  }
0x9b: {  	s22 =	simm.s32 $0x1BFF;
	s21 =	sshll.u32 s5, $0x1;
	s2 =	sadd.s32 s19, s18  }
0x9c: {  	s6 =	simm.s32 $0x0;
	s20 =	sshll.u32 s4, $0x1;
	s4 =	sadd.s32 s21, s2  }
0x9d: {  	[timem:s6], [sflag:s22] =	dma.local [hbm:s4], s20  }
0x9e: {  	_ =	swait.ge [sflag:s22], s20  }
0x9f: {  	s3 =	ssub.s32 $0x0, s20;
	[sflag:s22] =	ssyncset.done $0x0  }
0xa0: {  	[sflag:s22] =	ssyncadd.s32 s3;
	_ =	sdelay $0x1  }
0xa1: {  	s23 =	simm.s32 $0x1B8B  }
0xa2: {  	_ =	swait.ge [sflag:s23], $0x1  }
0xa3: {  	[sflag:s23] =	ssyncset.done $0x0  }
0xa4: {  	s25 =	simm.s32 $0x1B8E;
	s24 =	sld [smem:$0x3FFE];
	[sflag:s23] =	ssyncadd.s32 $0xFFFFFFFF  }
0xa5: {  	s26 =	simm.s32 $execute0_lowered;
	[smem:$0x3FD2] =	sst s25  }
0xa6: {  	s4 =	sshll.u32 s26, $0x1;
	_ =	strace $0x8000004C;
	[dreg:$0x1] =	wrdreg $0xFFFFFFFF  }
0xa7: {  	s28 =	simm.s32 $_size_execute0_lowered;
	s2 =	sadd.s32 s2, s4;
	[dreg:$0x0] =	wrdreg $0x0  }
0xa8: {  	s4 =	sshll.u32 s28, $0x1;
	[dreg:$0x2] =	wrdreg s2  }
0xa9: {  	[dreg:$0x3] =	wrdreg s4  }
0xaa: {  	[dreg:$0x4] =	wrdreg $0xC0  }
0xab: {  	_ =	task [dreg:s6], $0x5FFFF  }
0xac: {  	[dreg:$0x1] =	wrdreg $0xFFFFFFFF  }
0xad: {  	[dreg:$0x0] =	wrdreg $0x60  }
0xae: {  	[dreg:$0x2] =	wrdreg s24  }
0xaf: {  	[dreg:$0x3] =	wrdreg $0xCD000  }
0xb0: {  	[dreg:$0x4] =	wrdreg $0x9  }
0xb1: {  	_ =	task.clear_ibuf [dreg:s6], $0x5FFFF;
	_ =	strace $0x9000004C  }
0xb2: {  	s29 =	simm.s32 $0x9;
	_ =	strace $0x8000004E  }
0xb3: {  	_ =	swait.ge [sflag:s29], $0x1  }
0xb4: {  	[sflag:s29] =	ssyncadd.s32 $0xFFFFFFFF  }
0xb5: {  	_ =	strace $0x9000004E  }
0xb6: {  	_ =	sfence  }
0xb7: {  	s30 =	sld [smem:$0x0];
	_ =	sdelay $0x2  }
0xb8: {  	s31 =	sshll.u32 s1, $0xD;
	s1 =	sshrl.u32 s1, $0x2  }
0xb9: {  	s3 =	sand.u32 $0x4000, s31;
	s1 =	sadd.s32 s1, s30  }
0xba: {  	s0 =	sor.u32 s3, s0;
	s1 =	sshll.u32 s1, $0x11  }
0xbb: {  	s0 =	sor.u32 s1, s0  }
0xbc: {  	s0 =	sadd.s32 $0x8F2B, s0  }
0xbd: {  	[sflag:s0] =	ssyncadd.remote.s32 $0x1  }
0xbe: {  	_ =	sfence.sel $0xFFFF  }
0xbf: {  	[dreg:$0x0] =	wrdreg $0xFFFFFFFF;
	(pc) =	sbr.abs _section_cstart, $3  }
0xc0: {  	[dreg:$0x1] =	wrdreg $0xFFFFFFFF  }
0xc1: {  	_ =	task.clear_ibuf [dreg:s6], $0x2FFFF;
	_ =	strace $0x9FFFFFFF  }
0xc2: {  	(tm) =	ssettm $0x7FFFFFFF  }
0xc3: {  	_ =	shalt  }
tec
execute0_lowered:
.L_overlay_start_1:
0x0: {  	(tag) =	ssettag $0x1  }
0x1: {  	s0 =	rddreg [dreg:$0x0]  }
0x2: {  	s2 =	rddreg [dreg:$0x1]  }
0x3: {  	s1 =	simm.s32 $0x0;
	s20 =	stileid.u32;
	s3 =	srdreg.scid  }
0x4: {  	s29 =	simm.s32 $0x6F40;
	s30 =	simm.s32 $0x1;
	s28 =	simm.s32 $0xADC0  }
0x5: {  	s31 =	simm.s32 $0x3;
	[smem:$0x7FF] =	sst s1;
	s24 =	smul.u32 $0x2800, s20  }
0x6: {  	s4 =	sadd.s32 $0xD600, s0;
	s3 =	sand.u32 $0x1, s3;
	s7 =	smul.u32 $0x13800, s20  }
0x7: {  	s5 =	sadd.s32 $0x3800, s0;
	p1 =	sne.s32 s20, $0xF;
	_ =	strace $0x8000004D  }
0x8: {  	s6 =	ssub.s32 $0x2, s3;
	s19 =	sshll.u32 s3, $0x5;
	p0 =	seq.s32 s3, $0x1  }
0x9: {  	s3 =	sshll.u32 s3, $0x2;
	s1 =	sshrl.u32 s24, $0x3;
	s8 =	sshrl.u32 s6, $0x1  }
0xa: {  	s25 =	sshrl.u32 s7, $0x2;
	s15 =	sadd.s32 $0x6800, s7;
	s16 =	sadd.s32 $0x9C00, s7  }
0xb: {  	s17 =	sadd.s32 $0xD000, s7;
	s18 =	sadd.s32 $0x10400, s7;
	s1 =	sadd.s32 s1, s0  }
0xc: {  	s0 =	sadd.s32 $0x34C00, s0;
	s6 =	ssub.s32 s6, s8;
	s26 =	sadd.s32 s25, s2  }
0xd: {  	s8 =	sadd.s32 $0x3400, s7;
	s10 =	sshrl.u32 s15, $0x2;
	s11 =	sshrl.u32 s16, $0x2  }
0xe: {  	s12 =	sshrl.u32 s17, $0x2;
	s13 =	sshrl.u32 s18, $0x2;
	s7 =	sor.u32 s19, s7  }
0xf: {  	s15 =	sor.u32 s19, s15;
	s16 =	sor.u32 s19, s16;
	s23 =	sor.u32 s19, s17  }
0x10: {  	s24 =	sor.u32 s19, s18;
	s17 =	simm.s32 $0x10;
	s18 =	simm.s32 $0x0  }
0x11: {  	s9 =	sadd.s32 $0x2AC00, s1;
	s1 =	sadd.s32 $0x2FC00, s1;
	[dreg:$0xc] =	wrdreg s26  }
0x12: {  	s14 =	sshrl.u32 s8, $0x2;
	s10 =	sadd.s32 s10, s2;
	s11 =	sadd.s32 s11, s2  }
0x13: {  	s12 =	sadd.s32 s12, s2;
	s13 =	sadd.s32 s13, s2;
	s7 =	sshrl.u32 s7, $0x3  }
0x14: {  	s3 =	sadd.s32 s3, s0;
	s26 =	smax.u32 s6, $0x1;
	[dreg:$0x3] =	wrdreg s9  }
0x15: {  	s6 =	simm.s32 $0x4;
	[dreg:$0x4] =	wrdreg s1;
	s9 =	sadd.s32 s14, s2  }
0x16: {  	s14 =	sadd.s32 $0x4E000, s2;
	s7 =	sadd.s32 s0, s7;
	s1 =	sor.u32 s19, s8  }
0x17: {  	s25 =	sadd.s32 $0x27000, s3;
	[dreg:$0xd] =	wrdreg s26;
	s26 =	simm.s32 $0xFA  }
0x18: {  	s3 =	simm.s32 $0x5;
	[dreg:$0x5] =	wrdreg s7;
	s1 =	sshrl.u32 s1, $0x3  }
0x19: {  	s7 =	sshrl.u32 s15, $0x3;
	s15 =	sshrl.u32 s16, $0x3;
	[dreg:$0xb] =	wrdreg s25  }
0x1a: {  	s25 =	simm.s32 $0x5000;
	s16 =	simm.s32 $0x8;
	s1 =	sadd.s32 s0, s1  }
0x1b: {  	s21 =	sadd.s32 s0, s7;
	s22 =	sadd.s32 s0, s15;
	[dreg:$0x6] =	wrdreg s1  }
.Ltmp0:
0x1c: {  	s7 =	sshrl.u32 s24, $0x3;
	[dreg:$0x7] =	wrdreg s21;
	(pc) =	sbr.rel .LBB2_1-.Ltmp0, $4  }
0x1d: {  	s15 =	simm.s32 $0x7;
	[dreg:$0x8] =	wrdreg s22;
	s1 =	sshrl.u32 s23, $0x3  }
0x1e: {  	s23 =	simm.s32 $0x9;
	s21 =	simm.s32 $0x2800;
	s1 =	sadd.s32 s0, s1  }
0x1f: {  	s0 =	sadd.s32 s0, s7;
	s7 =	simm.s32 $0x6;
	[dreg:$0x9] =	wrdreg s1  }
0x20: {  	v0 =	vimm.f32 $0.0e+00;
	[dreg:$0xa] =	wrdreg s0;
	s0 =	simm.s32 $0x8E80;
	s1 =	simm.s32 $0x2  }
.LBB2_11:
0x21: {  	s19 =	sadd.s32 $0x1C00, s24  }
.LBB2_12:
0x22: {  	_ =	swait.ge [sflag:s6], $0x1F40  }
0x23: {  	s19 =	sshra.s32 s19, $0x2;
	[sflag:s6] =	ssyncset.done $0x0  }
0x24: {  	s19 =	sadd.s32 $0x2800, s19;
	[sflag:s6] =	ssyncadd.s32 $0xFFFFE0C0  }
0x25: {  	[spmem:s2] =	stream.indirect.scatter.add.f32 [tilespmem:s28], [sflag:$0x8], $0x20, s19, s26, $0xb8;
	[tilespmem:$0x11B20] =	vst v63  }
0x26: {  	_ =	swait.ge [sflag:s3], $0x1F40  }
0x27: {  	[sflag:s3] =	ssyncset.done $0x0  }
0x28: {  	[sflag:s3] =	ssyncadd.s32 $0xFFFFE0C0  }
0x29: {  	_ =	swait.ge [sflag:s7], $0x1F40  }
0x2a: {  	[sflag:s7] =	ssyncset.done $0x0  }
0x2b: {  	[sflag:s7] =	ssyncadd.s32 $0xFFFFE0C0  }
0x2c: {  	_ =	swait.ge [sflag:s15], $0x1F40  }
0x2d: {  	[sflag:s15] =	ssyncset.done $0x0  }
0x2e: {  	[sflag:s15] =	ssyncadd.s32 $0xFFFFE0C0  }
0x2f: {  	_ =	swait.ge [sflag:s16], $0x1F40  }
0x30: {  	[sflag:s16] =	ssyncset.done $0x0  }
0x31: {  	[sflag:s16] =	ssyncadd.s32 $0xFFFFE0C0  }
0x32: {  	s20 =	stileid.u32;
	[bflag:$0x0] =	sbarrier.arrive $0xFFFF  }
0x33: {  	s19 =	sshll.u32 s20, $0x6;
	s8 =	rddreg [dreg:$0xc]  }
0x34: {  	s19 =	sor.u32 $0x1C09, s19;
	s21 =	rddreg [dreg:$0x5];
	s20 =	sshrl.u32 s8, $0x3  }
0x35: {  	[hbm:s21@s17], [sflag:s19] =	dma.strided [spmem:s20@s6], $0x1A0, s30, $0x4   }
0x36: {  	_ =	swait.ge [sflag:s23], $0x1A0  }
0x37: {  	[sflag:s23] =	ssyncset.done $0x0  }
0x38: {  	s21 =	sshrl.u32 s9, $0x3;
	s22 =	rddreg [dreg:$0x6];
	[sflag:s23] =	ssyncadd.s32 $0xFFFFFE60  }
0x39: {  	[hbm:s22@s17], [sflag:s19] =	dma.strided [spmem:s21@s6], $0x1A0, s30, $0x4   }
0x3a: {  	_ =	swait.ge [sflag:s23], $0x1A0  }
0x3b: {  	[sflag:s23] =	ssyncset.done $0x0  }
0x3c: {  	s24 =	sshrl.u32 s10, $0x3;
	s8 =	rddreg [dreg:$0x7];
	[sflag:s23] =	ssyncadd.s32 $0xFFFFFE60  }
0x3d: {  	[hbm:s8@s17], [sflag:s19] =	dma.strided [spmem:s24@s6], $0x1A0, s30, $0x4   }
0x3e: {  	_ =	swait.ge [sflag:s23], $0x1A0  }
0x3f: {  	[sflag:s23] =	ssyncset.done $0x0  }
0x40: {  	s21 =	sshrl.u32 s11, $0x3;
	s22 =	rddreg [dreg:$0x8];
	[sflag:s23] =	ssyncadd.s32 $0xFFFFFE60  }
0x41: {  	[hbm:s22@s17], [sflag:s19] =	dma.strided [spmem:s21@s6], $0x1A0, s30, $0x4   }
0x42: {  	_ =	swait.ge [sflag:s23], $0x1A0  }
0x43: {  	[sflag:s23] =	ssyncset.done $0x0  }
0x44: {  	s24 =	sshrl.u32 s12, $0x3;
	s8 =	rddreg [dreg:$0x9];
	[sflag:s23] =	ssyncadd.s32 $0xFFFFFE60  }
0x45: {  	[hbm:s8@s17], [sflag:s19] =	dma.strided [spmem:s24@s6], $0x1A0, s30, $0x4   }
0x46: {  	_ =	swait.ge [sflag:s23], $0x1A0  }
0x47: {  	[sflag:s23] =	ssyncset.done $0x0  }
0x48: {  	s21 =	sshrl.u32 s13, $0x3;
	s22 =	rddreg [dreg:$0xa];
	[sflag:s23] =	ssyncadd.s32 $0xFFFFFE60  }
0x49: {  	[hbm:s22@s17], [sflag:s19] =	dma.strided [spmem:s21@s6], $0x1A0, s30, $0x4   }
0x4a: {  	s20 =	sshrl.u32 @!p1 s14, $0x3;
	_ =	swait.ge [sflag:s23], $0x1A0  }
0x4b: {  	s24 =	simm.s32 @!p1 $0x1;
	s21 =	simm.s32 @!p1 $0x10;
	[sflag:s23] =	ssyncset.done $0x0  }
0x4c: {  	s22 =	simm.s32 @!p1 $0x4;
	s8 =	rddreg [dreg:$0xb];
	[sflag:s23] =	ssyncadd.s32 $0xFFFFFE60  }
0x4d: {  	[hbm:s8@s21], [sflag:s19] =	dma.strided @!p1 [spmem:s20@s22], $0x40, s24, $0x4   }
0x4e: {  	s19 =	simm.s32 @!p1 $0x9  }
0x4f: {  	_ =	swait.ge @!p1 [sflag:s19], $0x40  }
0x50: {  	s18 =	sadd.s32 $0x1, s18;
	s24 =	rddreg [dreg:$0xd]  }
0x51: {  	p2 =	sne.s32 s18, s24  }
.Ltmp1:
0x52: {  	_ = 	snop;
	(pc) =	sbr.rel @!p2 .LBB2_13-.Ltmp1, $3  }
0x53: {  	_ =	sdelay $0x1  }
0x54: {  	[sflag:s19] =	ssyncset.done @!p1 $0x0  }
0x55: {  	s21 =	simm.s32 $0x2800;
	[sflag:s19] =	ssyncadd.s32 @!p1 $0xFFFFFFC0  }
.LBB2_1:
0x56: {  	s19 =	simm.s32 $0x0;
	s20 =	rddreg [dreg:$0x3]  }
0x57: {  	[tilespmem:s19], [sflag:$0x9] =	stream.linear.gather [hbm4b:s20+s19], $0x2800, $0x38;
	[tilespmem:$0x11B20] =	vst v63  }
0x58: {  	_ =	swait.ge [sflag:s23], $0x2800  }
0x59: {  	[sflag:s23] =	ssyncset.done $0x0  }
0x5a: {  	s24 =	rddreg [dreg:$0x4];
	[sflag:s23] =	ssyncadd.s32 $0xFFFFD800  }
0x5b: {  	[tilespmem:s21], [sflag:$0x9] =	stream.linear.gather [hbm4b:s24+s19], $0x2800, $0x38;
	[tilespmem:$0x11B20] =	vst v63  }
0x5c: {  	_ =	swait.ge [sflag:s23], $0x2800  }
0x5d: {  	[sflag:s23] =	ssyncset.done $0x0  }
0x5e: {  	s19 =	simm.s32 $0x80;
	s24 =	simm.s32 $0x0;
	[sflag:s23] =	ssyncadd.s32 $0xFFFFD800  }
.LBB2_2:
0x5f: {  	p2 =	sne.s32 s19, $0x3380;
	[tilespmem:s24+$0x5000] =	vst v0;
	s20 =	smov.u32 s19;
	s19 =	sadd.s32 $0x80, s19  }
.Ltmp2:
0x60: {  	[tilespmem:s24+$0x5010] =	vst v0;
	(pc) =	sbr.rel @p2 .LBB2_2-.Ltmp2, $2  }
0x61: {  	_ =	sdelay $0x2  }
0x62: {  	s24 =	sshra.s32 s20, $0x2  }
0x63: {  	[tilespmem:s24+$0x5000] =	vst v0  }
0x64: {  	[tilespmem:s24+$0x5010] =	vst v0;
	s8 =	rddreg [dreg:$0xc]  }
0x65: {  	[spmem:s8] =	stream.linear.scatter [tilespmem:s25], [sflag:$0x9], $0xD00, $0x38;
	[tilespmem:$0x11B20] =	vst v63  }
0x66: {  	_ =	swait.ge [sflag:s23], $0xD00  }
0x67: {  	[sflag:s23] =	ssyncset.done $0x0  }
0x68: {  	[sflag:s23] =	ssyncadd.s32 $0xFFFFF300  }
0x69: {  	[spmem:s9] =	stream.linear.scatter [tilespmem:s25], [sflag:$0x9], $0xD00, $0x38;
	[tilespmem:$0x11B20] =	vst v63  }
0x6a: {  	_ =	swait.ge [sflag:s23], $0xD00  }
0x6b: {  	[sflag:s23] =	ssyncset.done $0x0  }
0x6c: {  	[sflag:s23] =	ssyncadd.s32 $0xFFFFF300  }
0x6d: {  	[spmem:s10] =	stream.linear.scatter [tilespmem:s25], [sflag:$0x9], $0xD00, $0x38;
	[tilespmem:$0x11B20] =	vst v63  }
0x6e: {  	_ =	swait.ge [sflag:s23], $0xD00  }
0x6f: {  	[sflag:s23] =	ssyncset.done $0x0  }
0x70: {  	[sflag:s23] =	ssyncadd.s32 $0xFFFFF300  }
0x71: {  	[spmem:s11] =	stream.linear.scatter [tilespmem:s25], [sflag:$0x9], $0xD00, $0x38;
	[tilespmem:$0x11B20] =	vst v63  }
0x72: {  	_ =	swait.ge [sflag:s23], $0xD00  }
0x73: {  	[sflag:s23] =	ssyncset.done $0x0  }
0x74: {  	[sflag:s23] =	ssyncadd.s32 $0xFFFFF300  }
0x75: {  	[spmem:s12] =	stream.linear.scatter [tilespmem:s25], [sflag:$0x9], $0xD00, $0x38;
	[tilespmem:$0x11B20] =	vst v63  }
0x76: {  	_ =	swait.ge [sflag:s23], $0xD00  }
0x77: {  	[sflag:s23] =	ssyncset.done $0x0  }
0x78: {  	[sflag:s23] =	ssyncadd.s32 $0xFFFFF300  }
0x79: {  	[spmem:s13] =	stream.linear.scatter [tilespmem:s25], [sflag:$0x9], $0xD00, $0x38;
	[tilespmem:$0x11B20] =	vst v63  }
0x7a: {  	_ =	swait.ge [sflag:s23], $0xD00  }
0x7b: {  	[sflag:s23] =	ssyncset.done $0x0  }
0x7c: {  	s19 =	simm.s32 @!p1 $0x5000;
	[sflag:s23] =	ssyncadd.s32 $0xFFFFF300  }
0x7d: {  	[spmem:s14] =	stream.linear.scatter @!p1 [tilespmem:s19], [sflag:$0x9], $0x200, $0x38;
	[tilespmem:$0x11B20] =	vst v63  }
0x7e: {  	s19 =	simm.s32 @!p1 $0x9  }
.Ltmp3:
0x7f: {  	_ =	swait.ge @!p1 [sflag:s19], $0x200;
	(pc) =	sbr.rel @!p0 .LBB2_4-.Ltmp3, $4  }
0x80: {  	[sflag:s19] =	ssyncset.done @!p1 $0x0  }
0x81: {  	[sflag:s19] =	ssyncadd.s32 @!p1 $0xFFFFFE00  }
0x82: {  	[bflag:$0x0] =	sbarrier.arrive $0xFFFF  }
0x83: {  	s24 =	simm.s32 $0x0  }
0x84: {  	[tilespmem:s25], [sflag:$0x1] =	stream.indirect.gather [hbm4b:s5+s26], $0x20, s24, s26, $0xb8;
	[tilespmem:$0x11B20] =	vst v63  }
0x85: {  	s8 =	simm.s32 $0x100  }
0x86: {  	[tilespmem:s29], [sflag:$0x2] =	stream.indirect.gather [hbm4b:s5+s26], $0x20, s8, s26, $0xb8;
	[tilespmem:$0x11B20] =	vst v63  }
0x87: {  	_ =	swait.ge [sflag:s30], $0x1F40  }
0x88: {  	[sflag:s30] =	ssyncset.done $0x0  }
0x89: {  	[sflag:s30] =	ssyncadd.s32 $0xFFFFE0C0  }
0x8a: {  	[spmem:s2] =	stream.indirect.scatter.add.f32 [tilespmem:s25], [sflag:$0x5], $0x20, s21, s26, $0xb8;
	[tilespmem:$0x11B20] =	vst v63  }
0x8b: {  	s20 =	simm.s32 $0x200  }
0x8c: {  	[tilespmem:s0], [sflag:$0x3] =	stream.indirect.gather [hbm4b:s5+s26], $0x20, s20, s26, $0xb8;
	[tilespmem:$0x11B20] =	vst v63  }
0x8d: {  	_ =	swait.ge [sflag:s1], $0x1F40  }
0x8e: {  	[sflag:s1] =	ssyncset.done $0x0  }
0x8f: {  	s21 =	simm.s32 $0x2900;
	[sflag:s1] =	ssyncadd.s32 $0xFFFFE0C0  }
0x90: {  	[spmem:s2] =	stream.indirect.scatter.add.f32 [tilespmem:s29], [sflag:$0x6], $0x20, s21, s26, $0xb8;
	[tilespmem:$0x11B20] =	vst v63  }
0x91: {  	s22 =	simm.s32 $0x300  }
0x92: {  	[tilespmem:s28], [sflag:$0x4] =	stream.indirect.gather [hbm4b:s5+s26], $0x20, s22, s26, $0xb8;
	[tilespmem:$0x11B20] =	vst v63  }
0x93: {  	_ =	swait.ge [sflag:s31], $0x1F40  }
0x94: {  	[sflag:s31] =	ssyncset.done $0x0  }
0x95: {  	s19 =	simm.s32 $0x2A00;
	[sflag:s31] =	ssyncadd.s32 $0xFFFFE0C0  }
0x96: {  	[spmem:s2] =	stream.indirect.scatter.add.f32 [tilespmem:s0], [sflag:$0x7], $0x20, s19, s26, $0xb8;
	[tilespmem:$0x11B20] =	vst v63  }
0x97: {  	_ =	swait.ge [sflag:s3], $0x1F40  }
0x98: {  	[sflag:s3] =	ssyncset.done $0x0  }
0x99: {  	s20 =	simm.s32 $0x400;
	[sflag:s3] =	ssyncadd.s32 $0xFFFFE0C0  }
0x9a: {  	[tilespmem:s25], [sflag:$0x1] =	stream.indirect.gather [hbm4b:s5+s26], $0x20, s20, s26, $0xb8;
	[tilespmem:$0x11B20] =	vst v63  }
0x9b: {  	_ =	swait.ge [sflag:s6], $0x1F40  }
0x9c: {  	[sflag:s6] =	ssyncset.done $0x0  }
0x9d: {  	s21 =	simm.s32 $0x2B00;
	[sflag:s6] =	ssyncadd.s32 $0xFFFFE0C0  }
0x9e: {  	[spmem:s2] =	stream.indirect.scatter.add.f32 [tilespmem:s28], [sflag:$0x8], $0x20, s21, s26, $0xb8;
	[tilespmem:$0x11B20] =	vst v63  }
0x9f: {  	_ =	swait.ge [sflag:s7], $0x1F40  }
0xa0: {  	[sflag:s7] =	ssyncset.done $0x0  }
0xa1: {  	s22 =	simm.s32 $0x500;
	[sflag:s7] =	ssyncadd.s32 $0xFFFFE0C0  }
0xa2: {  	[tilespmem:s29], [sflag:$0x2] =	stream.indirect.gather [hbm4b:s5+s26], $0x20, s22, s26, $0xb8;
	[tilespmem:$0x11B20] =	vst v63  }
.LBB2_8:
0xa3: {  	_ =	swait.ge [sflag:s30], $0x1F40  }
0xa4: {  	s19 =	sshra.s32 s24, $0x2;
	[sflag:s30] =	ssyncset.done $0x0  }
0xa5: {  	s20 =	sadd.s32 $0x2C00, s19;
	[sflag:s30] =	ssyncadd.s32 $0xFFFFE0C0  }
0xa6: {  	[spmem:s2] =	stream.indirect.scatter.add.f32 [tilespmem:s25], [sflag:$0x5], $0x20, s20, s26, $0xb8;
	[tilespmem:$0x11B20] =	vst v63  }
0xa7: {  	_ =	swait.ge [sflag:s15], $0x1F40  }
0xa8: {  	[sflag:s15] =	ssyncset.done $0x0  }
0xa9: {  	s22 =	sadd.s32 $0x600, s19;
	[sflag:s15] =	ssyncadd.s32 $0xFFFFE0C0  }
0xaa: {  	[tilespmem:s0], [sflag:$0x3] =	stream.indirect.gather [hbm4b:s5+s26], $0x20, s22, s26, $0xb8;
	[tilespmem:$0x11B20] =	vst v63  }
0xab: {  	_ =	swait.ge [sflag:s1], $0x1F40  }
0xac: {  	[sflag:s1] =	ssyncset.done $0x0  }
0xad: {  	s8 =	sadd.s32 $0x2D00, s19;
	[sflag:s1] =	ssyncadd.s32 $0xFFFFE0C0  }
0xae: {  	[spmem:s2] =	stream.indirect.scatter.add.f32 [tilespmem:s29], [sflag:$0x6], $0x20, s8, s26, $0xb8;
	[tilespmem:$0x11B20] =	vst v63  }
0xaf: {  	_ =	swait.ge [sflag:s16], $0x1F40  }
0xb0: {  	[sflag:s16] =	ssyncset.done $0x0  }
0xb1: {  	p2 =	seq.s32 s24, $0x8000;
	s21 =	sadd.s32 $0x700, s19;
	[sflag:s16] =	ssyncadd.s32 $0xFFFFE0C0  }
0xb2: {  	[tilespmem:s28], [sflag:$0x4] =	stream.indirect.gather [hbm4b:s5+s26], $0x20, s21, s26, $0xb8;
	[tilespmem:$0x11B20] =	vst v63  }
.Ltmp4:
0xb3: {  	_ = 	snop;
	(pc) =	sbr.rel @p2 .LBB2_10-.Ltmp4, $4  }
0xb4: {  	_ =	swait.ge [sflag:s31], $0x1F40  }
0xb5: {  	[sflag:s31] =	ssyncset.done $0x0  }
0xb6: {  	s22 =	sadd.s32 $0x2E00, s19;
	[sflag:s31] =	ssyncadd.s32 $0xFFFFE0C0  }
0xb7: {  	[spmem:s2] =	stream.indirect.scatter.add.f32 [tilespmem:s0], [sflag:$0x7], $0x20, s22, s26, $0xb8;
	[tilespmem:$0x11B20] =	vst v63  }
0xb8: {  	_ =	swait.ge [sflag:s3], $0x1F40  }
0xb9: {  	[sflag:s3] =	ssyncset.done $0x0  }
0xba: {  	s20 =	sadd.s32 $0x800, s19;
	[sflag:s3] =	ssyncadd.s32 $0xFFFFE0C0  }
0xbb: {  	[tilespmem:s25], [sflag:$0x1] =	stream.indirect.gather [hbm4b:s5+s26], $0x20, s20, s26, $0xb8;
	[tilespmem:$0x11B20] =	vst v63  }
0xbc: {  	_ =	swait.ge [sflag:s6], $0x1F40  }
0xbd: {  	[sflag:s6] =	ssyncset.done $0x0  }
0xbe: {  	s21 =	sadd.s32 $0x2F00, s19;
	[sflag:s6] =	ssyncadd.s32 $0xFFFFE0C0  }
0xbf: {  	[spmem:s2] =	stream.indirect.scatter.add.f32 [tilespmem:s28], [sflag:$0x8], $0x20, s21, s26, $0xb8;
	[tilespmem:$0x11B20] =	vst v63  }
.Ltmp5:
0xc0: {  	_ = 	snop;
	(pc) =	sbr.rel .LBB2_8-.Ltmp5, $4  }
0xc1: {  	_ =	swait.ge [sflag:s7], $0x1F40  }
0xc2: {  	[sflag:s7] =	ssyncset.done $0x0  }
0xc3: {  	s22 =	sadd.s32 $0x900, s19;
	s24 =	sadd.s32 $0x1000, s24;
	[sflag:s7] =	ssyncadd.s32 $0xFFFFE0C0  }
0xc4: {  	[tilespmem:s29], [sflag:$0x2] =	stream.indirect.gather [hbm4b:s5+s26], $0x20, s22, s26, $0xb8;
	[tilespmem:$0x11B20] =	vst v63  }
.LBB2_4:
0xc5: {  	[tilespmem:s25], [sflag:$0x1] =	stream.indirect.gather [hbm4b:s4+s26], $0x20, s24, s26, $0xb8;
	[tilespmem:$0x11B20] =	vst v63  }
0xc6: {  	s8 =	simm.s32 $0x100  }
0xc7: {  	[tilespmem:s29], [sflag:$0x2] =	stream.indirect.gather [hbm4b:s4+s26], $0x20, s8, s26, $0xb8;
	[tilespmem:$0x11B20] =	vst v63  }
0xc8: {  	_ =	swait.ge [sflag:s30], $0x1F40  }
0xc9: {  	[sflag:s30] =	ssyncset.done $0x0  }
0xca: {  	[sflag:s30] =	ssyncadd.s32 $0xFFFFE0C0  }
0xcb: {  	[spmem:s2] =	stream.indirect.scatter.add.f32 [tilespmem:s25], [sflag:$0x5], $0x20, s21, s26, $0xb8;
	[tilespmem:$0x11B20] =	vst v63  }
0xcc: {  	s20 =	simm.s32 $0x200  }
0xcd: {  	[tilespmem:s0], [sflag:$0x3] =	stream.indirect.gather [hbm4b:s4+s26], $0x20, s20, s26, $0xb8;
	[tilespmem:$0x11B20] =	vst v63  }
0xce: {  	_ =	swait.ge [sflag:s1], $0x1F40  }
0xcf: {  	[sflag:s1] =	ssyncset.done $0x0  }
0xd0: {  	s21 =	simm.s32 $0x2900;
	[sflag:s1] =	ssyncadd.s32 $0xFFFFE0C0  }
0xd1: {  	[spmem:s2] =	stream.indirect.scatter.add.f32 [tilespmem:s29], [sflag:$0x6], $0x20, s21, s26, $0xb8;
	[tilespmem:$0x11B20] =	vst v63  }
0xd2: {  	s22 =	simm.s32 $0x300  }
0xd3: {  	[tilespmem:s28], [sflag:$0x4] =	stream.indirect.gather [hbm4b:s4+s26], $0x20, s22, s26, $0xb8;
	[tilespmem:$0x11B20] =	vst v63  }
0xd4: {  	_ =	swait.ge [sflag:s31], $0x1F40  }
0xd5: {  	[sflag:s31] =	ssyncset.done $0x0  }
0xd6: {  	s19 =	simm.s32 $0x2A00;
	[sflag:s31] =	ssyncadd.s32 $0xFFFFE0C0  }
0xd7: {  	[spmem:s2] =	stream.indirect.scatter.add.f32 [tilespmem:s0], [sflag:$0x7], $0x20, s19, s26, $0xb8;
	[tilespmem:$0x11B20] =	vst v63  }
0xd8: {  	_ =	swait.ge [sflag:s3], $0x1F40  }
0xd9: {  	[sflag:s3] =	ssyncset.done $0x0  }
0xda: {  	s20 =	simm.s32 $0x400;
	[sflag:s3] =	ssyncadd.s32 $0xFFFFE0C0  }
0xdb: {  	[tilespmem:s25], [sflag:$0x1] =	stream.indirect.gather [hbm4b:s4+s26], $0x20, s20, s26, $0xb8;
	[tilespmem:$0x11B20] =	vst v63  }
0xdc: {  	_ =	swait.ge [sflag:s6], $0x1F40  }
0xdd: {  	[sflag:s6] =	ssyncset.done $0x0  }
0xde: {  	s21 =	simm.s32 $0x2B00;
	[sflag:s6] =	ssyncadd.s32 $0xFFFFE0C0  }
0xdf: {  	[spmem:s2] =	stream.indirect.scatter.add.f32 [tilespmem:s28], [sflag:$0x8], $0x20, s21, s26, $0xb8;
	[tilespmem:$0x11B20] =	vst v63  }
0xe0: {  	_ =	swait.ge [sflag:s7], $0x1F40  }
0xe1: {  	[sflag:s7] =	ssyncset.done $0x0  }
0xe2: {  	s22 =	simm.s32 $0x500;
	[sflag:s7] =	ssyncadd.s32 $0xFFFFE0C0  }
0xe3: {  	[tilespmem:s29], [sflag:$0x2] =	stream.indirect.gather [hbm4b:s4+s26], $0x20, s22, s26, $0xb8;
	[tilespmem:$0x11B20] =	vst v63  }
.LBB2_5:
0xe4: {  	_ =	swait.ge [sflag:s30], $0x1F40  }
0xe5: {  	s19 =	sshra.s32 s24, $0x2;
	[sflag:s30] =	ssyncset.done $0x0  }
0xe6: {  	s20 =	sadd.s32 $0x2C00, s19;
	[sflag:s30] =	ssyncadd.s32 $0xFFFFE0C0  }
0xe7: {  	[spmem:s2] =	stream.indirect.scatter.add.f32 [tilespmem:s25], [sflag:$0x5], $0x20, s20, s26, $0xb8;
	[tilespmem:$0x11B20] =	vst v63  }
0xe8: {  	_ =	swait.ge [sflag:s15], $0x1F40  }
0xe9: {  	[sflag:s15] =	ssyncset.done $0x0  }
0xea: {  	s22 =	sadd.s32 $0x600, s19;
	[sflag:s15] =	ssyncadd.s32 $0xFFFFE0C0  }
0xeb: {  	[tilespmem:s0], [sflag:$0x3] =	stream.indirect.gather [hbm4b:s4+s26], $0x20, s22, s26, $0xb8;
	[tilespmem:$0x11B20] =	vst v63  }
0xec: {  	_ =	swait.ge [sflag:s1], $0x1F40  }
0xed: {  	[sflag:s1] =	ssyncset.done $0x0  }
0xee: {  	s8 =	sadd.s32 $0x2D00, s19;
	[sflag:s1] =	ssyncadd.s32 $0xFFFFE0C0  }
0xef: {  	[spmem:s2] =	stream.indirect.scatter.add.f32 [tilespmem:s29], [sflag:$0x6], $0x20, s8, s26, $0xb8;
	[tilespmem:$0x11B20] =	vst v63  }
0xf0: {  	_ =	swait.ge [sflag:s16], $0x1F40  }
0xf1: {  	[sflag:s16] =	ssyncset.done $0x0  }
0xf2: {  	p2 =	seq.s32 s24, $0x8000;
	s21 =	sadd.s32 $0x700, s19;
	[sflag:s16] =	ssyncadd.s32 $0xFFFFE0C0  }
0xf3: {  	[tilespmem:s28], [sflag:$0x4] =	stream.indirect.gather [hbm4b:s4+s26], $0x20, s21, s26, $0xb8;
	[tilespmem:$0x11B20] =	vst v63  }
.Ltmp6:
0xf4: {  	_ = 	snop;
	(pc) =	sbr.rel @p2 .LBB2_11-.Ltmp6, $4  }
0xf5: {  	_ =	swait.ge [sflag:s31], $0x1F40  }
0xf6: {  	[sflag:s31] =	ssyncset.done $0x0  }
0xf7: {  	s22 =	sadd.s32 $0x2E00, s19;
	[sflag:s31] =	ssyncadd.s32 $0xFFFFE0C0  }
0xf8: {  	[spmem:s2] =	stream.indirect.scatter.add.f32 [tilespmem:s0], [sflag:$0x7], $0x20, s22, s26, $0xb8;
	[tilespmem:$0x11B20] =	vst v63  }
0xf9: {  	_ =	swait.ge [sflag:s3], $0x1F40  }
0xfa: {  	[sflag:s3] =	ssyncset.done $0x0  }
0xfb: {  	s20 =	sadd.s32 $0x800, s19;
	[sflag:s3] =	ssyncadd.s32 $0xFFFFE0C0  }
0xfc: {  	[tilespmem:s25], [sflag:$0x1] =	stream.indirect.gather [hbm4b:s4+s26], $0x20, s20, s26, $0xb8;
	[tilespmem:$0x11B20] =	vst v63  }
0xfd: {  	_ =	swait.ge [sflag:s6], $0x1F40  }
0xfe: {  	[sflag:s6] =	ssyncset.done $0x0  }
0xff: {  	s21 =	sadd.s32 $0x2F00, s19;
	[sflag:s6] =	ssyncadd.s32 $0xFFFFE0C0  }
0x100: {  	[spmem:s2] =	stream.indirect.scatter.add.f32 [tilespmem:s28], [sflag:$0x8], $0x20, s21, s26, $0xb8;
	[tilespmem:$0x11B20] =	vst v63  }
.Ltmp7:
0x101: {  	_ = 	snop;
	(pc) =	sbr.rel .LBB2_5-.Ltmp7, $4  }
0x102: {  	_ =	swait.ge [sflag:s7], $0x1F40  }
0x103: {  	[sflag:s7] =	ssyncset.done $0x0  }
0x104: {  	s22 =	sadd.s32 $0x900, s19;
	s24 =	sadd.s32 $0x1000, s24;
	[sflag:s7] =	ssyncadd.s32 $0xFFFFE0C0  }
0x105: {  	[tilespmem:s29], [sflag:$0x2] =	stream.indirect.gather [hbm4b:s4+s26], $0x20, s22, s26, $0xb8;
	[tilespmem:$0x11B20] =	vst v63  }
.LBB2_10:
.Ltmp8:
0x106: {  	(pc) =	sbr.rel .LBB2_12-.Ltmp8, $2  }
0x107: {  	_ =	sdelay $0x2  }
0x108: {  	s19 =	sadd.s32 $0x1C00, s24  }
.LBB2_13:
0x109: {  	_ =	sfence.sel $0x180000  }
0x10a: {  	[bflag:$0x0] =	sbarrier.arrive $0xFFFF  }
0x10b: {  	_ =	strace $0x9000004D  }
0x10c: {  	s0 =	stileid.u32;
	[bflag:$0x2] =	sbarrier.arrive $0xFFFF  }
0x10d: {  	p0 =	sne.s32 s0, $0x0;
	s0 =	rddreg [dreg:$0x2]  }
0x10e: {  	s0 =	sadd.s32 @!p0 $0x100000, s0  }
0x10f: {  	[sflag:s0] =	ssyncadd.tile.s32 @!p0 $0x1;
	_ =	shalt  }
.Lfunc_end2:
_tile_overlayer_lowered:
.L_overlay_start_2:
0x110: {  	(tag) =	ssettag $0x2  }
0x111: {  	s0 =	rddreg [dreg:$0x0];
	s2 =	stileid.u32  }
0x112: {  	s1 =	rddreg [dreg:$0x1];
	p0 =	sne.s32 s2, $0x0  }
0x113: {  	s3 =	rddreg [dreg:$0x2];
	[bflag:$0x3] =	sbarrier.arrive $0xFFFF;
	s2 =	simm.s32 @!p0 $0x1C09  }
0x114: {  	[timem:s3], [sflag:s2] =	dma.local @!p0 [hbm:s0], s1  }
0x115: {  	s0 =	simm.s32 @!p0 $0x9  }
0x116: {  	_ =	swait.ge @!p0 [sflag:s0], s1  }
0x117: {  	s1 =	ssub.s32 @!p0 $0x0, s1;
	[sflag:s0] =	ssyncset.done @!p0 $0x0  }
0x118: {  	[sflag:s0] =	ssyncadd.s32 @!p0 s1  }
0x119: {  	[bflag:$0x3] =	sbarrier.arrive $0xFFFF  }
0x11a: {  	_ =	shalt  }

</sc_bundles>
